<compile_context>
chip_gen: v7x
topology: tpu7x:2x2x1
jax: 0.10.2.dev20260603
libtpu: 0.0.44.dev20260713+nightly
codegen_flags: <defaults>
</compile_context>

<pallas_src>
import functools

import jax
import jax.numpy as jnp
from jax import lax
from jax.experimental import pallas as pl
from jax.experimental.pallas import tpu as pltpu
from jax.experimental.pallas import tpu_sc as plsc

_CH = 128
_ZB = 64
_NSUB = 16
_BLK = 512
_G = 64


@functools.lru_cache(maxsize=None)
def _make_propagate(n_pad, fh, nchunk, npass, const_rows=False):
  rows_per_tile = n_pad // _NSUB
  ntab = 2 * npass
  mesh = plsc.VectorSubcoreMesh(core_axis_name="c", subcore_axis_name="s")

  @functools.partial(
      pl.kernel,
      out_type=[jax.ShapeDtypeStruct((n_pad, fh), jnp.float32)] * ntab,
      mesh=mesh,
      scratch_types=[
          pltpu.VMEM((nchunk, _CH), jnp.int32),
          pltpu.VMEM((nchunk, _CH), jnp.int32),
          pltpu.VMEM((5, _CH, fh), jnp.float32),
          pltpu.VMEM((_ZB, fh), jnp.float32),
          pltpu.VMEM_SHARED((n_pad, fh), jnp.float32),
          pltpu.SemaphoreType.DMA,
          pltpu.SemaphoreType.DMA,
      ],
      compiler_params=pltpu.CompilerParams(use_tc_tiling_on_sc=False),
  )
  def prop(*refs):
    tables = refs[:ntab]
    srcb, dstb, zrows = refs[ntab:ntab + 3]
    outs = refs[ntab + 3:2 * ntab + 3]
    src_v, dst_v, rows_v, zero_v, acc_sh, sem_g, sem_s = refs[2 * ntab + 3:]

    c = lax.axis_index("c")
    s = lax.axis_index("s")
    base = s * rows_per_tile
    sl = pl.ds(base, rows_per_tile)

    pltpu.async_copy(srcb.at[s], src_v, sem_g)
    pltpu.async_copy(dstb.at[s], dst_v, sem_g)
    pltpu.sync_copy(zrows, zero_v)

    def zero_acc():
      @pl.loop(0, rows_per_tile // _ZB)
      def _(i):
        pltpu.async_copy(zero_v, acc_sh.at[pl.ds(base + i * _ZB, _ZB)],
                         sem_s)

      @pl.loop(0, rows_per_tile // _ZB)
      def _(i):
        pltpu.make_async_copy(zero_v, acc_sh.at[pl.ds(base + i * _ZB, _ZB)],
                              sem_s).wait()

    zero_acc()
    pltpu.make_async_copy(srcb.at[s], src_v, sem_g).wait()
    pltpu.make_async_copy(dstb.at[s], dst_v, sem_g).wait()

    def run(tbl):
      def gather(j):
        pltpu.async_copy(tbl.at[src_v.at[j]], rows_v.at[j % 5], sem_g)

      def wait_gather(j):
        pltpu.make_async_copy(tbl.at[src_v.at[j]], rows_v.at[j % 5],
                              sem_g).wait()

      def scatter(j, buf):
        pltpu.async_copy(rows_v.at[buf], acc_sh.at[dst_v.at[j]], sem_s,
                         add=True)

      def wait_scatter(j, buf):
        pltpu.make_async_copy(rows_v.at[buf], acc_sh.at[dst_v.at[j]],
                              sem_s).wait()

      if const_rows:
        pltpu.sync_copy(tbl, rows_v.at[0])
        half = nchunk // 2
        lo = c * half
        hi = jnp.where(c == 0, half, nchunk)

        @pl.loop(0, nchunk)
        def _(j):
          @pl.when((j >= lo + 3) & (j < hi))
          def _():
            wait_scatter(j - 3, 0)

          @pl.when((j >= lo) & (j < hi))
          def _():
            scatter(j, 0)

        @pl.loop(0, nchunk)
        def _(j):
          @pl.when((j >= hi - 3) & (j >= lo) & (j < hi))
          def _():
            wait_scatter(j, 0)
        return

      for jj in range(min(3, nchunk)):
        gather(jj)

      @pl.loop(0, nchunk)
      def _(j):
        @pl.when(j >= 2)
        def _():
          wait_scatter(j - 2, (j - 2) % 5)

        @pl.when(j + 3 < nchunk)
        def _():
          gather(j + 3)

        wait_gather(j)
        scatter(j, j % 5)

      @pl.loop(max(nchunk - 2, 0), nchunk)
      def _(j):
        wait_scatter(j, j % 5)

    for p in range(npass):
      if p:
        zero_acc()

      plsc.subcore_barrier()

      @pl.when(c == 0)
      def _():
        run(tables[p])

      @pl.when(c == 1)
      def _():
        run(tables[npass + p])

      plsc.subcore_barrier()

      @pl.when(c == 0)
      def _():
        pltpu.sync_copy(acc_sh.at[sl], outs[p].at[sl])

      @pl.when(c == 1)
      def _():
        pltpu.sync_copy(acc_sh.at[sl], outs[npass + p].at[sl])

  return prop


def _dot(a, b):
  return jnp.dot(a, b, preferred_element_type=jnp.float32)


def _row_spec(cols):
  return pl.BlockSpec((_BLK, cols), lambda i: (i, 0))


def _full_spec(r, c):
  return pl.BlockSpec((r, c), lambda i: (0, 0))


def _split(u, nout):
  p = u.shape[1] // nout
  return [u[:, k * p:(k + 1) * p] for k in range(nout)]


@functools.lru_cache(maxsize=None)
def _make_tc0(n_pad, f_in, nout):
  nb = n_pad // _BLK
  q = f_in // nout

  def body(x_ref, deg_ref, deg2_ref, dinv_ref, *xt_refs):
    cnt = deg_ref[:, 0:1] + deg2_ref[:, 0:1]
    dinv = lax.rsqrt(cnt + 1.0)
    dinv_ref[...] = jnp.broadcast_to(dinv, (_BLK, 128))
    xt = x_ref[...] * dinv
    for r, piece in zip(xt_refs, _split(xt, nout)):
      r[...] = piece

  return pl.pallas_call(
      body,
      grid=(nb,),
      in_specs=[_row_spec(f_in), _row_spec(16), _row_spec(16)],
      out_specs=[_row_spec(128)] + [_row_spec(q)] * nout,
      out_shape=[jax.ShapeDtypeStruct((n_pad, 128), jnp.float32)]
      + [jax.ShapeDtypeStruct((n_pad, q), jnp.float32)] * nout,
  )


@functools.lru_cache(maxsize=None)
def _make_tc01(n_pad, f_in, h_dim, nin, nout):
  nb = n_pad // _BLK
  qi = f_in // nin
  qo = h_dim // nout

  def body(*refs):
    it = iter(refs)
    accs = [next(it) for _ in range(nin)]
    xts = [next(it) for _ in range(nin)]
    dinv_ref, b_ref, w0_ref, w1_ref = next(it), next(it), next(it), next(it)
    outs = list(it)

    dinv = dinv_ref[:, 0:1]
    p = jnp.concatenate([dinv * (a[...] + t[...]) for a, t in zip(accs, xts)],
                        axis=1)
    h1 = jnp.maximum(_dot(p, w0_ref[...]) + b_ref[...], 0.0)
    for r, piece in zip(outs[:nout], _split(h1, nout)):
      r[...] = piece
    u1 = _dot(h1, w1_ref[...]) * dinv
    for r, piece in zip(outs[nout:], _split(u1, nout)):
      r[...] = piece

  in_specs = [_row_spec(qi)] * (2 * nin)
  in_specs += [_row_spec(128), _full_spec(1, h_dim),
               _full_spec(f_in, h_dim), _full_spec(h_dim, h_dim)]
  out_specs = [_row_spec(qo)] * (2 * nout)
  out_shape = [jax.ShapeDtypeStruct((n_pad, qo), jnp.float32)] * (2 * nout)

  return pl.pallas_call(
      body, grid=(nb,), in_specs=in_specs, out_specs=out_specs,
      out_shape=out_shape)


@functools.lru_cache(maxsize=None)
def _make_tc_layer(n_pad, h_dim, w_cols, nin, nout, with_resid, emit_h):
  nb = n_pad // _BLK
  qi = h_dim // nin
  qo = w_cols // nout

  def body(*refs):
    it = iter(refs)
    accs = [next(it) for _ in range(nin)]
    us = [next(it) for _ in range(nin)]
    rs = [next(it) for _ in range(nin)] if with_resid else None
    dinv_ref, b_ref, w_ref = next(it), next(it), next(it)
    outs = list(it)

    dinv = dinv_ref[:, 0:1]
    b = b_ref[...]
    hs = []
    for k in range(nin):
      hk = jnp.maximum(
          dinv * (accs[k][...] + us[k][...]) + b[:, k * qi:(k + 1) * qi], 0.0)
      if with_resid:
        hk = hk + rs[k][...]
      hs.append(hk)
    if emit_h:
      for r, hk in zip(outs[:nin], hs):
        r[...] = hk
      outs = outs[nin:]
    h = jnp.concatenate(hs, axis=1)
    u = _dot(h, w_ref[...]) * dinv
    for r, piece in zip(outs, _split(u, nout)):
      r[...] = piece

  in_specs = [_row_spec(qi)] * (nin * (3 if with_resid else 2))
  in_specs += [_row_spec(128), _full_spec(1, h_dim), _full_spec(h_dim, w_cols)]

  out_specs = []
  out_shape = []
  if emit_h:
    out_specs += [_row_spec(qi)] * nin
    out_shape += [jax.ShapeDtypeStruct((n_pad, qi), jnp.float32)] * nin
  out_specs += [_row_spec(qo)] * nout
  out_shape += [jax.ShapeDtypeStruct((n_pad, qo), jnp.float32)] * nout

  return pl.pallas_call(
      body, grid=(nb,), in_specs=in_specs, out_specs=out_specs,
      out_shape=out_shape)


@functools.lru_cache(maxsize=None)
def _make_tc_pool(n_pad, c_dim, nin):
  nb = n_pad // _BLK
  qi = c_dim // nin

  def body(*refs):
    it = iter(refs)
    accs = [next(it) for _ in range(nin)]
    us = [next(it) for _ in range(nin)]
    dinv_ref, b_ref, bt_ref, out_ref, pooled = (next(it), next(it), next(it),
                                                next(it), next(it))
    i = pl.program_id(0)

    @pl.when(i == 0)
    def _():
      pooled[...] = jnp.zeros((_G, 128), jnp.float32)

    dinv = dinv_ref[:, 0:1]
    h = dinv * jnp.concatenate([a[...] + u[...] for a, u in zip(accs, us)],
                               axis=1) + b_ref[...]
    xc = jnp.concatenate([h, jnp.ones((_BLK, 128 - c_dim), jnp.float32)],
                         axis=1)
    onehot = (bt_ref[...] == lax.broadcasted_iota(jnp.int32, (_BLK, _G), 1)
              ).astype(jnp.float32)
    pooled[...] += lax.dot_general(
        onehot, xc, (((0,), (0,)), ((), ())),
        preferred_element_type=jnp.float32)

    @pl.when(i == nb - 1)
    def _():
      p = pooled[...]
      mean = p[:, :c_dim] / jnp.maximum(p[:, c_dim:c_dim + 1], 1.0)
      z = mean - jnp.max(mean, axis=1, keepdims=True)
      lse = jnp.log(jnp.sum(jnp.exp(z), axis=1, keepdims=True))
      out_ref[...] = z - lse

  return pl.pallas_call(
      body,
      grid=(nb,),
      in_specs=[_row_spec(qi)] * (2 * nin)
      + [_row_spec(128), _full_spec(1, c_dim),
         pl.BlockSpec((_BLK, 1), lambda i: (i, 0))],
      out_specs=pl.BlockSpec((_G, c_dim), lambda i: (0, 0)),
      out_shape=jax.ShapeDtypeStruct((_G, c_dim), jnp.float32),
      scratch_shapes=[pltpu.VMEM((_G, 128), jnp.float32)],
  )


def kernel(x, edge_index, batch, W0, b0, W1, b1, W2, b2, W3, b3):
  n, f_in = x.shape
  e = edge_index.shape[1]
  h_dim = W0.shape[1]
  c_dim = W3.shape[1]

  n_pad = -(-n // 2048) * 2048
  nchunk = -(-e // (_NSUB * _CH))
  ep = _NSUB * nchunk * _CH

  pad_idx = jnp.full((ep - e,), n, jnp.int32)
  srcb = jnp.concatenate([edge_index[0].astype(jnp.int32), pad_idx]
                         ).reshape(_NSUB, nchunk, _CH)
  dstb = jnp.concatenate([edge_index[1].astype(jnp.int32), pad_idx]
                         ).reshape(_NSUB, nchunk, _CH)

  xp = jnp.pad(x, ((0, n_pad - n), (0, 0)))
  bt = jnp.pad(batch.astype(jnp.int32), (0, n_pad - n),
               constant_values=_G).reshape(n_pad, 1)

  ones16 = jnp.ones((_CH, 16), jnp.float32)
  z16 = jnp.zeros((_ZB, 16), jnp.float32)
  zh = jnp.zeros((_ZB, h_dim // 4), jnp.float32)
  zc = jnp.zeros((_ZB, c_dim // 2), jnp.float32)

  prop_deg = _make_propagate(n_pad, 16, nchunk, 1, const_rows=True)
  prop_x = _make_propagate(n_pad, f_in // 2, nchunk, 1)
  prop_h = _make_propagate(n_pad, h_dim // 4, nchunk, 2)
  prop_c = _make_propagate(n_pad, c_dim // 2, nchunk, 1)

  tc0 = _make_tc0(n_pad, f_in, 2)
  tc1 = _make_tc01(n_pad, f_in, h_dim, 2, 4)
  tc2 = _make_tc_layer(n_pad, h_dim, h_dim, 4, 4, True, False)
  tc3 = _make_tc_layer(n_pad, h_dim, c_dim, 4, 2, True, False)
  tc4 = _make_tc_pool(n_pad, c_dim, 2)

  b0r = b0.reshape(1, -1)
  b1r = b1.reshape(1, -1)
  b2r = b2.reshape(1, -1)
  b3r = b3.reshape(1, -1)

  zx = jnp.zeros((_ZB, f_in // 2), jnp.float32)
  deg0, deg1 = prop_deg(ones16, ones16, srcb, dstb, z16)
  dinv_b, *xt = tc0(xp, deg0, deg1)

  ax = prop_x(*xt, srcb, dstb, zx)
  h1a, h1b, h1c, h1d, *u1 = tc1(*ax, *xt, dinv_b, b0r, W0, W1)

  a1 = prop_h(*u1, srcb, dstb, zh)
  u2 = tc2(*a1, *u1, h1a, h1b, h1c, h1d, dinv_b, b1r, W2)

  a2 = prop_h(*u2, srcb, dstb, zh)
  u3 = tc3(*a2, *u2, h1a, h1b, h1c, h1d, dinv_b, b2r, W3)

  a3 = prop_c(*u3, srcb, dstb, zc)
  return tc4(*a3, *u3, dinv_b, b3r, bt)

# --- scband reference (transcript-rebuilt; emitter-appended) ---
"""Pipeline reference for scband-residual-gcn-67551245631642 (READ-ONLY COPY).

The authoritative reference and input builder live on the scoring server;
editing this copy changes nothing except your own understanding.
"""

import jax, jax.numpy as jnp
import numpy as np

N = 10000
E = 320000
F_IN = 128
H = 256
C = 64
G = 64


def setup_inputs(seed: int = 0) -> dict:
    key = jax.random.key(seed)
    ks = jax.random.split(key, 12)
    x = jax.random.normal(ks[0], (N, F_IN), dtype=jnp.float32)
    edge_index = jax.random.randint(ks[1], (2, E), 0, N)
    batch = jnp.sort(jax.random.randint(ks[2], (N,), 0, G))
    W0 = jax.random.normal(ks[3], (F_IN, H), dtype=jnp.float32) / np.sqrt(F_IN)
    b0 = jnp.zeros((H,), dtype=jnp.float32)
    W1 = jax.random.normal(ks[4], (H, H), dtype=jnp.float32) / np.sqrt(H)
    b1 = jnp.zeros((H,), dtype=jnp.float32)
    W2 = jax.random.normal(ks[5], (H, H), dtype=jnp.float32) / np.sqrt(H)
    b2 = jnp.zeros((H,), dtype=jnp.float32)
    W3 = jax.random.normal(ks[6], (H, C), dtype=jnp.float32) / np.sqrt(H)
    b3 = jnp.zeros((C,), dtype=jnp.float32)
    return {"x": x, "edge_index": edge_index, "batch": batch,
            "W0": W0, "b0": b0, "W1": W1, "b1": b1,
            "W2": W2, "b2": b2, "W3": W3, "b3": b3}


def _gcn_conv(h, src, dst, norm, W, b):
    # GCNConv: D^-1/2 (A + I) D^-1/2 (h W) + b
    hw = h @ W
    msg = hw[src] * norm[:, None]
    out = jnp.zeros((h.shape[0], W.shape[1]), dtype=h.dtype).at[dst].add(msg)
    return out + b


def reference(x, edge_index, batch, W0, b0, W1, b1, W2, b2, W3, b3):
    n = x.shape[0]
    self_loop = jnp.arange(n)
    src = jnp.concatenate([edge_index[0], self_loop])
    dst = jnp.concatenate([edge_index[1], self_loop])
    deg = jnp.zeros((n,), dtype=x.dtype).at[dst].add(1.0)
    dinv = jnp.where(deg > 0, 1.0 / jnp.sqrt(deg), 0.0)
    norm = dinv[src] * dinv[dst]

    h = jax.nn.relu(_gcn_conv(x, src, dst, norm, W0, b0))
    initial = h
    h = jax.nn.relu(_gcn_conv(h, src, dst, norm, W1, b1)) + initial
    h = jax.nn.relu(_gcn_conv(h, src, dst, norm, W2, b2)) + initial
    h = _gcn_conv(h, src, dst, norm, W3, b3)

    pooled = jax.ops.segment_sum(h, batch, num_segments=G)
    counts = jax.ops.segment_sum(jnp.ones((n,), dtype=h.dtype), batch, num_segments=G)
    mean = pooled / jnp.clip(counts, 1.0)[:, None]
    return jax.nn.log_softmax(mean, axis=1)

if __name__ == "__main__":
    import jax
    _d = setup_inputs()
    print(jax.jit(kernel)(*tuple(_d.values())))

</pallas_src>

<mosaic_0001>
#map = affine_map<(d0, d1) -> (0, 0)>
#map1 = affine_map<(d0, d1) -> (0, 0, 0)>
module attributes {stable_mosaic.version = 14 : i64} {
  func.func @prop(%arg0: i32, %arg1: i32, %arg2: memref<10240x64xf32, #tpu.memory_space<hbm>>, %arg3: memref<10240x64xf32, #tpu.memory_space<hbm>>, %arg4: memref<10240x64xf32, #tpu.memory_space<hbm>>, %arg5: memref<10240x64xf32, #tpu.memory_space<hbm>>, %arg6: memref<16x157x128xi32, #tpu.memory_space<hbm>>, %arg7: memref<16x157x128xi32, #tpu.memory_space<hbm>>, %arg8: memref<64x64xf32, #tpu.memory_space<hbm>>, %arg9: memref<10240x64xf32, #tpu.memory_space<hbm>>, %arg10: memref<10240x64xf32, #tpu.memory_space<hbm>>, %arg11: memref<10240x64xf32, #tpu.memory_space<hbm>>, %arg12: memref<10240x64xf32, #tpu.memory_space<hbm>>, %arg13: memref<157x128xi32, #tpu.memory_space<vmem>>, %arg14: memref<157x128xi32, #tpu.memory_space<vmem>>, %arg15: memref<5x128x64xf32, #tpu.memory_space<vmem>>, %arg16: memref<64x64xf32, #tpu.memory_space<vmem>>, %arg17: memref<10240x64xf32, #tpu.memory_space<vmem_shared>>, %arg18: memref<!tpu.dma_semaphore, #tpu.memory_space<semaphore_mem>>, %arg19: memref<!tpu.dma_semaphore, #tpu.memory_space<semaphore_mem>>) attributes {dimension_semantics = [#tpu.dimension_semantics<core_parallel>, #tpu.dimension_semantics<subcore_parallel>], iteration_bounds = array<i64: 2, 16>, scalar_prefetch = 0 : i64, scratch_operands = 7 : i64, tpu.core_type = #tpu.core_type<sc_vector_subcore>, window_params = [{transform_indices = #map}, {transform_indices = #map}, {transform_indices = #map}, {transform_indices = #map}, {transform_indices = #map1}, {transform_indices = #map1}, {transform_indices = #map}, {transform_indices = #map}, {transform_indices = #map}, {transform_indices = #map}, {transform_indices = #map}]} {
    %mul3A = arith.constant 640 : i32
    %mul3A_0 = arith.muli %arg1, %mul3A : i32
    %dma_start3A = arith.constant 0 : i32
    %dma_start3A_1 = arith.constant 0 : i32
    %dma_start3A_2 = tpu.memref_slice %arg6[%arg1, %dma_start3A, %dma_start3A_1] : memref<16x157x128xi32, #tpu.memory_space<hbm>> -> memref<1x157x128xi32, #tpu.memory_space<hbm>>
    %dma_start3A_3 = tpu.memref_squeeze %dma_start3A_2 : memref<1x157x128xi32, #tpu.memory_space<hbm>> -> memref<157x128xi32, #tpu.memory_space<hbm>>
    %dma_start3A_4 = arith.constant 0 : i32
    %dma_start3A_5 = arith.constant 0 : i32
    %dma_start3A_6 = tpu.memref_slice %arg6[%arg1, %dma_start3A_4, %dma_start3A_5] : memref<16x157x128xi32, #tpu.memory_space<hbm>> -> memref<1x157x128xi32, #tpu.memory_space<hbm>>
    %dma_start3A_7 = tpu.memref_squeeze %dma_start3A_6 : memref<1x157x128xi32, #tpu.memory_space<hbm>> -> memref<157x128xi32, #tpu.memory_space<hbm>>
    tpu.enqueue_dma source(%dma_start3A_7 : memref<157x128xi32, #tpu.memory_space<hbm>>) target(%arg13 : memref<157x128xi32, #tpu.memory_space<vmem>>) target_semaphore(%arg18 : memref<!tpu.dma_semaphore, #tpu.memory_space<semaphore_mem>>)
    %dma_start3A_8 = arith.constant 0 : i32
    %dma_start3A_9 = arith.constant 0 : i32
    %dma_start3A_10 = tpu.memref_slice %arg7[%arg1, %dma_start3A_8, %dma_start3A_9] : memref<16x157x128xi32, #tpu.memory_space<hbm>> -> memref<1x157x128xi32, #tpu.memory_space<hbm>>
    %dma_start3A_11 = tpu.memref_squeeze %dma_start3A_10 : memref<1x157x128xi32, #tpu.memory_space<hbm>> -> memref<157x128xi32, #tpu.memory_space<hbm>>
    %dma_start3A_12 = arith.constant 0 : i32
    %dma_start3A_13 = arith.constant 0 : i32
    %dma_start3A_14 = tpu.memref_slice %arg7[%arg1, %dma_start3A_12, %dma_start3A_13] : memref<16x157x128xi32, #tpu.memory_space<hbm>> -> memref<1x157x128xi32, #tpu.memory_space<hbm>>
    %dma_start3A_15 = tpu.memref_squeeze %dma_start3A_14 : memref<1x157x128xi32, #tpu.memory_space<hbm>> -> memref<157x128xi32, #tpu.memory_space<hbm>>
    tpu.enqueue_dma source(%dma_start3A_15 : memref<157x128xi32, #tpu.memory_space<hbm>>) target(%arg14 : memref<157x128xi32, #tpu.memory_space<vmem>>) target_semaphore(%arg18 : memref<!tpu.dma_semaphore, #tpu.memory_space<semaphore_mem>>)
    "tpu.region"() ({
      %run_scoped3A = tpu.sem_alloc : memref<!tpu.dma_semaphore, #tpu.memory_space<semaphore_mem>>
      tpu.enqueue_dma source(%arg8 : memref<64x64xf32, #tpu.memory_space<hbm>>) target(%arg16 : memref<64x64xf32, #tpu.memory_space<vmem>>) target_semaphore(%run_scoped3A : memref<!tpu.dma_semaphore, #tpu.memory_space<semaphore_mem>>)
      tpu.wait_dma2 semaphore(%run_scoped3A : memref<!tpu.dma_semaphore, #tpu.memory_space<semaphore_mem>>) src(%arg8 : memref<64x64xf32, #tpu.memory_space<hbm>>) dst(%arg16 : memref<64x64xf32, #tpu.memory_space<vmem>>)
      tpu.yield
    }) : () -> ()
    %scan3A = arith.constant 0 : i32
    %scan3A_16 = arith.constant 10 : i32
    %scan3A_17 = arith.addi %scan3A, %scan3A_16 : i32
    %scan3A_18 = arith.constant 1 : i32
    scf.for %scan3A_90 = %scan3A to %scan3A_17 step %scan3A_18  : i32 {
      %mul3A_91 = arith.constant 1 : i32
      %mul3A_92 = arith.muli %scan3A_90, %mul3A_91 : i32
      %add3A = arith.constant 0 : i32
      %add3A_93 = arith.addi %add3A, %mul3A_92 : i32
      %mul3A_94 = arith.constant 64 : i32
      %mul3A_95 = arith.muli %add3A_93, %mul3A_94 : i32
      %add3A_96 = arith.addi %mul3A_0, %mul3A_95 : i32
      %dma_start3A_97 = arith.constant 0 : i32
      %dma_start3A_98 = tpu.memref_slice %arg17[%add3A_96, %dma_start3A_97] : memref<10240x64xf32, #tpu.memory_space<vmem_shared>> -> memref<64x64xf32, #tpu.memory_space<vmem_shared>>
      %dma_start3A_99 = arith.constant 0 : i32
      %dma_start3A_100 = tpu.memref_slice %arg17[%add3A_96, %dma_start3A_99] : memref<10240x64xf32, #tpu.memory_space<vmem_shared>> -> memref<64x64xf32, #tpu.memory_space<vmem_shared>>
      tpu.enqueue_dma source(%arg16 : memref<64x64xf32, #tpu.memory_space<vmem>>) target(%dma_start3A_100 : memref<64x64xf32, #tpu.memory_space<vmem_shared>>) target_semaphore(%arg19 : memref<!tpu.dma_semaphore, #tpu.memory_space<semaphore_mem>>)
    }
    %scan3A_19 = arith.constant 10 : i32
    %scan3A_20 = arith.constant 0 : i32
    %scan3A_21 = arith.constant 10 : i32
    %scan3A_22 = arith.addi %scan3A_20, %scan3A_21 : i32
    %scan3A_23 = arith.constant 1 : i32
    scf.for %scan3A_90 = %scan3A_20 to %scan3A_22 step %scan3A_23  : i32 {
      %mul3A_91 = arith.constant 1 : i32
      %mul3A_92 = arith.muli %scan3A_90, %mul3A_91 : i32
      %add3A = arith.constant 0 : i32
      %add3A_93 = arith.addi %add3A, %mul3A_92 : i32
      %mul3A_94 = arith.constant 64 : i32
      %mul3A_95 = arith.muli %add3A_93, %mul3A_94 : i32
      %add3A_96 = arith.addi %mul3A_0, %mul3A_95 : i32
      %dma_wait3A_97 = arith.constant 0 : i32
      %dma_wait3A_98 = tpu.memref_slice %arg17[%add3A_96, %dma_wait3A_97] : memref<10240x64xf32, #tpu.memory_space<vmem_shared>> -> memref<64x64xf32, #tpu.memory_space<vmem_shared>>
      %dma_wait3A_99 = arith.constant 0 : i32
      %dma_wait3A_100 = tpu.memref_slice %arg17[%add3A_96, %dma_wait3A_99] : memref<10240x64xf32, #tpu.memory_space<vmem_shared>> -> memref<64x64xf32, #tpu.memory_space<vmem_shared>>
      tpu.wait_dma2 semaphore(%arg19 : memref<!tpu.dma_semaphore, #tpu.memory_space<semaphore_mem>>) src(%arg16 : memref<64x64xf32, #tpu.memory_space<vmem>>) dst(%dma_wait3A_100 : memref<64x64xf32, #tpu.memory_space<vmem_shared>>)
    }
    %scan3A_24 = arith.constant 10 : i32
    %dma_wait3A = arith.constant 0 : i32
    %dma_wait3A_25 = arith.constant 0 : i32
    %dma_wait3A_26 = tpu.memref_slice %arg6[%arg1, %dma_wait3A, %dma_wait3A_25] : memref<16x157x128xi32, #tpu.memory_space<hbm>> -> memref<1x157x128xi32, #tpu.memory_space<hbm>>
    %dma_wait3A_27 = tpu.memref_squeeze %dma_wait3A_26 : memref<1x157x128xi32, #tpu.memory_space<hbm>> -> memref<157x128xi32, #tpu.memory_space<hbm>>
    %dma_wait3A_28 = arith.constant 0 : i32
    %dma_wait3A_29 = arith.constant 0 : i32
    %dma_wait3A_30 = tpu.memref_slice %arg6[%arg1, %dma_wait3A_28, %dma_wait3A_29] : memref<16x157x128xi32, #tpu.memory_space<hbm>> -> memref<1x157x128xi32, #tpu.memory_space<hbm>>
    %dma_wait3A_31 = tpu.memref_squeeze %dma_wait3A_30 : memref<1x157x128xi32, #tpu.memory_space<hbm>> -> memref<157x128xi32, #tpu.memory_space<hbm>>
    tpu.wait_dma2 semaphore(%arg18 : memref<!tpu.dma_semaphore, #tpu.memory_space<semaphore_mem>>) src(%dma_wait3A_31 : memref<157x128xi32, #tpu.memory_space<hbm>>) dst(%arg13 : memref<157x128xi32, #tpu.memory_space<vmem>>)
    %dma_wait3A_32 = arith.constant 0 : i32
    %dma_wait3A_33 = arith.constant 0 : i32
    %dma_wait3A_34 = tpu.memref_slice %arg7[%arg1, %dma_wait3A_32, %dma_wait3A_33] : memref<16x157x128xi32, #tpu.memory_space<hbm>> -> memref<1x157x128xi32, #tpu.memory_space<hbm>>
    %dma_wait3A_35 = tpu.memref_squeeze %dma_wait3A_34 : memref<1x157x128xi32, #tpu.memory_space<hbm>> -> memref<157x128xi32, #tpu.memory_space<hbm>>
    %dma_wait3A_36 = arith.constant 0 : i32
    %dma_wait3A_37 = arith.constant 0 : i32
    %dma_wait3A_38 = tpu.memref_slice %arg7[%arg1, %dma_wait3A_36, %dma_wait3A_37] : memref<16x157x128xi32, #tpu.memory_space<hbm>> -> memref<1x157x128xi32, #tpu.memory_space<hbm>>
    %dma_wait3A_39 = tpu.memref_squeeze %dma_wait3A_38 : memref<1x157x128xi32, #tpu.memory_space<hbm>> -> memref<157x128xi32, #tpu.memory_space<hbm>>
    tpu.wait_dma2 semaphore(%arg18 : memref<!tpu.dma_semaphore, #tpu.memory_space<semaphore_mem>>) src(%dma_wait3A_39 : memref<157x128xi32, #tpu.memory_space<hbm>>) dst(%arg14 : memref<157x128xi32, #tpu.memory_space<vmem>>)
    %barrier3A = arith.constant 0 : index
    tpu.barrier barrier_id(%barrier3A)
    %eq3A = arith.constant 0 : i32
    %eq3A_40 = arith.cmpi eq, %arg0, %eq3A : i32
    %convert_element_type3A = arith.extui %eq3A_40 : i1 to i32
    %cond3A = arith.constant 0 : i32
    %cond3A_41 = arith.cmpi ne, %convert_element_type3A, %cond3A : i32
    scf.if %cond3A_41 {
      %dma_start3A_90 = arith.constant 0 : i32
      %dma_start3A_91 = arith.constant 0 : i32
      %dma_start3A_92 = arith.constant 0 : i32
      %dma_start3A_93 = arith.constant 0 : i32
      %dma_start3A_94 = tpu.memref_slice %arg15[%dma_start3A_91, %dma_start3A_92, %dma_start3A_93] : memref<5x128x64xf32, #tpu.memory_space<vmem>> -> memref<1x128x64xf32, #tpu.memory_space<vmem>>
      %dma_start3A_95 = tpu.memref_squeeze %dma_start3A_94 : memref<1x128x64xf32, #tpu.memory_space<vmem>> -> memref<128x64xf32, #tpu.memory_space<vmem>>
      %dma_start3A_96 = arith.constant 0 : i32
      %dma_start3A_97 = tpu.memref_slice %arg13[%dma_start3A_90, %dma_start3A_96] : memref<157x128xi32, #tpu.memory_space<vmem>> -> memref<1x128xi32, #tpu.memory_space<vmem>>
      %dma_start3A_98 = tpu.memref_squeeze %dma_start3A_97 : memref<1x128xi32, #tpu.memory_space<vmem>> -> memref<128xi32, #tpu.memory_space<vmem>>
      %dma_start3A_99 = arith.constant 0 : i32
      %dma_start3A_100 = arith.constant 0 : i32
      %dma_start3A_101 = tpu.memref_slice %arg2[%dma_start3A_99, %dma_start3A_100] : memref<10240x64xf32, #tpu.memory_space<hbm>> -> memref<10240x64xf32, #tpu.memory_space<hbm>>
      tpu.enqueue_indirect_dma source(%dma_start3A_101 : memref<10240x64xf32, #tpu.memory_space<hbm>>) target(%dma_start3A_95 : memref<128x64xf32, #tpu.memory_space<vmem>>) offsets(%dma_start3A_98 : memref<128xi32, #tpu.memory_space<vmem>>) semaphore(%arg18 : memref<!tpu.dma_semaphore, #tpu.memory_space<semaphore_mem>>)
      %dma_start3A_102 = arith.constant 1 : i32
      %dma_start3A_103 = arith.constant 1 : i32
      %dma_start3A_104 = arith.constant 0 : i32
      %dma_start3A_105 = arith.constant 0 : i32
      %dma_start3A_106 = tpu.memref_slice %arg15[%dma_start3A_103, %dma_start3A_104, %dma_start3A_105] : memref<5x128x64xf32, #tpu.memory_space<vmem>> -> memref<1x128x64xf32, #tpu.memory_space<vmem>>
      %dma_start3A_107 = tpu.memref_squeeze %dma_start3A_106 : memref<1x128x64xf32, #tpu.memory_space<vmem>> -> memref<128x64xf32, #tpu.memory_space<vmem>>
      %dma_start3A_108 = arith.constant 0 : i32
      %dma_start3A_109 = tpu.memref_slice %arg13[%dma_start3A_102, %dma_start3A_108] : memref<157x128xi32, #tpu.memory_space<vmem>> -> memref<1x128xi32, #tpu.memory_space<vmem>>
      %dma_start3A_110 = tpu.memref_squeeze %dma_start3A_109 : memref<1x128xi32, #tpu.memory_space<vmem>> -> memref<128xi32, #tpu.memory_space<vmem>>
      %dma_start3A_111 = arith.constant 0 : i32
      %dma_start3A_112 = arith.constant 0 : i32
      %dma_start3A_113 = tpu.memref_slice %arg2[%dma_start3A_111, %dma_start3A_112] : memref<10240x64xf32, #tpu.memory_space<hbm>> -> memref<10240x64xf32, #tpu.memory_space<hbm>>
      tpu.enqueue_indirect_dma source(%dma_start3A_113 : memref<10240x64xf32, #tpu.memory_space<hbm>>) target(%dma_start3A_107 : memref<128x64xf32, #tpu.memory_space<vmem>>) offsets(%dma_start3A_110 : memref<128xi32, #tpu.memory_space<vmem>>) semaphore(%arg18 : memref<!tpu.dma_semaphore, #tpu.memory_space<semaphore_mem>>)
      %dma_start3A_114 = arith.constant 2 : i32
      %dma_start3A_115 = arith.constant 2 : i32
      %dma_start3A_116 = arith.constant 0 : i32
      %dma_start3A_117 = arith.constant 0 : i32
      %dma_start3A_118 = tpu.memref_slice %arg15[%dma_start3A_115, %dma_start3A_116, %dma_start3A_117] : memref<5x128x64xf32, #tpu.memory_space<vmem>> -> memref<1x128x64xf32, #tpu.memory_space<vmem>>
      %dma_start3A_119 = tpu.memref_squeeze %dma_start3A_118 : memref<1x128x64xf32, #tpu.memory_space<vmem>> -> memref<128x64xf32, #tpu.memory_space<vmem>>
      %dma_start3A_120 = arith.constant 0 : i32
      %dma_start3A_121 = tpu.memref_slice %arg13[%dma_start3A_114, %dma_start3A_120] : memref<157x128xi32, #tpu.memory_space<vmem>> -> memref<1x128xi32, #tpu.memory_space<vmem>>
      %dma_start3A_122 = tpu.memref_squeeze %dma_start3A_121 : memref<1x128xi32, #tpu.memory_space<vmem>> -> memref<128xi32, #tpu.memory_space<vmem>>
      %dma_start3A_123 = arith.constant 0 : i32
      %dma_start3A_124 = arith.constant 0 : i32
      %dma_start3A_125 = tpu.memref_slice %arg2[%dma_start3A_123, %dma_start3A_124] : memref<10240x64xf32, #tpu.memory_space<hbm>> -> memref<10240x64xf32, #tpu.memory_space<hbm>>
      tpu.enqueue_indirect_dma source(%dma_start3A_125 : memref<10240x64xf32, #tpu.memory_space<hbm>>) target(%dma_start3A_119 : memref<128x64xf32, #tpu.memory_space<vmem>>) offsets(%dma_start3A_122 : memref<128xi32, #tpu.memory_space<vmem>>) semaphore(%arg18 : memref<!tpu.dma_semaphore, #tpu.memory_space<semaphore_mem>>)
      %scan3A_126 = arith.constant 0 : i32
      %scan3A_127 = arith.constant 157 : i32
      %scan3A_128 = arith.addi %scan3A_126, %scan3A_127 : i32
      %scan3A_129 = arith.constant 1 : i32
      scf.for %scan3A_136 = %scan3A_126 to %scan3A_128 step %scan3A_129  : i32 {
        %mul3A_137 = arith.constant 1 : i32
        %mul3A_138 = arith.muli %scan3A_136, %mul3A_137 : i32
        %add3A = arith.constant 0 : i32
        %add3A_139 = arith.addi %add3A, %mul3A_138 : i32
        %ge3A = arith.constant 2 : i32
        %ge3A_140 = arith.cmpi sge, %add3A_139, %ge3A : i32
        %convert_element_type3A_141 = arith.extui %ge3A_140 : i1 to i32
        %cond3A_142 = arith.constant 0 : i32
        %cond3A_143 = arith.cmpi ne, %convert_element_type3A_141, %cond3A_142 : i32
        scf.if %cond3A_143 {
          %sub3A = arith.constant 2 : i32
          %sub3A_197 = arith.subi %add3A_139, %sub3A : i32
          %sub3A_198 = arith.constant 2 : i32
          %sub3A_199 = arith.subi %add3A_139, %sub3A_198 : i32
          %jit3A_200 = arith.constant 5 : i32
          %eq3A_201 = arith.constant 0 : i32
          %eq3A_202 = arith.cmpi eq, %jit3A_200, %eq3A_201 : i32
          %jit3A_203 = arith.constant 1 : i32
          %select_n3A_204 = arith.select %eq3A_202, %jit3A_203, %jit3A_200 : i32
          %rem3A_205 = arith.remsi %sub3A_199, %select_n3A_204 : i32
          %ne3A_206 = arith.constant 0 : i32
          %ne3A_207 = arith.cmpi ne, %rem3A_205, %ne3A_206 : i32
          %lt3A_208 = arith.constant 0 : i32
          %lt3A_209 = arith.cmpi slt, %rem3A_205, %lt3A_208 : i32
          %lt3A_210 = arith.constant 0 : i32
          %lt3A_211 = arith.cmpi slt, %select_n3A_204, %lt3A_210 : i32
          %ne3A_212 = arith.xori %lt3A_209, %lt3A_211 : i1
          %and3A_213 = arith.andi %ne3A_212, %ne3A_207 : i1
          %add3A_214 = arith.addi %rem3A_205, %select_n3A_204 : i32
          %select_n3A_215 = arith.select %and3A_213, %add3A_214, %rem3A_205 : i32
          %dma_wait3A_216 = arith.constant 0 : i32
          %dma_wait3A_217 = arith.constant 0 : i32
          %dma_wait3A_218 = tpu.memref_slice %arg15[%select_n3A_215, %dma_wait3A_216, %dma_wait3A_217] : memref<5x128x64xf32, #tpu.memory_space<vmem>> -> memref<1x128x64xf32, #tpu.memory_space<vmem>>
          %dma_wait3A_219 = tpu.memref_squeeze %dma_wait3A_218 : memref<1x128x64xf32, #tpu.memory_space<vmem>> -> memref<128x64xf32, #tpu.memory_space<vmem>>
          %dma_wait3A_220 = arith.constant 0 : i32
          %dma_wait3A_221 = tpu.memref_slice %arg14[%sub3A_197, %dma_wait3A_220] : memref<157x128xi32, #tpu.memory_space<vmem>> -> memref<1x128xi32, #tpu.memory_space<vmem>>
          %dma_wait3A_222 = tpu.memref_squeeze %dma_wait3A_221 : memref<1x128xi32, #tpu.memory_space<vmem>> -> memref<128xi32, #tpu.memory_space<vmem>>
          %dma_wait3A_223 = arith.constant 0 : i32
          %dma_wait3A_224 = arith.constant 0 : i32
          %dma_wait3A_225 = tpu.memref_slice %arg17[%dma_wait3A_223, %dma_wait3A_224] : memref<10240x64xf32, #tpu.memory_space<vmem_shared>> -> memref<10240x64xf32, #tpu.memory_space<vmem_shared>>
          tpu.wait_indirect_dma semaphore(%arg19 : memref<!tpu.dma_semaphore, #tpu.memory_space<semaphore_mem>>) src(%dma_wait3A_219 : memref<128x64xf32, #tpu.memory_space<vmem>>) dst(%dma_wait3A_225 : memref<10240x64xf32, #tpu.memory_space<vmem_shared>>)
        } else {
        }
        %add3A_144 = arith.constant 3 : i32
        %add3A_145 = arith.addi %add3A_139, %add3A_144 : i32
        %lt3A = arith.constant 157 : i32
        %lt3A_146 = arith.cmpi slt, %add3A_145, %lt3A : i32
        %convert_element_type3A_147 = arith.extui %lt3A_146 : i1 to i32
        %cond3A_148 = arith.constant 0 : i32
        %cond3A_149 = arith.cmpi ne, %convert_element_type3A_147, %cond3A_148 : i32
        scf.if %cond3A_149 {
          %add3A_197 = arith.constant 3 : i32
          %add3A_198 = arith.addi %add3A_139, %add3A_197 : i32
          %jit3A_199 = arith.constant 5 : i32
          %eq3A_200 = arith.constant 0 : i32
          %eq3A_201 = arith.cmpi eq, %jit3A_199, %eq3A_200 : i32
          %jit3A_202 = arith.constant 1 : i32
          %select_n3A_203 = arith.select %eq3A_201, %jit3A_202, %jit3A_199 : i32
          %rem3A_204 = arith.remsi %add3A_198, %select_n3A_203 : i32
          %ne3A_205 = arith.constant 0 : i32
          %ne3A_206 = arith.cmpi ne, %rem3A_204, %ne3A_205 : i32
          %lt3A_207 = arith.constant 0 : i32
          %lt3A_208 = arith.cmpi slt, %rem3A_204, %lt3A_207 : i32
          %lt3A_209 = arith.constant 0 : i32
          %lt3A_210 = arith.cmpi slt, %select_n3A_203, %lt3A_209 : i32
          %ne3A_211 = arith.xori %lt3A_208, %lt3A_210 : i1
          %and3A_212 = arith.andi %ne3A_211, %ne3A_206 : i1
          %add3A_213 = arith.addi %rem3A_204, %select_n3A_203 : i32
          %select_n3A_214 = arith.select %and3A_212, %add3A_213, %rem3A_204 : i32
          %dma_start3A_215 = arith.constant 0 : i32
          %dma_start3A_216 = arith.constant 0 : i32
          %dma_start3A_217 = tpu.memref_slice %arg15[%select_n3A_214, %dma_start3A_215, %dma_start3A_216] : memref<5x128x64xf32, #tpu.memory_space<vmem>> -> memref<1x128x64xf32, #tpu.memory_space<vmem>>
          %dma_start3A_218 = tpu.memref_squeeze %dma_start3A_217 : memref<1x128x64xf32, #tpu.memory_space<vmem>> -> memref<128x64xf32, #tpu.memory_space<vmem>>
          %dma_start3A_219 = arith.constant 0 : i32
          %dma_start3A_220 = tpu.memref_slice %arg13[%add3A_198, %dma_start3A_219] : memref<157x128xi32, #tpu.memory_space<vmem>> -> memref<1x128xi32, #tpu.memory_space<vmem>>
          %dma_start3A_221 = tpu.memref_squeeze %dma_start3A_220 : memref<1x128xi32, #tpu.memory_space<vmem>> -> memref<128xi32, #tpu.memory_space<vmem>>
          %dma_start3A_222 = arith.constant 0 : i32
          %dma_start3A_223 = arith.constant 0 : i32
          %dma_start3A_224 = tpu.memref_slice %arg2[%dma_start3A_222, %dma_start3A_223] : memref<10240x64xf32, #tpu.memory_space<hbm>> -> memref<10240x64xf32, #tpu.memory_space<hbm>>
          tpu.enqueue_indirect_dma source(%dma_start3A_224 : memref<10240x64xf32, #tpu.memory_space<hbm>>) target(%dma_start3A_218 : memref<128x64xf32, #tpu.memory_space<vmem>>) offsets(%dma_start3A_221 : memref<128xi32, #tpu.memory_space<vmem>>) semaphore(%arg18 : memref<!tpu.dma_semaphore, #tpu.memory_space<semaphore_mem>>)
        } else {
        }
        %jit3A = arith.constant 5 : i32
        %eq3A_150 = arith.constant 0 : i32
        %eq3A_151 = arith.cmpi eq, %jit3A, %eq3A_150 : i32
        %jit3A_152 = arith.constant 1 : i32
        %select_n3A = arith.select %eq3A_151, %jit3A_152, %jit3A : i32
        %rem3A = arith.remsi %add3A_139, %select_n3A : i32
        %ne3A = arith.constant 0 : i32
        %ne3A_153 = arith.cmpi ne, %rem3A, %ne3A : i32
        %lt3A_154 = arith.constant 0 : i32
        %lt3A_155 = arith.cmpi slt, %rem3A, %lt3A_154 : i32
        %lt3A_156 = arith.constant 0 : i32
        %lt3A_157 = arith.cmpi slt, %select_n3A, %lt3A_156 : i32
        %ne3A_158 = arith.xori %lt3A_155, %lt3A_157 : i1
        %and3A = arith.andi %ne3A_158, %ne3A_153 : i1
        %add3A_159 = arith.addi %rem3A, %select_n3A : i32
        %select_n3A_160 = arith.select %and3A, %add3A_159, %rem3A : i32
        %dma_wait3A_161 = arith.constant 0 : i32
        %dma_wait3A_162 = arith.constant 0 : i32
        %dma_wait3A_163 = tpu.memref_slice %arg15[%select_n3A_160, %dma_wait3A_161, %dma_wait3A_162] : memref<5x128x64xf32, #tpu.memory_space<vmem>> -> memref<1x128x64xf32, #tpu.memory_space<vmem>>
        %dma_wait3A_164 = tpu.memref_squeeze %dma_wait3A_163 : memref<1x128x64xf32, #tpu.memory_space<vmem>> -> memref<128x64xf32, #tpu.memory_space<vmem>>
        %dma_wait3A_165 = arith.constant 0 : i32
        %dma_wait3A_166 = tpu.memref_slice %arg13[%add3A_139, %dma_wait3A_165] : memref<157x128xi32, #tpu.memory_space<vmem>> -> memref<1x128xi32, #tpu.memory_space<vmem>>
        %dma_wait3A_167 = tpu.memref_squeeze %dma_wait3A_166 : memref<1x128xi32, #tpu.memory_space<vmem>> -> memref<128xi32, #tpu.memory_space<vmem>>
        %dma_wait3A_168 = arith.constant 0 : i32
        %dma_wait3A_169 = arith.constant 0 : i32
        %dma_wait3A_170 = tpu.memref_slice %arg2[%dma_wait3A_168, %dma_wait3A_169] : memref<10240x64xf32, #tpu.memory_space<hbm>> -> memref<10240x64xf32, #tpu.memory_space<hbm>>
        tpu.wait_indirect_dma semaphore(%arg18 : memref<!tpu.dma_semaphore, #tpu.memory_space<semaphore_mem>>) src(%dma_wait3A_170 : memref<10240x64xf32, #tpu.memory_space<hbm>>) dst(%dma_wait3A_164 : memref<128x64xf32, #tpu.memory_space<vmem>>)
        %jit3A_171 = arith.constant 5 : i32
        %eq3A_172 = arith.constant 0 : i32
        %eq3A_173 = arith.cmpi eq, %jit3A_171, %eq3A_172 : i32
        %jit3A_174 = arith.constant 1 : i32
        %select_n3A_175 = arith.select %eq3A_173, %jit3A_174, %jit3A_171 : i32
        %rem3A_176 = arith.remsi %add3A_139, %select_n3A_175 : i32
        %ne3A_177 = arith.constant 0 : i32
        %ne3A_178 = arith.cmpi ne, %rem3A_176, %ne3A_177 : i32
        %lt3A_179 = arith.constant 0 : i32
        %lt3A_180 = arith.cmpi slt, %rem3A_176, %lt3A_179 : i32
        %lt3A_181 = arith.constant 0 : i32
        %lt3A_182 = arith.cmpi slt, %select_n3A_175, %lt3A_181 : i32
        %ne3A_183 = arith.xori %lt3A_180, %lt3A_182 : i1
        %and3A_184 = arith.andi %ne3A_183, %ne3A_178 : i1
        %add3A_185 = arith.addi %rem3A_176, %select_n3A_175 : i32
        %select_n3A_186 = arith.select %and3A_184, %add3A_185, %rem3A_176 : i32
        %dma_start3A_187 = arith.constant 0 : i32
        %dma_start3A_188 = arith.constant 0 : i32
        %dma_start3A_189 = tpu.memref_slice %arg15[%select_n3A_186, %dma_start3A_187, %dma_start3A_188] : memref<5x128x64xf32, #tpu.memory_space<vmem>> -> memref<1x128x64xf32, #tpu.memory_space<vmem>>
        %dma_start3A_190 = tpu.memref_squeeze %dma_start3A_189 : memref<1x128x64xf32, #tpu.memory_space<vmem>> -> memref<128x64xf32, #tpu.memory_space<vmem>>
        %dma_start3A_191 = arith.constant 0 : i32
        %dma_start3A_192 = tpu.memref_slice %arg14[%add3A_139, %dma_start3A_191] : memref<157x128xi32, #tpu.memory_space<vmem>> -> memref<1x128xi32, #tpu.memory_space<vmem>>
        %dma_start3A_193 = tpu.memref_squeeze %dma_start3A_192 : memref<1x128xi32, #tpu.memory_space<vmem>> -> memref<128xi32, #tpu.memory_space<vmem>>
        %dma_start3A_194 = arith.constant 0 : i32
        %dma_start3A_195 = arith.constant 0 : i32
        %dma_start3A_196 = tpu.memref_slice %arg17[%dma_start3A_194, %dma_start3A_195] : memref<10240x64xf32, #tpu.memory_space<vmem_shared>> -> memref<10240x64xf32, #tpu.memory_space<vmem_shared>>
        tpu.enqueue_indirect_dma source(%dma_start3A_190 : memref<128x64xf32, #tpu.memory_space<vmem>>) target(%dma_start3A_196 : memref<10240x64xf32, #tpu.memory_space<vmem_shared>>) offsets(%dma_start3A_193 : memref<128xi32, #tpu.memory_space<vmem>>) semaphore(%arg19 : memref<!tpu.dma_semaphore, #tpu.memory_space<semaphore_mem>>) {add = true}
      }
      %scan3A_130 = arith.constant 157 : i32
      %scan3A_131 = arith.constant 0 : i32
      %scan3A_132 = arith.constant 2 : i32
      %scan3A_133 = arith.addi %scan3A_131, %scan3A_132 : i32
      %scan3A_134 = arith.constant 1 : i32
      scf.for %scan3A_136 = %scan3A_131 to %scan3A_133 step %scan3A_134  : i32 {
        %mul3A_137 = arith.constant 1 : i32
        %mul3A_138 = arith.muli %scan3A_136, %mul3A_137 : i32
        %add3A = arith.constant 155 : i32
        %add3A_139 = arith.addi %add3A, %mul3A_138 : i32
        %jit3A = arith.constant 5 : i32
        %eq3A_140 = arith.constant 0 : i32
        %eq3A_141 = arith.cmpi eq, %jit3A, %eq3A_140 : i32
        %jit3A_142 = arith.constant 1 : i32
        %select_n3A = arith.select %eq3A_141, %jit3A_142, %jit3A : i32
        %rem3A = arith.remsi %add3A_139, %select_n3A : i32
        %ne3A = arith.constant 0 : i32
        %ne3A_143 = arith.cmpi ne, %rem3A, %ne3A : i32
        %lt3A = arith.constant 0 : i32
        %lt3A_144 = arith.cmpi slt, %rem3A, %lt3A : i32
        %lt3A_145 = arith.constant 0 : i32
        %lt3A_146 = arith.cmpi slt, %select_n3A, %lt3A_145 : i32
        %ne3A_147 = arith.xori %lt3A_144, %lt3A_146 : i1
        %and3A = arith.andi %ne3A_147, %ne3A_143 : i1
        %add3A_148 = arith.addi %rem3A, %select_n3A : i32
        %select_n3A_149 = arith.select %and3A, %add3A_148, %rem3A : i32
        %dma_wait3A_150 = arith.constant 0 : i32
        %dma_wait3A_151 = arith.constant 0 : i32
        %dma_wait3A_152 = tpu.memref_slice %arg15[%select_n3A_149, %dma_wait3A_150, %dma_wait3A_151] : memref<5x128x64xf32, #tpu.memory_space<vmem>> -> memref<1x128x64xf32, #tpu.memory_space<vmem>>
        %dma_wait3A_153 = tpu.memref_squeeze %dma_wait3A_152 : memref<1x128x64xf32, #tpu.memory_space<vmem>> -> memref<128x64xf32, #tpu.memory_space<vmem>>
        %dma_wait3A_154 = arith.constant 0 : i32
        %dma_wait3A_155 = tpu.memref_slice %arg14[%add3A_139, %dma_wait3A_154] : memref<157x128xi32, #tpu.memory_space<vmem>> -> memref<1x128xi32, #tpu.memory_space<vmem>>
        %dma_wait3A_156 = tpu.memref_squeeze %dma_wait3A_155 : memref<1x128xi32, #tpu.memory_space<vmem>> -> memref<128xi32, #tpu.memory_space<vmem>>
        %dma_wait3A_157 = arith.constant 0 : i32
        %dma_wait3A_158 = arith.constant 0 : i32
        %dma_wait3A_159 = tpu.memref_slice %arg17[%dma_wait3A_157, %dma_wait3A_158] : memref<10240x64xf32, #tpu.memory_space<vmem_shared>> -> memref<10240x64xf32, #tpu.memory_space<vmem_shared>>
        tpu.wait_indirect_dma semaphore(%arg19 : memref<!tpu.dma_semaphore, #tpu.memory_space<semaphore_mem>>) src(%dma_wait3A_153 : memref<128x64xf32, #tpu.memory_space<vmem>>) dst(%dma_wait3A_159 : memref<10240x64xf32, #tpu.memory_space<vmem_shared>>)
      }
      %scan3A_135 = arith.constant 2 : i32
    } else {
    }
    %eq3A_42 = arith.constant 1 : i32
    %eq3A_43 = arith.cmpi eq, %arg0, %eq3A_42 : i32
    %convert_element_type3A_44 = arith.extui %eq3A_43 : i1 to i32
    %cond3A_45 = arith.constant 0 : i32
    %cond3A_46 = arith.cmpi ne, %convert_element_type3A_44, %cond3A_45 : i32
    scf.if %cond3A_46 {
      %dma_start3A_90 = arith.constant 0 : i32
      %dma_start3A_91 = arith.constant 0 : i32
      %dma_start3A_92 = arith.constant 0 : i32
      %dma_start3A_93 = arith.constant 0 : i32
      %dma_start3A_94 = tpu.memref_slice %arg15[%dma_start3A_91, %dma_start3A_92, %dma_start3A_93] : memref<5x128x64xf32, #tpu.memory_space<vmem>> -> memref<1x128x64xf32, #tpu.memory_space<vmem>>
      %dma_start3A_95 = tpu.memref_squeeze %dma_start3A_94 : memref<1x128x64xf32, #tpu.memory_space<vmem>> -> memref<128x64xf32, #tpu.memory_space<vmem>>
      %dma_start3A_96 = arith.constant 0 : i32
      %dma_start3A_97 = tpu.memref_slice %arg13[%dma_start3A_90, %dma_start3A_96] : memref<157x128xi32, #tpu.memory_space<vmem>> -> memref<1x128xi32, #tpu.memory_space<vmem>>
      %dma_start3A_98 = tpu.memref_squeeze %dma_start3A_97 : memref<1x128xi32, #tpu.memory_space<vmem>> -> memref<128xi32, #tpu.memory_space<vmem>>
      %dma_start3A_99 = arith.constant 0 : i32
      %dma_start3A_100 = arith.constant 0 : i32
      %dma_start3A_101 = tpu.memref_slice %arg4[%dma_start3A_99, %dma_start3A_100] : memref<10240x64xf32, #tpu.memory_space<hbm>> -> memref<10240x64xf32, #tpu.memory_space<hbm>>
      tpu.enqueue_indirect_dma source(%dma_start3A_101 : memref<10240x64xf32, #tpu.memory_space<hbm>>) target(%dma_start3A_95 : memref<128x64xf32, #tpu.memory_space<vmem>>) offsets(%dma_start3A_98 : memref<128xi32, #tpu.memory_space<vmem>>) semaphore(%arg18 : memref<!tpu.dma_semaphore, #tpu.memory_space<semaphore_mem>>)
      %dma_start3A_102 = arith.constant 1 : i32
      %dma_start3A_103 = arith.constant 1 : i32
      %dma_start3A_104 = arith.constant 0 : i32
      %dma_start3A_105 = arith.constant 0 : i32
      %dma_start3A_106 = tpu.memref_slice %arg15[%dma_start3A_103, %dma_start3A_104, %dma_start3A_105] : memref<5x128x64xf32, #tpu.memory_space<vmem>> -> memref<1x128x64xf32, #tpu.memory_space<vmem>>
      %dma_start3A_107 = tpu.memref_squeeze %dma_start3A_106 : memref<1x128x64xf32, #tpu.memory_space<vmem>> -> memref<128x64xf32, #tpu.memory_space<vmem>>
      %dma_start3A_108 = arith.constant 0 : i32
      %dma_start3A_109 = tpu.memref_slice %arg13[%dma_start3A_102, %dma_start3A_108] : memref<157x128xi32, #tpu.memory_space<vmem>> -> memref<1x128xi32, #tpu.memory_space<vmem>>
      %dma_start3A_110 = tpu.memref_squeeze %dma_start3A_109 : memref<1x128xi32, #tpu.memory_space<vmem>> -> memref<128xi32, #tpu.memory_space<vmem>>
      %dma_start3A_111 = arith.constant 0 : i32
      %dma_start3A_112 = arith.constant 0 : i32
      %dma_start3A_113 = tpu.memref_slice %arg4[%dma_start3A_111, %dma_start3A_112] : memref<10240x64xf32, #tpu.memory_space<hbm>> -> memref<10240x64xf32, #tpu.memory_space<hbm>>
      tpu.enqueue_indirect_dma source(%dma_start3A_113 : memref<10240x64xf32, #tpu.memory_space<hbm>>) target(%dma_start3A_107 : memref<128x64xf32, #tpu.memory_space<vmem>>) offsets(%dma_start3A_110 : memref<128xi32, #tpu.memory_space<vmem>>) semaphore(%arg18 : memref<!tpu.dma_semaphore, #tpu.memory_space<semaphore_mem>>)
      %dma_start3A_114 = arith.constant 2 : i32
      %dma_start3A_115 = arith.constant 2 : i32
      %dma_start3A_116 = arith.constant 0 : i32
      %dma_start3A_117 = arith.constant 0 : i32
      %dma_start3A_118 = tpu.memref_slice %arg15[%dma_start3A_115, %dma_start3A_116, %dma_start3A_117] : memref<5x128x64xf32, #tpu.memory_space<vmem>> -> memref<1x128x64xf32, #tpu.memory_space<vmem>>
      %dma_start3A_119 = tpu.memref_squeeze %dma_start3A_118 : memref<1x128x64xf32, #tpu.memory_space<vmem>> -> memref<128x64xf32, #tpu.memory_space<vmem>>
      %dma_start3A_120 = arith.constant 0 : i32
      %dma_start3A_121 = tpu.memref_slice %arg13[%dma_start3A_114, %dma_start3A_120] : memref<157x128xi32, #tpu.memory_space<vmem>> -> memref<1x128xi32, #tpu.memory_space<vmem>>
      %dma_start3A_122 = tpu.memref_squeeze %dma_start3A_121 : memref<1x128xi32, #tpu.memory_space<vmem>> -> memref<128xi32, #tpu.memory_space<vmem>>
      %dma_start3A_123 = arith.constant 0 : i32
      %dma_start3A_124 = arith.constant 0 : i32
      %dma_start3A_125 = tpu.memref_slice %arg4[%dma_start3A_123, %dma_start3A_124] : memref<10240x64xf32, #tpu.memory_space<hbm>> -> memref<10240x64xf32, #tpu.memory_space<hbm>>
      tpu.enqueue_indirect_dma source(%dma_start3A_125 : memref<10240x64xf32, #tpu.memory_space<hbm>>) target(%dma_start3A_119 : memref<128x64xf32, #tpu.memory_space<vmem>>) offsets(%dma_start3A_122 : memref<128xi32, #tpu.memory_space<vmem>>) semaphore(%arg18 : memref<!tpu.dma_semaphore, #tpu.memory_space<semaphore_mem>>)
      %scan3A_126 = arith.constant 0 : i32
      %scan3A_127 = arith.constant 157 : i32
      %scan3A_128 = arith.addi %scan3A_126, %scan3A_127 : i32
      %scan3A_129 = arith.constant 1 : i32
      scf.for %scan3A_136 = %scan3A_126 to %scan3A_128 step %scan3A_129  : i32 {
        %mul3A_137 = arith.constant 1 : i32
        %mul3A_138 = arith.muli %scan3A_136, %mul3A_137 : i32
        %add3A = arith.constant 0 : i32
        %add3A_139 = arith.addi %add3A, %mul3A_138 : i32
        %ge3A = arith.constant 2 : i32
        %ge3A_140 = arith.cmpi sge, %add3A_139, %ge3A : i32
        %convert_element_type3A_141 = arith.extui %ge3A_140 : i1 to i32
        %cond3A_142 = arith.constant 0 : i32
        %cond3A_143 = arith.cmpi ne, %convert_element_type3A_141, %cond3A_142 : i32
        scf.if %cond3A_143 {
          %sub3A = arith.constant 2 : i32
          %sub3A_197 = arith.subi %add3A_139, %sub3A : i32
          %sub3A_198 = arith.constant 2 : i32
          %sub3A_199 = arith.subi %add3A_139, %sub3A_198 : i32
          %jit3A_200 = arith.constant 5 : i32
          %eq3A_201 = arith.constant 0 : i32
          %eq3A_202 = arith.cmpi eq, %jit3A_200, %eq3A_201 : i32
          %jit3A_203 = arith.constant 1 : i32
          %select_n3A_204 = arith.select %eq3A_202, %jit3A_203, %jit3A_200 : i32
          %rem3A_205 = arith.remsi %sub3A_199, %select_n3A_204 : i32
          %ne3A_206 = arith.constant 0 : i32
          %ne3A_207 = arith.cmpi ne, %rem3A_205, %ne3A_206 : i32
          %lt3A_208 = arith.constant 0 : i32
          %lt3A_209 = arith.cmpi slt, %rem3A_205, %lt3A_208 : i32
          %lt3A_210 = arith.constant 0 : i32
          %lt3A_211 = arith.cmpi slt, %select_n3A_204, %lt3A_210 : i32
          %ne3A_212 = arith.xori %lt3A_209, %lt3A_211 : i1
          %and3A_213 = arith.andi %ne3A_212, %ne3A_207 : i1
          %add3A_214 = arith.addi %rem3A_205, %select_n3A_204 : i32
          %select_n3A_215 = arith.select %and3A_213, %add3A_214, %rem3A_205 : i32
          %dma_wait3A_216 = arith.constant 0 : i32
          %dma_wait3A_217 = arith.constant 0 : i32
          %dma_wait3A_218 = tpu.memref_slice %arg15[%select_n3A_215, %dma_wait3A_216, %dma_wait3A_217] : memref<5x128x64xf32, #tpu.memory_space<vmem>> -> memref<1x128x64xf32, #tpu.memory_space<vmem>>
          %dma_wait3A_219 = tpu.memref_squeeze %dma_wait3A_218 : memref<1x128x64xf32, #tpu.memory_space<vmem>> -> memref<128x64xf32, #tpu.memory_space<vmem>>
          %dma_wait3A_220 = arith.constant 0 : i32
          %dma_wait3A_221 = tpu.memref_slice %arg14[%sub3A_197, %dma_wait3A_220] : memref<157x128xi32, #tpu.memory_space<vmem>> -> memref<1x128xi32, #tpu.memory_space<vmem>>
          %dma_wait3A_222 = tpu.memref_squeeze %dma_wait3A_221 : memref<1x128xi32, #tpu.memory_space<vmem>> -> memref<128xi32, #tpu.memory_space<vmem>>
          %dma_wait3A_223 = arith.constant 0 : i32
          %dma_wait3A_224 = arith.constant 0 : i32
          %dma_wait3A_225 = tpu.memref_slice %arg17[%dma_wait3A_223, %dma_wait3A_224] : memref<10240x64xf32, #tpu.memory_space<vmem_shared>> -> memref<10240x64xf32, #tpu.memory_space<vmem_shared>>
          tpu.wait_indirect_dma semaphore(%arg19 : memref<!tpu.dma_semaphore, #tpu.memory_space<semaphore_mem>>) src(%dma_wait3A_219 : memref<128x64xf32, #tpu.memory_space<vmem>>) dst(%dma_wait3A_225 : memref<10240x64xf32, #tpu.memory_space<vmem_shared>>)
        } else {
        }
        %add3A_144 = arith.constant 3 : i32
        %add3A_145 = arith.addi %add3A_139, %add3A_144 : i32
        %lt3A = arith.constant 157 : i32
        %lt3A_146 = arith.cmpi slt, %add3A_145, %lt3A : i32
        %convert_element_type3A_147 = arith.extui %lt3A_146 : i1 to i32
        %cond3A_148 = arith.constant 0 : i32
        %cond3A_149 = arith.cmpi ne, %convert_element_type3A_147, %cond3A_148 : i32
        scf.if %cond3A_149 {
          %add3A_197 = arith.constant 3 : i32
          %add3A_198 = arith.addi %add3A_139, %add3A_197 : i32
          %jit3A_199 = arith.constant 5 : i32
          %eq3A_200 = arith.constant 0 : i32
          %eq3A_201 = arith.cmpi eq, %jit3A_199, %eq3A_200 : i32
          %jit3A_202 = arith.constant 1 : i32
          %select_n3A_203 = arith.select %eq3A_201, %jit3A_202, %jit3A_199 : i32
          %rem3A_204 = arith.remsi %add3A_198, %select_n3A_203 : i32
          %ne3A_205 = arith.constant 0 : i32
          %ne3A_206 = arith.cmpi ne, %rem3A_204, %ne3A_205 : i32
          %lt3A_207 = arith.constant 0 : i32
          %lt3A_208 = arith.cmpi slt, %rem3A_204, %lt3A_207 : i32
          %lt3A_209 = arith.constant 0 : i32
          %lt3A_210 = arith.cmpi slt, %select_n3A_203, %lt3A_209 : i32
          %ne3A_211 = arith.xori %lt3A_208, %lt3A_210 : i1
          %and3A_212 = arith.andi %ne3A_211, %ne3A_206 : i1
          %add3A_213 = arith.addi %rem3A_204, %select_n3A_203 : i32
          %select_n3A_214 = arith.select %and3A_212, %add3A_213, %rem3A_204 : i32
          %dma_start3A_215 = arith.constant 0 : i32
          %dma_start3A_216 = arith.constant 0 : i32
          %dma_start3A_217 = tpu.memref_slice %arg15[%select_n3A_214, %dma_start3A_215, %dma_start3A_216] : memref<5x128x64xf32, #tpu.memory_space<vmem>> -> memref<1x128x64xf32, #tpu.memory_space<vmem>>
          %dma_start3A_218 = tpu.memref_squeeze %dma_start3A_217 : memref<1x128x64xf32, #tpu.memory_space<vmem>> -> memref<128x64xf32, #tpu.memory_space<vmem>>
          %dma_start3A_219 = arith.constant 0 : i32
          %dma_start3A_220 = tpu.memref_slice %arg13[%add3A_198, %dma_start3A_219] : memref<157x128xi32, #tpu.memory_space<vmem>> -> memref<1x128xi32, #tpu.memory_space<vmem>>
          %dma_start3A_221 = tpu.memref_squeeze %dma_start3A_220 : memref<1x128xi32, #tpu.memory_space<vmem>> -> memref<128xi32, #tpu.memory_space<vmem>>
          %dma_start3A_222 = arith.constant 0 : i32
          %dma_start3A_223 = arith.constant 0 : i32
          %dma_start3A_224 = tpu.memref_slice %arg4[%dma_start3A_222, %dma_start3A_223] : memref<10240x64xf32, #tpu.memory_space<hbm>> -> memref<10240x64xf32, #tpu.memory_space<hbm>>
          tpu.enqueue_indirect_dma source(%dma_start3A_224 : memref<10240x64xf32, #tpu.memory_space<hbm>>) target(%dma_start3A_218 : memref<128x64xf32, #tpu.memory_space<vmem>>) offsets(%dma_start3A_221 : memref<128xi32, #tpu.memory_space<vmem>>) semaphore(%arg18 : memref<!tpu.dma_semaphore, #tpu.memory_space<semaphore_mem>>)
        } else {
        }
        %jit3A = arith.constant 5 : i32
        %eq3A_150 = arith.constant 0 : i32
        %eq3A_151 = arith.cmpi eq, %jit3A, %eq3A_150 : i32
        %jit3A_152 = arith.constant 1 : i32
        %select_n3A = arith.select %eq3A_151, %jit3A_152, %jit3A : i32
        %rem3A = arith.remsi %add3A_139, %select_n3A : i32
        %ne3A = arith.constant 0 : i32
        %ne3A_153 = arith.cmpi ne, %rem3A, %ne3A : i32
        %lt3A_154 = arith.constant 0 : i32
        %lt3A_155 = arith.cmpi slt, %rem3A, %lt3A_154 : i32
        %lt3A_156 = arith.constant 0 : i32
        %lt3A_157 = arith.cmpi slt, %select_n3A, %lt3A_156 : i32
        %ne3A_158 = arith.xori %lt3A_155, %lt3A_157 : i1
        %and3A = arith.andi %ne3A_158, %ne3A_153 : i1
        %add3A_159 = arith.addi %rem3A, %select_n3A : i32
        %select_n3A_160 = arith.select %and3A, %add3A_159, %rem3A : i32
        %dma_wait3A_161 = arith.constant 0 : i32
        %dma_wait3A_162 = arith.constant 0 : i32
        %dma_wait3A_163 = tpu.memref_slice %arg15[%select_n3A_160, %dma_wait3A_161, %dma_wait3A_162] : memref<5x128x64xf32, #tpu.memory_space<vmem>> -> memref<1x128x64xf32, #tpu.memory_space<vmem>>
        %dma_wait3A_164 = tpu.memref_squeeze %dma_wait3A_163 : memref<1x128x64xf32, #tpu.memory_space<vmem>> -> memref<128x64xf32, #tpu.memory_space<vmem>>
        %dma_wait3A_165 = arith.constant 0 : i32
        %dma_wait3A_166 = tpu.memref_slice %arg13[%add3A_139, %dma_wait3A_165] : memref<157x128xi32, #tpu.memory_space<vmem>> -> memref<1x128xi32, #tpu.memory_space<vmem>>
        %dma_wait3A_167 = tpu.memref_squeeze %dma_wait3A_166 : memref<1x128xi32, #tpu.memory_space<vmem>> -> memref<128xi32, #tpu.memory_space<vmem>>
        %dma_wait3A_168 = arith.constant 0 : i32
        %dma_wait3A_169 = arith.constant 0 : i32
        %dma_wait3A_170 = tpu.memref_slice %arg4[%dma_wait3A_168, %dma_wait3A_169] : memref<10240x64xf32, #tpu.memory_space<hbm>> -> memref<10240x64xf32, #tpu.memory_space<hbm>>
        tpu.wait_indirect_dma semaphore(%arg18 : memref<!tpu.dma_semaphore, #tpu.memory_space<semaphore_mem>>) src(%dma_wait3A_170 : memref<10240x64xf32, #tpu.memory_space<hbm>>) dst(%dma_wait3A_164 : memref<128x64xf32, #tpu.memory_space<vmem>>)
        %jit3A_171 = arith.constant 5 : i32
        %eq3A_172 = arith.constant 0 : i32
        %eq3A_173 = arith.cmpi eq, %jit3A_171, %eq3A_172 : i32
        %jit3A_174 = arith.constant 1 : i32
        %select_n3A_175 = arith.select %eq3A_173, %jit3A_174, %jit3A_171 : i32
        %rem3A_176 = arith.remsi %add3A_139, %select_n3A_175 : i32
        %ne3A_177 = arith.constant 0 : i32
        %ne3A_178 = arith.cmpi ne, %rem3A_176, %ne3A_177 : i32
        %lt3A_179 = arith.constant 0 : i32
        %lt3A_180 = arith.cmpi slt, %rem3A_176, %lt3A_179 : i32
        %lt3A_181 = arith.constant 0 : i32
        %lt3A_182 = arith.cmpi slt, %select_n3A_175, %lt3A_181 : i32
        %ne3A_183 = arith.xori %lt3A_180, %lt3A_182 : i1
        %and3A_184 = arith.andi %ne3A_183, %ne3A_178 : i1
        %add3A_185 = arith.addi %rem3A_176, %select_n3A_175 : i32
        %select_n3A_186 = arith.select %and3A_184, %add3A_185, %rem3A_176 : i32
        %dma_start3A_187 = arith.constant 0 : i32
        %dma_start3A_188 = arith.constant 0 : i32
        %dma_start3A_189 = tpu.memref_slice %arg15[%select_n3A_186, %dma_start3A_187, %dma_start3A_188] : memref<5x128x64xf32, #tpu.memory_space<vmem>> -> memref<1x128x64xf32, #tpu.memory_space<vmem>>
        %dma_start3A_190 = tpu.memref_squeeze %dma_start3A_189 : memref<1x128x64xf32, #tpu.memory_space<vmem>> -> memref<128x64xf32, #tpu.memory_space<vmem>>
        %dma_start3A_191 = arith.constant 0 : i32
        %dma_start3A_192 = tpu.memref_slice %arg14[%add3A_139, %dma_start3A_191] : memref<157x128xi32, #tpu.memory_space<vmem>> -> memref<1x128xi32, #tpu.memory_space<vmem>>
        %dma_start3A_193 = tpu.memref_squeeze %dma_start3A_192 : memref<1x128xi32, #tpu.memory_space<vmem>> -> memref<128xi32, #tpu.memory_space<vmem>>
        %dma_start3A_194 = arith.constant 0 : i32
        %dma_start3A_195 = arith.constant 0 : i32
        %dma_start3A_196 = tpu.memref_slice %arg17[%dma_start3A_194, %dma_start3A_195] : memref<10240x64xf32, #tpu.memory_space<vmem_shared>> -> memref<10240x64xf32, #tpu.memory_space<vmem_shared>>
        tpu.enqueue_indirect_dma source(%dma_start3A_190 : memref<128x64xf32, #tpu.memory_space<vmem>>) target(%dma_start3A_196 : memref<10240x64xf32, #tpu.memory_space<vmem_shared>>) offsets(%dma_start3A_193 : memref<128xi32, #tpu.memory_space<vmem>>) semaphore(%arg19 : memref<!tpu.dma_semaphore, #tpu.memory_space<semaphore_mem>>) {add = true}
      }
      %scan3A_130 = arith.constant 157 : i32
      %scan3A_131 = arith.constant 0 : i32
      %scan3A_132 = arith.constant 2 : i32
      %scan3A_133 = arith.addi %scan3A_131, %scan3A_132 : i32
      %scan3A_134 = arith.constant 1 : i32
      scf.for %scan3A_136 = %scan3A_131 to %scan3A_133 step %scan3A_134  : i32 {
        %mul3A_137 = arith.constant 1 : i32
        %mul3A_138 = arith.muli %scan3A_136, %mul3A_137 : i32
        %add3A = arith.constant 155 : i32
        %add3A_139 = arith.addi %add3A, %mul3A_138 : i32
        %jit3A = arith.constant 5 : i32
        %eq3A_140 = arith.constant 0 : i32
        %eq3A_141 = arith.cmpi eq, %jit3A, %eq3A_140 : i32
        %jit3A_142 = arith.constant 1 : i32
        %select_n3A = arith.select %eq3A_141, %jit3A_142, %jit3A : i32
        %rem3A = arith.remsi %add3A_139, %select_n3A : i32
        %ne3A = arith.constant 0 : i32
        %ne3A_143 = arith.cmpi ne, %rem3A, %ne3A : i32
        %lt3A = arith.constant 0 : i32
        %lt3A_144 = arith.cmpi slt, %rem3A, %lt3A : i32
        %lt3A_145 = arith.constant 0 : i32
        %lt3A_146 = arith.cmpi slt, %select_n3A, %lt3A_145 : i32
        %ne3A_147 = arith.xori %lt3A_144, %lt3A_146 : i1
        %and3A = arith.andi %ne3A_147, %ne3A_143 : i1
        %add3A_148 = arith.addi %rem3A, %select_n3A : i32
        %select_n3A_149 = arith.select %and3A, %add3A_148, %rem3A : i32
        %dma_wait3A_150 = arith.constant 0 : i32
        %dma_wait3A_151 = arith.constant 0 : i32
        %dma_wait3A_152 = tpu.memref_slice %arg15[%select_n3A_149, %dma_wait3A_150, %dma_wait3A_151] : memref<5x128x64xf32, #tpu.memory_space<vmem>> -> memref<1x128x64xf32, #tpu.memory_space<vmem>>
        %dma_wait3A_153 = tpu.memref_squeeze %dma_wait3A_152 : memref<1x128x64xf32, #tpu.memory_space<vmem>> -> memref<128x64xf32, #tpu.memory_space<vmem>>
        %dma_wait3A_154 = arith.constant 0 : i32
        %dma_wait3A_155 = tpu.memref_slice %arg14[%add3A_139, %dma_wait3A_154] : memref<157x128xi32, #tpu.memory_space<vmem>> -> memref<1x128xi32, #tpu.memory_space<vmem>>
        %dma_wait3A_156 = tpu.memref_squeeze %dma_wait3A_155 : memref<1x128xi32, #tpu.memory_space<vmem>> -> memref<128xi32, #tpu.memory_space<vmem>>
        %dma_wait3A_157 = arith.constant 0 : i32
        %dma_wait3A_158 = arith.constant 0 : i32
        %dma_wait3A_159 = tpu.memref_slice %arg17[%dma_wait3A_157, %dma_wait3A_158] : memref<10240x64xf32, #tpu.memory_space<vmem_shared>> -> memref<10240x64xf32, #tpu.memory_space<vmem_shared>>
        tpu.wait_indirect_dma semaphore(%arg19 : memref<!tpu.dma_semaphore, #tpu.memory_space<semaphore_mem>>) src(%dma_wait3A_153 : memref<128x64xf32, #tpu.memory_space<vmem>>) dst(%dma_wait3A_159 : memref<10240x64xf32, #tpu.memory_space<vmem_shared>>)
      }
      %scan3A_135 = arith.constant 2 : i32
    } else {
    }
    %barrier3A_47 = arith.constant 0 : index
    tpu.barrier barrier_id(%barrier3A_47)
    %eq3A_48 = arith.constant 0 : i32
    %eq3A_49 = arith.cmpi eq, %arg0, %eq3A_48 : i32
    %convert_element_type3A_50 = arith.extui %eq3A_49 : i1 to i32
    %cond3A_51 = arith.constant 0 : i32
    %cond3A_52 = arith.cmpi ne, %convert_element_type3A_50, %cond3A_51 : i32
    scf.if %cond3A_52 {
      "tpu.region"() ({
        %run_scoped3A = tpu.sem_alloc : memref<!tpu.dma_semaphore, #tpu.memory_space<semaphore_mem>>
        %dma_start3A_90 = arith.constant 0 : i32
        %dma_start3A_91 = tpu.memref_slice %arg9[%mul3A_0, %dma_start3A_90] : memref<10240x64xf32, #tpu.memory_space<hbm>> -> memref<640x64xf32, #tpu.memory_space<hbm>>
        %dma_start3A_92 = arith.constant 0 : i32
        %dma_start3A_93 = tpu.memref_slice %arg17[%mul3A_0, %dma_start3A_92] : memref<10240x64xf32, #tpu.memory_space<vmem_shared>> -> memref<640x64xf32, #tpu.memory_space<vmem_shared>>
        tpu.enqueue_dma source(%dma_start3A_93 : memref<640x64xf32, #tpu.memory_space<vmem_shared>>) target(%dma_start3A_91 : memref<640x64xf32, #tpu.memory_space<hbm>>) target_semaphore(%run_scoped3A : memref<!tpu.dma_semaphore, #tpu.memory_space<semaphore_mem>>)
        %dma_wait3A_94 = arith.constant 0 : i32
        %dma_wait3A_95 = tpu.memref_slice %arg9[%mul3A_0, %dma_wait3A_94] : memref<10240x64xf32, #tpu.memory_space<hbm>> -> memref<640x64xf32, #tpu.memory_space<hbm>>
        %dma_wait3A_96 = arith.constant 0 : i32
        %dma_wait3A_97 = tpu.memref_slice %arg17[%mul3A_0, %dma_wait3A_96] : memref<10240x64xf32, #tpu.memory_space<vmem_shared>> -> memref<640x64xf32, #tpu.memory_space<vmem_shared>>
        tpu.wait_dma2 semaphore(%run_scoped3A : memref<!tpu.dma_semaphore, #tpu.memory_space<semaphore_mem>>) src(%dma_wait3A_97 : memref<640x64xf32, #tpu.memory_space<vmem_shared>>) dst(%dma_wait3A_95 : memref<640x64xf32, #tpu.memory_space<hbm>>)
        tpu.yield
      }) : () -> ()
    } else {
    }
    %eq3A_53 = arith.constant 1 : i32
    %eq3A_54 = arith.cmpi eq, %arg0, %eq3A_53 : i32
    %convert_element_type3A_55 = arith.extui %eq3A_54 : i1 to i32
    %cond3A_56 = arith.constant 0 : i32
    %cond3A_57 = arith.cmpi ne, %convert_element_type3A_55, %cond3A_56 : i32
    scf.if %cond3A_57 {
      "tpu.region"() ({
        %run_scoped3A = tpu.sem_alloc : memref<!tpu.dma_semaphore, #tpu.memory_space<semaphore_mem>>
        %dma_start3A_90 = arith.constant 0 : i32
        %dma_start3A_91 = tpu.memref_slice %arg11[%mul3A_0, %dma_start3A_90] : memref<10240x64xf32, #tpu.memory_space<hbm>> -> memref<640x64xf32, #tpu.memory_space<hbm>>
        %dma_start3A_92 = arith.constant 0 : i32
        %dma_start3A_93 = tpu.memref_slice %arg17[%mul3A_0, %dma_start3A_92] : memref<10240x64xf32, #tpu.memory_space<vmem_shared>> -> memref<640x64xf32, #tpu.memory_space<vmem_shared>>
        tpu.enqueue_dma source(%dma_start3A_93 : memref<640x64xf32, #tpu.memory_space<vmem_shared>>) target(%dma_start3A_91 : memref<640x64xf32, #tpu.memory_space<hbm>>) target_semaphore(%run_scoped3A : memref<!tpu.dma_semaphore, #tpu.memory_space<semaphore_mem>>)
        %dma_wait3A_94 = arith.constant 0 : i32
        %dma_wait3A_95 = tpu.memref_slice %arg11[%mul3A_0, %dma_wait3A_94] : memref<10240x64xf32, #tpu.memory_space<hbm>> -> memref<640x64xf32, #tpu.memory_space<hbm>>
        %dma_wait3A_96 = arith.constant 0 : i32
        %dma_wait3A_97 = tpu.memref_slice %arg17[%mul3A_0, %dma_wait3A_96] : memref<10240x64xf32, #tpu.memory_space<vmem_shared>> -> memref<640x64xf32, #tpu.memory_space<vmem_shared>>
        tpu.wait_dma2 semaphore(%run_scoped3A : memref<!tpu.dma_semaphore, #tpu.memory_space<semaphore_mem>>) src(%dma_wait3A_97 : memref<640x64xf32, #tpu.memory_space<vmem_shared>>) dst(%dma_wait3A_95 : memref<640x64xf32, #tpu.memory_space<hbm>>)
        tpu.yield
      }) : () -> ()
    } else {
    }
    %scan3A_58 = arith.constant 0 : i32
    %scan3A_59 = arith.constant 10 : i32
    %scan3A_60 = arith.addi %scan3A_58, %scan3A_59 : i32
    %scan3A_61 = arith.constant 1 : i32
    scf.for %scan3A_90 = %scan3A_58 to %scan3A_60 step %scan3A_61  : i32 {
      %mul3A_91 = arith.constant 1 : i32
      %mul3A_92 = arith.muli %scan3A_90, %mul3A_91 : i32
      %add3A = arith.constant 0 : i32
      %add3A_93 = arith.addi %add3A, %mul3A_92 : i32
      %mul3A_94 = arith.constant 64 : i32
      %mul3A_95 = arith.muli %add3A_93, %mul3A_94 : i32
      %add3A_96 = arith.addi %mul3A_0, %mul3A_95 : i32
      %dma_start3A_97 = arith.constant 0 : i32
      %dma_start3A_98 = tpu.memref_slice %arg17[%add3A_96, %dma_start3A_97] : memref<10240x64xf32, #tpu.memory_space<vmem_shared>> -> memref<64x64xf32, #tpu.memory_space<vmem_shared>>
      %dma_start3A_99 = arith.constant 0 : i32
      %dma_start3A_100 = tpu.memref_slice %arg17[%add3A_96, %dma_start3A_99] : memref<10240x64xf32, #tpu.memory_space<vmem_shared>> -> memref<64x64xf32, #tpu.memory_space<vmem_shared>>
      tpu.enqueue_dma source(%arg16 : memref<64x64xf32, #tpu.memory_space<vmem>>) target(%dma_start3A_100 : memref<64x64xf32, #tpu.memory_space<vmem_shared>>) target_semaphore(%arg19 : memref<!tpu.dma_semaphore, #tpu.memory_space<semaphore_mem>>)
    }
    %scan3A_62 = arith.constant 10 : i32
    %scan3A_63 = arith.constant 0 : i32
    %scan3A_64 = arith.constant 10 : i32
    %scan3A_65 = arith.addi %scan3A_63, %scan3A_64 : i32
    %scan3A_66 = arith.constant 1 : i32
    scf.for %scan3A_90 = %scan3A_63 to %scan3A_65 step %scan3A_66  : i32 {
      %mul3A_91 = arith.constant 1 : i32
      %mul3A_92 = arith.muli %scan3A_90, %mul3A_91 : i32
      %add3A = arith.constant 0 : i32
      %add3A_93 = arith.addi %add3A, %mul3A_92 : i32
      %mul3A_94 = arith.constant 64 : i32
      %mul3A_95 = arith.muli %add3A_93, %mul3A_94 : i32
      %add3A_96 = arith.addi %mul3A_0, %mul3A_95 : i32
      %dma_wait3A_97 = arith.constant 0 : i32
      %dma_wait3A_98 = tpu.memref_slice %arg17[%add3A_96, %dma_wait3A_97] : memref<10240x64xf32, #tpu.memory_space<vmem_shared>> -> memref<64x64xf32, #tpu.memory_space<vmem_shared>>
      %dma_wait3A_99 = arith.constant 0 : i32
      %dma_wait3A_100 = tpu.memref_slice %arg17[%add3A_96, %dma_wait3A_99] : memref<10240x64xf32, #tpu.memory_space<vmem_shared>> -> memref<64x64xf32, #tpu.memory_space<vmem_shared>>
      tpu.wait_dma2 semaphore(%arg19 : memref<!tpu.dma_semaphore, #tpu.memory_space<semaphore_mem>>) src(%arg16 : memref<64x64xf32, #tpu.memory_space<vmem>>) dst(%dma_wait3A_100 : memref<64x64xf32, #tpu.memory_space<vmem_shared>>)
    }
    %scan3A_67 = arith.constant 10 : i32
    %barrier3A_68 = arith.constant 0 : index
    tpu.barrier barrier_id(%barrier3A_68)
    %eq3A_69 = arith.constant 0 : i32
    %eq3A_70 = arith.cmpi eq, %arg0, %eq3A_69 : i32
    %convert_element_type3A_71 = arith.extui %eq3A_70 : i1 to i32
    %cond3A_72 = arith.constant 0 : i32
    %cond3A_73 = arith.cmpi ne, %convert_element_type3A_71, %cond3A_72 : i32
    scf.if %cond3A_73 {
      %dma_start3A_90 = arith.constant 0 : i32
      %dma_start3A_91 = arith.constant 0 : i32
      %dma_start3A_92 = arith.constant 0 : i32
      %dma_start3A_93 = arith.constant 0 : i32
      %dma_start3A_94 = tpu.memref_slice %arg15[%dma_start3A_91, %dma_start3A_92, %dma_start3A_93] : memref<5x128x64xf32, #tpu.memory_space<vmem>> -> memref<1x128x64xf32, #tpu.memory_space<vmem>>
      %dma_start3A_95 = tpu.memref_squeeze %dma_start3A_94 : memref<1x128x64xf32, #tpu.memory_space<vmem>> -> memref<128x64xf32, #tpu.memory_space<vmem>>
      %dma_start3A_96 = arith.constant 0 : i32
      %dma_start3A_97 = tpu.memref_slice %arg13[%dma_start3A_90, %dma_start3A_96] : memref<157x128xi32, #tpu.memory_space<vmem>> -> memref<1x128xi32, #tpu.memory_space<vmem>>
      %dma_start3A_98 = tpu.memref_squeeze %dma_start3A_97 : memref<1x128xi32, #tpu.memory_space<vmem>> -> memref<128xi32, #tpu.memory_space<vmem>>
      %dma_start3A_99 = arith.constant 0 : i32
      %dma_start3A_100 = arith.constant 0 : i32
      %dma_start3A_101 = tpu.memref_slice %arg3[%dma_start3A_99, %dma_start3A_100] : memref<10240x64xf32, #tpu.memory_space<hbm>> -> memref<10240x64xf32, #tpu.memory_space<hbm>>
      tpu.enqueue_indirect_dma source(%dma_start3A_101 : memref<10240x64xf32, #tpu.memory_space<hbm>>) target(%dma_start3A_95 : memref<128x64xf32, #tpu.memory_space<vmem>>) offsets(%dma_start3A_98 : memref<128xi32, #tpu.memory_space<vmem>>) semaphore(%arg18 : memref<!tpu.dma_semaphore, #tpu.memory_space<semaphore_mem>>)
      %dma_start3A_102 = arith.constant 1 : i32
      %dma_start3A_103 = arith.constant 1 : i32
      %dma_start3A_104 = arith.constant 0 : i32
      %dma_start3A_105 = arith.constant 0 : i32
      %dma_start3A_106 = tpu.memref_slice %arg15[%dma_start3A_103, %dma_start3A_104, %dma_start3A_105] : memref<5x128x64xf32, #tpu.memory_space<vmem>> -> memref<1x128x64xf32, #tpu.memory_space<vmem>>
      %dma_start3A_107 = tpu.memref_squeeze %dma_start3A_106 : memref<1x128x64xf32, #tpu.memory_space<vmem>> -> memref<128x64xf32, #tpu.memory_space<vmem>>
      %dma_start3A_108 = arith.constant 0 : i32
      %dma_start3A_109 = tpu.memref_slice %arg13[%dma_start3A_102, %dma_start3A_108] : memref<157x128xi32, #tpu.memory_space<vmem>> -> memref<1x128xi32, #tpu.memory_space<vmem>>
      %dma_start3A_110 = tpu.memref_squeeze %dma_start3A_109 : memref<1x128xi32, #tpu.memory_space<vmem>> -> memref<128xi32, #tpu.memory_space<vmem>>
      %dma_start3A_111 = arith.constant 0 : i32
      %dma_start3A_112 = arith.constant 0 : i32
      %dma_start3A_113 = tpu.memref_slice %arg3[%dma_start3A_111, %dma_start3A_112] : memref<10240x64xf32, #tpu.memory_space<hbm>> -> memref<10240x64xf32, #tpu.memory_space<hbm>>
      tpu.enqueue_indirect_dma source(%dma_start3A_113 : memref<10240x64xf32, #tpu.memory_space<hbm>>) target(%dma_start3A_107 : memref<128x64xf32, #tpu.memory_space<vmem>>) offsets(%dma_start3A_110 : memref<128xi32, #tpu.memory_space<vmem>>) semaphore(%arg18 : memref<!tpu.dma_semaphore, #tpu.memory_space<semaphore_mem>>)
      %dma_start3A_114 = arith.constant 2 : i32
      %dma_start3A_115 = arith.constant 2 : i32
      %dma_start3A_116 = arith.constant 0 : i32
      %dma_start3A_117 = arith.constant 0 : i32
      %dma_start3A_118 = tpu.memref_slice %arg15[%dma_start3A_115, %dma_start3A_116, %dma_start3A_117] : memref<5x128x64xf32, #tpu.memory_space<vmem>> -> memref<1x128x64xf32, #tpu.memory_space<vmem>>
      %dma_start3A_119 = tpu.memref_squeeze %dma_start3A_118 : memref<1x128x64xf32, #tpu.memory_space<vmem>> -> memref<128x64xf32, #tpu.memory_space<vmem>>
      %dma_start3A_120 = arith.constant 0 : i32
      %dma_start3A_121 = tpu.memref_slice %arg13[%dma_start3A_114, %dma_start3A_120] : memref<157x128xi32, #tpu.memory_space<vmem>> -> memref<1x128xi32, #tpu.memory_space<vmem>>
      %dma_start3A_122 = tpu.memref_squeeze %dma_start3A_121 : memref<1x128xi32, #tpu.memory_space<vmem>> -> memref<128xi32, #tpu.memory_space<vmem>>
      %dma_start3A_123 = arith.constant 0 : i32
      %dma_start3A_124 = arith.constant 0 : i32
      %dma_start3A_125 = tpu.memref_slice %arg3[%dma_start3A_123, %dma_start3A_124] : memref<10240x64xf32, #tpu.memory_space<hbm>> -> memref<10240x64xf32, #tpu.memory_space<hbm>>
      tpu.enqueue_indirect_dma source(%dma_start3A_125 : memref<10240x64xf32, #tpu.memory_space<hbm>>) target(%dma_start3A_119 : memref<128x64xf32, #tpu.memory_space<vmem>>) offsets(%dma_start3A_122 : memref<128xi32, #tpu.memory_space<vmem>>) semaphore(%arg18 : memref<!tpu.dma_semaphore, #tpu.memory_space<semaphore_mem>>)
      %scan3A_126 = arith.constant 0 : i32
      %scan3A_127 = arith.constant 157 : i32
      %scan3A_128 = arith.addi %scan3A_126, %scan3A_127 : i32
      %scan3A_129 = arith.constant 1 : i32
      scf.for %scan3A_136 = %scan3A_126 to %scan3A_128 step %scan3A_129  : i32 {
        %mul3A_137 = arith.constant 1 : i32
        %mul3A_138 = arith.muli %scan3A_136, %mul3A_137 : i32
        %add3A = arith.constant 0 : i32
        %add3A_139 = arith.addi %add3A, %mul3A_138 : i32
        %ge3A = arith.constant 2 : i32
        %ge3A_140 = arith.cmpi sge, %add3A_139, %ge3A : i32
        %convert_element_type3A_141 = arith.extui %ge3A_140 : i1 to i32
        %cond3A_142 = arith.constant 0 : i32
        %cond3A_143 = arith.cmpi ne, %convert_element_type3A_141, %cond3A_142 : i32
        scf.if %cond3A_143 {
          %sub3A = arith.constant 2 : i32
          %sub3A_197 = arith.subi %add3A_139, %sub3A : i32
          %sub3A_198 = arith.constant 2 : i32
          %sub3A_199 = arith.subi %add3A_139, %sub3A_198 : i32
          %jit3A_200 = arith.constant 5 : i32
          %eq3A_201 = arith.constant 0 : i32
          %eq3A_202 = arith.cmpi eq, %jit3A_200, %eq3A_201 : i32
          %jit3A_203 = arith.constant 1 : i32
          %select_n3A_204 = arith.select %eq3A_202, %jit3A_203, %jit3A_200 : i32
          %rem3A_205 = arith.remsi %sub3A_199, %select_n3A_204 : i32
          %ne3A_206 = arith.constant 0 : i32
          %ne3A_207 = arith.cmpi ne, %rem3A_205, %ne3A_206 : i32
          %lt3A_208 = arith.constant 0 : i32
          %lt3A_209 = arith.cmpi slt, %rem3A_205, %lt3A_208 : i32
          %lt3A_210 = arith.constant 0 : i32
          %lt3A_211 = arith.cmpi slt, %select_n3A_204, %lt3A_210 : i32
          %ne3A_212 = arith.xori %lt3A_209, %lt3A_211 : i1
          %and3A_213 = arith.andi %ne3A_212, %ne3A_207 : i1
          %add3A_214 = arith.addi %rem3A_205, %select_n3A_204 : i32
          %select_n3A_215 = arith.select %and3A_213, %add3A_214, %rem3A_205 : i32
          %dma_wait3A_216 = arith.constant 0 : i32
          %dma_wait3A_217 = arith.constant 0 : i32
          %dma_wait3A_218 = tpu.memref_slice %arg15[%select_n3A_215, %dma_wait3A_216, %dma_wait3A_217] : memref<5x128x64xf32, #tpu.memory_space<vmem>> -> memref<1x128x64xf32, #tpu.memory_space<vmem>>
          %dma_wait3A_219 = tpu.memref_squeeze %dma_wait3A_218 : memref<1x128x64xf32, #tpu.memory_space<vmem>> -> memref<128x64xf32, #tpu.memory_space<vmem>>
          %dma_wait3A_220 = arith.constant 0 : i32
          %dma_wait3A_221 = tpu.memref_slice %arg14[%sub3A_197, %dma_wait3A_220] : memref<157x128xi32, #tpu.memory_space<vmem>> -> memref<1x128xi32, #tpu.memory_space<vmem>>
          %dma_wait3A_222 = tpu.memref_squeeze %dma_wait3A_221 : memref<1x128xi32, #tpu.memory_space<vmem>> -> memref<128xi32, #tpu.memory_space<vmem>>
          %dma_wait3A_223 = arith.constant 0 : i32
          %dma_wait3A_224 = arith.constant 0 : i32
          %dma_wait3A_225 = tpu.memref_slice %arg17[%dma_wait3A_223, %dma_wait3A_224] : memref<10240x64xf32, #tpu.memory_space<vmem_shared>> -> memref<10240x64xf32, #tpu.memory_space<vmem_shared>>
          tpu.wait_indirect_dma semaphore(%arg19 : memref<!tpu.dma_semaphore, #tpu.memory_space<semaphore_mem>>) src(%dma_wait3A_219 : memref<128x64xf32, #tpu.memory_space<vmem>>) dst(%dma_wait3A_225 : memref<10240x64xf32, #tpu.memory_space<vmem_shared>>)
        } else {
        }
        %add3A_144 = arith.constant 3 : i32
        %add3A_145 = arith.addi %add3A_139, %add3A_144 : i32
        %lt3A = arith.constant 157 : i32
        %lt3A_146 = arith.cmpi slt, %add3A_145, %lt3A : i32
        %convert_element_type3A_147 = arith.extui %lt3A_146 : i1 to i32
        %cond3A_148 = arith.constant 0 : i32
        %cond3A_149 = arith.cmpi ne, %convert_element_type3A_147, %cond3A_148 : i32
        scf.if %cond3A_149 {
          %add3A_197 = arith.constant 3 : i32
          %add3A_198 = arith.addi %add3A_139, %add3A_197 : i32
          %jit3A_199 = arith.constant 5 : i32
          %eq3A_200 = arith.constant 0 : i32
          %eq3A_201 = arith.cmpi eq, %jit3A_199, %eq3A_200 : i32
          %jit3A_202 = arith.constant 1 : i32
          %select_n3A_203 = arith.select %eq3A_201, %jit3A_202, %jit3A_199 : i32
          %rem3A_204 = arith.remsi %add3A_198, %select_n3A_203 : i32
          %ne3A_205 = arith.constant 0 : i32
          %ne3A_206 = arith.cmpi ne, %rem3A_204, %ne3A_205 : i32
          %lt3A_207 = arith.constant 0 : i32
          %lt3A_208 = arith.cmpi slt, %rem3A_204, %lt3A_207 : i32
          %lt3A_209 = arith.constant 0 : i32
          %lt3A_210 = arith.cmpi slt, %select_n3A_203, %lt3A_209 : i32
          %ne3A_211 = arith.xori %lt3A_208, %lt3A_210 : i1
          %and3A_212 = arith.andi %ne3A_211, %ne3A_206 : i1
          %add3A_213 = arith.addi %rem3A_204, %select_n3A_203 : i32
          %select_n3A_214 = arith.select %and3A_212, %add3A_213, %rem3A_204 : i32
          %dma_start3A_215 = arith.constant 0 : i32
          %dma_start3A_216 = arith.constant 0 : i32
          %dma_start3A_217 = tpu.memref_slice %arg15[%select_n3A_214, %dma_start3A_215, %dma_start3A_216] : memref<5x128x64xf32, #tpu.memory_space<vmem>> -> memref<1x128x64xf32, #tpu.memory_space<vmem>>
          %dma_start3A_218 = tpu.memref_squeeze %dma_start3A_217 : memref<1x128x64xf32, #tpu.memory_space<vmem>> -> memref<128x64xf32, #tpu.memory_space<vmem>>
          %dma_start3A_219 = arith.constant 0 : i32
          %dma_start3A_220 = tpu.memref_slice %arg13[%add3A_198, %dma_start3A_219] : memref<157x128xi32, #tpu.memory_space<vmem>> -> memref<1x128xi32, #tpu.memory_space<vmem>>
          %dma_start3A_221 = tpu.memref_squeeze %dma_start3A_220 : memref<1x128xi32, #tpu.memory_space<vmem>> -> memref<128xi32, #tpu.memory_space<vmem>>
          %dma_start3A_222 = arith.constant 0 : i32
          %dma_start3A_223 = arith.constant 0 : i32
          %dma_start3A_224 = tpu.memref_slice %arg3[%dma_start3A_222, %dma_start3A_223] : memref<10240x64xf32, #tpu.memory_space<hbm>> -> memref<10240x64xf32, #tpu.memory_space<hbm>>
          tpu.enqueue_indirect_dma source(%dma_start3A_224 : memref<10240x64xf32, #tpu.memory_space<hbm>>) target(%dma_start3A_218 : memref<128x64xf32, #tpu.memory_space<vmem>>) offsets(%dma_start3A_221 : memref<128xi32, #tpu.memory_space<vmem>>) semaphore(%arg18 : memref<!tpu.dma_semaphore, #tpu.memory_space<semaphore_mem>>)
        } else {
        }
        %jit3A = arith.constant 5 : i32
        %eq3A_150 = arith.constant 0 : i32
        %eq3A_151 = arith.cmpi eq, %jit3A, %eq3A_150 : i32
        %jit3A_152 = arith.constant 1 : i32
        %select_n3A = arith.select %eq3A_151, %jit3A_152, %jit3A : i32
        %rem3A = arith.remsi %add3A_139, %select_n3A : i32
        %ne3A = arith.constant 0 : i32
        %ne3A_153 = arith.cmpi ne, %rem3A, %ne3A : i32
        %lt3A_154 = arith.constant 0 : i32
        %lt3A_155 = arith.cmpi slt, %rem3A, %lt3A_154 : i32
        %lt3A_156 = arith.constant 0 : i32
        %lt3A_157 = arith.cmpi slt, %select_n3A, %lt3A_156 : i32
        %ne3A_158 = arith.xori %lt3A_155, %lt3A_157 : i1
        %and3A = arith.andi %ne3A_158, %ne3A_153 : i1
        %add3A_159 = arith.addi %rem3A, %select_n3A : i32
        %select_n3A_160 = arith.select %and3A, %add3A_159, %rem3A : i32
        %dma_wait3A_161 = arith.constant 0 : i32
        %dma_wait3A_162 = arith.constant 0 : i32
        %dma_wait3A_163 = tpu.memref_slice %arg15[%select_n3A_160, %dma_wait3A_161, %dma_wait3A_162] : memref<5x128x64xf32, #tpu.memory_space<vmem>> -> memref<1x128x64xf32, #tpu.memory_space<vmem>>
        %dma_wait3A_164 = tpu.memref_squeeze %dma_wait3A_163 : memref<1x128x64xf32, #tpu.memory_space<vmem>> -> memref<128x64xf32, #tpu.memory_space<vmem>>
        %dma_wait3A_165 = arith.constant 0 : i32
        %dma_wait3A_166 = tpu.memref_slice %arg13[%add3A_139, %dma_wait3A_165] : memref<157x128xi32, #tpu.memory_space<vmem>> -> memref<1x128xi32, #tpu.memory_space<vmem>>
        %dma_wait3A_167 = tpu.memref_squeeze %dma_wait3A_166 : memref<1x128xi32, #tpu.memory_space<vmem>> -> memref<128xi32, #tpu.memory_space<vmem>>
        %dma_wait3A_168 = arith.constant 0 : i32
        %dma_wait3A_169 = arith.constant 0 : i32
        %dma_wait3A_170 = tpu.memref_slice %arg3[%dma_wait3A_168, %dma_wait3A_169] : memref<10240x64xf32, #tpu.memory_space<hbm>> -> memref<10240x64xf32, #tpu.memory_space<hbm>>
        tpu.wait_indirect_dma semaphore(%arg18 : memref<!tpu.dma_semaphore, #tpu.memory_space<semaphore_mem>>) src(%dma_wait3A_170 : memref<10240x64xf32, #tpu.memory_space<hbm>>) dst(%dma_wait3A_164 : memref<128x64xf32, #tpu.memory_space<vmem>>)
        %jit3A_171 = arith.constant 5 : i32
        %eq3A_172 = arith.constant 0 : i32
        %eq3A_173 = arith.cmpi eq, %jit3A_171, %eq3A_172 : i32
        %jit3A_174 = arith.constant 1 : i32
        %select_n3A_175 = arith.select %eq3A_173, %jit3A_174, %jit3A_171 : i32
        %rem3A_176 = arith.remsi %add3A_139, %select_n3A_175 : i32
        %ne3A_177 = arith.constant 0 : i32
        %ne3A_178 = arith.cmpi ne, %rem3A_176, %ne3A_177 : i32
        %lt3A_179 = arith.constant 0 : i32
        %lt3A_180 = arith.cmpi slt, %rem3A_176, %lt3A_179 : i32
        %lt3A_181 = arith.constant 0 : i32
        %lt3A_182 = arith.cmpi slt, %select_n3A_175, %lt3A_181 : i32
        %ne3A_183 = arith.xori %lt3A_180, %lt3A_182 : i1
        %and3A_184 = arith.andi %ne3A_183, %ne3A_178 : i1
        %add3A_185 = arith.addi %rem3A_176, %select_n3A_175 : i32
        %select_n3A_186 = arith.select %and3A_184, %add3A_185, %rem3A_176 : i32
        %dma_start3A_187 = arith.constant 0 : i32
        %dma_start3A_188 = arith.constant 0 : i32
        %dma_start3A_189 = tpu.memref_slice %arg15[%select_n3A_186, %dma_start3A_187, %dma_start3A_188] : memref<5x128x64xf32, #tpu.memory_space<vmem>> -> memref<1x128x64xf32, #tpu.memory_space<vmem>>
        %dma_start3A_190 = tpu.memref_squeeze %dma_start3A_189 : memref<1x128x64xf32, #tpu.memory_space<vmem>> -> memref<128x64xf32, #tpu.memory_space<vmem>>
        %dma_start3A_191 = arith.constant 0 : i32
        %dma_start3A_192 = tpu.memref_slice %arg14[%add3A_139, %dma_start3A_191] : memref<157x128xi32, #tpu.memory_space<vmem>> -> memref<1x128xi32, #tpu.memory_space<vmem>>
        %dma_start3A_193 = tpu.memref_squeeze %dma_start3A_192 : memref<1x128xi32, #tpu.memory_space<vmem>> -> memref<128xi32, #tpu.memory_space<vmem>>
        %dma_start3A_194 = arith.constant 0 : i32
        %dma_start3A_195 = arith.constant 0 : i32
        %dma_start3A_196 = tpu.memref_slice %arg17[%dma_start3A_194, %dma_start3A_195] : memref<10240x64xf32, #tpu.memory_space<vmem_shared>> -> memref<10240x64xf32, #tpu.memory_space<vmem_shared>>
        tpu.enqueue_indirect_dma source(%dma_start3A_190 : memref<128x64xf32, #tpu.memory_space<vmem>>) target(%dma_start3A_196 : memref<10240x64xf32, #tpu.memory_space<vmem_shared>>) offsets(%dma_start3A_193 : memref<128xi32, #tpu.memory_space<vmem>>) semaphore(%arg19 : memref<!tpu.dma_semaphore, #tpu.memory_space<semaphore_mem>>) {add = true}
      }
      %scan3A_130 = arith.constant 157 : i32
      %scan3A_131 = arith.constant 0 : i32
      %scan3A_132 = arith.constant 2 : i32
      %scan3A_133 = arith.addi %scan3A_131, %scan3A_132 : i32
      %scan3A_134 = arith.constant 1 : i32
      scf.for %scan3A_136 = %scan3A_131 to %scan3A_133 step %scan3A_134  : i32 {
        %mul3A_137 = arith.constant 1 : i32
        %mul3A_138 = arith.muli %scan3A_136, %mul3A_137 : i32
        %add3A = arith.constant 155 : i32
        %add3A_139 = arith.addi %add3A, %mul3A_138 : i32
        %jit3A = arith.constant 5 : i32
        %eq3A_140 = arith.constant 0 : i32
        %eq3A_141 = arith.cmpi eq, %jit3A, %eq3A_140 : i32
        %jit3A_142 = arith.constant 1 : i32
        %select_n3A = arith.select %eq3A_141, %jit3A_142, %jit3A : i32
        %rem3A = arith.remsi %add3A_139, %select_n3A : i32
        %ne3A = arith.constant 0 : i32
        %ne3A_143 = arith.cmpi ne, %rem3A, %ne3A : i32
        %lt3A = arith.constant 0 : i32
        %lt3A_144 = arith.cmpi slt, %rem3A, %lt3A : i32
        %lt3A_145 = arith.constant 0 : i32
        %lt3A_146 = arith.cmpi slt, %select_n3A, %lt3A_145 : i32
        %ne3A_147 = arith.xori %lt3A_144, %lt3A_146 : i1
        %and3A = arith.andi %ne3A_147, %ne3A_143 : i1
        %add3A_148 = arith.addi %rem3A, %select_n3A : i32
        %select_n3A_149 = arith.select %and3A, %add3A_148, %rem3A : i32
        %dma_wait3A_150 = arith.constant 0 : i32
        %dma_wait3A_151 = arith.constant 0 : i32
        %dma_wait3A_152 = tpu.memref_slice %arg15[%select_n3A_149, %dma_wait3A_150, %dma_wait3A_151] : memref<5x128x64xf32, #tpu.memory_space<vmem>> -> memref<1x128x64xf32, #tpu.memory_space<vmem>>
        %dma_wait3A_153 = tpu.memref_squeeze %dma_wait3A_152 : memref<1x128x64xf32, #tpu.memory_space<vmem>> -> memref<128x64xf32, #tpu.memory_space<vmem>>
        %dma_wait3A_154 = arith.constant 0 : i32
        %dma_wait3A_155 = tpu.memref_slice %arg14[%add3A_139, %dma_wait3A_154] : memref<157x128xi32, #tpu.memory_space<vmem>> -> memref<1x128xi32, #tpu.memory_space<vmem>>
        %dma_wait3A_156 = tpu.memref_squeeze %dma_wait3A_155 : memref<1x128xi32, #tpu.memory_space<vmem>> -> memref<128xi32, #tpu.memory_space<vmem>>
        %dma_wait3A_157 = arith.constant 0 : i32
        %dma_wait3A_158 = arith.constant 0 : i32
        %dma_wait3A_159 = tpu.memref_slice %arg17[%dma_wait3A_157, %dma_wait3A_158] : memref<10240x64xf32, #tpu.memory_space<vmem_shared>> -> memref<10240x64xf32, #tpu.memory_space<vmem_shared>>
        tpu.wait_indirect_dma semaphore(%arg19 : memref<!tpu.dma_semaphore, #tpu.memory_space<semaphore_mem>>) src(%dma_wait3A_153 : memref<128x64xf32, #tpu.memory_space<vmem>>) dst(%dma_wait3A_159 : memref<10240x64xf32, #tpu.memory_space<vmem_shared>>)
      }
      %scan3A_135 = arith.constant 2 : i32
    } else {
    }
    %eq3A_74 = arith.constant 1 : i32
    %eq3A_75 = arith.cmpi eq, %arg0, %eq3A_74 : i32
    %convert_element_type3A_76 = arith.extui %eq3A_75 : i1 to i32
    %cond3A_77 = arith.constant 0 : i32
    %cond3A_78 = arith.cmpi ne, %convert_element_type3A_76, %cond3A_77 : i32
    scf.if %cond3A_78 {
      %dma_start3A_90 = arith.constant 0 : i32
      %dma_start3A_91 = arith.constant 0 : i32
      %dma_start3A_92 = arith.constant 0 : i32
      %dma_start3A_93 = arith.constant 0 : i32
      %dma_start3A_94 = tpu.memref_slice %arg15[%dma_start3A_91, %dma_start3A_92, %dma_start3A_93] : memref<5x128x64xf32, #tpu.memory_space<vmem>> -> memref<1x128x64xf32, #tpu.memory_space<vmem>>
      %dma_start3A_95 = tpu.memref_squeeze %dma_start3A_94 : memref<1x128x64xf32, #tpu.memory_space<vmem>> -> memref<128x64xf32, #tpu.memory_space<vmem>>
      %dma_start3A_96 = arith.constant 0 : i32
      %dma_start3A_97 = tpu.memref_slice %arg13[%dma_start3A_90, %dma_start3A_96] : memref<157x128xi32, #tpu.memory_space<vmem>> -> memref<1x128xi32, #tpu.memory_space<vmem>>
      %dma_start3A_98 = tpu.memref_squeeze %dma_start3A_97 : memref<1x128xi32, #tpu.memory_space<vmem>> -> memref<128xi32, #tpu.memory_space<vmem>>
      %dma_start3A_99 = arith.constant 0 : i32
      %dma_start3A_100 = arith.constant 0 : i32
      %dma_start3A_101 = tpu.memref_slice %arg5[%dma_start3A_99, %dma_start3A_100] : memref<10240x64xf32, #tpu.memory_space<hbm>> -> memref<10240x64xf32, #tpu.memory_space<hbm>>
      tpu.enqueue_indirect_dma source(%dma_start3A_101 : memref<10240x64xf32, #tpu.memory_space<hbm>>) target(%dma_start3A_95 : memref<128x64xf32, #tpu.memory_space<vmem>>) offsets(%dma_start3A_98 : memref<128xi32, #tpu.memory_space<vmem>>) semaphore(%arg18 : memref<!tpu.dma_semaphore, #tpu.memory_space<semaphore_mem>>)
      %dma_start3A_102 = arith.constant 1 : i32
      %dma_start3A_103 = arith.constant 1 : i32
      %dma_start3A_104 = arith.constant 0 : i32
      %dma_start3A_105 = arith.constant 0 : i32
      %dma_start3A_106 = tpu.memref_slice %arg15[%dma_start3A_103, %dma_start3A_104, %dma_start3A_105] : memref<5x128x64xf32, #tpu.memory_space<vmem>> -> memref<1x128x64xf32, #tpu.memory_space<vmem>>
      %dma_start3A_107 = tpu.memref_squeeze %dma_start3A_106 : memref<1x128x64xf32, #tpu.memory_space<vmem>> -> memref<128x64xf32, #tpu.memory_space<vmem>>
      %dma_start3A_108 = arith.constant 0 : i32
      %dma_start3A_109 = tpu.memref_slice %arg13[%dma_start3A_102, %dma_start3A_108] : memref<157x128xi32, #tpu.memory_space<vmem>> -> memref<1x128xi32, #tpu.memory_space<vmem>>
      %dma_start3A_110 = tpu.memref_squeeze %dma_start3A_109 : memref<1x128xi32, #tpu.memory_space<vmem>> -> memref<128xi32, #tpu.memory_space<vmem>>
      %dma_start3A_111 = arith.constant 0 : i32
      %dma_start3A_112 = arith.constant 0 : i32
      %dma_start3A_113 = tpu.memref_slice %arg5[%dma_start3A_111, %dma_start3A_112] : memref<10240x64xf32, #tpu.memory_space<hbm>> -> memref<10240x64xf32, #tpu.memory_space<hbm>>
      tpu.enqueue_indirect_dma source(%dma_start3A_113 : memref<10240x64xf32, #tpu.memory_space<hbm>>) target(%dma_start3A_107 : memref<128x64xf32, #tpu.memory_space<vmem>>) offsets(%dma_start3A_110 : memref<128xi32, #tpu.memory_space<vmem>>) semaphore(%arg18 : memref<!tpu.dma_semaphore, #tpu.memory_space<semaphore_mem>>)
      %dma_start3A_114 = arith.constant 2 : i32
      %dma_start3A_115 = arith.constant 2 : i32
      %dma_start3A_116 = arith.constant 0 : i32
      %dma_start3A_117 = arith.constant 0 : i32
      %dma_start3A_118 = tpu.memref_slice %arg15[%dma_start3A_115, %dma_start3A_116, %dma_start3A_117] : memref<5x128x64xf32, #tpu.memory_space<vmem>> -> memref<1x128x64xf32, #tpu.memory_space<vmem>>
      %dma_start3A_119 = tpu.memref_squeeze %dma_start3A_118 : memref<1x128x64xf32, #tpu.memory_space<vmem>> -> memref<128x64xf32, #tpu.memory_space<vmem>>
      %dma_start3A_120 = arith.constant 0 : i32
      %dma_start3A_121 = tpu.memref_slice %arg13[%dma_start3A_114, %dma_start3A_120] : memref<157x128xi32, #tpu.memory_space<vmem>> -> memref<1x128xi32, #tpu.memory_space<vmem>>
      %dma_start3A_122 = tpu.memref_squeeze %dma_start3A_121 : memref<1x128xi32, #tpu.memory_space<vmem>> -> memref<128xi32, #tpu.memory_space<vmem>>
      %dma_start3A_123 = arith.constant 0 : i32
      %dma_start3A_124 = arith.constant 0 : i32
      %dma_start3A_125 = tpu.memref_slice %arg5[%dma_start3A_123, %dma_start3A_124] : memref<10240x64xf32, #tpu.memory_space<hbm>> -> memref<10240x64xf32, #tpu.memory_space<hbm>>
      tpu.enqueue_indirect_dma source(%dma_start3A_125 : memref<10240x64xf32, #tpu.memory_space<hbm>>) target(%dma_start3A_119 : memref<128x64xf32, #tpu.memory_space<vmem>>) offsets(%dma_start3A_122 : memref<128xi32, #tpu.memory_space<vmem>>) semaphore(%arg18 : memref<!tpu.dma_semaphore, #tpu.memory_space<semaphore_mem>>)
      %scan3A_126 = arith.constant 0 : i32
      %scan3A_127 = arith.constant 157 : i32
      %scan3A_128 = arith.addi %scan3A_126, %scan3A_127 : i32
      %scan3A_129 = arith.constant 1 : i32
      scf.for %scan3A_136 = %scan3A_126 to %scan3A_128 step %scan3A_129  : i32 {
        %mul3A_137 = arith.constant 1 : i32
        %mul3A_138 = arith.muli %scan3A_136, %mul3A_137 : i32
        %add3A = arith.constant 0 : i32
        %add3A_139 = arith.addi %add3A, %mul3A_138 : i32
        %ge3A = arith.constant 2 : i32
        %ge3A_140 = arith.cmpi sge, %add3A_139, %ge3A : i32
        %convert_element_type3A_141 = arith.extui %ge3A_140 : i1 to i32
        %cond3A_142 = arith.constant 0 : i32
        %cond3A_143 = arith.cmpi ne, %convert_element_type3A_141, %cond3A_142 : i32
        scf.if %cond3A_143 {
          %sub3A = arith.constant 2 : i32
          %sub3A_197 = arith.subi %add3A_139, %sub3A : i32
          %sub3A_198 = arith.constant 2 : i32
          %sub3A_199 = arith.subi %add3A_139, %sub3A_198 : i32
          %jit3A_200 = arith.constant 5 : i32
          %eq3A_201 = arith.constant 0 : i32
          %eq3A_202 = arith.cmpi eq, %jit3A_200, %eq3A_201 : i32
          %jit3A_203 = arith.constant 1 : i32
          %select_n3A_204 = arith.select %eq3A_202, %jit3A_203, %jit3A_200 : i32
          %rem3A_205 = arith.remsi %sub3A_199, %select_n3A_204 : i32
          %ne3A_206 = arith.constant 0 : i32
          %ne3A_207 = arith.cmpi ne, %rem3A_205, %ne3A_206 : i32
          %lt3A_208 = arith.constant 0 : i32
          %lt3A_209 = arith.cmpi slt, %rem3A_205, %lt3A_208 : i32
          %lt3A_210 = arith.constant 0 : i32
          %lt3A_211 = arith.cmpi slt, %select_n3A_204, %lt3A_210 : i32
          %ne3A_212 = arith.xori %lt3A_209, %lt3A_211 : i1
          %and3A_213 = arith.andi %ne3A_212, %ne3A_207 : i1
          %add3A_214 = arith.addi %rem3A_205, %select_n3A_204 : i32
          %select_n3A_215 = arith.select %and3A_213, %add3A_214, %rem3A_205 : i32
          %dma_wait3A_216 = arith.constant 0 : i32
          %dma_wait3A_217 = arith.constant 0 : i32
          %dma_wait3A_218 = tpu.memref_slice %arg15[%select_n3A_215, %dma_wait3A_216, %dma_wait3A_217] : memref<5x128x64xf32, #tpu.memory_space<vmem>> -> memref<1x128x64xf32, #tpu.memory_space<vmem>>
          %dma_wait3A_219 = tpu.memref_squeeze %dma_wait3A_218 : memref<1x128x64xf32, #tpu.memory_space<vmem>> -> memref<128x64xf32, #tpu.memory_space<vmem>>
          %dma_wait3A_220 = arith.constant 0 : i32
          %dma_wait3A_221 = tpu.memref_slice %arg14[%sub3A_197, %dma_wait3A_220] : memref<157x128xi32, #tpu.memory_space<vmem>> -> memref<1x128xi32, #tpu.memory_space<vmem>>
          %dma_wait3A_222 = tpu.memref_squeeze %dma_wait3A_221 : memref<1x128xi32, #tpu.memory_space<vmem>> -> memref<128xi32, #tpu.memory_space<vmem>>
          %dma_wait3A_223 = arith.constant 0 : i32
          %dma_wait3A_224 = arith.constant 0 : i32
          %dma_wait3A_225 = tpu.memref_slice %arg17[%dma_wait3A_223, %dma_wait3A_224] : memref<10240x64xf32, #tpu.memory_space<vmem_shared>> -> memref<10240x64xf32, #tpu.memory_space<vmem_shared>>
          tpu.wait_indirect_dma semaphore(%arg19 : memref<!tpu.dma_semaphore, #tpu.memory_space<semaphore_mem>>) src(%dma_wait3A_219 : memref<128x64xf32, #tpu.memory_space<vmem>>) dst(%dma_wait3A_225 : memref<10240x64xf32, #tpu.memory_space<vmem_shared>>)
        } else {
        }
        %add3A_144 = arith.constant 3 : i32
        %add3A_145 = arith.addi %add3A_139, %add3A_144 : i32
        %lt3A = arith.constant 157 : i32
        %lt3A_146 = arith.cmpi slt, %add3A_145, %lt3A : i32
        %convert_element_type3A_147 = arith.extui %lt3A_146 : i1 to i32
        %cond3A_148 = arith.constant 0 : i32
        %cond3A_149 = arith.cmpi ne, %convert_element_type3A_147, %cond3A_148 : i32
        scf.if %cond3A_149 {
          %add3A_197 = arith.constant 3 : i32
          %add3A_198 = arith.addi %add3A_139, %add3A_197 : i32
          %jit3A_199 = arith.constant 5 : i32
          %eq3A_200 = arith.constant 0 : i32
          %eq3A_201 = arith.cmpi eq, %jit3A_199, %eq3A_200 : i32
          %jit3A_202 = arith.constant 1 : i32
          %select_n3A_203 = arith.select %eq3A_201, %jit3A_202, %jit3A_199 : i32
          %rem3A_204 = arith.remsi %add3A_198, %select_n3A_203 : i32
          %ne3A_205 = arith.constant 0 : i32
          %ne3A_206 = arith.cmpi ne, %rem3A_204, %ne3A_205 : i32
          %lt3A_207 = arith.constant 0 : i32
          %lt3A_208 = arith.cmpi slt, %rem3A_204, %lt3A_207 : i32
          %lt3A_209 = arith.constant 0 : i32
          %lt3A_210 = arith.cmpi slt, %select_n3A_203, %lt3A_209 : i32
          %ne3A_211 = arith.xori %lt3A_208, %lt3A_210 : i1
          %and3A_212 = arith.andi %ne3A_211, %ne3A_206 : i1
          %add3A_213 = arith.addi %rem3A_204, %select_n3A_203 : i32
          %select_n3A_214 = arith.select %and3A_212, %add3A_213, %rem3A_204 : i32
          %dma_start3A_215 = arith.constant 0 : i32
          %dma_start3A_216 = arith.constant 0 : i32
          %dma_start3A_217 = tpu.memref_slice %arg15[%select_n3A_214, %dma_start3A_215, %dma_start3A_216] : memref<5x128x64xf32, #tpu.memory_space<vmem>> -> memref<1x128x64xf32, #tpu.memory_space<vmem>>
          %dma_start3A_218 = tpu.memref_squeeze %dma_start3A_217 : memref<1x128x64xf32, #tpu.memory_space<vmem>> -> memref<128x64xf32, #tpu.memory_space<vmem>>
          %dma_start3A_219 = arith.constant 0 : i32
          %dma_start3A_220 = tpu.memref_slice %arg13[%add3A_198, %dma_start3A_219] : memref<157x128xi32, #tpu.memory_space<vmem>> -> memref<1x128xi32, #tpu.memory_space<vmem>>
          %dma_start3A_221 = tpu.memref_squeeze %dma_start3A_220 : memref<1x128xi32, #tpu.memory_space<vmem>> -> memref<128xi32, #tpu.memory_space<vmem>>
          %dma_start3A_222 = arith.constant 0 : i32
          %dma_start3A_223 = arith.constant 0 : i32
          %dma_start3A_224 = tpu.memref_slice %arg5[%dma_start3A_222, %dma_start3A_223] : memref<10240x64xf32, #tpu.memory_space<hbm>> -> memref<10240x64xf32, #tpu.memory_space<hbm>>
          tpu.enqueue_indirect_dma source(%dma_start3A_224 : memref<10240x64xf32, #tpu.memory_space<hbm>>) target(%dma_start3A_218 : memref<128x64xf32, #tpu.memory_space<vmem>>) offsets(%dma_start3A_221 : memref<128xi32, #tpu.memory_space<vmem>>) semaphore(%arg18 : memref<!tpu.dma_semaphore, #tpu.memory_space<semaphore_mem>>)
        } else {
        }
        %jit3A = arith.constant 5 : i32
        %eq3A_150 = arith.constant 0 : i32
        %eq3A_151 = arith.cmpi eq, %jit3A, %eq3A_150 : i32
        %jit3A_152 = arith.constant 1 : i32
        %select_n3A = arith.select %eq3A_151, %jit3A_152, %jit3A : i32
        %rem3A = arith.remsi %add3A_139, %select_n3A : i32
        %ne3A = arith.constant 0 : i32
        %ne3A_153 = arith.cmpi ne, %rem3A, %ne3A : i32
        %lt3A_154 = arith.constant 0 : i32
        %lt3A_155 = arith.cmpi slt, %rem3A, %lt3A_154 : i32
        %lt3A_156 = arith.constant 0 : i32
        %lt3A_157 = arith.cmpi slt, %select_n3A, %lt3A_156 : i32
        %ne3A_158 = arith.xori %lt3A_155, %lt3A_157 : i1
        %and3A = arith.andi %ne3A_158, %ne3A_153 : i1
        %add3A_159 = arith.addi %rem3A, %select_n3A : i32
        %select_n3A_160 = arith.select %and3A, %add3A_159, %rem3A : i32
        %dma_wait3A_161 = arith.constant 0 : i32
        %dma_wait3A_162 = arith.constant 0 : i32
        %dma_wait3A_163 = tpu.memref_slice %arg15[%select_n3A_160, %dma_wait3A_161, %dma_wait3A_162] : memref<5x128x64xf32, #tpu.memory_space<vmem>> -> memref<1x128x64xf32, #tpu.memory_space<vmem>>
        %dma_wait3A_164 = tpu.memref_squeeze %dma_wait3A_163 : memref<1x128x64xf32, #tpu.memory_space<vmem>> -> memref<128x64xf32, #tpu.memory_space<vmem>>
        %dma_wait3A_165 = arith.constant 0 : i32
        %dma_wait3A_166 = tpu.memref_slice %arg13[%add3A_139, %dma_wait3A_165] : memref<157x128xi32, #tpu.memory_space<vmem>> -> memref<1x128xi32, #tpu.memory_space<vmem>>
        %dma_wait3A_167 = tpu.memref_squeeze %dma_wait3A_166 : memref<1x128xi32, #tpu.memory_space<vmem>> -> memref<128xi32, #tpu.memory_space<vmem>>
        %dma_wait3A_168 = arith.constant 0 : i32
        %dma_wait3A_169 = arith.constant 0 : i32
        %dma_wait3A_170 = tpu.memref_slice %arg5[%dma_wait3A_168, %dma_wait3A_169] : memref<10240x64xf32, #tpu.memory_space<hbm>> -> memref<10240x64xf32, #tpu.memory_space<hbm>>
        tpu.wait_indirect_dma semaphore(%arg18 : memref<!tpu.dma_semaphore, #tpu.memory_space<semaphore_mem>>) src(%dma_wait3A_170 : memref<10240x64xf32, #tpu.memory_space<hbm>>) dst(%dma_wait3A_164 : memref<128x64xf32, #tpu.memory_space<vmem>>)
        %jit3A_171 = arith.constant 5 : i32
        %eq3A_172 = arith.constant 0 : i32
        %eq3A_173 = arith.cmpi eq, %jit3A_171, %eq3A_172 : i32
        %jit3A_174 = arith.constant 1 : i32
        %select_n3A_175 = arith.select %eq3A_173, %jit3A_174, %jit3A_171 : i32
        %rem3A_176 = arith.remsi %add3A_139, %select_n3A_175 : i32
        %ne3A_177 = arith.constant 0 : i32
        %ne3A_178 = arith.cmpi ne, %rem3A_176, %ne3A_177 : i32
        %lt3A_179 = arith.constant 0 : i32
        %lt3A_180 = arith.cmpi slt, %rem3A_176, %lt3A_179 : i32
        %lt3A_181 = arith.constant 0 : i32
        %lt3A_182 = arith.cmpi slt, %select_n3A_175, %lt3A_181 : i32
        %ne3A_183 = arith.xori %lt3A_180, %lt3A_182 : i1
        %and3A_184 = arith.andi %ne3A_183, %ne3A_178 : i1
        %add3A_185 = arith.addi %rem3A_176, %select_n3A_175 : i32
        %select_n3A_186 = arith.select %and3A_184, %add3A_185, %rem3A_176 : i32
        %dma_start3A_187 = arith.constant 0 : i32
        %dma_start3A_188 = arith.constant 0 : i32
        %dma_start3A_189 = tpu.memref_slice %arg15[%select_n3A_186, %dma_start3A_187, %dma_start3A_188] : memref<5x128x64xf32, #tpu.memory_space<vmem>> -> memref<1x128x64xf32, #tpu.memory_space<vmem>>
        %dma_start3A_190 = tpu.memref_squeeze %dma_start3A_189 : memref<1x128x64xf32, #tpu.memory_space<vmem>> -> memref<128x64xf32, #tpu.memory_space<vmem>>
        %dma_start3A_191 = arith.constant 0 : i32
        %dma_start3A_192 = tpu.memref_slice %arg14[%add3A_139, %dma_start3A_191] : memref<157x128xi32, #tpu.memory_space<vmem>> -> memref<1x128xi32, #tpu.memory_space<vmem>>
        %dma_start3A_193 = tpu.memref_squeeze %dma_start3A_192 : memref<1x128xi32, #tpu.memory_space<vmem>> -> memref<128xi32, #tpu.memory_space<vmem>>
        %dma_start3A_194 = arith.constant 0 : i32
        %dma_start3A_195 = arith.constant 0 : i32
        %dma_start3A_196 = tpu.memref_slice %arg17[%dma_start3A_194, %dma_start3A_195] : memref<10240x64xf32, #tpu.memory_space<vmem_shared>> -> memref<10240x64xf32, #tpu.memory_space<vmem_shared>>
        tpu.enqueue_indirect_dma source(%dma_start3A_190 : memref<128x64xf32, #tpu.memory_space<vmem>>) target(%dma_start3A_196 : memref<10240x64xf32, #tpu.memory_space<vmem_shared>>) offsets(%dma_start3A_193 : memref<128xi32, #tpu.memory_space<vmem>>) semaphore(%arg19 : memref<!tpu.dma_semaphore, #tpu.memory_space<semaphore_mem>>) {add = true}
      }
      %scan3A_130 = arith.constant 157 : i32
      %scan3A_131 = arith.constant 0 : i32
      %scan3A_132 = arith.constant 2 : i32
      %scan3A_133 = arith.addi %scan3A_131, %scan3A_132 : i32
      %scan3A_134 = arith.constant 1 : i32
      scf.for %scan3A_136 = %scan3A_131 to %scan3A_133 step %scan3A_134  : i32 {
        %mul3A_137 = arith.constant 1 : i32
        %mul3A_138 = arith.muli %scan3A_136, %mul3A_137 : i32
        %add3A = arith.constant 155 : i32
        %add3A_139 = arith.addi %add3A, %mul3A_138 : i32
        %jit3A = arith.constant 5 : i32
        %eq3A_140 = arith.constant 0 : i32
        %eq3A_141 = arith.cmpi eq, %jit3A, %eq3A_140 : i32
        %jit3A_142 = arith.constant 1 : i32
        %select_n3A = arith.select %eq3A_141, %jit3A_142, %jit3A : i32
        %rem3A = arith.remsi %add3A_139, %select_n3A : i32
        %ne3A = arith.constant 0 : i32
        %ne3A_143 = arith.cmpi ne, %rem3A, %ne3A : i32
        %lt3A = arith.constant 0 : i32
        %lt3A_144 = arith.cmpi slt, %rem3A, %lt3A : i32
        %lt3A_145 = arith.constant 0 : i32
        %lt3A_146 = arith.cmpi slt, %select_n3A, %lt3A_145 : i32
        %ne3A_147 = arith.xori %lt3A_144, %lt3A_146 : i1
        %and3A = arith.andi %ne3A_147, %ne3A_143 : i1
        %add3A_148 = arith.addi %rem3A, %select_n3A : i32
        %select_n3A_149 = arith.select %and3A, %add3A_148, %rem3A : i32
        %dma_wait3A_150 = arith.constant 0 : i32
        %dma_wait3A_151 = arith.constant 0 : i32
        %dma_wait3A_152 = tpu.memref_slice %arg15[%select_n3A_149, %dma_wait3A_150, %dma_wait3A_151] : memref<5x128x64xf32, #tpu.memory_space<vmem>> -> memref<1x128x64xf32, #tpu.memory_space<vmem>>
        %dma_wait3A_153 = tpu.memref_squeeze %dma_wait3A_152 : memref<1x128x64xf32, #tpu.memory_space<vmem>> -> memref<128x64xf32, #tpu.memory_space<vmem>>
        %dma_wait3A_154 = arith.constant 0 : i32
        %dma_wait3A_155 = tpu.memref_slice %arg14[%add3A_139, %dma_wait3A_154] : memref<157x128xi32, #tpu.memory_space<vmem>> -> memref<1x128xi32, #tpu.memory_space<vmem>>
        %dma_wait3A_156 = tpu.memref_squeeze %dma_wait3A_155 : memref<1x128xi32, #tpu.memory_space<vmem>> -> memref<128xi32, #tpu.memory_space<vmem>>
        %dma_wait3A_157 = arith.constant 0 : i32
        %dma_wait3A_158 = arith.constant 0 : i32
        %dma_wait3A_159 = tpu.memref_slice %arg17[%dma_wait3A_157, %dma_wait3A_158] : memref<10240x64xf32, #tpu.memory_space<vmem_shared>> -> memref<10240x64xf32, #tpu.memory_space<vmem_shared>>
        tpu.wait_indirect_dma semaphore(%arg19 : memref<!tpu.dma_semaphore, #tpu.memory_space<semaphore_mem>>) src(%dma_wait3A_153 : memref<128x64xf32, #tpu.memory_space<vmem>>) dst(%dma_wait3A_159 : memref<10240x64xf32, #tpu.memory_space<vmem_shared>>)
      }
      %scan3A_135 = arith.constant 2 : i32
    } else {
    }
    %barrier3A_79 = arith.constant 0 : index
    tpu.barrier barrier_id(%barrier3A_79)
    %eq3A_80 = arith.constant 0 : i32
    %eq3A_81 = arith.cmpi eq, %arg0, %eq3A_80 : i32
    %convert_element_type3A_82 = arith.extui %eq3A_81 : i1 to i32
    %cond3A_83 = arith.constant 0 : i32
    %cond3A_84 = arith.cmpi ne, %convert_element_type3A_82, %cond3A_83 : i32
    scf.if %cond3A_84 {
      "tpu.region"() ({
        %run_scoped3A = tpu.sem_alloc : memref<!tpu.dma_semaphore, #tpu.memory_space<semaphore_mem>>
        %dma_start3A_90 = arith.constant 0 : i32
        %dma_start3A_91 = tpu.memref_slice %arg10[%mul3A_0, %dma_start3A_90] : memref<10240x64xf32, #tpu.memory_space<hbm>> -> memref<640x64xf32, #tpu.memory_space<hbm>>
        %dma_start3A_92 = arith.constant 0 : i32
        %dma_start3A_93 = tpu.memref_slice %arg17[%mul3A_0, %dma_start3A_92] : memref<10240x64xf32, #tpu.memory_space<vmem_shared>> -> memref<640x64xf32, #tpu.memory_space<vmem_shared>>
        tpu.enqueue_dma source(%dma_start3A_93 : memref<640x64xf32, #tpu.memory_space<vmem_shared>>) target(%dma_start3A_91 : memref<640x64xf32, #tpu.memory_space<hbm>>) target_semaphore(%run_scoped3A : memref<!tpu.dma_semaphore, #tpu.memory_space<semaphore_mem>>)
        %dma_wait3A_94 = arith.constant 0 : i32
        %dma_wait3A_95 = tpu.memref_slice %arg10[%mul3A_0, %dma_wait3A_94] : memref<10240x64xf32, #tpu.memory_space<hbm>> -> memref<640x64xf32, #tpu.memory_space<hbm>>
        %dma_wait3A_96 = arith.constant 0 : i32
        %dma_wait3A_97 = tpu.memref_slice %arg17[%mul3A_0, %dma_wait3A_96] : memref<10240x64xf32, #tpu.memory_space<vmem_shared>> -> memref<640x64xf32, #tpu.memory_space<vmem_shared>>
        tpu.wait_dma2 semaphore(%run_scoped3A : memref<!tpu.dma_semaphore, #tpu.memory_space<semaphore_mem>>) src(%dma_wait3A_97 : memref<640x64xf32, #tpu.memory_space<vmem_shared>>) dst(%dma_wait3A_95 : memref<640x64xf32, #tpu.memory_space<hbm>>)
        tpu.yield
      }) : () -> ()
    } else {
    }
    %eq3A_85 = arith.constant 1 : i32
    %eq3A_86 = arith.cmpi eq, %arg0, %eq3A_85 : i32
    %convert_element_type3A_87 = arith.extui %eq3A_86 : i1 to i32
    %cond3A_88 = arith.constant 0 : i32
    %cond3A_89 = arith.cmpi ne, %convert_element_type3A_87, %cond3A_88 : i32
    scf.if %cond3A_89 {
      "tpu.region"() ({
        %run_scoped3A = tpu.sem_alloc : memref<!tpu.dma_semaphore, #tpu.memory_space<semaphore_mem>>
        %dma_start3A_90 = arith.constant 0 : i32
        %dma_start3A_91 = tpu.memref_slice %arg12[%mul3A_0, %dma_start3A_90] : memref<10240x64xf32, #tpu.memory_space<hbm>> -> memref<640x64xf32, #tpu.memory_space<hbm>>
        %dma_start3A_92 = arith.constant 0 : i32
        %dma_start3A_93 = tpu.memref_slice %arg17[%mul3A_0, %dma_start3A_92] : memref<10240x64xf32, #tpu.memory_space<vmem_shared>> -> memref<640x64xf32, #tpu.memory_space<vmem_shared>>
        tpu.enqueue_dma source(%dma_start3A_93 : memref<640x64xf32, #tpu.memory_space<vmem_shared>>) target(%dma_start3A_91 : memref<640x64xf32, #tpu.memory_space<hbm>>) target_semaphore(%run_scoped3A : memref<!tpu.dma_semaphore, #tpu.memory_space<semaphore_mem>>)
        %dma_wait3A_94 = arith.constant 0 : i32
        %dma_wait3A_95 = tpu.memref_slice %arg12[%mul3A_0, %dma_wait3A_94] : memref<10240x64xf32, #tpu.memory_space<hbm>> -> memref<640x64xf32, #tpu.memory_space<hbm>>
        %dma_wait3A_96 = arith.constant 0 : i32
        %dma_wait3A_97 = tpu.memref_slice %arg17[%mul3A_0, %dma_wait3A_96] : memref<10240x64xf32, #tpu.memory_space<vmem_shared>> -> memref<640x64xf32, #tpu.memory_space<vmem_shared>>
        tpu.wait_dma2 semaphore(%run_scoped3A : memref<!tpu.dma_semaphore, #tpu.memory_space<semaphore_mem>>) src(%dma_wait3A_97 : memref<640x64xf32, #tpu.memory_space<vmem_shared>>) dst(%dma_wait3A_95 : memref<640x64xf32, #tpu.memory_space<hbm>>)
        tpu.yield
      }) : () -> ()
    } else {
    }
    return
  }
}

#map = affine_map<(d0, d1) -> (0, 0)>
#map1 = affine_map<(d0, d1) -> (0, 0, 0)>
module attributes {stable_mosaic.version = 14 : i64} {
  func.func @prop(%arg0: i32, %arg1: i32, %arg2: memref<128x16xf32, #tpu.memory_space<hbm>>, %arg3: memref<128x16xf32, #tpu.memory_space<hbm>>, %arg4: memref<16x157x128xi32, #tpu.memory_space<hbm>>, %arg5: memref<16x157x128xi32, #tpu.memory_space<hbm>>, %arg6: memref<64x16xf32, #tpu.memory_space<hbm>>, %arg7: memref<10240x16xf32, #tpu.memory_space<hbm>>, %arg8: memref<10240x16xf32, #tpu.memory_space<hbm>>, %arg9: memref<157x128xi32, #tpu.memory_space<vmem>>, %arg10: memref<157x128xi32, #tpu.memory_space<vmem>>, %arg11: memref<5x128x16xf32, #tpu.memory_space<vmem>>, %arg12: memref<64x16xf32, #tpu.memory_space<vmem>>, %arg13: memref<10240x16xf32, #tpu.memory_space<vmem_shared>>, %arg14: memref<!tpu.dma_semaphore, #tpu.memory_space<semaphore_mem>>, %arg15: memref<!tpu.dma_semaphore, #tpu.memory_space<semaphore_mem>>) attributes {dimension_semantics = [#tpu.dimension_semantics<core_parallel>, #tpu.dimension_semantics<subcore_parallel>], iteration_bounds = array<i64: 2, 16>, scalar_prefetch = 0 : i64, scratch_operands = 7 : i64, tpu.core_type = #tpu.core_type<sc_vector_subcore>, window_params = [{transform_indices = #map}, {transform_indices = #map}, {transform_indices = #map1}, {transform_indices = #map1}, {transform_indices = #map}, {transform_indices = #map}, {transform_indices = #map}]} {
    %mul3A = arith.constant 640 : i32
    %mul3A_0 = arith.muli %arg1, %mul3A : i32
    %dma_start3A = arith.constant 0 : i32
    %dma_start3A_1 = arith.constant 0 : i32
    %dma_start3A_2 = tpu.memref_slice %arg4[%arg1, %dma_start3A, %dma_start3A_1] : memref<16x157x128xi32, #tpu.memory_space<hbm>> -> memref<1x157x128xi32, #tpu.memory_space<hbm>>
    %dma_start3A_3 = tpu.memref_squeeze %dma_start3A_2 : memref<1x157x128xi32, #tpu.memory_space<hbm>> -> memref<157x128xi32, #tpu.memory_space<hbm>>
    %dma_start3A_4 = arith.constant 0 : i32
    %dma_start3A_5 = arith.constant 0 : i32
    %dma_start3A_6 = tpu.memref_slice %arg4[%arg1, %dma_start3A_4, %dma_start3A_5] : memref<16x157x128xi32, #tpu.memory_space<hbm>> -> memref<1x157x128xi32, #tpu.memory_space<hbm>>
    %dma_start3A_7 = tpu.memref_squeeze %dma_start3A_6 : memref<1x157x128xi32, #tpu.memory_space<hbm>> -> memref<157x128xi32, #tpu.memory_space<hbm>>
    tpu.enqueue_dma source(%dma_start3A_7 : memref<157x128xi32, #tpu.memory_space<hbm>>) target(%arg9 : memref<157x128xi32, #tpu.memory_space<vmem>>) target_semaphore(%arg14 : memref<!tpu.dma_semaphore, #tpu.memory_space<semaphore_mem>>)
    %dma_start3A_8 = arith.constant 0 : i32
    %dma_start3A_9 = arith.constant 0 : i32
    %dma_start3A_10 = tpu.memref_slice %arg5[%arg1, %dma_start3A_8, %dma_start3A_9] : memref<16x157x128xi32, #tpu.memory_space<hbm>> -> memref<1x157x128xi32, #tpu.memory_space<hbm>>
    %dma_start3A_11 = tpu.memref_squeeze %dma_start3A_10 : memref<1x157x128xi32, #tpu.memory_space<hbm>> -> memref<157x128xi32, #tpu.memory_space<hbm>>
    %dma_start3A_12 = arith.constant 0 : i32
    %dma_start3A_13 = arith.constant 0 : i32
    %dma_start3A_14 = tpu.memref_slice %arg5[%arg1, %dma_start3A_12, %dma_start3A_13] : memref<16x157x128xi32, #tpu.memory_space<hbm>> -> memref<1x157x128xi32, #tpu.memory_space<hbm>>
    %dma_start3A_15 = tpu.memref_squeeze %dma_start3A_14 : memref<1x157x128xi32, #tpu.memory_space<hbm>> -> memref<157x128xi32, #tpu.memory_space<hbm>>
    tpu.enqueue_dma source(%dma_start3A_15 : memref<157x128xi32, #tpu.memory_space<hbm>>) target(%arg10 : memref<157x128xi32, #tpu.memory_space<vmem>>) target_semaphore(%arg14 : memref<!tpu.dma_semaphore, #tpu.memory_space<semaphore_mem>>)
    "tpu.region"() ({
      %run_scoped3A = tpu.sem_alloc : memref<!tpu.dma_semaphore, #tpu.memory_space<semaphore_mem>>
      tpu.enqueue_dma source(%arg6 : memref<64x16xf32, #tpu.memory_space<hbm>>) target(%arg12 : memref<64x16xf32, #tpu.memory_space<vmem>>) target_semaphore(%run_scoped3A : memref<!tpu.dma_semaphore, #tpu.memory_space<semaphore_mem>>)
      tpu.wait_dma2 semaphore(%run_scoped3A : memref<!tpu.dma_semaphore, #tpu.memory_space<semaphore_mem>>) src(%arg6 : memref<64x16xf32, #tpu.memory_space<hbm>>) dst(%arg12 : memref<64x16xf32, #tpu.memory_space<vmem>>)
      tpu.yield
    }) : () -> ()
    %scan3A = arith.constant 0 : i32
    %scan3A_16 = arith.constant 10 : i32
    %scan3A_17 = arith.addi %scan3A, %scan3A_16 : i32
    %scan3A_18 = arith.constant 1 : i32
    scf.for %scan3A_58 = %scan3A to %scan3A_17 step %scan3A_18  : i32 {
      %mul3A_59 = arith.constant 1 : i32
      %mul3A_60 = arith.muli %scan3A_58, %mul3A_59 : i32
      %add3A = arith.constant 0 : i32
      %add3A_61 = arith.addi %add3A, %mul3A_60 : i32
      %mul3A_62 = arith.constant 64 : i32
      %mul3A_63 = arith.muli %add3A_61, %mul3A_62 : i32
      %add3A_64 = arith.addi %mul3A_0, %mul3A_63 : i32
      %dma_start3A_65 = arith.constant 0 : i32
      %dma_start3A_66 = tpu.memref_slice %arg13[%add3A_64, %dma_start3A_65] : memref<10240x16xf32, #tpu.memory_space<vmem_shared>> -> memref<64x16xf32, #tpu.memory_space<vmem_shared>>
      %dma_start3A_67 = arith.constant 0 : i32
      %dma_start3A_68 = tpu.memref_slice %arg13[%add3A_64, %dma_start3A_67] : memref<10240x16xf32, #tpu.memory_space<vmem_shared>> -> memref<64x16xf32, #tpu.memory_space<vmem_shared>>
      tpu.enqueue_dma source(%arg12 : memref<64x16xf32, #tpu.memory_space<vmem>>) target(%dma_start3A_68 : memref<64x16xf32, #tpu.memory_space<vmem_shared>>) target_semaphore(%arg15 : memref<!tpu.dma_semaphore, #tpu.memory_space<semaphore_mem>>)
    }
    %scan3A_19 = arith.constant 10 : i32
    %scan3A_20 = arith.constant 0 : i32
    %scan3A_21 = arith.constant 10 : i32
    %scan3A_22 = arith.addi %scan3A_20, %scan3A_21 : i32
    %scan3A_23 = arith.constant 1 : i32
    scf.for %scan3A_58 = %scan3A_20 to %scan3A_22 step %scan3A_23  : i32 {
      %mul3A_59 = arith.constant 1 : i32
      %mul3A_60 = arith.muli %scan3A_58, %mul3A_59 : i32
      %add3A = arith.constant 0 : i32
      %add3A_61 = arith.addi %add3A, %mul3A_60 : i32
      %mul3A_62 = arith.constant 64 : i32
      %mul3A_63 = arith.muli %add3A_61, %mul3A_62 : i32
      %add3A_64 = arith.addi %mul3A_0, %mul3A_63 : i32
      %dma_wait3A_65 = arith.constant 0 : i32
      %dma_wait3A_66 = tpu.memref_slice %arg13[%add3A_64, %dma_wait3A_65] : memref<10240x16xf32, #tpu.memory_space<vmem_shared>> -> memref<64x16xf32, #tpu.memory_space<vmem_shared>>
      %dma_wait3A_67 = arith.constant 0 : i32
      %dma_wait3A_68 = tpu.memref_slice %arg13[%add3A_64, %dma_wait3A_67] : memref<10240x16xf32, #tpu.memory_space<vmem_shared>> -> memref<64x16xf32, #tpu.memory_space<vmem_shared>>
      tpu.wait_dma2 semaphore(%arg15 : memref<!tpu.dma_semaphore, #tpu.memory_space<semaphore_mem>>) src(%arg12 : memref<64x16xf32, #tpu.memory_space<vmem>>) dst(%dma_wait3A_68 : memref<64x16xf32, #tpu.memory_space<vmem_shared>>)
    }
    %scan3A_24 = arith.constant 10 : i32
    %dma_wait3A = arith.constant 0 : i32
    %dma_wait3A_25 = arith.constant 0 : i32
    %dma_wait3A_26 = tpu.memref_slice %arg4[%arg1, %dma_wait3A, %dma_wait3A_25] : memref<16x157x128xi32, #tpu.memory_space<hbm>> -> memref<1x157x128xi32, #tpu.memory_space<hbm>>
    %dma_wait3A_27 = tpu.memref_squeeze %dma_wait3A_26 : memref<1x157x128xi32, #tpu.memory_space<hbm>> -> memref<157x128xi32, #tpu.memory_space<hbm>>
    %dma_wait3A_28 = arith.constant 0 : i32
    %dma_wait3A_29 = arith.constant 0 : i32
    %dma_wait3A_30 = tpu.memref_slice %arg4[%arg1, %dma_wait3A_28, %dma_wait3A_29] : memref<16x157x128xi32, #tpu.memory_space<hbm>> -> memref<1x157x128xi32, #tpu.memory_space<hbm>>
    %dma_wait3A_31 = tpu.memref_squeeze %dma_wait3A_30 : memref<1x157x128xi32, #tpu.memory_space<hbm>> -> memref<157x128xi32, #tpu.memory_space<hbm>>
    tpu.wait_dma2 semaphore(%arg14 : memref<!tpu.dma_semaphore, #tpu.memory_space<semaphore_mem>>) src(%dma_wait3A_31 : memref<157x128xi32, #tpu.memory_space<hbm>>) dst(%arg9 : memref<157x128xi32, #tpu.memory_space<vmem>>)
    %dma_wait3A_32 = arith.constant 0 : i32
    %dma_wait3A_33 = arith.constant 0 : i32
    %dma_wait3A_34 = tpu.memref_slice %arg5[%arg1, %dma_wait3A_32, %dma_wait3A_33] : memref<16x157x128xi32, #tpu.memory_space<hbm>> -> memref<1x157x128xi32, #tpu.memory_space<hbm>>
    %dma_wait3A_35 = tpu.memref_squeeze %dma_wait3A_34 : memref<1x157x128xi32, #tpu.memory_space<hbm>> -> memref<157x128xi32, #tpu.memory_space<hbm>>
    %dma_wait3A_36 = arith.constant 0 : i32
    %dma_wait3A_37 = arith.constant 0 : i32
    %dma_wait3A_38 = tpu.memref_slice %arg5[%arg1, %dma_wait3A_36, %dma_wait3A_37] : memref<16x157x128xi32, #tpu.memory_space<hbm>> -> memref<1x157x128xi32, #tpu.memory_space<hbm>>
    %dma_wait3A_39 = tpu.memref_squeeze %dma_wait3A_38 : memref<1x157x128xi32, #tpu.memory_space<hbm>> -> memref<157x128xi32, #tpu.memory_space<hbm>>
    tpu.wait_dma2 semaphore(%arg14 : memref<!tpu.dma_semaphore, #tpu.memory_space<semaphore_mem>>) src(%dma_wait3A_39 : memref<157x128xi32, #tpu.memory_space<hbm>>) dst(%arg10 : memref<157x128xi32, #tpu.memory_space<vmem>>)
    %barrier3A = arith.constant 0 : index
    tpu.barrier barrier_id(%barrier3A)
    %eq3A = arith.constant 0 : i32
    %eq3A_40 = arith.cmpi eq, %arg0, %eq3A : i32
    %convert_element_type3A = arith.extui %eq3A_40 : i1 to i32
    %cond3A = arith.constant 0 : i32
    %cond3A_41 = arith.cmpi ne, %convert_element_type3A, %cond3A : i32
    scf.if %cond3A_41 {
      %run_scoped3A = arith.constant 0 : i32
      "tpu.region"() ({
        %run_scoped3A_73 = tpu.sem_alloc : memref<!tpu.dma_semaphore, #tpu.memory_space<semaphore_mem>>
        %dma_start3A_74 = arith.constant 0 : i32
        %dma_start3A_75 = arith.constant 0 : i32
        %dma_start3A_76 = tpu.memref_slice %arg11[%run_scoped3A, %dma_start3A_74, %dma_start3A_75] : memref<5x128x16xf32, #tpu.memory_space<vmem>> -> memref<1x128x16xf32, #tpu.memory_space<vmem>>
        %dma_start3A_77 = tpu.memref_squeeze %dma_start3A_76 : memref<1x128x16xf32, #tpu.memory_space<vmem>> -> memref<128x16xf32, #tpu.memory_space<vmem>>
        %dma_start3A_78 = arith.constant 0 : i32
        %dma_start3A_79 = arith.constant 0 : i32
        %dma_start3A_80 = tpu.memref_slice %arg11[%run_scoped3A, %dma_start3A_78, %dma_start3A_79] : memref<5x128x16xf32, #tpu.memory_space<vmem>> -> memref<1x128x16xf32, #tpu.memory_space<vmem>>
        %dma_start3A_81 = tpu.memref_squeeze %dma_start3A_80 : memref<1x128x16xf32, #tpu.memory_space<vmem>> -> memref<128x16xf32, #tpu.memory_space<vmem>>
        tpu.enqueue_dma source(%arg2 : memref<128x16xf32, #tpu.memory_space<hbm>>) target(%dma_start3A_81 : memref<128x16xf32, #tpu.memory_space<vmem>>) target_semaphore(%run_scoped3A_73 : memref<!tpu.dma_semaphore, #tpu.memory_space<semaphore_mem>>)
        %dma_wait3A_82 = arith.constant 0 : i32
        %dma_wait3A_83 = arith.constant 0 : i32
        %dma_wait3A_84 = tpu.memref_slice %arg11[%run_scoped3A, %dma_wait3A_82, %dma_wait3A_83] : memref<5x128x16xf32, #tpu.memory_space<vmem>> -> memref<1x128x16xf32, #tpu.memory_space<vmem>>
        %dma_wait3A_85 = tpu.memref_squeeze %dma_wait3A_84 : memref<1x128x16xf32, #tpu.memory_space<vmem>> -> memref<128x16xf32, #tpu.memory_space<vmem>>
        %dma_wait3A_86 = arith.constant 0 : i32
        %dma_wait3A_87 = arith.constant 0 : i32
        %dma_wait3A_88 = tpu.memref_slice %arg11[%run_scoped3A, %dma_wait3A_86, %dma_wait3A_87] : memref<5x128x16xf32, #tpu.memory_space<vmem>> -> memref<1x128x16xf32, #tpu.memory_space<vmem>>
        %dma_wait3A_89 = tpu.memref_squeeze %dma_wait3A_88 : memref<1x128x16xf32, #tpu.memory_space<vmem>> -> memref<128x16xf32, #tpu.memory_space<vmem>>
        tpu.wait_dma2 semaphore(%run_scoped3A_73 : memref<!tpu.dma_semaphore, #tpu.memory_space<semaphore_mem>>) src(%arg2 : memref<128x16xf32, #tpu.memory_space<hbm>>) dst(%dma_wait3A_89 : memref<128x16xf32, #tpu.memory_space<vmem>>)
        tpu.yield
      }) : () -> ()
      %mul3A_58 = arith.constant 78 : i32
      %mul3A_59 = arith.muli %arg0, %mul3A_58 : i32
      %eq3A_60 = arith.constant 0 : i32
      %eq3A_61 = arith.cmpi eq, %arg0, %eq3A_60 : i32
      %jit3A = arith.constant 78 : i32
      %jit3A_62 = arith.constant 157 : i32
      %select_n3A = arith.select %eq3A_61, %jit3A, %jit3A_62 : i32
      %scan3A_63 = arith.constant 0 : i32
      %scan3A_64 = arith.constant 157 : i32
      %scan3A_65 = arith.addi %scan3A_63, %scan3A_64 : i32
      %scan3A_66 = arith.constant 1 : i32
      scf.for %scan3A_73 = %scan3A_63 to %scan3A_65 step %scan3A_66  : i32 {
        %mul3A_74 = arith.constant 1 : i32
        %mul3A_75 = arith.muli %scan3A_73, %mul3A_74 : i32
        %add3A = arith.constant 0 : i32
        %add3A_76 = arith.addi %add3A, %mul3A_75 : i32
        %add3A_77 = arith.constant 3 : i32
        %add3A_78 = arith.addi %mul3A_59, %add3A_77 : i32
        %ge3A = arith.cmpi sge, %add3A_76, %add3A_78 : i32
        %lt3A = arith.cmpi slt, %add3A_76, %select_n3A : i32
        %and3A = arith.andi %ge3A, %lt3A : i1
        %convert_element_type3A_79 = arith.extui %and3A : i1 to i32
        %cond3A_80 = arith.constant 0 : i32
        %cond3A_81 = arith.cmpi ne, %convert_element_type3A_79, %cond3A_80 : i32
        scf.if %cond3A_81 {
          %sub3A = arith.constant 3 : i32
          %sub3A_88 = arith.subi %add3A_76, %sub3A : i32
          %dma_wait3A_89 = arith.constant 0 : i32
          %dma_wait3A_90 = arith.constant 0 : i32
          %dma_wait3A_91 = arith.constant 0 : i32
          %dma_wait3A_92 = tpu.memref_slice %arg11[%dma_wait3A_89, %dma_wait3A_90, %dma_wait3A_91] : memref<5x128x16xf32, #tpu.memory_space<vmem>> -> memref<1x128x16xf32, #tpu.memory_space<vmem>>
          %dma_wait3A_93 = tpu.memref_squeeze %dma_wait3A_92 : memref<1x128x16xf32, #tpu.memory_space<vmem>> -> memref<128x16xf32, #tpu.memory_space<vmem>>
          %dma_wait3A_94 = arith.constant 0 : i32
          %dma_wait3A_95 = tpu.memref_slice %arg10[%sub3A_88, %dma_wait3A_94] : memref<157x128xi32, #tpu.memory_space<vmem>> -> memref<1x128xi32, #tpu.memory_space<vmem>>
          %dma_wait3A_96 = tpu.memref_squeeze %dma_wait3A_95 : memref<1x128xi32, #tpu.memory_space<vmem>> -> memref<128xi32, #tpu.memory_space<vmem>>
          %dma_wait3A_97 = arith.constant 0 : i32
          %dma_wait3A_98 = arith.constant 0 : i32
          %dma_wait3A_99 = tpu.memref_slice %arg13[%dma_wait3A_97, %dma_wait3A_98] : memref<10240x16xf32, #tpu.memory_space<vmem_shared>> -> memref<10240x16xf32, #tpu.memory_space<vmem_shared>>
          tpu.wait_indirect_dma semaphore(%arg15 : memref<!tpu.dma_semaphore, #tpu.memory_space<semaphore_mem>>) src(%dma_wait3A_93 : memref<128x16xf32, #tpu.memory_space<vmem>>) dst(%dma_wait3A_99 : memref<10240x16xf32, #tpu.memory_space<vmem_shared>>)
        } else {
        }
        %ge3A_82 = arith.cmpi sge, %add3A_76, %mul3A_59 : i32
        %lt3A_83 = arith.cmpi slt, %add3A_76, %select_n3A : i32
        %and3A_84 = arith.andi %ge3A_82, %lt3A_83 : i1
        %convert_element_type3A_85 = arith.extui %and3A_84 : i1 to i32
        %cond3A_86 = arith.constant 0 : i32
        %cond3A_87 = arith.cmpi ne, %convert_element_type3A_85, %cond3A_86 : i32
        scf.if %cond3A_87 {
          %dma_start3A_88 = arith.constant 0 : i32
          %dma_start3A_89 = arith.constant 0 : i32
          %dma_start3A_90 = arith.constant 0 : i32
          %dma_start3A_91 = tpu.memref_slice %arg11[%dma_start3A_88, %dma_start3A_89, %dma_start3A_90] : memref<5x128x16xf32, #tpu.memory_space<vmem>> -> memref<1x128x16xf32, #tpu.memory_space<vmem>>
          %dma_start3A_92 = tpu.memref_squeeze %dma_start3A_91 : memref<1x128x16xf32, #tpu.memory_space<vmem>> -> memref<128x16xf32, #tpu.memory_space<vmem>>
          %dma_start3A_93 = arith.constant 0 : i32
          %dma_start3A_94 = tpu.memref_slice %arg10[%add3A_76, %dma_start3A_93] : memref<157x128xi32, #tpu.memory_space<vmem>> -> memref<1x128xi32, #tpu.memory_space<vmem>>
          %dma_start3A_95 = tpu.memref_squeeze %dma_start3A_94 : memref<1x128xi32, #tpu.memory_space<vmem>> -> memref<128xi32, #tpu.memory_space<vmem>>
          %dma_start3A_96 = arith.constant 0 : i32
          %dma_start3A_97 = arith.constant 0 : i32
          %dma_start3A_98 = tpu.memref_slice %arg13[%dma_start3A_96, %dma_start3A_97] : memref<10240x16xf32, #tpu.memory_space<vmem_shared>> -> memref<10240x16xf32, #tpu.memory_space<vmem_shared>>
          tpu.enqueue_indirect_dma source(%dma_start3A_92 : memref<128x16xf32, #tpu.memory_space<vmem>>) target(%dma_start3A_98 : memref<10240x16xf32, #tpu.memory_space<vmem_shared>>) offsets(%dma_start3A_95 : memref<128xi32, #tpu.memory_space<vmem>>) semaphore(%arg15 : memref<!tpu.dma_semaphore, #tpu.memory_space<semaphore_mem>>) {add = true}
        } else {
        }
      }
      %scan3A_67 = arith.constant 157 : i32
      %scan3A_68 = arith.constant 0 : i32
      %scan3A_69 = arith.constant 157 : i32
      %scan3A_70 = arith.addi %scan3A_68, %scan3A_69 : i32
      %scan3A_71 = arith.constant 1 : i32
      scf.for %scan3A_73 = %scan3A_68 to %scan3A_70 step %scan3A_71  : i32 {
        %mul3A_74 = arith.constant 1 : i32
        %mul3A_75 = arith.muli %scan3A_73, %mul3A_74 : i32
        %add3A = arith.constant 0 : i32
        %add3A_76 = arith.addi %add3A, %mul3A_75 : i32
        %sub3A = arith.constant 3 : i32
        %sub3A_77 = arith.subi %select_n3A, %sub3A : i32
        %ge3A = arith.cmpi sge, %add3A_76, %sub3A_77 : i32
        %ge3A_78 = arith.cmpi sge, %add3A_76, %mul3A_59 : i32
        %and3A = arith.andi %ge3A, %ge3A_78 : i1
        %lt3A = arith.cmpi slt, %add3A_76, %select_n3A : i32
        %and3A_79 = arith.andi %and3A, %lt3A : i1
        %convert_element_type3A_80 = arith.extui %and3A_79 : i1 to i32
        %cond3A_81 = arith.constant 0 : i32
        %cond3A_82 = arith.cmpi ne, %convert_element_type3A_80, %cond3A_81 : i32
        scf.if %cond3A_82 {
          %dma_wait3A_83 = arith.constant 0 : i32
          %dma_wait3A_84 = arith.constant 0 : i32
          %dma_wait3A_85 = arith.constant 0 : i32
          %dma_wait3A_86 = tpu.memref_slice %arg11[%dma_wait3A_83, %dma_wait3A_84, %dma_wait3A_85] : memref<5x128x16xf32, #tpu.memory_space<vmem>> -> memref<1x128x16xf32, #tpu.memory_space<vmem>>
          %dma_wait3A_87 = tpu.memref_squeeze %dma_wait3A_86 : memref<1x128x16xf32, #tpu.memory_space<vmem>> -> memref<128x16xf32, #tpu.memory_space<vmem>>
          %dma_wait3A_88 = arith.constant 0 : i32
          %dma_wait3A_89 = tpu.memref_slice %arg10[%add3A_76, %dma_wait3A_88] : memref<157x128xi32, #tpu.memory_space<vmem>> -> memref<1x128xi32, #tpu.memory_space<vmem>>
          %dma_wait3A_90 = tpu.memref_squeeze %dma_wait3A_89 : memref<1x128xi32, #tpu.memory_space<vmem>> -> memref<128xi32, #tpu.memory_space<vmem>>
          %dma_wait3A_91 = arith.constant 0 : i32
          %dma_wait3A_92 = arith.constant 0 : i32
          %dma_wait3A_93 = tpu.memref_slice %arg13[%dma_wait3A_91, %dma_wait3A_92] : memref<10240x16xf32, #tpu.memory_space<vmem_shared>> -> memref<10240x16xf32, #tpu.memory_space<vmem_shared>>
          tpu.wait_indirect_dma semaphore(%arg15 : memref<!tpu.dma_semaphore, #tpu.memory_space<semaphore_mem>>) src(%dma_wait3A_87 : memref<128x16xf32, #tpu.memory_space<vmem>>) dst(%dma_wait3A_93 : memref<10240x16xf32, #tpu.memory_space<vmem_shared>>)
        } else {
        }
      }
      %scan3A_72 = arith.constant 157 : i32
    } else {
    }
    %eq3A_42 = arith.constant 1 : i32
    %eq3A_43 = arith.cmpi eq, %arg0, %eq3A_42 : i32
    %convert_element_type3A_44 = arith.extui %eq3A_43 : i1 to i32
    %cond3A_45 = arith.constant 0 : i32
    %cond3A_46 = arith.cmpi ne, %convert_element_type3A_44, %cond3A_45 : i32
    scf.if %cond3A_46 {
      %run_scoped3A = arith.constant 0 : i32
      "tpu.region"() ({
        %run_scoped3A_73 = tpu.sem_alloc : memref<!tpu.dma_semaphore, #tpu.memory_space<semaphore_mem>>
        %dma_start3A_74 = arith.constant 0 : i32
        %dma_start3A_75 = arith.constant 0 : i32
        %dma_start3A_76 = tpu.memref_slice %arg11[%run_scoped3A, %dma_start3A_74, %dma_start3A_75] : memref<5x128x16xf32, #tpu.memory_space<vmem>> -> memref<1x128x16xf32, #tpu.memory_space<vmem>>
        %dma_start3A_77 = tpu.memref_squeeze %dma_start3A_76 : memref<1x128x16xf32, #tpu.memory_space<vmem>> -> memref<128x16xf32, #tpu.memory_space<vmem>>
        %dma_start3A_78 = arith.constant 0 : i32
        %dma_start3A_79 = arith.constant 0 : i32
        %dma_start3A_80 = tpu.memref_slice %arg11[%run_scoped3A, %dma_start3A_78, %dma_start3A_79] : memref<5x128x16xf32, #tpu.memory_space<vmem>> -> memref<1x128x16xf32, #tpu.memory_space<vmem>>
        %dma_start3A_81 = tpu.memref_squeeze %dma_start3A_80 : memref<1x128x16xf32, #tpu.memory_space<vmem>> -> memref<128x16xf32, #tpu.memory_space<vmem>>
        tpu.enqueue_dma source(%arg3 : memref<128x16xf32, #tpu.memory_space<hbm>>) target(%dma_start3A_81 : memref<128x16xf32, #tpu.memory_space<vmem>>) target_semaphore(%run_scoped3A_73 : memref<!tpu.dma_semaphore, #tpu.memory_space<semaphore_mem>>)
        %dma_wait3A_82 = arith.constant 0 : i32
        %dma_wait3A_83 = arith.constant 0 : i32
        %dma_wait3A_84 = tpu.memref_slice %arg11[%run_scoped3A, %dma_wait3A_82, %dma_wait3A_83] : memref<5x128x16xf32, #tpu.memory_space<vmem>> -> memref<1x128x16xf32, #tpu.memory_space<vmem>>
        %dma_wait3A_85 = tpu.memref_squeeze %dma_wait3A_84 : memref<1x128x16xf32, #tpu.memory_space<vmem>> -> memref<128x16xf32, #tpu.memory_space<vmem>>
        %dma_wait3A_86 = arith.constant 0 : i32
        %dma_wait3A_87 = arith.constant 0 : i32
        %dma_wait3A_88 = tpu.memref_slice %arg11[%run_scoped3A, %dma_wait3A_86, %dma_wait3A_87] : memref<5x128x16xf32, #tpu.memory_space<vmem>> -> memref<1x128x16xf32, #tpu.memory_space<vmem>>
        %dma_wait3A_89 = tpu.memref_squeeze %dma_wait3A_88 : memref<1x128x16xf32, #tpu.memory_space<vmem>> -> memref<128x16xf32, #tpu.memory_space<vmem>>
        tpu.wait_dma2 semaphore(%run_scoped3A_73 : memref<!tpu.dma_semaphore, #tpu.memory_space<semaphore_mem>>) src(%arg3 : memref<128x16xf32, #tpu.memory_space<hbm>>) dst(%dma_wait3A_89 : memref<128x16xf32, #tpu.memory_space<vmem>>)
        tpu.yield
      }) : () -> ()
      %mul3A_58 = arith.constant 78 : i32
      %mul3A_59 = arith.muli %arg0, %mul3A_58 : i32
      %eq3A_60 = arith.constant 0 : i32
      %eq3A_61 = arith.cmpi eq, %arg0, %eq3A_60 : i32
      %jit3A = arith.constant 78 : i32
      %jit3A_62 = arith.constant 157 : i32
      %select_n3A = arith.select %eq3A_61, %jit3A, %jit3A_62 : i32
      %scan3A_63 = arith.constant 0 : i32
      %scan3A_64 = arith.constant 157 : i32
      %scan3A_65 = arith.addi %scan3A_63, %scan3A_64 : i32
      %scan3A_66 = arith.constant 1 : i32
      scf.for %scan3A_73 = %scan3A_63 to %scan3A_65 step %scan3A_66  : i32 {
        %mul3A_74 = arith.constant 1 : i32
        %mul3A_75 = arith.muli %scan3A_73, %mul3A_74 : i32
        %add3A = arith.constant 0 : i32
        %add3A_76 = arith.addi %add3A, %mul3A_75 : i32
        %add3A_77 = arith.constant 3 : i32
        %add3A_78 = arith.addi %mul3A_59, %add3A_77 : i32
        %ge3A = arith.cmpi sge, %add3A_76, %add3A_78 : i32
        %lt3A = arith.cmpi slt, %add3A_76, %select_n3A : i32
        %and3A = arith.andi %ge3A, %lt3A : i1
        %convert_element_type3A_79 = arith.extui %and3A : i1 to i32
        %cond3A_80 = arith.constant 0 : i32
        %cond3A_81 = arith.cmpi ne, %convert_element_type3A_79, %cond3A_80 : i32
        scf.if %cond3A_81 {
          %sub3A = arith.constant 3 : i32
          %sub3A_88 = arith.subi %add3A_76, %sub3A : i32
          %dma_wait3A_89 = arith.constant 0 : i32
          %dma_wait3A_90 = arith.constant 0 : i32
          %dma_wait3A_91 = arith.constant 0 : i32
          %dma_wait3A_92 = tpu.memref_slice %arg11[%dma_wait3A_89, %dma_wait3A_90, %dma_wait3A_91] : memref<5x128x16xf32, #tpu.memory_space<vmem>> -> memref<1x128x16xf32, #tpu.memory_space<vmem>>
          %dma_wait3A_93 = tpu.memref_squeeze %dma_wait3A_92 : memref<1x128x16xf32, #tpu.memory_space<vmem>> -> memref<128x16xf32, #tpu.memory_space<vmem>>
          %dma_wait3A_94 = arith.constant 0 : i32
          %dma_wait3A_95 = tpu.memref_slice %arg10[%sub3A_88, %dma_wait3A_94] : memref<157x128xi32, #tpu.memory_space<vmem>> -> memref<1x128xi32, #tpu.memory_space<vmem>>
          %dma_wait3A_96 = tpu.memref_squeeze %dma_wait3A_95 : memref<1x128xi32, #tpu.memory_space<vmem>> -> memref<128xi32, #tpu.memory_space<vmem>>
          %dma_wait3A_97 = arith.constant 0 : i32
          %dma_wait3A_98 = arith.constant 0 : i32
          %dma_wait3A_99 = tpu.memref_slice %arg13[%dma_wait3A_97, %dma_wait3A_98] : memref<10240x16xf32, #tpu.memory_space<vmem_shared>> -> memref<10240x16xf32, #tpu.memory_space<vmem_shared>>
          tpu.wait_indirect_dma semaphore(%arg15 : memref<!tpu.dma_semaphore, #tpu.memory_space<semaphore_mem>>) src(%dma_wait3A_93 : memref<128x16xf32, #tpu.memory_space<vmem>>) dst(%dma_wait3A_99 : memref<10240x16xf32, #tpu.memory_space<vmem_shared>>)
        } else {
        }
        %ge3A_82 = arith.cmpi sge, %add3A_76, %mul3A_59 : i32
        %lt3A_83 = arith.cmpi slt, %add3A_76, %select_n3A : i32
        %and3A_84 = arith.andi %ge3A_82, %lt3A_83 : i1
        %convert_element_type3A_85 = arith.extui %and3A_84 : i1 to i32
        %cond3A_86 = arith.constant 0 : i32
        %cond3A_87 = arith.cmpi ne, %convert_element_type3A_85, %cond3A_86 : i32
        scf.if %cond3A_87 {
          %dma_start3A_88 = arith.constant 0 : i32
          %dma_start3A_89 = arith.constant 0 : i32
          %dma_start3A_90 = arith.constant 0 : i32
          %dma_start3A_91 = tpu.memref_slice %arg11[%dma_start3A_88, %dma_start3A_89, %dma_start3A_90] : memref<5x128x16xf32, #tpu.memory_space<vmem>> -> memref<1x128x16xf32, #tpu.memory_space<vmem>>
          %dma_start3A_92 = tpu.memref_squeeze %dma_start3A_91 : memref<1x128x16xf32, #tpu.memory_space<vmem>> -> memref<128x16xf32, #tpu.memory_space<vmem>>
          %dma_start3A_93 = arith.constant 0 : i32
          %dma_start3A_94 = tpu.memref_slice %arg10[%add3A_76, %dma_start3A_93] : memref<157x128xi32, #tpu.memory_space<vmem>> -> memref<1x128xi32, #tpu.memory_space<vmem>>
          %dma_start3A_95 = tpu.memref_squeeze %dma_start3A_94 : memref<1x128xi32, #tpu.memory_space<vmem>> -> memref<128xi32, #tpu.memory_space<vmem>>
          %dma_start3A_96 = arith.constant 0 : i32
          %dma_start3A_97 = arith.constant 0 : i32
          %dma_start3A_98 = tpu.memref_slice %arg13[%dma_start3A_96, %dma_start3A_97] : memref<10240x16xf32, #tpu.memory_space<vmem_shared>> -> memref<10240x16xf32, #tpu.memory_space<vmem_shared>>
          tpu.enqueue_indirect_dma source(%dma_start3A_92 : memref<128x16xf32, #tpu.memory_space<vmem>>) target(%dma_start3A_98 : memref<10240x16xf32, #tpu.memory_space<vmem_shared>>) offsets(%dma_start3A_95 : memref<128xi32, #tpu.memory_space<vmem>>) semaphore(%arg15 : memref<!tpu.dma_semaphore, #tpu.memory_space<semaphore_mem>>) {add = true}
        } else {
        }
      }
      %scan3A_67 = arith.constant 157 : i32
      %scan3A_68 = arith.constant 0 : i32
      %scan3A_69 = arith.constant 157 : i32
      %scan3A_70 = arith.addi %scan3A_68, %scan3A_69 : i32
      %scan3A_71 = arith.constant 1 : i32
      scf.for %scan3A_73 = %scan3A_68 to %scan3A_70 step %scan3A_71  : i32 {
        %mul3A_74 = arith.constant 1 : i32
        %mul3A_75 = arith.muli %scan3A_73, %mul3A_74 : i32
        %add3A = arith.constant 0 : i32
        %add3A_76 = arith.addi %add3A, %mul3A_75 : i32
        %sub3A = arith.constant 3 : i32
        %sub3A_77 = arith.subi %select_n3A, %sub3A : i32
        %ge3A = arith.cmpi sge, %add3A_76, %sub3A_77 : i32
        %ge3A_78 = arith.cmpi sge, %add3A_76, %mul3A_59 : i32
        %and3A = arith.andi %ge3A, %ge3A_78 : i1
        %lt3A = arith.cmpi slt, %add3A_76, %select_n3A : i32
        %and3A_79 = arith.andi %and3A, %lt3A : i1
        %convert_element_type3A_80 = arith.extui %and3A_79 : i1 to i32
        %cond3A_81 = arith.constant 0 : i32
        %cond3A_82 = arith.cmpi ne, %convert_element_type3A_80, %cond3A_81 : i32
        scf.if %cond3A_82 {
          %dma_wait3A_83 = arith.constant 0 : i32
          %dma_wait3A_84 = arith.constant 0 : i32
          %dma_wait3A_85 = arith.constant 0 : i32
          %dma_wait3A_86 = tpu.memref_slice %arg11[%dma_wait3A_83, %dma_wait3A_84, %dma_wait3A_85] : memref<5x128x16xf32, #tpu.memory_space<vmem>> -> memref<1x128x16xf32, #tpu.memory_space<vmem>>
          %dma_wait3A_87 = tpu.memref_squeeze %dma_wait3A_86 : memref<1x128x16xf32, #tpu.memory_space<vmem>> -> memref<128x16xf32, #tpu.memory_space<vmem>>
          %dma_wait3A_88 = arith.constant 0 : i32
          %dma_wait3A_89 = tpu.memref_slice %arg10[%add3A_76, %dma_wait3A_88] : memref<157x128xi32, #tpu.memory_space<vmem>> -> memref<1x128xi32, #tpu.memory_space<vmem>>
          %dma_wait3A_90 = tpu.memref_squeeze %dma_wait3A_89 : memref<1x128xi32, #tpu.memory_space<vmem>> -> memref<128xi32, #tpu.memory_space<vmem>>
          %dma_wait3A_91 = arith.constant 0 : i32
          %dma_wait3A_92 = arith.constant 0 : i32
          %dma_wait3A_93 = tpu.memref_slice %arg13[%dma_wait3A_91, %dma_wait3A_92] : memref<10240x16xf32, #tpu.memory_space<vmem_shared>> -> memref<10240x16xf32, #tpu.memory_space<vmem_shared>>
          tpu.wait_indirect_dma semaphore(%arg15 : memref<!tpu.dma_semaphore, #tpu.memory_space<semaphore_mem>>) src(%dma_wait3A_87 : memref<128x16xf32, #tpu.memory_space<vmem>>) dst(%dma_wait3A_93 : memref<10240x16xf32, #tpu.memory_space<vmem_shared>>)
        } else {
        }
      }
      %scan3A_72 = arith.constant 157 : i32
    } else {
    }
    %barrier3A_47 = arith.constant 0 : index
    tpu.barrier barrier_id(%barrier3A_47)
    %eq3A_48 = arith.constant 0 : i32
    %eq3A_49 = arith.cmpi eq, %arg0, %eq3A_48 : i32
    %convert_element_type3A_50 = arith.extui %eq3A_49 : i1 to i32
    %cond3A_51 = arith.constant 0 : i32
    %cond3A_52 = arith.cmpi ne, %convert_element_type3A_50, %cond3A_51 : i32
    scf.if %cond3A_52 {
      "tpu.region"() ({
        %run_scoped3A = tpu.sem_alloc : memref<!tpu.dma_semaphore, #tpu.memory_space<semaphore_mem>>
        %dma_start3A_58 = arith.constant 0 : i32
        %dma_start3A_59 = tpu.memref_slice %arg7[%mul3A_0, %dma_start3A_58] : memref<10240x16xf32, #tpu.memory_space<hbm>> -> memref<640x16xf32, #tpu.memory_space<hbm>>
        %dma_start3A_60 = arith.constant 0 : i32
        %dma_start3A_61 = tpu.memref_slice %arg13[%mul3A_0, %dma_start3A_60] : memref<10240x16xf32, #tpu.memory_space<vmem_shared>> -> memref<640x16xf32, #tpu.memory_space<vmem_shared>>
        tpu.enqueue_dma source(%dma_start3A_61 : memref<640x16xf32, #tpu.memory_space<vmem_shared>>) target(%dma_start3A_59 : memref<640x16xf32, #tpu.memory_space<hbm>>) target_semaphore(%run_scoped3A : memref<!tpu.dma_semaphore, #tpu.memory_space<semaphore_mem>>)
        %dma_wait3A_62 = arith.constant 0 : i32
        %dma_wait3A_63 = tpu.memref_slice %arg7[%mul3A_0, %dma_wait3A_62] : memref<10240x16xf32, #tpu.memory_space<hbm>> -> memref<640x16xf32, #tpu.memory_space<hbm>>
        %dma_wait3A_64 = arith.constant 0 : i32
        %dma_wait3A_65 = tpu.memref_slice %arg13[%mul3A_0, %dma_wait3A_64] : memref<10240x16xf32, #tpu.memory_space<vmem_shared>> -> memref<640x16xf32, #tpu.memory_space<vmem_shared>>
        tpu.wait_dma2 semaphore(%run_scoped3A : memref<!tpu.dma_semaphore, #tpu.memory_space<semaphore_mem>>) src(%dma_wait3A_65 : memref<640x16xf32, #tpu.memory_space<vmem_shared>>) dst(%dma_wait3A_63 : memref<640x16xf32, #tpu.memory_space<hbm>>)
        tpu.yield
      }) : () -> ()
    } else {
    }
    %eq3A_53 = arith.constant 1 : i32
    %eq3A_54 = arith.cmpi eq, %arg0, %eq3A_53 : i32
    %convert_element_type3A_55 = arith.extui %eq3A_54 : i1 to i32
    %cond3A_56 = arith.constant 0 : i32
    %cond3A_57 = arith.cmpi ne, %convert_element_type3A_55, %cond3A_56 : i32
    scf.if %cond3A_57 {
      "tpu.region"() ({
        %run_scoped3A = tpu.sem_alloc : memref<!tpu.dma_semaphore, #tpu.memory_space<semaphore_mem>>
        %dma_start3A_58 = arith.constant 0 : i32
        %dma_start3A_59 = tpu.memref_slice %arg8[%mul3A_0, %dma_start3A_58] : memref<10240x16xf32, #tpu.memory_space<hbm>> -> memref<640x16xf32, #tpu.memory_space<hbm>>
        %dma_start3A_60 = arith.constant 0 : i32
        %dma_start3A_61 = tpu.memref_slice %arg13[%mul3A_0, %dma_start3A_60] : memref<10240x16xf32, #tpu.memory_space<vmem_shared>> -> memref<640x16xf32, #tpu.memory_space<vmem_shared>>
        tpu.enqueue_dma source(%dma_start3A_61 : memref<640x16xf32, #tpu.memory_space<vmem_shared>>) target(%dma_start3A_59 : memref<640x16xf32, #tpu.memory_space<hbm>>) target_semaphore(%run_scoped3A : memref<!tpu.dma_semaphore, #tpu.memory_space<semaphore_mem>>)
        %dma_wait3A_62 = arith.constant 0 : i32
        %dma_wait3A_63 = tpu.memref_slice %arg8[%mul3A_0, %dma_wait3A_62] : memref<10240x16xf32, #tpu.memory_space<hbm>> -> memref<640x16xf32, #tpu.memory_space<hbm>>
        %dma_wait3A_64 = arith.constant 0 : i32
        %dma_wait3A_65 = tpu.memref_slice %arg13[%mul3A_0, %dma_wait3A_64] : memref<10240x16xf32, #tpu.memory_space<vmem_shared>> -> memref<640x16xf32, #tpu.memory_space<vmem_shared>>
        tpu.wait_dma2 semaphore(%run_scoped3A : memref<!tpu.dma_semaphore, #tpu.memory_space<semaphore_mem>>) src(%dma_wait3A_65 : memref<640x16xf32, #tpu.memory_space<vmem_shared>>) dst(%dma_wait3A_63 : memref<640x16xf32, #tpu.memory_space<hbm>>)
        tpu.yield
      }) : () -> ()
    } else {
    }
    return
  }
}

#map = affine_map<(d0, d1) -> (0, 0)>
#map1 = affine_map<(d0, d1) -> (0, 0, 0)>
module attributes {stable_mosaic.version = 14 : i64} {
  func.func @prop(%arg0: i32, %arg1: i32, %arg2: memref<10240x64xf32, #tpu.memory_space<hbm>>, %arg3: memref<10240x64xf32, #tpu.memory_space<hbm>>, %arg4: memref<16x157x128xi32, #tpu.memory_space<hbm>>, %arg5: memref<16x157x128xi32, #tpu.memory_space<hbm>>, %arg6: memref<64x64xf32, #tpu.memory_space<hbm>>, %arg7: memref<10240x64xf32, #tpu.memory_space<hbm>>, %arg8: memref<10240x64xf32, #tpu.memory_space<hbm>>, %arg9: memref<157x128xi32, #tpu.memory_space<vmem>>, %arg10: memref<157x128xi32, #tpu.memory_space<vmem>>, %arg11: memref<5x128x64xf32, #tpu.memory_space<vmem>>, %arg12: memref<64x64xf32, #tpu.memory_space<vmem>>, %arg13: memref<10240x64xf32, #tpu.memory_space<vmem_shared>>, %arg14: memref<!tpu.dma_semaphore, #tpu.memory_space<semaphore_mem>>, %arg15: memref<!tpu.dma_semaphore, #tpu.memory_space<semaphore_mem>>) attributes {dimension_semantics = [#tpu.dimension_semantics<core_parallel>, #tpu.dimension_semantics<subcore_parallel>], iteration_bounds = array<i64: 2, 16>, scalar_prefetch = 0 : i64, scratch_operands = 7 : i64, tpu.core_type = #tpu.core_type<sc_vector_subcore>, window_params = [{transform_indices = #map}, {transform_indices = #map}, {transform_indices = #map1}, {transform_indices = #map1}, {transform_indices = #map}, {transform_indices = #map}, {transform_indices = #map}]} {
    %mul3A = arith.constant 640 : i32
    %mul3A_0 = arith.muli %arg1, %mul3A : i32
    %dma_start3A = arith.constant 0 : i32
    %dma_start3A_1 = arith.constant 0 : i32
    %dma_start3A_2 = tpu.memref_slice %arg4[%arg1, %dma_start3A, %dma_start3A_1] : memref<16x157x128xi32, #tpu.memory_space<hbm>> -> memref<1x157x128xi32, #tpu.memory_space<hbm>>
    %dma_start3A_3 = tpu.memref_squeeze %dma_start3A_2 : memref<1x157x128xi32, #tpu.memory_space<hbm>> -> memref<157x128xi32, #tpu.memory_space<hbm>>
    %dma_start3A_4 = arith.constant 0 : i32
    %dma_start3A_5 = arith.constant 0 : i32
    %dma_start3A_6 = tpu.memref_slice %arg4[%arg1, %dma_start3A_4, %dma_start3A_5] : memref<16x157x128xi32, #tpu.memory_space<hbm>> -> memref<1x157x128xi32, #tpu.memory_space<hbm>>
    %dma_start3A_7 = tpu.memref_squeeze %dma_start3A_6 : memref<1x157x128xi32, #tpu.memory_space<hbm>> -> memref<157x128xi32, #tpu.memory_space<hbm>>
    tpu.enqueue_dma source(%dma_start3A_7 : memref<157x128xi32, #tpu.memory_space<hbm>>) target(%arg9 : memref<157x128xi32, #tpu.memory_space<vmem>>) target_semaphore(%arg14 : memref<!tpu.dma_semaphore, #tpu.memory_space<semaphore_mem>>)
    %dma_start3A_8 = arith.constant 0 : i32
    %dma_start3A_9 = arith.constant 0 : i32
    %dma_start3A_10 = tpu.memref_slice %arg5[%arg1, %dma_start3A_8, %dma_start3A_9] : memref<16x157x128xi32, #tpu.memory_space<hbm>> -> memref<1x157x128xi32, #tpu.memory_space<hbm>>
    %dma_start3A_11 = tpu.memref_squeeze %dma_start3A_10 : memref<1x157x128xi32, #tpu.memory_space<hbm>> -> memref<157x128xi32, #tpu.memory_space<hbm>>
    %dma_start3A_12 = arith.constant 0 : i32
    %dma_start3A_13 = arith.constant 0 : i32
    %dma_start3A_14 = tpu.memref_slice %arg5[%arg1, %dma_start3A_12, %dma_start3A_13] : memref<16x157x128xi32, #tpu.memory_space<hbm>> -> memref<1x157x128xi32, #tpu.memory_space<hbm>>
    %dma_start3A_15 = tpu.memref_squeeze %dma_start3A_14 : memref<1x157x128xi32, #tpu.memory_space<hbm>> -> memref<157x128xi32, #tpu.memory_space<hbm>>
    tpu.enqueue_dma source(%dma_start3A_15 : memref<157x128xi32, #tpu.memory_space<hbm>>) target(%arg10 : memref<157x128xi32, #tpu.memory_space<vmem>>) target_semaphore(%arg14 : memref<!tpu.dma_semaphore, #tpu.memory_space<semaphore_mem>>)
    "tpu.region"() ({
      %run_scoped3A = tpu.sem_alloc : memref<!tpu.dma_semaphore, #tpu.memory_space<semaphore_mem>>
      tpu.enqueue_dma source(%arg6 : memref<64x64xf32, #tpu.memory_space<hbm>>) target(%arg12 : memref<64x64xf32, #tpu.memory_space<vmem>>) target_semaphore(%run_scoped3A : memref<!tpu.dma_semaphore, #tpu.memory_space<semaphore_mem>>)
      tpu.wait_dma2 semaphore(%run_scoped3A : memref<!tpu.dma_semaphore, #tpu.memory_space<semaphore_mem>>) src(%arg6 : memref<64x64xf32, #tpu.memory_space<hbm>>) dst(%arg12 : memref<64x64xf32, #tpu.memory_space<vmem>>)
      tpu.yield
    }) : () -> ()
    %scan3A = arith.constant 0 : i32
    %scan3A_16 = arith.constant 10 : i32
    %scan3A_17 = arith.addi %scan3A, %scan3A_16 : i32
    %scan3A_18 = arith.constant 1 : i32
    scf.for %scan3A_58 = %scan3A to %scan3A_17 step %scan3A_18  : i32 {
      %mul3A_59 = arith.constant 1 : i32
      %mul3A_60 = arith.muli %scan3A_58, %mul3A_59 : i32
      %add3A = arith.constant 0 : i32
      %add3A_61 = arith.addi %add3A, %mul3A_60 : i32
      %mul3A_62 = arith.constant 64 : i32
      %mul3A_63 = arith.muli %add3A_61, %mul3A_62 : i32
      %add3A_64 = arith.addi %mul3A_0, %mul3A_63 : i32
      %dma_start3A_65 = arith.constant 0 : i32
      %dma_start3A_66 = tpu.memref_slice %arg13[%add3A_64, %dma_start3A_65] : memref<10240x64xf32, #tpu.memory_space<vmem_shared>> -> memref<64x64xf32, #tpu.memory_space<vmem_shared>>
      %dma_start3A_67 = arith.constant 0 : i32
      %dma_start3A_68 = tpu.memref_slice %arg13[%add3A_64, %dma_start3A_67] : memref<10240x64xf32, #tpu.memory_space<vmem_shared>> -> memref<64x64xf32, #tpu.memory_space<vmem_shared>>
      tpu.enqueue_dma source(%arg12 : memref<64x64xf32, #tpu.memory_space<vmem>>) target(%dma_start3A_68 : memref<64x64xf32, #tpu.memory_space<vmem_shared>>) target_semaphore(%arg15 : memref<!tpu.dma_semaphore, #tpu.memory_space<semaphore_mem>>)
    }
    %scan3A_19 = arith.constant 10 : i32
    %scan3A_20 = arith.constant 0 : i32
    %scan3A_21 = arith.constant 10 : i32
    %scan3A_22 = arith.addi %scan3A_20, %scan3A_21 : i32
    %scan3A_23 = arith.constant 1 : i32
    scf.for %scan3A_58 = %scan3A_20 to %scan3A_22 step %scan3A_23  : i32 {
      %mul3A_59 = arith.constant 1 : i32
      %mul3A_60 = arith.muli %scan3A_58, %mul3A_59 : i32
      %add3A = arith.constant 0 : i32
      %add3A_61 = arith.addi %add3A, %mul3A_60 : i32
      %mul3A_62 = arith.constant 64 : i32
      %mul3A_63 = arith.muli %add3A_61, %mul3A_62 : i32
      %add3A_64 = arith.addi %mul3A_0, %mul3A_63 : i32
      %dma_wait3A_65 = arith.constant 0 : i32
      %dma_wait3A_66 = tpu.memref_slice %arg13[%add3A_64, %dma_wait3A_65] : memref<10240x64xf32, #tpu.memory_space<vmem_shared>> -> memref<64x64xf32, #tpu.memory_space<vmem_shared>>
      %dma_wait3A_67 = arith.constant 0 : i32
      %dma_wait3A_68 = tpu.memref_slice %arg13[%add3A_64, %dma_wait3A_67] : memref<10240x64xf32, #tpu.memory_space<vmem_shared>> -> memref<64x64xf32, #tpu.memory_space<vmem_shared>>
      tpu.wait_dma2 semaphore(%arg15 : memref<!tpu.dma_semaphore, #tpu.memory_space<semaphore_mem>>) src(%arg12 : memref<64x64xf32, #tpu.memory_space<vmem>>) dst(%dma_wait3A_68 : memref<64x64xf32, #tpu.memory_space<vmem_shared>>)
    }
    %scan3A_24 = arith.constant 10 : i32
    %dma_wait3A = arith.constant 0 : i32
    %dma_wait3A_25 = arith.constant 0 : i32
    %dma_wait3A_26 = tpu.memref_slice %arg4[%arg1, %dma_wait3A, %dma_wait3A_25] : memref<16x157x128xi32, #tpu.memory_space<hbm>> -> memref<1x157x128xi32, #tpu.memory_space<hbm>>
    %dma_wait3A_27 = tpu.memref_squeeze %dma_wait3A_26 : memref<1x157x128xi32, #tpu.memory_space<hbm>> -> memref<157x128xi32, #tpu.memory_space<hbm>>
    %dma_wait3A_28 = arith.constant 0 : i32
    %dma_wait3A_29 = arith.constant 0 : i32
    %dma_wait3A_30 = tpu.memref_slice %arg4[%arg1, %dma_wait3A_28, %dma_wait3A_29] : memref<16x157x128xi32, #tpu.memory_space<hbm>> -> memref<1x157x128xi32, #tpu.memory_space<hbm>>
    %dma_wait3A_31 = tpu.memref_squeeze %dma_wait3A_30 : memref<1x157x128xi32, #tpu.memory_space<hbm>> -> memref<157x128xi32, #tpu.memory_space<hbm>>
    tpu.wait_dma2 semaphore(%arg14 : memref<!tpu.dma_semaphore, #tpu.memory_space<semaphore_mem>>) src(%dma_wait3A_31 : memref<157x128xi32, #tpu.memory_space<hbm>>) dst(%arg9 : memref<157x128xi32, #tpu.memory_space<vmem>>)
    %dma_wait3A_32 = arith.constant 0 : i32
    %dma_wait3A_33 = arith.constant 0 : i32
    %dma_wait3A_34 = tpu.memref_slice %arg5[%arg1, %dma_wait3A_32, %dma_wait3A_33] : memref<16x157x128xi32, #tpu.memory_space<hbm>> -> memref<1x157x128xi32, #tpu.memory_space<hbm>>
    %dma_wait3A_35 = tpu.memref_squeeze %dma_wait3A_34 : memref<1x157x128xi32, #tpu.memory_space<hbm>> -> memref<157x128xi32, #tpu.memory_space<hbm>>
    %dma_wait3A_36 = arith.constant 0 : i32
    %dma_wait3A_37 = arith.constant 0 : i32
    %dma_wait3A_38 = tpu.memref_slice %arg5[%arg1, %dma_wait3A_36, %dma_wait3A_37] : memref<16x157x128xi32, #tpu.memory_space<hbm>> -> memref<1x157x128xi32, #tpu.memory_space<hbm>>
    %dma_wait3A_39 = tpu.memref_squeeze %dma_wait3A_38 : memref<1x157x128xi32, #tpu.memory_space<hbm>> -> memref<157x128xi32, #tpu.memory_space<hbm>>
    tpu.wait_dma2 semaphore(%arg14 : memref<!tpu.dma_semaphore, #tpu.memory_space<semaphore_mem>>) src(%dma_wait3A_39 : memref<157x128xi32, #tpu.memory_space<hbm>>) dst(%arg10 : memref<157x128xi32, #tpu.memory_space<vmem>>)
    %barrier3A = arith.constant 0 : index
    tpu.barrier barrier_id(%barrier3A)
    %eq3A = arith.constant 0 : i32
    %eq3A_40 = arith.cmpi eq, %arg0, %eq3A : i32
    %convert_element_type3A = arith.extui %eq3A_40 : i1 to i32
    %cond3A = arith.constant 0 : i32
    %cond3A_41 = arith.cmpi ne, %convert_element_type3A, %cond3A : i32
    scf.if %cond3A_41 {
      %dma_start3A_58 = arith.constant 0 : i32
      %dma_start3A_59 = arith.constant 0 : i32
      %dma_start3A_60 = arith.constant 0 : i32
      %dma_start3A_61 = arith.constant 0 : i32
      %dma_start3A_62 = tpu.memref_slice %arg11[%dma_start3A_59, %dma_start3A_60, %dma_start3A_61] : memref<5x128x64xf32, #tpu.memory_space<vmem>> -> memref<1x128x64xf32, #tpu.memory_space<vmem>>
      %dma_start3A_63 = tpu.memref_squeeze %dma_start3A_62 : memref<1x128x64xf32, #tpu.memory_space<vmem>> -> memref<128x64xf32, #tpu.memory_space<vmem>>
      %dma_start3A_64 = arith.constant 0 : i32
      %dma_start3A_65 = tpu.memref_slice %arg9[%dma_start3A_58, %dma_start3A_64] : memref<157x128xi32, #tpu.memory_space<vmem>> -> memref<1x128xi32, #tpu.memory_space<vmem>>
      %dma_start3A_66 = tpu.memref_squeeze %dma_start3A_65 : memref<1x128xi32, #tpu.memory_space<vmem>> -> memref<128xi32, #tpu.memory_space<vmem>>
      %dma_start3A_67 = arith.constant 0 : i32
      %dma_start3A_68 = arith.constant 0 : i32
      %dma_start3A_69 = tpu.memref_slice %arg2[%dma_start3A_67, %dma_start3A_68] : memref<10240x64xf32, #tpu.memory_space<hbm>> -> memref<10240x64xf32, #tpu.memory_space<hbm>>
      tpu.enqueue_indirect_dma source(%dma_start3A_69 : memref<10240x64xf32, #tpu.memory_space<hbm>>) target(%dma_start3A_63 : memref<128x64xf32, #tpu.memory_space<vmem>>) offsets(%dma_start3A_66 : memref<128xi32, #tpu.memory_space<vmem>>) semaphore(%arg14 : memref<!tpu.dma_semaphore, #tpu.memory_space<semaphore_mem>>)
      %dma_start3A_70 = arith.constant 1 : i32
      %dma_start3A_71 = arith.constant 1 : i32
      %dma_start3A_72 = arith.constant 0 : i32
      %dma_start3A_73 = arith.constant 0 : i32
      %dma_start3A_74 = tpu.memref_slice %arg11[%dma_start3A_71, %dma_start3A_72, %dma_start3A_73] : memref<5x128x64xf32, #tpu.memory_space<vmem>> -> memref<1x128x64xf32, #tpu.memory_space<vmem>>
      %dma_start3A_75 = tpu.memref_squeeze %dma_start3A_74 : memref<1x128x64xf32, #tpu.memory_space<vmem>> -> memref<128x64xf32, #tpu.memory_space<vmem>>
      %dma_start3A_76 = arith.constant 0 : i32
      %dma_start3A_77 = tpu.memref_slice %arg9[%dma_start3A_70, %dma_start3A_76] : memref<157x128xi32, #tpu.memory_space<vmem>> -> memref<1x128xi32, #tpu.memory_space<vmem>>
      %dma_start3A_78 = tpu.memref_squeeze %dma_start3A_77 : memref<1x128xi32, #tpu.memory_space<vmem>> -> memref<128xi32, #tpu.memory_space<vmem>>
      %dma_start3A_79 = arith.constant 0 : i32
      %dma_start3A_80 = arith.constant 0 : i32
      %dma_start3A_81 = tpu.memref_slice %arg2[%dma_start3A_79, %dma_start3A_80] : memref<10240x64xf32, #tpu.memory_space<hbm>> -> memref<10240x64xf32, #tpu.memory_space<hbm>>
      tpu.enqueue_indirect_dma source(%dma_start3A_81 : memref<10240x64xf32, #tpu.memory_space<hbm>>) target(%dma_start3A_75 : memref<128x64xf32, #tpu.memory_space<vmem>>) offsets(%dma_start3A_78 : memref<128xi32, #tpu.memory_space<vmem>>) semaphore(%arg14 : memref<!tpu.dma_semaphore, #tpu.memory_space<semaphore_mem>>)
      %dma_start3A_82 = arith.constant 2 : i32
      %dma_start3A_83 = arith.constant 2 : i32
      %dma_start3A_84 = arith.constant 0 : i32
      %dma_start3A_85 = arith.constant 0 : i32
      %dma_start3A_86 = tpu.memref_slice %arg11[%dma_start3A_83, %dma_start3A_84, %dma_start3A_85] : memref<5x128x64xf32, #tpu.memory_space<vmem>> -> memref<1x128x64xf32, #tpu.memory_space<vmem>>
      %dma_start3A_87 = tpu.memref_squeeze %dma_start3A_86 : memref<1x128x64xf32, #tpu.memory_space<vmem>> -> memref<128x64xf32, #tpu.memory_space<vmem>>
      %dma_start3A_88 = arith.constant 0 : i32
      %dma_start3A_89 = tpu.memref_slice %arg9[%dma_start3A_82, %dma_start3A_88] : memref<157x128xi32, #tpu.memory_space<vmem>> -> memref<1x128xi32, #tpu.memory_space<vmem>>
      %dma_start3A_90 = tpu.memref_squeeze %dma_start3A_89 : memref<1x128xi32, #tpu.memory_space<vmem>> -> memref<128xi32, #tpu.memory_space<vmem>>
      %dma_start3A_91 = arith.constant 0 : i32
      %dma_start3A_92 = arith.constant 0 : i32
      %dma_start3A_93 = tpu.memref_slice %arg2[%dma_start3A_91, %dma_start3A_92] : memref<10240x64xf32, #tpu.memory_space<hbm>> -> memref<10240x64xf32, #tpu.memory_space<hbm>>
      tpu.enqueue_indirect_dma source(%dma_start3A_93 : memref<10240x64xf32, #tpu.memory_space<hbm>>) target(%dma_start3A_87 : memref<128x64xf32, #tpu.memory_space<vmem>>) offsets(%dma_start3A_90 : memref<128xi32, #tpu.memory_space<vmem>>) semaphore(%arg14 : memref<!tpu.dma_semaphore, #tpu.memory_space<semaphore_mem>>)
      %scan3A_94 = arith.constant 0 : i32
      %scan3A_95 = arith.constant 157 : i32
      %scan3A_96 = arith.addi %scan3A_94, %scan3A_95 : i32
      %scan3A_97 = arith.constant 1 : i32
      scf.for %scan3A_104 = %scan3A_94 to %scan3A_96 step %scan3A_97  : i32 {
        %mul3A_105 = arith.constant 1 : i32
        %mul3A_106 = arith.muli %scan3A_104, %mul3A_105 : i32
        %add3A = arith.constant 0 : i32
        %add3A_107 = arith.addi %add3A, %mul3A_106 : i32
        %ge3A = arith.constant 2 : i32
        %ge3A_108 = arith.cmpi sge, %add3A_107, %ge3A : i32
        %convert_element_type3A_109 = arith.extui %ge3A_108 : i1 to i32
        %cond3A_110 = arith.constant 0 : i32
        %cond3A_111 = arith.cmpi ne, %convert_element_type3A_109, %cond3A_110 : i32
        scf.if %cond3A_111 {
          %sub3A = arith.constant 2 : i32
          %sub3A_165 = arith.subi %add3A_107, %sub3A : i32
          %sub3A_166 = arith.constant 2 : i32
          %sub3A_167 = arith.subi %add3A_107, %sub3A_166 : i32
          %jit3A_168 = arith.constant 5 : i32
          %eq3A_169 = arith.constant 0 : i32
          %eq3A_170 = arith.cmpi eq, %jit3A_168, %eq3A_169 : i32
          %jit3A_171 = arith.constant 1 : i32
          %select_n3A_172 = arith.select %eq3A_170, %jit3A_171, %jit3A_168 : i32
          %rem3A_173 = arith.remsi %sub3A_167, %select_n3A_172 : i32
          %ne3A_174 = arith.constant 0 : i32
          %ne3A_175 = arith.cmpi ne, %rem3A_173, %ne3A_174 : i32
          %lt3A_176 = arith.constant 0 : i32
          %lt3A_177 = arith.cmpi slt, %rem3A_173, %lt3A_176 : i32
          %lt3A_178 = arith.constant 0 : i32
          %lt3A_179 = arith.cmpi slt, %select_n3A_172, %lt3A_178 : i32
          %ne3A_180 = arith.xori %lt3A_177, %lt3A_179 : i1
          %and3A_181 = arith.andi %ne3A_180, %ne3A_175 : i1
          %add3A_182 = arith.addi %rem3A_173, %select_n3A_172 : i32
          %select_n3A_183 = arith.select %and3A_181, %add3A_182, %rem3A_173 : i32
          %dma_wait3A_184 = arith.constant 0 : i32
          %dma_wait3A_185 = arith.constant 0 : i32
          %dma_wait3A_186 = tpu.memref_slice %arg11[%select_n3A_183, %dma_wait3A_184, %dma_wait3A_185] : memref<5x128x64xf32, #tpu.memory_space<vmem>> -> memref<1x128x64xf32, #tpu.memory_space<vmem>>
          %dma_wait3A_187 = tpu.memref_squeeze %dma_wait3A_186 : memref<1x128x64xf32, #tpu.memory_space<vmem>> -> memref<128x64xf32, #tpu.memory_space<vmem>>
          %dma_wait3A_188 = arith.constant 0 : i32
          %dma_wait3A_189 = tpu.memref_slice %arg10[%sub3A_165, %dma_wait3A_188] : memref<157x128xi32, #tpu.memory_space<vmem>> -> memref<1x128xi32, #tpu.memory_space<vmem>>
          %dma_wait3A_190 = tpu.memref_squeeze %dma_wait3A_189 : memref<1x128xi32, #tpu.memory_space<vmem>> -> memref<128xi32, #tpu.memory_space<vmem>>
          %dma_wait3A_191 = arith.constant 0 : i32
          %dma_wait3A_192 = arith.constant 0 : i32
          %dma_wait3A_193 = tpu.memref_slice %arg13[%dma_wait3A_191, %dma_wait3A_192] : memref<10240x64xf32, #tpu.memory_space<vmem_shared>> -> memref<10240x64xf32, #tpu.memory_space<vmem_shared>>
          tpu.wait_indirect_dma semaphore(%arg15 : memref<!tpu.dma_semaphore, #tpu.memory_space<semaphore_mem>>) src(%dma_wait3A_187 : memref<128x64xf32, #tpu.memory_space<vmem>>) dst(%dma_wait3A_193 : memref<10240x64xf32, #tpu.memory_space<vmem_shared>>)
        } else {
        }
        %add3A_112 = arith.constant 3 : i32
        %add3A_113 = arith.addi %add3A_107, %add3A_112 : i32
        %lt3A = arith.constant 157 : i32
        %lt3A_114 = arith.cmpi slt, %add3A_113, %lt3A : i32
        %convert_element_type3A_115 = arith.extui %lt3A_114 : i1 to i32
        %cond3A_116 = arith.constant 0 : i32
        %cond3A_117 = arith.cmpi ne, %convert_element_type3A_115, %cond3A_116 : i32
        scf.if %cond3A_117 {
          %add3A_165 = arith.constant 3 : i32
          %add3A_166 = arith.addi %add3A_107, %add3A_165 : i32
          %jit3A_167 = arith.constant 5 : i32
          %eq3A_168 = arith.constant 0 : i32
          %eq3A_169 = arith.cmpi eq, %jit3A_167, %eq3A_168 : i32
          %jit3A_170 = arith.constant 1 : i32
          %select_n3A_171 = arith.select %eq3A_169, %jit3A_170, %jit3A_167 : i32
          %rem3A_172 = arith.remsi %add3A_166, %select_n3A_171 : i32
          %ne3A_173 = arith.constant 0 : i32
          %ne3A_174 = arith.cmpi ne, %rem3A_172, %ne3A_173 : i32
          %lt3A_175 = arith.constant 0 : i32
          %lt3A_176 = arith.cmpi slt, %rem3A_172, %lt3A_175 : i32
          %lt3A_177 = arith.constant 0 : i32
          %lt3A_178 = arith.cmpi slt, %select_n3A_171, %lt3A_177 : i32
          %ne3A_179 = arith.xori %lt3A_176, %lt3A_178 : i1
          %and3A_180 = arith.andi %ne3A_179, %ne3A_174 : i1
          %add3A_181 = arith.addi %rem3A_172, %select_n3A_171 : i32
          %select_n3A_182 = arith.select %and3A_180, %add3A_181, %rem3A_172 : i32
          %dma_start3A_183 = arith.constant 0 : i32
          %dma_start3A_184 = arith.constant 0 : i32
          %dma_start3A_185 = tpu.memref_slice %arg11[%select_n3A_182, %dma_start3A_183, %dma_start3A_184] : memref<5x128x64xf32, #tpu.memory_space<vmem>> -> memref<1x128x64xf32, #tpu.memory_space<vmem>>
          %dma_start3A_186 = tpu.memref_squeeze %dma_start3A_185 : memref<1x128x64xf32, #tpu.memory_space<vmem>> -> memref<128x64xf32, #tpu.memory_space<vmem>>
          %dma_start3A_187 = arith.constant 0 : i32
          %dma_start3A_188 = tpu.memref_slice %arg9[%add3A_166, %dma_start3A_187] : memref<157x128xi32, #tpu.memory_space<vmem>> -> memref<1x128xi32, #tpu.memory_space<vmem>>
          %dma_start3A_189 = tpu.memref_squeeze %dma_start3A_188 : memref<1x128xi32, #tpu.memory_space<vmem>> -> memref<128xi32, #tpu.memory_space<vmem>>
          %dma_start3A_190 = arith.constant 0 : i32
          %dma_start3A_191 = arith.constant 0 : i32
          %dma_start3A_192 = tpu.memref_slice %arg2[%dma_start3A_190, %dma_start3A_191] : memref<10240x64xf32, #tpu.memory_space<hbm>> -> memref<10240x64xf32, #tpu.memory_space<hbm>>
          tpu.enqueue_indirect_dma source(%dma_start3A_192 : memref<10240x64xf32, #tpu.memory_space<hbm>>) target(%dma_start3A_186 : memref<128x64xf32, #tpu.memory_space<vmem>>) offsets(%dma_start3A_189 : memref<128xi32, #tpu.memory_space<vmem>>) semaphore(%arg14 : memref<!tpu.dma_semaphore, #tpu.memory_space<semaphore_mem>>)
        } else {
        }
        %jit3A = arith.constant 5 : i32
        %eq3A_118 = arith.constant 0 : i32
        %eq3A_119 = arith.cmpi eq, %jit3A, %eq3A_118 : i32
        %jit3A_120 = arith.constant 1 : i32
        %select_n3A = arith.select %eq3A_119, %jit3A_120, %jit3A : i32
        %rem3A = arith.remsi %add3A_107, %select_n3A : i32
        %ne3A = arith.constant 0 : i32
        %ne3A_121 = arith.cmpi ne, %rem3A, %ne3A : i32
        %lt3A_122 = arith.constant 0 : i32
        %lt3A_123 = arith.cmpi slt, %rem3A, %lt3A_122 : i32
        %lt3A_124 = arith.constant 0 : i32
        %lt3A_125 = arith.cmpi slt, %select_n3A, %lt3A_124 : i32
        %ne3A_126 = arith.xori %lt3A_123, %lt3A_125 : i1
        %and3A = arith.andi %ne3A_126, %ne3A_121 : i1
        %add3A_127 = arith.addi %rem3A, %select_n3A : i32
        %select_n3A_128 = arith.select %and3A, %add3A_127, %rem3A : i32
        %dma_wait3A_129 = arith.constant 0 : i32
        %dma_wait3A_130 = arith.constant 0 : i32
        %dma_wait3A_131 = tpu.memref_slice %arg11[%select_n3A_128, %dma_wait3A_129, %dma_wait3A_130] : memref<5x128x64xf32, #tpu.memory_space<vmem>> -> memref<1x128x64xf32, #tpu.memory_space<vmem>>
        %dma_wait3A_132 = tpu.memref_squeeze %dma_wait3A_131 : memref<1x128x64xf32, #tpu.memory_space<vmem>> -> memref<128x64xf32, #tpu.memory_space<vmem>>
        %dma_wait3A_133 = arith.constant 0 : i32
        %dma_wait3A_134 = tpu.memref_slice %arg9[%add3A_107, %dma_wait3A_133] : memref<157x128xi32, #tpu.memory_space<vmem>> -> memref<1x128xi32, #tpu.memory_space<vmem>>
        %dma_wait3A_135 = tpu.memref_squeeze %dma_wait3A_134 : memref<1x128xi32, #tpu.memory_space<vmem>> -> memref<128xi32, #tpu.memory_space<vmem>>
        %dma_wait3A_136 = arith.constant 0 : i32
        %dma_wait3A_137 = arith.constant 0 : i32
        %dma_wait3A_138 = tpu.memref_slice %arg2[%dma_wait3A_136, %dma_wait3A_137] : memref<10240x64xf32, #tpu.memory_space<hbm>> -> memref<10240x64xf32, #tpu.memory_space<hbm>>
        tpu.wait_indirect_dma semaphore(%arg14 : memref<!tpu.dma_semaphore, #tpu.memory_space<semaphore_mem>>) src(%dma_wait3A_138 : memref<10240x64xf32, #tpu.memory_space<hbm>>) dst(%dma_wait3A_132 : memref<128x64xf32, #tpu.memory_space<vmem>>)
        %jit3A_139 = arith.constant 5 : i32
        %eq3A_140 = arith.constant 0 : i32
        %eq3A_141 = arith.cmpi eq, %jit3A_139, %eq3A_140 : i32
        %jit3A_142 = arith.constant 1 : i32
        %select_n3A_143 = arith.select %eq3A_141, %jit3A_142, %jit3A_139 : i32
        %rem3A_144 = arith.remsi %add3A_107, %select_n3A_143 : i32
        %ne3A_145 = arith.constant 0 : i32
        %ne3A_146 = arith.cmpi ne, %rem3A_144, %ne3A_145 : i32
        %lt3A_147 = arith.constant 0 : i32
        %lt3A_148 = arith.cmpi slt, %rem3A_144, %lt3A_147 : i32
        %lt3A_149 = arith.constant 0 : i32
        %lt3A_150 = arith.cmpi slt, %select_n3A_143, %lt3A_149 : i32
        %ne3A_151 = arith.xori %lt3A_148, %lt3A_150 : i1
        %and3A_152 = arith.andi %ne3A_151, %ne3A_146 : i1
        %add3A_153 = arith.addi %rem3A_144, %select_n3A_143 : i32
        %select_n3A_154 = arith.select %and3A_152, %add3A_153, %rem3A_144 : i32
        %dma_start3A_155 = arith.constant 0 : i32
        %dma_start3A_156 = arith.constant 0 : i32
        %dma_start3A_157 = tpu.memref_slice %arg11[%select_n3A_154, %dma_start3A_155, %dma_start3A_156] : memref<5x128x64xf32, #tpu.memory_space<vmem>> -> memref<1x128x64xf32, #tpu.memory_space<vmem>>
        %dma_start3A_158 = tpu.memref_squeeze %dma_start3A_157 : memref<1x128x64xf32, #tpu.memory_space<vmem>> -> memref<128x64xf32, #tpu.memory_space<vmem>>
        %dma_start3A_159 = arith.constant 0 : i32
        %dma_start3A_160 = tpu.memref_slice %arg10[%add3A_107, %dma_start3A_159] : memref<157x128xi32, #tpu.memory_space<vmem>> -> memref<1x128xi32, #tpu.memory_space<vmem>>
        %dma_start3A_161 = tpu.memref_squeeze %dma_start3A_160 : memref<1x128xi32, #tpu.memory_space<vmem>> -> memref<128xi32, #tpu.memory_space<vmem>>
        %dma_start3A_162 = arith.constant 0 : i32
        %dma_start3A_163 = arith.constant 0 : i32
        %dma_start3A_164 = tpu.memref_slice %arg13[%dma_start3A_162, %dma_start3A_163] : memref<10240x64xf32, #tpu.memory_space<vmem_shared>> -> memref<10240x64xf32, #tpu.memory_space<vmem_shared>>
        tpu.enqueue_indirect_dma source(%dma_start3A_158 : memref<128x64xf32, #tpu.memory_space<vmem>>) target(%dma_start3A_164 : memref<10240x64xf32, #tpu.memory_space<vmem_shared>>) offsets(%dma_start3A_161 : memref<128xi32, #tpu.memory_space<vmem>>) semaphore(%arg15 : memref<!tpu.dma_semaphore, #tpu.memory_space<semaphore_mem>>) {add = true}
      }
      %scan3A_98 = arith.constant 157 : i32
      %scan3A_99 = arith.constant 0 : i32
      %scan3A_100 = arith.constant 2 : i32
      %scan3A_101 = arith.addi %scan3A_99, %scan3A_100 : i32
      %scan3A_102 = arith.constant 1 : i32
      scf.for %scan3A_104 = %scan3A_99 to %scan3A_101 step %scan3A_102  : i32 {
        %mul3A_105 = arith.constant 1 : i32
        %mul3A_106 = arith.muli %scan3A_104, %mul3A_105 : i32
        %add3A = arith.constant 155 : i32
        %add3A_107 = arith.addi %add3A, %mul3A_106 : i32
        %jit3A = arith.constant 5 : i32
        %eq3A_108 = arith.constant 0 : i32
        %eq3A_109 = arith.cmpi eq, %jit3A, %eq3A_108 : i32
        %jit3A_110 = arith.constant 1 : i32
        %select_n3A = arith.select %eq3A_109, %jit3A_110, %jit3A : i32
        %rem3A = arith.remsi %add3A_107, %select_n3A : i32
        %ne3A = arith.constant 0 : i32
        %ne3A_111 = arith.cmpi ne, %rem3A, %ne3A : i32
        %lt3A = arith.constant 0 : i32
        %lt3A_112 = arith.cmpi slt, %rem3A, %lt3A : i32
        %lt3A_113 = arith.constant 0 : i32
        %lt3A_114 = arith.cmpi slt, %select_n3A, %lt3A_113 : i32
        %ne3A_115 = arith.xori %lt3A_112, %lt3A_114 : i1
        %and3A = arith.andi %ne3A_115, %ne3A_111 : i1
        %add3A_116 = arith.addi %rem3A, %select_n3A : i32
        %select_n3A_117 = arith.select %and3A, %add3A_116, %rem3A : i32
        %dma_wait3A_118 = arith.constant 0 : i32
        %dma_wait3A_119 = arith.constant 0 : i32
        %dma_wait3A_120 = tpu.memref_slice %arg11[%select_n3A_117, %dma_wait3A_118, %dma_wait3A_119] : memref<5x128x64xf32, #tpu.memory_space<vmem>> -> memref<1x128x64xf32, #tpu.memory_space<vmem>>
        %dma_wait3A_121 = tpu.memref_squeeze %dma_wait3A_120 : memref<1x128x64xf32, #tpu.memory_space<vmem>> -> memref<128x64xf32, #tpu.memory_space<vmem>>
        %dma_wait3A_122 = arith.constant 0 : i32
        %dma_wait3A_123 = tpu.memref_slice %arg10[%add3A_107, %dma_wait3A_122] : memref<157x128xi32, #tpu.memory_space<vmem>> -> memref<1x128xi32, #tpu.memory_space<vmem>>
        %dma_wait3A_124 = tpu.memref_squeeze %dma_wait3A_123 : memref<1x128xi32, #tpu.memory_space<vmem>> -> memref<128xi32, #tpu.memory_space<vmem>>
        %dma_wait3A_125 = arith.constant 0 : i32
        %dma_wait3A_126 = arith.constant 0 : i32
        %dma_wait3A_127 = tpu.memref_slice %arg13[%dma_wait3A_125, %dma_wait3A_126] : memref<10240x64xf32, #tpu.memory_space<vmem_shared>> -> memref<10240x64xf32, #tpu.memory_space<vmem_shared>>
        tpu.wait_indirect_dma semaphore(%arg15 : memref<!tpu.dma_semaphore, #tpu.memory_space<semaphore_mem>>) src(%dma_wait3A_121 : memref<128x64xf32, #tpu.memory_space<vmem>>) dst(%dma_wait3A_127 : memref<10240x64xf32, #tpu.memory_space<vmem_shared>>)
      }
      %scan3A_103 = arith.constant 2 : i32
    } else {
    }
    %eq3A_42 = arith.constant 1 : i32
    %eq3A_43 = arith.cmpi eq, %arg0, %eq3A_42 : i32
    %convert_element_type3A_44 = arith.extui %eq3A_43 : i1 to i32
    %cond3A_45 = arith.constant 0 : i32
    %cond3A_46 = arith.cmpi ne, %convert_element_type3A_44, %cond3A_45 : i32
    scf.if %cond3A_46 {
      %dma_start3A_58 = arith.constant 0 : i32
      %dma_start3A_59 = arith.constant 0 : i32
      %dma_start3A_60 = arith.constant 0 : i32
      %dma_start3A_61 = arith.constant 0 : i32
      %dma_start3A_62 = tpu.memref_slice %arg11[%dma_start3A_59, %dma_start3A_60, %dma_start3A_61] : memref<5x128x64xf32, #tpu.memory_space<vmem>> -> memref<1x128x64xf32, #tpu.memory_space<vmem>>
      %dma_start3A_63 = tpu.memref_squeeze %dma_start3A_62 : memref<1x128x64xf32, #tpu.memory_space<vmem>> -> memref<128x64xf32, #tpu.memory_space<vmem>>
      %dma_start3A_64 = arith.constant 0 : i32
      %dma_start3A_65 = tpu.memref_slice %arg9[%dma_start3A_58, %dma_start3A_64] : memref<157x128xi32, #tpu.memory_space<vmem>> -> memref<1x128xi32, #tpu.memory_space<vmem>>
      %dma_start3A_66 = tpu.memref_squeeze %dma_start3A_65 : memref<1x128xi32, #tpu.memory_space<vmem>> -> memref<128xi32, #tpu.memory_space<vmem>>
      %dma_start3A_67 = arith.constant 0 : i32
      %dma_start3A_68 = arith.constant 0 : i32
      %dma_start3A_69 = tpu.memref_slice %arg3[%dma_start3A_67, %dma_start3A_68] : memref<10240x64xf32, #tpu.memory_space<hbm>> -> memref<10240x64xf32, #tpu.memory_space<hbm>>
      tpu.enqueue_indirect_dma source(%dma_start3A_69 : memref<10240x64xf32, #tpu.memory_space<hbm>>) target(%dma_start3A_63 : memref<128x64xf32, #tpu.memory_space<vmem>>) offsets(%dma_start3A_66 : memref<128xi32, #tpu.memory_space<vmem>>) semaphore(%arg14 : memref<!tpu.dma_semaphore, #tpu.memory_space<semaphore_mem>>)
      %dma_start3A_70 = arith.constant 1 : i32
      %dma_start3A_71 = arith.constant 1 : i32
      %dma_start3A_72 = arith.constant 0 : i32
      %dma_start3A_73 = arith.constant 0 : i32
      %dma_start3A_74 = tpu.memref_slice %arg11[%dma_start3A_71, %dma_start3A_72, %dma_start3A_73] : memref<5x128x64xf32, #tpu.memory_space<vmem>> -> memref<1x128x64xf32, #tpu.memory_space<vmem>>
      %dma_start3A_75 = tpu.memref_squeeze %dma_start3A_74 : memref<1x128x64xf32, #tpu.memory_space<vmem>> -> memref<128x64xf32, #tpu.memory_space<vmem>>
      %dma_start3A_76 = arith.constant 0 : i32
      %dma_start3A_77 = tpu.memref_slice %arg9[%dma_start3A_70, %dma_start3A_76] : memref<157x128xi32, #tpu.memory_space<vmem>> -> memref<1x128xi32, #tpu.memory_space<vmem>>
      %dma_start3A_78 = tpu.memref_squeeze %dma_start3A_77 : memref<1x128xi32, #tpu.memory_space<vmem>> -> memref<128xi32, #tpu.memory_space<vmem>>
      %dma_start3A_79 = arith.constant 0 : i32
      %dma_start3A_80 = arith.constant 0 : i32
      %dma_start3A_81 = tpu.memref_slice %arg3[%dma_start3A_79, %dma_start3A_80] : memref<10240x64xf32, #tpu.memory_space<hbm>> -> memref<10240x64xf32, #tpu.memory_space<hbm>>
      tpu.enqueue_indirect_dma source(%dma_start3A_81 : memref<10240x64xf32, #tpu.memory_space<hbm>>) target(%dma_start3A_75 : memref<128x64xf32, #tpu.memory_space<vmem>>) offsets(%dma_start3A_78 : memref<128xi32, #tpu.memory_space<vmem>>) semaphore(%arg14 : memref<!tpu.dma_semaphore, #tpu.memory_space<semaphore_mem>>)
      %dma_start3A_82 = arith.constant 2 : i32
      %dma_start3A_83 = arith.constant 2 : i32
      %dma_start3A_84 = arith.constant 0 : i32
      %dma_start3A_85 = arith.constant 0 : i32
      %dma_start3A_86 = tpu.memref_slice %arg11[%dma_start3A_83, %dma_start3A_84, %dma_start3A_85] : memref<5x128x64xf32, #tpu.memory_space<vmem>> -> memref<1x128x64xf32, #tpu.memory_space<vmem>>
      %dma_start3A_87 = tpu.memref_squeeze %dma_start3A_86 : memref<1x128x64xf32, #tpu.memory_space<vmem>> -> memref<128x64xf32, #tpu.memory_space<vmem>>
      %dma_start3A_88 = arith.constant 0 : i32
      %dma_start3A_89 = tpu.memref_slice %arg9[%dma_start3A_82, %dma_start3A_88] : memref<157x128xi32, #tpu.memory_space<vmem>> -> memref<1x128xi32, #tpu.memory_space<vmem>>
      %dma_start3A_90 = tpu.memref_squeeze %dma_start3A_89 : memref<1x128xi32, #tpu.memory_space<vmem>> -> memref<128xi32, #tpu.memory_space<vmem>>
      %dma_start3A_91 = arith.constant 0 : i32
      %dma_start3A_92 = arith.constant 0 : i32
      %dma_start3A_93 = tpu.memref_slice %arg3[%dma_start3A_91, %dma_start3A_92] : memref<10240x64xf32, #tpu.memory_space<hbm>> -> memref<10240x64xf32, #tpu.memory_space<hbm>>
      tpu.enqueue_indirect_dma source(%dma_start3A_93 : memref<10240x64xf32, #tpu.memory_space<hbm>>) target(%dma_start3A_87 : memref<128x64xf32, #tpu.memory_space<vmem>>) offsets(%dma_start3A_90 : memref<128xi32, #tpu.memory_space<vmem>>) semaphore(%arg14 : memref<!tpu.dma_semaphore, #tpu.memory_space<semaphore_mem>>)
      %scan3A_94 = arith.constant 0 : i32
      %scan3A_95 = arith.constant 157 : i32
      %scan3A_96 = arith.addi %scan3A_94, %scan3A_95 : i32
      %scan3A_97 = arith.constant 1 : i32
      scf.for %scan3A_104 = %scan3A_94 to %scan3A_96 step %scan3A_97  : i32 {
        %mul3A_105 = arith.constant 1 : i32
        %mul3A_106 = arith.muli %scan3A_104, %mul3A_105 : i32
        %add3A = arith.constant 0 : i32
        %add3A_107 = arith.addi %add3A, %mul3A_106 : i32
        %ge3A = arith.constant 2 : i32
        %ge3A_108 = arith.cmpi sge, %add3A_107, %ge3A : i32
        %convert_element_type3A_109 = arith.extui %ge3A_108 : i1 to i32
        %cond3A_110 = arith.constant 0 : i32
        %cond3A_111 = arith.cmpi ne, %convert_element_type3A_109, %cond3A_110 : i32
        scf.if %cond3A_111 {
          %sub3A = arith.constant 2 : i32
          %sub3A_165 = arith.subi %add3A_107, %sub3A : i32
          %sub3A_166 = arith.constant 2 : i32
          %sub3A_167 = arith.subi %add3A_107, %sub3A_166 : i32
          %jit3A_168 = arith.constant 5 : i32
          %eq3A_169 = arith.constant 0 : i32
          %eq3A_170 = arith.cmpi eq, %jit3A_168, %eq3A_169 : i32
          %jit3A_171 = arith.constant 1 : i32
          %select_n3A_172 = arith.select %eq3A_170, %jit3A_171, %jit3A_168 : i32
          %rem3A_173 = arith.remsi %sub3A_167, %select_n3A_172 : i32
          %ne3A_174 = arith.constant 0 : i32
          %ne3A_175 = arith.cmpi ne, %rem3A_173, %ne3A_174 : i32
          %lt3A_176 = arith.constant 0 : i32
          %lt3A_177 = arith.cmpi slt, %rem3A_173, %lt3A_176 : i32
          %lt3A_178 = arith.constant 0 : i32
          %lt3A_179 = arith.cmpi slt, %select_n3A_172, %lt3A_178 : i32
          %ne3A_180 = arith.xori %lt3A_177, %lt3A_179 : i1
          %and3A_181 = arith.andi %ne3A_180, %ne3A_175 : i1
          %add3A_182 = arith.addi %rem3A_173, %select_n3A_172 : i32
          %select_n3A_183 = arith.select %and3A_181, %add3A_182, %rem3A_173 : i32
          %dma_wait3A_184 = arith.constant 0 : i32
          %dma_wait3A_185 = arith.constant 0 : i32
          %dma_wait3A_186 = tpu.memref_slice %arg11[%select_n3A_183, %dma_wait3A_184, %dma_wait3A_185] : memref<5x128x64xf32, #tpu.memory_space<vmem>> -> memref<1x128x64xf32, #tpu.memory_space<vmem>>
          %dma_wait3A_187 = tpu.memref_squeeze %dma_wait3A_186 : memref<1x128x64xf32, #tpu.memory_space<vmem>> -> memref<128x64xf32, #tpu.memory_space<vmem>>
          %dma_wait3A_188 = arith.constant 0 : i32
          %dma_wait3A_189 = tpu.memref_slice %arg10[%sub3A_165, %dma_wait3A_188] : memref<157x128xi32, #tpu.memory_space<vmem>> -> memref<1x128xi32, #tpu.memory_space<vmem>>
          %dma_wait3A_190 = tpu.memref_squeeze %dma_wait3A_189 : memref<1x128xi32, #tpu.memory_space<vmem>> -> memref<128xi32, #tpu.memory_space<vmem>>
          %dma_wait3A_191 = arith.constant 0 : i32
          %dma_wait3A_192 = arith.constant 0 : i32
          %dma_wait3A_193 = tpu.memref_slice %arg13[%dma_wait3A_191, %dma_wait3A_192] : memref<10240x64xf32, #tpu.memory_space<vmem_shared>> -> memref<10240x64xf32, #tpu.memory_space<vmem_shared>>
          tpu.wait_indirect_dma semaphore(%arg15 : memref<!tpu.dma_semaphore, #tpu.memory_space<semaphore_mem>>) src(%dma_wait3A_187 : memref<128x64xf32, #tpu.memory_space<vmem>>) dst(%dma_wait3A_193 : memref<10240x64xf32, #tpu.memory_space<vmem_shared>>)
        } else {
        }
        %add3A_112 = arith.constant 3 : i32
        %add3A_113 = arith.addi %add3A_107, %add3A_112 : i32
        %lt3A = arith.constant 157 : i32
        %lt3A_114 = arith.cmpi slt, %add3A_113, %lt3A : i32
        %convert_element_type3A_115 = arith.extui %lt3A_114 : i1 to i32
        %cond3A_116 = arith.constant 0 : i32
        %cond3A_117 = arith.cmpi ne, %convert_element_type3A_115, %cond3A_116 : i32
        scf.if %cond3A_117 {
          %add3A_165 = arith.constant 3 : i32
          %add3A_166 = arith.addi %add3A_107, %add3A_165 : i32
          %jit3A_167 = arith.constant 5 : i32
          %eq3A_168 = arith.constant 0 : i32
          %eq3A_169 = arith.cmpi eq, %jit3A_167, %eq3A_168 : i32
          %jit3A_170 = arith.constant 1 : i32
          %select_n3A_171 = arith.select %eq3A_169, %jit3A_170, %jit3A_167 : i32
          %rem3A_172 = arith.remsi %add3A_166, %select_n3A_171 : i32
          %ne3A_173 = arith.constant 0 : i32
          %ne3A_174 = arith.cmpi ne, %rem3A_172, %ne3A_173 : i32
          %lt3A_175 = arith.constant 0 : i32
          %lt3A_176 = arith.cmpi slt, %rem3A_172, %lt3A_175 : i32
          %lt3A_177 = arith.constant 0 : i32
          %lt3A_178 = arith.cmpi slt, %select_n3A_171, %lt3A_177 : i32
          %ne3A_179 = arith.xori %lt3A_176, %lt3A_178 : i1
          %and3A_180 = arith.andi %ne3A_179, %ne3A_174 : i1
          %add3A_181 = arith.addi %rem3A_172, %select_n3A_171 : i32
          %select_n3A_182 = arith.select %and3A_180, %add3A_181, %rem3A_172 : i32
          %dma_start3A_183 = arith.constant 0 : i32
          %dma_start3A_184 = arith.constant 0 : i32
          %dma_start3A_185 = tpu.memref_slice %arg11[%select_n3A_182, %dma_start3A_183, %dma_start3A_184] : memref<5x128x64xf32, #tpu.memory_space<vmem>> -> memref<1x128x64xf32, #tpu.memory_space<vmem>>
          %dma_start3A_186 = tpu.memref_squeeze %dma_start3A_185 : memref<1x128x64xf32, #tpu.memory_space<vmem>> -> memref<128x64xf32, #tpu.memory_space<vmem>>
          %dma_start3A_187 = arith.constant 0 : i32
          %dma_start3A_188 = tpu.memref_slice %arg9[%add3A_166, %dma_start3A_187] : memref<157x128xi32, #tpu.memory_space<vmem>> -> memref<1x128xi32, #tpu.memory_space<vmem>>
          %dma_start3A_189 = tpu.memref_squeeze %dma_start3A_188 : memref<1x128xi32, #tpu.memory_space<vmem>> -> memref<128xi32, #tpu.memory_space<vmem>>
          %dma_start3A_190 = arith.constant 0 : i32
          %dma_start3A_191 = arith.constant 0 : i32
          %dma_start3A_192 = tpu.memref_slice %arg3[%dma_start3A_190, %dma_start3A_191] : memref<10240x64xf32, #tpu.memory_space<hbm>> -> memref<10240x64xf32, #tpu.memory_space<hbm>>
          tpu.enqueue_indirect_dma source(%dma_start3A_192 : memref<10240x64xf32, #tpu.memory_space<hbm>>) target(%dma_start3A_186 : memref<128x64xf32, #tpu.memory_space<vmem>>) offsets(%dma_start3A_189 : memref<128xi32, #tpu.memory_space<vmem>>) semaphore(%arg14 : memref<!tpu.dma_semaphore, #tpu.memory_space<semaphore_mem>>)
        } else {
        }
        %jit3A = arith.constant 5 : i32
        %eq3A_118 = arith.constant 0 : i32
        %eq3A_119 = arith.cmpi eq, %jit3A, %eq3A_118 : i32
        %jit3A_120 = arith.constant 1 : i32
        %select_n3A = arith.select %eq3A_119, %jit3A_120, %jit3A : i32
        %rem3A = arith.remsi %add3A_107, %select_n3A : i32
        %ne3A = arith.constant 0 : i32
        %ne3A_121 = arith.cmpi ne, %rem3A, %ne3A : i32
        %lt3A_122 = arith.constant 0 : i32
        %lt3A_123 = arith.cmpi slt, %rem3A, %lt3A_122 : i32
        %lt3A_124 = arith.constant 0 : i32
        %lt3A_125 = arith.cmpi slt, %select_n3A, %lt3A_124 : i32
        %ne3A_126 = arith.xori %lt3A_123, %lt3A_125 : i1
        %and3A = arith.andi %ne3A_126, %ne3A_121 : i1
        %add3A_127 = arith.addi %rem3A, %select_n3A : i32
        %select_n3A_128 = arith.select %and3A, %add3A_127, %rem3A : i32
        %dma_wait3A_129 = arith.constant 0 : i32
        %dma_wait3A_130 = arith.constant 0 : i32
        %dma_wait3A_131 = tpu.memref_slice %arg11[%select_n3A_128, %dma_wait3A_129, %dma_wait3A_130] : memref<5x128x64xf32, #tpu.memory_space<vmem>> -> memref<1x128x64xf32, #tpu.memory_space<vmem>>
        %dma_wait3A_132 = tpu.memref_squeeze %dma_wait3A_131 : memref<1x128x64xf32, #tpu.memory_space<vmem>> -> memref<128x64xf32, #tpu.memory_space<vmem>>
        %dma_wait3A_133 = arith.constant 0 : i32
        %dma_wait3A_134 = tpu.memref_slice %arg9[%add3A_107, %dma_wait3A_133] : memref<157x128xi32, #tpu.memory_space<vmem>> -> memref<1x128xi32, #tpu.memory_space<vmem>>
        %dma_wait3A_135 = tpu.memref_squeeze %dma_wait3A_134 : memref<1x128xi32, #tpu.memory_space<vmem>> -> memref<128xi32, #tpu.memory_space<vmem>>
        %dma_wait3A_136 = arith.constant 0 : i32
        %dma_wait3A_137 = arith.constant 0 : i32
        %dma_wait3A_138 = tpu.memref_slice %arg3[%dma_wait3A_136, %dma_wait3A_137] : memref<10240x64xf32, #tpu.memory_space<hbm>> -> memref<10240x64xf32, #tpu.memory_space<hbm>>
        tpu.wait_indirect_dma semaphore(%arg14 : memref<!tpu.dma_semaphore, #tpu.memory_space<semaphore_mem>>) src(%dma_wait3A_138 : memref<10240x64xf32, #tpu.memory_space<hbm>>) dst(%dma_wait3A_132 : memref<128x64xf32, #tpu.memory_space<vmem>>)
        %jit3A_139 = arith.constant 5 : i32
        %eq3A_140 = arith.constant 0 : i32
        %eq3A_141 = arith.cmpi eq, %jit3A_139, %eq3A_140 : i32
        %jit3A_142 = arith.constant 1 : i32
        %select_n3A_143 = arith.select %eq3A_141, %jit3A_142, %jit3A_139 : i32
        %rem3A_144 = arith.remsi %add3A_107, %select_n3A_143 : i32
        %ne3A_145 = arith.constant 0 : i32
        %ne3A_146 = arith.cmpi ne, %rem3A_144, %ne3A_145 : i32
        %lt3A_147 = arith.constant 0 : i32
        %lt3A_148 = arith.cmpi slt, %rem3A_144, %lt3A_147 : i32
        %lt3A_149 = arith.constant 0 : i32
        %lt3A_150 = arith.cmpi slt, %select_n3A_143, %lt3A_149 : i32
        %ne3A_151 = arith.xori %lt3A_148, %lt3A_150 : i1
        %and3A_152 = arith.andi %ne3A_151, %ne3A_146 : i1
        %add3A_153 = arith.addi %rem3A_144, %select_n3A_143 : i32
        %select_n3A_154 = arith.select %and3A_152, %add3A_153, %rem3A_144 : i32
        %dma_start3A_155 = arith.constant 0 : i32
        %dma_start3A_156 = arith.constant 0 : i32
        %dma_start3A_157 = tpu.memref_slice %arg11[%select_n3A_154, %dma_start3A_155, %dma_start3A_156] : memref<5x128x64xf32, #tpu.memory_space<vmem>> -> memref<1x128x64xf32, #tpu.memory_space<vmem>>
        %dma_start3A_158 = tpu.memref_squeeze %dma_start3A_157 : memref<1x128x64xf32, #tpu.memory_space<vmem>> -> memref<128x64xf32, #tpu.memory_space<vmem>>
        %dma_start3A_159 = arith.constant 0 : i32
        %dma_start3A_160 = tpu.memref_slice %arg10[%add3A_107, %dma_start3A_159] : memref<157x128xi32, #tpu.memory_space<vmem>> -> memref<1x128xi32, #tpu.memory_space<vmem>>
        %dma_start3A_161 = tpu.memref_squeeze %dma_start3A_160 : memref<1x128xi32, #tpu.memory_space<vmem>> -> memref<128xi32, #tpu.memory_space<vmem>>
        %dma_start3A_162 = arith.constant 0 : i32
        %dma_start3A_163 = arith.constant 0 : i32
        %dma_start3A_164 = tpu.memref_slice %arg13[%dma_start3A_162, %dma_start3A_163] : memref<10240x64xf32, #tpu.memory_space<vmem_shared>> -> memref<10240x64xf32, #tpu.memory_space<vmem_shared>>
        tpu.enqueue_indirect_dma source(%dma_start3A_158 : memref<128x64xf32, #tpu.memory_space<vmem>>) target(%dma_start3A_164 : memref<10240x64xf32, #tpu.memory_space<vmem_shared>>) offsets(%dma_start3A_161 : memref<128xi32, #tpu.memory_space<vmem>>) semaphore(%arg15 : memref<!tpu.dma_semaphore, #tpu.memory_space<semaphore_mem>>) {add = true}
      }
      %scan3A_98 = arith.constant 157 : i32
      %scan3A_99 = arith.constant 0 : i32
      %scan3A_100 = arith.constant 2 : i32
      %scan3A_101 = arith.addi %scan3A_99, %scan3A_100 : i32
      %scan3A_102 = arith.constant 1 : i32
      scf.for %scan3A_104 = %scan3A_99 to %scan3A_101 step %scan3A_102  : i32 {
        %mul3A_105 = arith.constant 1 : i32
        %mul3A_106 = arith.muli %scan3A_104, %mul3A_105 : i32
        %add3A = arith.constant 155 : i32
        %add3A_107 = arith.addi %add3A, %mul3A_106 : i32
        %jit3A = arith.constant 5 : i32
        %eq3A_108 = arith.constant 0 : i32
        %eq3A_109 = arith.cmpi eq, %jit3A, %eq3A_108 : i32
        %jit3A_110 = arith.constant 1 : i32
        %select_n3A = arith.select %eq3A_109, %jit3A_110, %jit3A : i32
        %rem3A = arith.remsi %add3A_107, %select_n3A : i32
        %ne3A = arith.constant 0 : i32
        %ne3A_111 = arith.cmpi ne, %rem3A, %ne3A : i32
        %lt3A = arith.constant 0 : i32
        %lt3A_112 = arith.cmpi slt, %rem3A, %lt3A : i32
        %lt3A_113 = arith.constant 0 : i32
        %lt3A_114 = arith.cmpi slt, %select_n3A, %lt3A_113 : i32
        %ne3A_115 = arith.xori %lt3A_112, %lt3A_114 : i1
        %and3A = arith.andi %ne3A_115, %ne3A_111 : i1
        %add3A_116 = arith.addi %rem3A, %select_n3A : i32
        %select_n3A_117 = arith.select %and3A, %add3A_116, %rem3A : i32
        %dma_wait3A_118 = arith.constant 0 : i32
        %dma_wait3A_119 = arith.constant 0 : i32
        %dma_wait3A_120 = tpu.memref_slice %arg11[%select_n3A_117, %dma_wait3A_118, %dma_wait3A_119] : memref<5x128x64xf32, #tpu.memory_space<vmem>> -> memref<1x128x64xf32, #tpu.memory_space<vmem>>
        %dma_wait3A_121 = tpu.memref_squeeze %dma_wait3A_120 : memref<1x128x64xf32, #tpu.memory_space<vmem>> -> memref<128x64xf32, #tpu.memory_space<vmem>>
        %dma_wait3A_122 = arith.constant 0 : i32
        %dma_wait3A_123 = tpu.memref_slice %arg10[%add3A_107, %dma_wait3A_122] : memref<157x128xi32, #tpu.memory_space<vmem>> -> memref<1x128xi32, #tpu.memory_space<vmem>>
        %dma_wait3A_124 = tpu.memref_squeeze %dma_wait3A_123 : memref<1x128xi32, #tpu.memory_space<vmem>> -> memref<128xi32, #tpu.memory_space<vmem>>
        %dma_wait3A_125 = arith.constant 0 : i32
        %dma_wait3A_126 = arith.constant 0 : i32
        %dma_wait3A_127 = tpu.memref_slice %arg13[%dma_wait3A_125, %dma_wait3A_126] : memref<10240x64xf32, #tpu.memory_space<vmem_shared>> -> memref<10240x64xf32, #tpu.memory_space<vmem_shared>>
        tpu.wait_indirect_dma semaphore(%arg15 : memref<!tpu.dma_semaphore, #tpu.memory_space<semaphore_mem>>) src(%dma_wait3A_121 : memref<128x64xf32, #tpu.memory_space<vmem>>) dst(%dma_wait3A_127 : memref<10240x64xf32, #tpu.memory_space<vmem_shared>>)
      }
      %scan3A_103 = arith.constant 2 : i32
    } else {
    }
    %barrier3A_47 = arith.constant 0 : index
    tpu.barrier barrier_id(%barrier3A_47)
    %eq3A_48 = arith.constant 0 : i32
    %eq3A_49 = arith.cmpi eq, %arg0, %eq3A_48 : i32
    %convert_element_type3A_50 = arith.extui %eq3A_49 : i1 to i32
    %cond3A_51 = arith.constant 0 : i32
    %cond3A_52 = arith.cmpi ne, %convert_element_type3A_50, %cond3A_51 : i32
    scf.if %cond3A_52 {
      "tpu.region"() ({
        %run_scoped3A = tpu.sem_alloc : memref<!tpu.dma_semaphore, #tpu.memory_space<semaphore_mem>>
        %dma_start3A_58 = arith.constant 0 : i32
        %dma_start3A_59 = tpu.memref_slice %arg7[%mul3A_0, %dma_start3A_58] : memref<10240x64xf32, #tpu.memory_space<hbm>> -> memref<640x64xf32, #tpu.memory_space<hbm>>
        %dma_start3A_60 = arith.constant 0 : i32
        %dma_start3A_61 = tpu.memref_slice %arg13[%mul3A_0, %dma_start3A_60] : memref<10240x64xf32, #tpu.memory_space<vmem_shared>> -> memref<640x64xf32, #tpu.memory_space<vmem_shared>>
        tpu.enqueue_dma source(%dma_start3A_61 : memref<640x64xf32, #tpu.memory_space<vmem_shared>>) target(%dma_start3A_59 : memref<640x64xf32, #tpu.memory_space<hbm>>) target_semaphore(%run_scoped3A : memref<!tpu.dma_semaphore, #tpu.memory_space<semaphore_mem>>)
        %dma_wait3A_62 = arith.constant 0 : i32
        %dma_wait3A_63 = tpu.memref_slice %arg7[%mul3A_0, %dma_wait3A_62] : memref<10240x64xf32, #tpu.memory_space<hbm>> -> memref<640x64xf32, #tpu.memory_space<hbm>>
        %dma_wait3A_64 = arith.constant 0 : i32
        %dma_wait3A_65 = tpu.memref_slice %arg13[%mul3A_0, %dma_wait3A_64] : memref<10240x64xf32, #tpu.memory_space<vmem_shared>> -> memref<640x64xf32, #tpu.memory_space<vmem_shared>>
        tpu.wait_dma2 semaphore(%run_scoped3A : memref<!tpu.dma_semaphore, #tpu.memory_space<semaphore_mem>>) src(%dma_wait3A_65 : memref<640x64xf32, #tpu.memory_space<vmem_shared>>) dst(%dma_wait3A_63 : memref<640x64xf32, #tpu.memory_space<hbm>>)
        tpu.yield
      }) : () -> ()
    } else {
    }
    %eq3A_53 = arith.constant 1 : i32
    %eq3A_54 = arith.cmpi eq, %arg0, %eq3A_53 : i32
    %convert_element_type3A_55 = arith.extui %eq3A_54 : i1 to i32
    %cond3A_56 = arith.constant 0 : i32
    %cond3A_57 = arith.cmpi ne, %convert_element_type3A_55, %cond3A_56 : i32
    scf.if %cond3A_57 {
      "tpu.region"() ({
        %run_scoped3A = tpu.sem_alloc : memref<!tpu.dma_semaphore, #tpu.memory_space<semaphore_mem>>
        %dma_start3A_58 = arith.constant 0 : i32
        %dma_start3A_59 = tpu.memref_slice %arg8[%mul3A_0, %dma_start3A_58] : memref<10240x64xf32, #tpu.memory_space<hbm>> -> memref<640x64xf32, #tpu.memory_space<hbm>>
        %dma_start3A_60 = arith.constant 0 : i32
        %dma_start3A_61 = tpu.memref_slice %arg13[%mul3A_0, %dma_start3A_60] : memref<10240x64xf32, #tpu.memory_space<vmem_shared>> -> memref<640x64xf32, #tpu.memory_space<vmem_shared>>
        tpu.enqueue_dma source(%dma_start3A_61 : memref<640x64xf32, #tpu.memory_space<vmem_shared>>) target(%dma_start3A_59 : memref<640x64xf32, #tpu.memory_space<hbm>>) target_semaphore(%run_scoped3A : memref<!tpu.dma_semaphore, #tpu.memory_space<semaphore_mem>>)
        %dma_wait3A_62 = arith.constant 0 : i32
        %dma_wait3A_63 = tpu.memref_slice %arg8[%mul3A_0, %dma_wait3A_62] : memref<10240x64xf32, #tpu.memory_space<hbm>> -> memref<640x64xf32, #tpu.memory_space<hbm>>
        %dma_wait3A_64 = arith.constant 0 : i32
        %dma_wait3A_65 = tpu.memref_slice %arg13[%mul3A_0, %dma_wait3A_64] : memref<10240x64xf32, #tpu.memory_space<vmem_shared>> -> memref<640x64xf32, #tpu.memory_space<vmem_shared>>
        tpu.wait_dma2 semaphore(%run_scoped3A : memref<!tpu.dma_semaphore, #tpu.memory_space<semaphore_mem>>) src(%dma_wait3A_65 : memref<640x64xf32, #tpu.memory_space<vmem_shared>>) dst(%dma_wait3A_63 : memref<640x64xf32, #tpu.memory_space<hbm>>)
        tpu.yield
      }) : () -> ()
    } else {
    }
    return
  }
}

#map = affine_map<(d0, d1) -> (0, 0)>
#map1 = affine_map<(d0, d1) -> (0, 0, 0)>
module attributes {stable_mosaic.version = 14 : i64} {
  func.func @prop(%arg0: i32, %arg1: i32, %arg2: memref<10240x64xf32, #tpu.memory_space<hbm>>, %arg3: memref<10240x64xf32, #tpu.memory_space<hbm>>, %arg4: memref<10240x64xf32, #tpu.memory_space<hbm>>, %arg5: memref<10240x64xf32, #tpu.memory_space<hbm>>, %arg6: memref<16x157x128xi32, #tpu.memory_space<hbm>>, %arg7: memref<16x157x128xi32, #tpu.memory_space<hbm>>, %arg8: memref<64x64xf32, #tpu.memory_space<hbm>>, %arg9: memref<10240x64xf32, #tpu.memory_space<hbm>>, %arg10: memref<10240x64xf32, #tpu.memory_space<hbm>>, %arg11: memref<10240x64xf32, #tpu.memory_space<hbm>>, %arg12: memref<10240x64xf32, #tpu.memory_space<hbm>>, %arg13: memref<157x128xi32, #tpu.memory_space<vmem>>, %arg14: memref<157x128xi32, #tpu.memory_space<vmem>>, %arg15: memref<5x128x64xf32, #tpu.memory_space<vmem>>, %arg16: memref<64x64xf32, #tpu.memory_space<vmem>>, %arg17: memref<10240x64xf32, #tpu.memory_space<vmem_shared>>, %arg18: memref<!tpu.dma_semaphore, #tpu.memory_space<semaphore_mem>>, %arg19: memref<!tpu.dma_semaphore, #tpu.memory_space<semaphore_mem>>) attributes {dimension_semantics = [#tpu.dimension_semantics<core_parallel>, #tpu.dimension_semantics<subcore_parallel>], iteration_bounds = array<i64: 2, 16>, scalar_prefetch = 0 : i64, scratch_operands = 7 : i64, tpu.core_type = #tpu.core_type<sc_vector_subcore>, window_params = [{transform_indices = #map}, {transform_indices = #map}, {transform_indices = #map}, {transform_indices = #map}, {transform_indices = #map1}, {transform_indices = #map1}, {transform_indices = #map}, {transform_indices = #map}, {transform_indices = #map}, {transform_indices = #map}, {transform_indices = #map}]} {
    %mul3A = arith.constant 640 : i32
    %mul3A_0 = arith.muli %arg1, %mul3A : i32
    %dma_start3A = arith.constant 0 : i32
    %dma_start3A_1 = arith.constant 0 : i32
    %dma_start3A_2 = tpu.memref_slice %arg6[%arg1, %dma_start3A, %dma_start3A_1] : memref<16x157x128xi32, #tpu.memory_space<hbm>> -> memref<1x157x128xi32, #tpu.memory_space<hbm>>
    %dma_start3A_3 = tpu.memref_squeeze %dma_start3A_2 : memref<1x157x128xi32, #tpu.memory_space<hbm>> -> memref<157x128xi32, #tpu.memory_space<hbm>>
    %dma_start3A_4 = arith.constant 0 : i32
    %dma_start3A_5 = arith.constant 0 : i32
    %dma_start3A_6 = tpu.memref_slice %arg6[%arg1, %dma_start3A_4, %dma_start3A_5] : memref<16x157x128xi32, #tpu.memory_space<hbm>> -> memref<1x157x128xi32, #tpu.memory_space<hbm>>
    %dma_start3A_7 = tpu.memref_squeeze %dma_start3A_6 : memref<1x157x128xi32, #tpu.memory_space<hbm>> -> memref<157x128xi32, #tpu.memory_space<hbm>>
    tpu.enqueue_dma source(%dma_start3A_7 : memref<157x128xi32, #tpu.memory_space<hbm>>) target(%arg13 : memref<157x128xi32, #tpu.memory_space<vmem>>) target_semaphore(%arg18 : memref<!tpu.dma_semaphore, #tpu.memory_space<semaphore_mem>>)
    %dma_start3A_8 = arith.constant 0 : i32
    %dma_start3A_9 = arith.constant 0 : i32
    %dma_start3A_10 = tpu.memref_slice %arg7[%arg1, %dma_start3A_8, %dma_start3A_9] : memref<16x157x128xi32, #tpu.memory_space<hbm>> -> memref<1x157x128xi32, #tpu.memory_space<hbm>>
    %dma_start3A_11 = tpu.memref_squeeze %dma_start3A_10 : memref<1x157x128xi32, #tpu.memory_space<hbm>> -> memref<157x128xi32, #tpu.memory_space<hbm>>
    %dma_start3A_12 = arith.constant 0 : i32
    %dma_start3A_13 = arith.constant 0 : i32
    %dma_start3A_14 = tpu.memref_slice %arg7[%arg1, %dma_start3A_12, %dma_start3A_13] : memref<16x157x128xi32, #tpu.memory_space<hbm>> -> memref<1x157x128xi32, #tpu.memory_space<hbm>>
    %dma_start3A_15 = tpu.memref_squeeze %dma_start3A_14 : memref<1x157x128xi32, #tpu.memory_space<hbm>> -> memref<157x128xi32, #tpu.memory_space<hbm>>
    tpu.enqueue_dma source(%dma_start3A_15 : memref<157x128xi32, #tpu.memory_space<hbm>>) target(%arg14 : memref<157x128xi32, #tpu.memory_space<vmem>>) target_semaphore(%arg18 : memref<!tpu.dma_semaphore, #tpu.memory_space<semaphore_mem>>)
    "tpu.region"() ({
      %run_scoped3A = tpu.sem_alloc : memref<!tpu.dma_semaphore, #tpu.memory_space<semaphore_mem>>
      tpu.enqueue_dma source(%arg8 : memref<64x64xf32, #tpu.memory_space<hbm>>) target(%arg16 : memref<64x64xf32, #tpu.memory_space<vmem>>) target_semaphore(%run_scoped3A : memref<!tpu.dma_semaphore, #tpu.memory_space<semaphore_mem>>)
      tpu.wait_dma2 semaphore(%run_scoped3A : memref<!tpu.dma_semaphore, #tpu.memory_space<semaphore_mem>>) src(%arg8 : memref<64x64xf32, #tpu.memory_space<hbm>>) dst(%arg16 : memref<64x64xf32, #tpu.memory_space<vmem>>)
      tpu.yield
    }) : () -> ()
    %scan3A = arith.constant 0 : i32
    %scan3A_16 = arith.constant 10 : i32
    %scan3A_17 = arith.addi %scan3A, %scan3A_16 : i32
    %scan3A_18 = arith.constant 1 : i32
    scf.for %scan3A_90 = %scan3A to %scan3A_17 step %scan3A_18  : i32 {
      %mul3A_91 = arith.constant 1 : i32
      %mul3A_92 = arith.muli %scan3A_90, %mul3A_91 : i32
      %add3A = arith.constant 0 : i32
      %add3A_93 = arith.addi %add3A, %mul3A_92 : i32
      %mul3A_94 = arith.constant 64 : i32
      %mul3A_95 = arith.muli %add3A_93, %mul3A_94 : i32
      %add3A_96 = arith.addi %mul3A_0, %mul3A_95 : i32
      %dma_start3A_97 = arith.constant 0 : i32
      %dma_start3A_98 = tpu.memref_slice %arg17[%add3A_96, %dma_start3A_97] : memref<10240x64xf32, #tpu.memory_space<vmem_shared>> -> memref<64x64xf32, #tpu.memory_space<vmem_shared>>
      %dma_start3A_99 = arith.constant 0 : i32
      %dma_start3A_100 = tpu.memref_slice %arg17[%add3A_96, %dma_start3A_99] : memref<10240x64xf32, #tpu.memory_space<vmem_shared>> -> memref<64x64xf32, #tpu.memory_space<vmem_shared>>
      tpu.enqueue_dma source(%arg16 : memref<64x64xf32, #tpu.memory_space<vmem>>) target(%dma_start3A_100 : memref<64x64xf32, #tpu.memory_space<vmem_shared>>) target_semaphore(%arg19 : memref<!tpu.dma_semaphore, #tpu.memory_space<semaphore_mem>>)
    }
    %scan3A_19 = arith.constant 10 : i32
    %scan3A_20 = arith.constant 0 : i32
    %scan3A_21 = arith.constant 10 : i32
    %scan3A_22 = arith.addi %scan3A_20, %scan3A_21 : i32
    %scan3A_23 = arith.constant 1 : i32
    scf.for %scan3A_90 = %scan3A_20 to %scan3A_22 step %scan3A_23  : i32 {
      %mul3A_91 = arith.constant 1 : i32
      %mul3A_92 = arith.muli %scan3A_90, %mul3A_91 : i32
      %add3A = arith.constant 0 : i32
      %add3A_93 = arith.addi %add3A, %mul3A_92 : i32
      %mul3A_94 = arith.constant 64 : i32
      %mul3A_95 = arith.muli %add3A_93, %mul3A_94 : i32
      %add3A_96 = arith.addi %mul3A_0, %mul3A_95 : i32
      %dma_wait3A_97 = arith.constant 0 : i32
      %dma_wait3A_98 = tpu.memref_slice %arg17[%add3A_96, %dma_wait3A_97] : memref<10240x64xf32, #tpu.memory_space<vmem_shared>> -> memref<64x64xf32, #tpu.memory_space<vmem_shared>>
      %dma_wait3A_99 = arith.constant 0 : i32
      %dma_wait3A_100 = tpu.memref_slice %arg17[%add3A_96, %dma_wait3A_99] : memref<10240x64xf32, #tpu.memory_space<vmem_shared>> -> memref<64x64xf32, #tpu.memory_space<vmem_shared>>
      tpu.wait_dma2 semaphore(%arg19 : memref<!tpu.dma_semaphore, #tpu.memory_space<semaphore_mem>>) src(%arg16 : memref<64x64xf32, #tpu.memory_space<vmem>>) dst(%dma_wait3A_100 : memref<64x64xf32, #tpu.memory_space<vmem_shared>>)
    }
    %scan3A_24 = arith.constant 10 : i32
    %dma_wait3A = arith.constant 0 : i32
    %dma_wait3A_25 = arith.constant 0 : i32
    %dma_wait3A_26 = tpu.memref_slice %arg6[%arg1, %dma_wait3A, %dma_wait3A_25] : memref<16x157x128xi32, #tpu.memory_space<hbm>> -> memref<1x157x128xi32, #tpu.memory_space<hbm>>
    %dma_wait3A_27 = tpu.memref_squeeze %dma_wait3A_26 : memref<1x157x128xi32, #tpu.memory_space<hbm>> -> memref<157x128xi32, #tpu.memory_space<hbm>>
    %dma_wait3A_28 = arith.constant 0 : i32
    %dma_wait3A_29 = arith.constant 0 : i32
    %dma_wait3A_30 = tpu.memref_slice %arg6[%arg1, %dma_wait3A_28, %dma_wait3A_29] : memref<16x157x128xi32, #tpu.memory_space<hbm>> -> memref<1x157x128xi32, #tpu.memory_space<hbm>>
    %dma_wait3A_31 = tpu.memref_squeeze %dma_wait3A_30 : memref<1x157x128xi32, #tpu.memory_space<hbm>> -> memref<157x128xi32, #tpu.memory_space<hbm>>
    tpu.wait_dma2 semaphore(%arg18 : memref<!tpu.dma_semaphore, #tpu.memory_space<semaphore_mem>>) src(%dma_wait3A_31 : memref<157x128xi32, #tpu.memory_space<hbm>>) dst(%arg13 : memref<157x128xi32, #tpu.memory_space<vmem>>)
    %dma_wait3A_32 = arith.constant 0 : i32
    %dma_wait3A_33 = arith.constant 0 : i32
    %dma_wait3A_34 = tpu.memref_slice %arg7[%arg1, %dma_wait3A_32, %dma_wait3A_33] : memref<16x157x128xi32, #tpu.memory_space<hbm>> -> memref<1x157x128xi32, #tpu.memory_space<hbm>>
    %dma_wait3A_35 = tpu.memref_squeeze %dma_wait3A_34 : memref<1x157x128xi32, #tpu.memory_space<hbm>> -> memref<157x128xi32, #tpu.memory_space<hbm>>
    %dma_wait3A_36 = arith.constant 0 : i32
    %dma_wait3A_37 = arith.constant 0 : i32
    %dma_wait3A_38 = tpu.memref_slice %arg7[%arg1, %dma_wait3A_36, %dma_wait3A_37] : memref<16x157x128xi32, #tpu.memory_space<hbm>> -> memref<1x157x128xi32, #tpu.memory_space<hbm>>
    %dma_wait3A_39 = tpu.memref_squeeze %dma_wait3A_38 : memref<1x157x128xi32, #tpu.memory_space<hbm>> -> memref<157x128xi32, #tpu.memory_space<hbm>>
    tpu.wait_dma2 semaphore(%arg18 : memref<!tpu.dma_semaphore, #tpu.memory_space<semaphore_mem>>) src(%dma_wait3A_39 : memref<157x128xi32, #tpu.memory_space<hbm>>) dst(%arg14 : memref<157x128xi32, #tpu.memory_space<vmem>>)
    %barrier3A = arith.constant 0 : index
    tpu.barrier barrier_id(%barrier3A)
    %eq3A = arith.constant 0 : i32
    %eq3A_40 = arith.cmpi eq, %arg0, %eq3A : i32
    %convert_element_type3A = arith.extui %eq3A_40 : i1 to i32
    %cond3A = arith.constant 0 : i32
    %cond3A_41 = arith.cmpi ne, %convert_element_type3A, %cond3A : i32
    scf.if %cond3A_41 {
      %dma_start3A_90 = arith.constant 0 : i32
      %dma_start3A_91 = arith.constant 0 : i32
      %dma_start3A_92 = arith.constant 0 : i32
      %dma_start3A_93 = arith.constant 0 : i32
      %dma_start3A_94 = tpu.memref_slice %arg15[%dma_start3A_91, %dma_start3A_92, %dma_start3A_93] : memref<5x128x64xf32, #tpu.memory_space<vmem>> -> memref<1x128x64xf32, #tpu.memory_space<vmem>>
      %dma_start3A_95 = tpu.memref_squeeze %dma_start3A_94 : memref<1x128x64xf32, #tpu.memory_space<vmem>> -> memref<128x64xf32, #tpu.memory_space<vmem>>
      %dma_start3A_96 = arith.constant 0 : i32
      %dma_start3A_97 = tpu.memref_slice %arg13[%dma_start3A_90, %dma_start3A_96] : memref<157x128xi32, #tpu.memory_space<vmem>> -> memref<1x128xi32, #tpu.memory_space<vmem>>
      %dma_start3A_98 = tpu.memref_squeeze %dma_start3A_97 : memref<1x128xi32, #tpu.memory_space<vmem>> -> memref<128xi32, #tpu.memory_space<vmem>>
      %dma_start3A_99 = arith.constant 0 : i32
      %dma_start3A_100 = arith.constant 0 : i32
      %dma_start3A_101 = tpu.memref_slice %arg2[%dma_start3A_99, %dma_start3A_100] : memref<10240x64xf32, #tpu.memory_space<hbm>> -> memref<10240x64xf32, #tpu.memory_space<hbm>>
      tpu.enqueue_indirect_dma source(%dma_start3A_101 : memref<10240x64xf32, #tpu.memory_space<hbm>>) target(%dma_start3A_95 : memref<128x64xf32, #tpu.memory_space<vmem>>) offsets(%dma_start3A_98 : memref<128xi32, #tpu.memory_space<vmem>>) semaphore(%arg18 : memref<!tpu.dma_semaphore, #tpu.memory_space<semaphore_mem>>)
      %dma_start3A_102 = arith.constant 1 : i32
      %dma_start3A_103 = arith.constant 1 : i32
      %dma_start3A_104 = arith.constant 0 : i32
      %dma_start3A_105 = arith.constant 0 : i32
      %dma_start3A_106 = tpu.memref_slice %arg15[%dma_start3A_103, %dma_start3A_104, %dma_start3A_105] : memref<5x128x64xf32, #tpu.memory_space<vmem>> -> memref<1x128x64xf32, #tpu.memory_space<vmem>>
      %dma_start3A_107 = tpu.memref_squeeze %dma_start3A_106 : memref<1x128x64xf32, #tpu.memory_space<vmem>> -> memref<128x64xf32, #tpu.memory_space<vmem>>
      %dma_start3A_108 = arith.constant 0 : i32
      %dma_start3A_109 = tpu.memref_slice %arg13[%dma_start3A_102, %dma_start3A_108] : memref<157x128xi32, #tpu.memory_space<vmem>> -> memref<1x128xi32, #tpu.memory_space<vmem>>
      %dma_start3A_110 = tpu.memref_squeeze %dma_start3A_109 : memref<1x128xi32, #tpu.memory_space<vmem>> -> memref<128xi32, #tpu.memory_space<vmem>>
      %dma_start3A_111 = arith.constant 0 : i32
      %dma_start3A_112 = arith.constant 0 : i32
      %dma_start3A_113 = tpu.memref_slice %arg2[%dma_start3A_111, %dma_start3A_112] : memref<10240x64xf32, #tpu.memory_space<hbm>> -> memref<10240x64xf32, #tpu.memory_space<hbm>>
      tpu.enqueue_indirect_dma source(%dma_start3A_113 : memref<10240x64xf32, #tpu.memory_space<hbm>>) target(%dma_start3A_107 : memref<128x64xf32, #tpu.memory_space<vmem>>) offsets(%dma_start3A_110 : memref<128xi32, #tpu.memory_space<vmem>>) semaphore(%arg18 : memref<!tpu.dma_semaphore, #tpu.memory_space<semaphore_mem>>)
      %dma_start3A_114 = arith.constant 2 : i32
      %dma_start3A_115 = arith.constant 2 : i32
      %dma_start3A_116 = arith.constant 0 : i32
      %dma_start3A_117 = arith.constant 0 : i32
      %dma_start3A_118 = tpu.memref_slice %arg15[%dma_start3A_115, %dma_start3A_116, %dma_start3A_117] : memref<5x128x64xf32, #tpu.memory_space<vmem>> -> memref<1x128x64xf32, #tpu.memory_space<vmem>>
      %dma_start3A_119 = tpu.memref_squeeze %dma_start3A_118 : memref<1x128x64xf32, #tpu.memory_space<vmem>> -> memref<128x64xf32, #tpu.memory_space<vmem>>
      %dma_start3A_120 = arith.constant 0 : i32
      %dma_start3A_121 = tpu.memref_slice %arg13[%dma_start3A_114, %dma_start3A_120] : memref<157x128xi32, #tpu.memory_space<vmem>> -> memref<1x128xi32, #tpu.memory_space<vmem>>
      %dma_start3A_122 = tpu.memref_squeeze %dma_start3A_121 : memref<1x128xi32, #tpu.memory_space<vmem>> -> memref<128xi32, #tpu.memory_space<vmem>>
      %dma_start3A_123 = arith.constant 0 : i32
      %dma_start3A_124 = arith.constant 0 : i32
      %dma_start3A_125 = tpu.memref_slice %arg2[%dma_start3A_123, %dma_start3A_124] : memref<10240x64xf32, #tpu.memory_space<hbm>> -> memref<10240x64xf32, #tpu.memory_space<hbm>>
      tpu.enqueue_indirect_dma source(%dma_start3A_125 : memref<10240x64xf32, #tpu.memory_space<hbm>>) target(%dma_start3A_119 : memref<128x64xf32, #tpu.memory_space<vmem>>) offsets(%dma_start3A_122 : memref<128xi32, #tpu.memory_space<vmem>>) semaphore(%arg18 : memref<!tpu.dma_semaphore, #tpu.memory_space<semaphore_mem>>)
      %scan3A_126 = arith.constant 0 : i32
      %scan3A_127 = arith.constant 157 : i32
      %scan3A_128 = arith.addi %scan3A_126, %scan3A_127 : i32
      %scan3A_129 = arith.constant 1 : i32
      scf.for %scan3A_136 = %scan3A_126 to %scan3A_128 step %scan3A_129  : i32 {
        %mul3A_137 = arith.constant 1 : i32
        %mul3A_138 = arith.muli %scan3A_136, %mul3A_137 : i32
        %add3A = arith.constant 0 : i32
        %add3A_139 = arith.addi %add3A, %mul3A_138 : i32
        %ge3A = arith.constant 2 : i32
        %ge3A_140 = arith.cmpi sge, %add3A_139, %ge3A : i32
        %convert_element_type3A_141 = arith.extui %ge3A_140 : i1 to i32
        %cond3A_142 = arith.constant 0 : i32
        %cond3A_143 = arith.cmpi ne, %convert_element_type3A_141, %cond3A_142 : i32
        scf.if %cond3A_143 {
          %sub3A = arith.constant 2 : i32
          %sub3A_197 = arith.subi %add3A_139, %sub3A : i32
          %sub3A_198 = arith.constant 2 : i32
          %sub3A_199 = arith.subi %add3A_139, %sub3A_198 : i32
          %jit3A_200 = arith.constant 5 : i32
          %eq3A_201 = arith.constant 0 : i32
          %eq3A_202 = arith.cmpi eq, %jit3A_200, %eq3A_201 : i32
          %jit3A_203 = arith.constant 1 : i32
          %select_n3A_204 = arith.select %eq3A_202, %jit3A_203, %jit3A_200 : i32
          %rem3A_205 = arith.remsi %sub3A_199, %select_n3A_204 : i32
          %ne3A_206 = arith.constant 0 : i32
          %ne3A_207 = arith.cmpi ne, %rem3A_205, %ne3A_206 : i32
          %lt3A_208 = arith.constant 0 : i32
          %lt3A_209 = arith.cmpi slt, %rem3A_205, %lt3A_208 : i32
          %lt3A_210 = arith.constant 0 : i32
          %lt3A_211 = arith.cmpi slt, %select_n3A_204, %lt3A_210 : i32
          %ne3A_212 = arith.xori %lt3A_209, %lt3A_211 : i1
          %and3A_213 = arith.andi %ne3A_212, %ne3A_207 : i1
          %add3A_214 = arith.addi %rem3A_205, %select_n3A_204 : i32
          %select_n3A_215 = arith.select %and3A_213, %add3A_214, %rem3A_205 : i32
          %dma_wait3A_216 = arith.constant 0 : i32
          %dma_wait3A_217 = arith.constant 0 : i32
          %dma_wait3A_218 = tpu.memref_slice %arg15[%select_n3A_215, %dma_wait3A_216, %dma_wait3A_217] : memref<5x128x64xf32, #tpu.memory_space<vmem>> -> memref<1x128x64xf32, #tpu.memory_space<vmem>>
          %dma_wait3A_219 = tpu.memref_squeeze %dma_wait3A_218 : memref<1x128x64xf32, #tpu.memory_space<vmem>> -> memref<128x64xf32, #tpu.memory_space<vmem>>
          %dma_wait3A_220 = arith.constant 0 : i32
          %dma_wait3A_221 = tpu.memref_slice %arg14[%sub3A_197, %dma_wait3A_220] : memref<157x128xi32, #tpu.memory_space<vmem>> -> memref<1x128xi32, #tpu.memory_space<vmem>>
          %dma_wait3A_222 = tpu.memref_squeeze %dma_wait3A_221 : memref<1x128xi32, #tpu.memory_space<vmem>> -> memref<128xi32, #tpu.memory_space<vmem>>
          %dma_wait3A_223 = arith.constant 0 : i32
          %dma_wait3A_224 = arith.constant 0 : i32
          %dma_wait3A_225 = tpu.memref_slice %arg17[%dma_wait3A_223, %dma_wait3A_224] : memref<10240x64xf32, #tpu.memory_space<vmem_shared>> -> memref<10240x64xf32, #tpu.memory_space<vmem_shared>>
          tpu.wait_indirect_dma semaphore(%arg19 : memref<!tpu.dma_semaphore, #tpu.memory_space<semaphore_mem>>) src(%dma_wait3A_219 : memref<128x64xf32, #tpu.memory_space<vmem>>) dst(%dma_wait3A_225 : memref<10240x64xf32, #tpu.memory_space<vmem_shared>>)
        } else {
        }
        %add3A_144 = arith.constant 3 : i32
        %add3A_145 = arith.addi %add3A_139, %add3A_144 : i32
        %lt3A = arith.constant 157 : i32
        %lt3A_146 = arith.cmpi slt, %add3A_145, %lt3A : i32
        %convert_element_type3A_147 = arith.extui %lt3A_146 : i1 to i32
        %cond3A_148 = arith.constant 0 : i32
        %cond3A_149 = arith.cmpi ne, %convert_element_type3A_147, %cond3A_148 : i32
        scf.if %cond3A_149 {
          %add3A_197 = arith.constant 3 : i32
          %add3A_198 = arith.addi %add3A_139, %add3A_197 : i32
          %jit3A_199 = arith.constant 5 : i32
          %eq3A_200 = arith.constant 0 : i32
          %eq3A_201 = arith.cmpi eq, %jit3A_199, %eq3A_200 : i32
          %jit3A_202 = arith.constant 1 : i32
          %select_n3A_203 = arith.select %eq3A_201, %jit3A_202, %jit3A_199 : i32
          %rem3A_204 = arith.remsi %add3A_198, %select_n3A_203 : i32
          %ne3A_205 = arith.constant 0 : i32
          %ne3A_206 = arith.cmpi ne, %rem3A_204, %ne3A_205 : i32
          %lt3A_207 = arith.constant 0 : i32
          %lt3A_208 = arith.cmpi slt, %rem3A_204, %lt3A_207 : i32
          %lt3A_209 = arith.constant 0 : i32
          %lt3A_210 = arith.cmpi slt, %select_n3A_203, %lt3A_209 : i32
          %ne3A_211 = arith.xori %lt3A_208, %lt3A_210 : i1
          %and3A_212 = arith.andi %ne3A_211, %ne3A_206 : i1
          %add3A_213 = arith.addi %rem3A_204, %select_n3A_203 : i32
          %select_n3A_214 = arith.select %and3A_212, %add3A_213, %rem3A_204 : i32
          %dma_start3A_215 = arith.constant 0 : i32
          %dma_start3A_216 = arith.constant 0 : i32
          %dma_start3A_217 = tpu.memref_slice %arg15[%select_n3A_214, %dma_start3A_215, %dma_start3A_216] : memref<5x128x64xf32, #tpu.memory_space<vmem>> -> memref<1x128x64xf32, #tpu.memory_space<vmem>>
          %dma_start3A_218 = tpu.memref_squeeze %dma_start3A_217 : memref<1x128x64xf32, #tpu.memory_space<vmem>> -> memref<128x64xf32, #tpu.memory_space<vmem>>
          %dma_start3A_219 = arith.constant 0 : i32
          %dma_start3A_220 = tpu.memref_slice %arg13[%add3A_198, %dma_start3A_219] : memref<157x128xi32, #tpu.memory_space<vmem>> -> memref<1x128xi32, #tpu.memory_space<vmem>>
          %dma_start3A_221 = tpu.memref_squeeze %dma_start3A_220 : memref<1x128xi32, #tpu.memory_space<vmem>> -> memref<128xi32, #tpu.memory_space<vmem>>
          %dma_start3A_222 = arith.constant 0 : i32
          %dma_start3A_223 = arith.constant 0 : i32
          %dma_start3A_224 = tpu.memref_slice %arg2[%dma_start3A_222, %dma_start3A_223] : memref<10240x64xf32, #tpu.memory_space<hbm>> -> memref<10240x64xf32, #tpu.memory_space<hbm>>
          tpu.enqueue_indirect_dma source(%dma_start3A_224 : memref<10240x64xf32, #tpu.memory_space<hbm>>) target(%dma_start3A_218 : memref<128x64xf32, #tpu.memory_space<vmem>>) offsets(%dma_start3A_221 : memref<128xi32, #tpu.memory_space<vmem>>) semaphore(%arg18 : memref<!tpu.dma_semaphore, #tpu.memory_space<semaphore_mem>>)
        } else {
        }
        %jit3A = arith.constant 5 : i32
        %eq3A_150 = arith.constant 0 : i32
        %eq3A_151 = arith.cmpi eq, %jit3A, %eq3A_150 : i32
        %jit3A_152 = arith.constant 1 : i32
        %select_n3A = arith.select %eq3A_151, %jit3A_152, %jit3A : i32
        %rem3A = arith.remsi %add3A_139, %select_n3A : i32
        %ne3A = arith.constant 0 : i32
        %ne3A_153 = arith.cmpi ne, %rem3A, %ne3A : i32
        %lt3A_154 = arith.constant 0 : i32
        %lt3A_155 = arith.cmpi slt, %rem3A, %lt3A_154 : i32
        %lt3A_156 = arith.constant 0 : i32
        %lt3A_157 = arith.cmpi slt, %select_n3A, %lt3A_156 : i32
        %ne3A_158 = arith.xori %lt3A_155, %lt3A_157 : i1
        %and3A = arith.andi %ne3A_158, %ne3A_153 : i1
        %add3A_159 = arith.addi %rem3A, %select_n3A : i32
        %select_n3A_160 = arith.select %and3A, %add3A_159, %rem3A : i32
        %dma_wait3A_161 = arith.constant 0 : i32
        %dma_wait3A_162 = arith.constant 0 : i32
        %dma_wait3A_163 = tpu.memref_slice %arg15[%select_n3A_160, %dma_wait3A_161, %dma_wait3A_162] : memref<5x128x64xf32, #tpu.memory_space<vmem>> -> memref<1x128x64xf32, #tpu.memory_space<vmem>>
        %dma_wait3A_164 = tpu.memref_squeeze %dma_wait3A_163 : memref<1x128x64xf32, #tpu.memory_space<vmem>> -> memref<128x64xf32, #tpu.memory_space<vmem>>
        %dma_wait3A_165 = arith.constant 0 : i32
        %dma_wait3A_166 = tpu.memref_slice %arg13[%add3A_139, %dma_wait3A_165] : memref<157x128xi32, #tpu.memory_space<vmem>> -> memref<1x128xi32, #tpu.memory_space<vmem>>
        %dma_wait3A_167 = tpu.memref_squeeze %dma_wait3A_166 : memref<1x128xi32, #tpu.memory_space<vmem>> -> memref<128xi32, #tpu.memory_space<vmem>>
        %dma_wait3A_168 = arith.constant 0 : i32
        %dma_wait3A_169 = arith.constant 0 : i32
        %dma_wait3A_170 = tpu.memref_slice %arg2[%dma_wait3A_168, %dma_wait3A_169] : memref<10240x64xf32, #tpu.memory_space<hbm>> -> memref<10240x64xf32, #tpu.memory_space<hbm>>
        tpu.wait_indirect_dma semaphore(%arg18 : memref<!tpu.dma_semaphore, #tpu.memory_space<semaphore_mem>>) src(%dma_wait3A_170 : memref<10240x64xf32, #tpu.memory_space<hbm>>) dst(%dma_wait3A_164 : memref<128x64xf32, #tpu.memory_space<vmem>>)
        %jit3A_171 = arith.constant 5 : i32
        %eq3A_172 = arith.constant 0 : i32
        %eq3A_173 = arith.cmpi eq, %jit3A_171, %eq3A_172 : i32
        %jit3A_174 = arith.constant 1 : i32
        %select_n3A_175 = arith.select %eq3A_173, %jit3A_174, %jit3A_171 : i32
        %rem3A_176 = arith.remsi %add3A_139, %select_n3A_175 : i32
        %ne3A_177 = arith.constant 0 : i32
        %ne3A_178 = arith.cmpi ne, %rem3A_176, %ne3A_177 : i32
        %lt3A_179 = arith.constant 0 : i32
        %lt3A_180 = arith.cmpi slt, %rem3A_176, %lt3A_179 : i32
        %lt3A_181 = arith.constant 0 : i32
        %lt3A_182 = arith.cmpi slt, %select_n3A_175, %lt3A_181 : i32
        %ne3A_183 = arith.xori %lt3A_180, %lt3A_182 : i1
        %and3A_184 = arith.andi %ne3A_183, %ne3A_178 : i1
        %add3A_185 = arith.addi %rem3A_176, %select_n3A_175 : i32
        %select_n3A_186 = arith.select %and3A_184, %add3A_185, %rem3A_176 : i32
        %dma_start3A_187 = arith.constant 0 : i32
        %dma_start3A_188 = arith.constant 0 : i32
        %dma_start3A_189 = tpu.memref_slice %arg15[%select_n3A_186, %dma_start3A_187, %dma_start3A_188] : memref<5x128x64xf32, #tpu.memory_space<vmem>> -> memref<1x128x64xf32, #tpu.memory_space<vmem>>
        %dma_start3A_190 = tpu.memref_squeeze %dma_start3A_189 : memref<1x128x64xf32, #tpu.memory_space<vmem>> -> memref<128x64xf32, #tpu.memory_space<vmem>>
        %dma_start3A_191 = arith.constant 0 : i32
        %dma_start3A_192 = tpu.memref_slice %arg14[%add3A_139, %dma_start3A_191] : memref<157x128xi32, #tpu.memory_space<vmem>> -> memref<1x128xi32, #tpu.memory_space<vmem>>
        %dma_start3A_193 = tpu.memref_squeeze %dma_start3A_192 : memref<1x128xi32, #tpu.memory_space<vmem>> -> memref<128xi32, #tpu.memory_space<vmem>>
        %dma_start3A_194 = arith.constant 0 : i32
        %dma_start3A_195 = arith.constant 0 : i32
        %dma_start3A_196 = tpu.memref_slice %arg17[%dma_start3A_194, %dma_start3A_195] : memref<10240x64xf32, #tpu.memory_space<vmem_shared>> -> memref<10240x64xf32, #tpu.memory_space<vmem_shared>>
        tpu.enqueue_indirect_dma source(%dma_start3A_190 : memref<128x64xf32, #tpu.memory_space<vmem>>) target(%dma_start3A_196 : memref<10240x64xf32, #tpu.memory_space<vmem_shared>>) offsets(%dma_start3A_193 : memref<128xi32, #tpu.memory_space<vmem>>) semaphore(%arg19 : memref<!tpu.dma_semaphore, #tpu.memory_space<semaphore_mem>>) {add = true}
      }
      %scan3A_130 = arith.constant 157 : i32
      %scan3A_131 = arith.constant 0 : i32
      %scan3A_132 = arith.constant 2 : i32
      %scan3A_133 = arith.addi %scan3A_131, %scan3A_132 : i32
      %scan3A_134 = arith.constant 1 : i32
      scf.for %scan3A_136 = %scan3A_131 to %scan3A_133 step %scan3A_134  : i32 {
        %mul3A_137 = arith.constant 1 : i32
        %mul3A_138 = arith.muli %scan3A_136, %mul3A_137 : i32
        %add3A = arith.constant 155 : i32
        %add3A_139 = arith.addi %add3A, %mul3A_138 : i32
        %jit3A = arith.constant 5 : i32
        %eq3A_140 = arith.constant 0 : i32
        %eq3A_141 = arith.cmpi eq, %jit3A, %eq3A_140 : i32
        %jit3A_142 = arith.constant 1 : i32
        %select_n3A = arith.select %eq3A_141, %jit3A_142, %jit3A : i32
        %rem3A = arith.remsi %add3A_139, %select_n3A : i32
        %ne3A = arith.constant 0 : i32
        %ne3A_143 = arith.cmpi ne, %rem3A, %ne3A : i32
        %lt3A = arith.constant 0 : i32
        %lt3A_144 = arith.cmpi slt, %rem3A, %lt3A : i32
        %lt3A_145 = arith.constant 0 : i32
        %lt3A_146 = arith.cmpi slt, %select_n3A, %lt3A_145 : i32
        %ne3A_147 = arith.xori %lt3A_144, %lt3A_146 : i1
        %and3A = arith.andi %ne3A_147, %ne3A_143 : i1
        %add3A_148 = arith.addi %rem3A, %select_n3A : i32
        %select_n3A_149 = arith.select %and3A, %add3A_148, %rem3A : i32
        %dma_wait3A_150 = arith.constant 0 : i32
        %dma_wait3A_151 = arith.constant 0 : i32
        %dma_wait3A_152 = tpu.memref_slice %arg15[%select_n3A_149, %dma_wait3A_150, %dma_wait3A_151] : memref<5x128x64xf32, #tpu.memory_space<vmem>> -> memref<1x128x64xf32, #tpu.memory_space<vmem>>
        %dma_wait3A_153 = tpu.memref_squeeze %dma_wait3A_152 : memref<1x128x64xf32, #tpu.memory_space<vmem>> -> memref<128x64xf32, #tpu.memory_space<vmem>>
        %dma_wait3A_154 = arith.constant 0 : i32
        %dma_wait3A_155 = tpu.memref_slice %arg14[%add3A_139, %dma_wait3A_154] : memref<157x128xi32, #tpu.memory_space<vmem>> -> memref<1x128xi32, #tpu.memory_space<vmem>>
        %dma_wait3A_156 = tpu.memref_squeeze %dma_wait3A_155 : memref<1x128xi32, #tpu.memory_space<vmem>> -> memref<128xi32, #tpu.memory_space<vmem>>
        %dma_wait3A_157 = arith.constant 0 : i32
        %dma_wait3A_158 = arith.constant 0 : i32
        %dma_wait3A_159 = tpu.memref_slice %arg17[%dma_wait3A_157, %dma_wait3A_158] : memref<10240x64xf32, #tpu.memory_space<vmem_shared>> -> memref<10240x64xf32, #tpu.memory_space<vmem_shared>>
        tpu.wait_indirect_dma semaphore(%arg19 : memref<!tpu.dma_semaphore, #tpu.memory_space<semaphore_mem>>) src(%dma_wait3A_153 : memref<128x64xf32, #tpu.memory_space<vmem>>) dst(%dma_wait3A_159 : memref<10240x64xf32, #tpu.memory_space<vmem_shared>>)
      }
      %scan3A_135 = arith.constant 2 : i32
    } else {
    }
    %eq3A_42 = arith.constant 1 : i32
    %eq3A_43 = arith.cmpi eq, %arg0, %eq3A_42 : i32
    %convert_element_type3A_44 = arith.extui %eq3A_43 : i1 to i32
    %cond3A_45 = arith.constant 0 : i32
    %cond3A_46 = arith.cmpi ne, %convert_element_type3A_44, %cond3A_45 : i32
    scf.if %cond3A_46 {
      %dma_start3A_90 = arith.constant 0 : i32
      %dma_start3A_91 = arith.constant 0 : i32
      %dma_start3A_92 = arith.constant 0 : i32
      %dma_start3A_93 = arith.constant 0 : i32
      %dma_start3A_94 = tpu.memref_slice %arg15[%dma_start3A_91, %dma_start3A_92, %dma_start3A_93] : memref<5x128x64xf32, #tpu.memory_space<vmem>> -> memref<1x128x64xf32, #tpu.memory_space<vmem>>
      %dma_start3A_95 = tpu.memref_squeeze %dma_start3A_94 : memref<1x128x64xf32, #tpu.memory_space<vmem>> -> memref<128x64xf32, #tpu.memory_space<vmem>>
      %dma_start3A_96 = arith.constant 0 : i32
      %dma_start3A_97 = tpu.memref_slice %arg13[%dma_start3A_90, %dma_start3A_96] : memref<157x128xi32, #tpu.memory_space<vmem>> -> memref<1x128xi32, #tpu.memory_space<vmem>>
      %dma_start3A_98 = tpu.memref_squeeze %dma_start3A_97 : memref<1x128xi32, #tpu.memory_space<vmem>> -> memref<128xi32, #tpu.memory_space<vmem>>
      %dma_start3A_99 = arith.constant 0 : i32
      %dma_start3A_100 = arith.constant 0 : i32
      %dma_start3A_101 = tpu.memref_slice %arg4[%dma_start3A_99, %dma_start3A_100] : memref<10240x64xf32, #tpu.memory_space<hbm>> -> memref<10240x64xf32, #tpu.memory_space<hbm>>
      tpu.enqueue_indirect_dma source(%dma_start3A_101 : memref<10240x64xf32, #tpu.memory_space<hbm>>) target(%dma_start3A_95 : memref<128x64xf32, #tpu.memory_space<vmem>>) offsets(%dma_start3A_98 : memref<128xi32, #tpu.memory_space<vmem>>) semaphore(%arg18 : memref<!tpu.dma_semaphore, #tpu.memory_space<semaphore_mem>>)
      %dma_start3A_102 = arith.constant 1 : i32
      %dma_start3A_103 = arith.constant 1 : i32
      %dma_start3A_104 = arith.constant 0 : i32
      %dma_start3A_105 = arith.constant 0 : i32
      %dma_start3A_106 = tpu.memref_slice %arg15[%dma_start3A_103, %dma_start3A_104, %dma_start3A_105] : memref<5x128x64xf32, #tpu.memory_space<vmem>> -> memref<1x128x64xf32, #tpu.memory_space<vmem>>
      %dma_start3A_107 = tpu.memref_squeeze %dma_start3A_106 : memref<1x128x64xf32, #tpu.memory_space<vmem>> -> memref<128x64xf32, #tpu.memory_space<vmem>>
      %dma_start3A_108 = arith.constant 0 : i32
      %dma_start3A_109 = tpu.memref_slice %arg13[%dma_start3A_102, %dma_start3A_108] : memref<157x128xi32, #tpu.memory_space<vmem>> -> memref<1x128xi32, #tpu.memory_space<vmem>>
      %dma_start3A_110 = tpu.memref_squeeze %dma_start3A_109 : memref<1x128xi32, #tpu.memory_space<vmem>> -> memref<128xi32, #tpu.memory_space<vmem>>
      %dma_start3A_111 = arith.constant 0 : i32
      %dma_start3A_112 = arith.constant 0 : i32
      %dma_start3A_113 = tpu.memref_slice %arg4[%dma_start3A_111, %dma_start3A_112] : memref<10240x64xf32, #tpu.memory_space<hbm>> -> memref<10240x64xf32, #tpu.memory_space<hbm>>
      tpu.enqueue_indirect_dma source(%dma_start3A_113 : memref<10240x64xf32, #tpu.memory_space<hbm>>) target(%dma_start3A_107 : memref<128x64xf32, #tpu.memory_space<vmem>>) offsets(%dma_start3A_110 : memref<128xi32, #tpu.memory_space<vmem>>) semaphore(%arg18 : memref<!tpu.dma_semaphore, #tpu.memory_space<semaphore_mem>>)
      %dma_start3A_114 = arith.constant 2 : i32
      %dma_start3A_115 = arith.constant 2 : i32
      %dma_start3A_116 = arith.constant 0 : i32
      %dma_start3A_117 = arith.constant 0 : i32
      %dma_start3A_118 = tpu.memref_slice %arg15[%dma_start3A_115, %dma_start3A_116, %dma_start3A_117] : memref<5x128x64xf32, #tpu.memory_space<vmem>> -> memref<1x128x64xf32, #tpu.memory_space<vmem>>
      %dma_start3A_119 = tpu.memref_squeeze %dma_start3A_118 : memref<1x128x64xf32, #tpu.memory_space<vmem>> -> memref<128x64xf32, #tpu.memory_space<vmem>>
      %dma_start3A_120 = arith.constant 0 : i32
      %dma_start3A_121 = tpu.memref_slice %arg13[%dma_start3A_114, %dma_start3A_120] : memref<157x128xi32, #tpu.memory_space<vmem>> -> memref<1x128xi32, #tpu.memory_space<vmem>>
      %dma_start3A_122 = tpu.memref_squeeze %dma_start3A_121 : memref<1x128xi32, #tpu.memory_space<vmem>> -> memref<128xi32, #tpu.memory_space<vmem>>
      %dma_start3A_123 = arith.constant 0 : i32
      %dma_start3A_124 = arith.constant 0 : i32
      %dma_start3A_125 = tpu.memref_slice %arg4[%dma_start3A_123, %dma_start3A_124] : memref<10240x64xf32, #tpu.memory_space<hbm>> -> memref<10240x64xf32, #tpu.memory_space<hbm>>
      tpu.enqueue_indirect_dma source(%dma_start3A_125 : memref<10240x64xf32, #tpu.memory_space<hbm>>) target(%dma_start3A_119 : memref<128x64xf32, #tpu.memory_space<vmem>>) offsets(%dma_start3A_122 : memref<128xi32, #tpu.memory_space<vmem>>) semaphore(%arg18 : memref<!tpu.dma_semaphore, #tpu.memory_space<semaphore_mem>>)
      %scan3A_126 = arith.constant 0 : i32
      %scan3A_127 = arith.constant 157 : i32
      %scan3A_128 = arith.addi %scan3A_126, %scan3A_127 : i32
      %scan3A_129 = arith.constant 1 : i32
      scf.for %scan3A_136 = %scan3A_126 to %scan3A_128 step %scan3A_129  : i32 {
        %mul3A_137 = arith.constant 1 : i32
        %mul3A_138 = arith.muli %scan3A_136, %mul3A_137 : i32
        %add3A = arith.constant 0 : i32
        %add3A_139 = arith.addi %add3A, %mul3A_138 : i32
        %ge3A = arith.constant 2 : i32
        %ge3A_140 = arith.cmpi sge, %add3A_139, %ge3A : i32
        %convert_element_type3A_141 = arith.extui %ge3A_140 : i1 to i32
        %cond3A_142 = arith.constant 0 : i32
        %cond3A_143 = arith.cmpi ne, %convert_element_type3A_141, %cond3A_142 : i32
        scf.if %cond3A_143 {
          %sub3A = arith.constant 2 : i32
          %sub3A_197 = arith.subi %add3A_139, %sub3A : i32
          %sub3A_198 = arith.constant 2 : i32
          %sub3A_199 = arith.subi %add3A_139, %sub3A_198 : i32
          %jit3A_200 = arith.constant 5 : i32
          %eq3A_201 = arith.constant 0 : i32
          %eq3A_202 = arith.cmpi eq, %jit3A_200, %eq3A_201 : i32
          %jit3A_203 = arith.constant 1 : i32
          %select_n3A_204 = arith.select %eq3A_202, %jit3A_203, %jit3A_200 : i32
          %rem3A_205 = arith.remsi %sub3A_199, %select_n3A_204 : i32
          %ne3A_206 = arith.constant 0 : i32
          %ne3A_207 = arith.cmpi ne, %rem3A_205, %ne3A_206 : i32
          %lt3A_208 = arith.constant 0 : i32
          %lt3A_209 = arith.cmpi slt, %rem3A_205, %lt3A_208 : i32
          %lt3A_210 = arith.constant 0 : i32
          %lt3A_211 = arith.cmpi slt, %select_n3A_204, %lt3A_210 : i32
          %ne3A_212 = arith.xori %lt3A_209, %lt3A_211 : i1
          %and3A_213 = arith.andi %ne3A_212, %ne3A_207 : i1
          %add3A_214 = arith.addi %rem3A_205, %select_n3A_204 : i32
          %select_n3A_215 = arith.select %and3A_213, %add3A_214, %rem3A_205 : i32
          %dma_wait3A_216 = arith.constant 0 : i32
          %dma_wait3A_217 = arith.constant 0 : i32
          %dma_wait3A_218 = tpu.memref_slice %arg15[%select_n3A_215, %dma_wait3A_216, %dma_wait3A_217] : memref<5x128x64xf32, #tpu.memory_space<vmem>> -> memref<1x128x64xf32, #tpu.memory_space<vmem>>
          %dma_wait3A_219 = tpu.memref_squeeze %dma_wait3A_218 : memref<1x128x64xf32, #tpu.memory_space<vmem>> -> memref<128x64xf32, #tpu.memory_space<vmem>>
          %dma_wait3A_220 = arith.constant 0 : i32
          %dma_wait3A_221 = tpu.memref_slice %arg14[%sub3A_197, %dma_wait3A_220] : memref<157x128xi32, #tpu.memory_space<vmem>> -> memref<1x128xi32, #tpu.memory_space<vmem>>
          %dma_wait3A_222 = tpu.memref_squeeze %dma_wait3A_221 : memref<1x128xi32, #tpu.memory_space<vmem>> -> memref<128xi32, #tpu.memory_space<vmem>>
          %dma_wait3A_223 = arith.constant 0 : i32
          %dma_wait3A_224 = arith.constant 0 : i32
          %dma_wait3A_225 = tpu.memref_slice %arg17[%dma_wait3A_223, %dma_wait3A_224] : memref<10240x64xf32, #tpu.memory_space<vmem_shared>> -> memref<10240x64xf32, #tpu.memory_space<vmem_shared>>
          tpu.wait_indirect_dma semaphore(%arg19 : memref<!tpu.dma_semaphore, #tpu.memory_space<semaphore_mem>>) src(%dma_wait3A_219 : memref<128x64xf32, #tpu.memory_space<vmem>>) dst(%dma_wait3A_225 : memref<10240x64xf32, #tpu.memory_space<vmem_shared>>)
        } else {
        }
        %add3A_144 = arith.constant 3 : i32
        %add3A_145 = arith.addi %add3A_139, %add3A_144 : i32
        %lt3A = arith.constant 157 : i32
        %lt3A_146 = arith.cmpi slt, %add3A_145, %lt3A : i32
        %convert_element_type3A_147 = arith.extui %lt3A_146 : i1 to i32
        %cond3A_148 = arith.constant 0 : i32
        %cond3A_149 = arith.cmpi ne, %convert_element_type3A_147, %cond3A_148 : i32
        scf.if %cond3A_149 {
          %add3A_197 = arith.constant 3 : i32
          %add3A_198 = arith.addi %add3A_139, %add3A_197 : i32
          %jit3A_199 = arith.constant 5 : i32
          %eq3A_200 = arith.constant 0 : i32
          %eq3A_201 = arith.cmpi eq, %jit3A_199, %eq3A_200 : i32
          %jit3A_202 = arith.constant 1 : i32
          %select_n3A_203 = arith.select %eq3A_201, %jit3A_202, %jit3A_199 : i32
          %rem3A_204 = arith.remsi %add3A_198, %select_n3A_203 : i32
          %ne3A_205 = arith.constant 0 : i32
          %ne3A_206 = arith.cmpi ne, %rem3A_204, %ne3A_205 : i32
          %lt3A_207 = arith.constant 0 : i32
          %lt3A_208 = arith.cmpi slt, %rem3A_204, %lt3A_207 : i32
          %lt3A_209 = arith.constant 0 : i32
          %lt3A_210 = arith.cmpi slt, %select_n3A_203, %lt3A_209 : i32
          %ne3A_211 = arith.xori %lt3A_208, %lt3A_210 : i1
          %and3A_212 = arith.andi %ne3A_211, %ne3A_206 : i1
          %add3A_213 = arith.addi %rem3A_204, %select_n3A_203 : i32
          %select_n3A_214 = arith.select %and3A_212, %add3A_213, %rem3A_204 : i32
          %dma_start3A_215 = arith.constant 0 : i32
          %dma_start3A_216 = arith.constant 0 : i32
          %dma_start3A_217 = tpu.memref_slice %arg15[%select_n3A_214, %dma_start3A_215, %dma_start3A_216] : memref<5x128x64xf32, #tpu.memory_space<vmem>> -> memref<1x128x64xf32, #tpu.memory_space<vmem>>
          %dma_start3A_218 = tpu.memref_squeeze %dma_start3A_217 : memref<1x128x64xf32, #tpu.memory_space<vmem>> -> memref<128x64xf32, #tpu.memory_space<vmem>>
          %dma_start3A_219 = arith.constant 0 : i32
          %dma_start3A_220 = tpu.memref_slice %arg13[%add3A_198, %dma_start3A_219] : memref<157x128xi32, #tpu.memory_space<vmem>> -> memref<1x128xi32, #tpu.memory_space<vmem>>
          %dma_start3A_221 = tpu.memref_squeeze %dma_start3A_220 : memref<1x128xi32, #tpu.memory_space<vmem>> -> memref<128xi32, #tpu.memory_space<vmem>>
          %dma_start3A_222 = arith.constant 0 : i32
          %dma_start3A_223 = arith.constant 0 : i32
          %dma_start3A_224 = tpu.memref_slice %arg4[%dma_start3A_222, %dma_start3A_223] : memref<10240x64xf32, #tpu.memory_space<hbm>> -> memref<10240x64xf32, #tpu.memory_space<hbm>>
          tpu.enqueue_indirect_dma source(%dma_start3A_224 : memref<10240x64xf32, #tpu.memory_space<hbm>>) target(%dma_start3A_218 : memref<128x64xf32, #tpu.memory_space<vmem>>) offsets(%dma_start3A_221 : memref<128xi32, #tpu.memory_space<vmem>>) semaphore(%arg18 : memref<!tpu.dma_semaphore, #tpu.memory_space<semaphore_mem>>)
        } else {
        }
        %jit3A = arith.constant 5 : i32
        %eq3A_150 = arith.constant 0 : i32
        %eq3A_151 = arith.cmpi eq, %jit3A, %eq3A_150 : i32
        %jit3A_152 = arith.constant 1 : i32
        %select_n3A = arith.select %eq3A_151, %jit3A_152, %jit3A : i32
        %rem3A = arith.remsi %add3A_139, %select_n3A : i32
        %ne3A = arith.constant 0 : i32
        %ne3A_153 = arith.cmpi ne, %rem3A, %ne3A : i32
        %lt3A_154 = arith.constant 0 : i32
        %lt3A_155 = arith.cmpi slt, %rem3A, %lt3A_154 : i32
        %lt3A_156 = arith.constant 0 : i32
        %lt3A_157 = arith.cmpi slt, %select_n3A, %lt3A_156 : i32
        %ne3A_158 = arith.xori %lt3A_155, %lt3A_157 : i1
        %and3A = arith.andi %ne3A_158, %ne3A_153 : i1
        %add3A_159 = arith.addi %rem3A, %select_n3A : i32
        %select_n3A_160 = arith.select %and3A, %add3A_159, %rem3A : i32
        %dma_wait3A_161 = arith.constant 0 : i32
        %dma_wait3A_162 = arith.constant 0 : i32
        %dma_wait3A_163 = tpu.memref_slice %arg15[%select_n3A_160, %dma_wait3A_161, %dma_wait3A_162] : memref<5x128x64xf32, #tpu.memory_space<vmem>> -> memref<1x128x64xf32, #tpu.memory_space<vmem>>
        %dma_wait3A_164 = tpu.memref_squeeze %dma_wait3A_163 : memref<1x128x64xf32, #tpu.memory_space<vmem>> -> memref<128x64xf32, #tpu.memory_space<vmem>>
        %dma_wait3A_165 = arith.constant 0 : i32
        %dma_wait3A_166 = tpu.memref_slice %arg13[%add3A_139, %dma_wait3A_165] : memref<157x128xi32, #tpu.memory_space<vmem>> -> memref<1x128xi32, #tpu.memory_space<vmem>>
        %dma_wait3A_167 = tpu.memref_squeeze %dma_wait3A_166 : memref<1x128xi32, #tpu.memory_space<vmem>> -> memref<128xi32, #tpu.memory_space<vmem>>
        %dma_wait3A_168 = arith.constant 0 : i32
        %dma_wait3A_169 = arith.constant 0 : i32
        %dma_wait3A_170 = tpu.memref_slice %arg4[%dma_wait3A_168, %dma_wait3A_169] : memref<10240x64xf32, #tpu.memory_space<hbm>> -> memref<10240x64xf32, #tpu.memory_space<hbm>>
        tpu.wait_indirect_dma semaphore(%arg18 : memref<!tpu.dma_semaphore, #tpu.memory_space<semaphore_mem>>) src(%dma_wait3A_170 : memref<10240x64xf32, #tpu.memory_space<hbm>>) dst(%dma_wait3A_164 : memref<128x64xf32, #tpu.memory_space<vmem>>)
        %jit3A_171 = arith.constant 5 : i32
        %eq3A_172 = arith.constant 0 : i32
        %eq3A_173 = arith.cmpi eq, %jit3A_171, %eq3A_172 : i32
        %jit3A_174 = arith.constant 1 : i32
        %select_n3A_175 = arith.select %eq3A_173, %jit3A_174, %jit3A_171 : i32
        %rem3A_176 = arith.remsi %add3A_139, %select_n3A_175 : i32
        %ne3A_177 = arith.constant 0 : i32
        %ne3A_178 = arith.cmpi ne, %rem3A_176, %ne3A_177 : i32
        %lt3A_179 = arith.constant 0 : i32
        %lt3A_180 = arith.cmpi slt, %rem3A_176, %lt3A_179 : i32
        %lt3A_181 = arith.constant 0 : i32
        %lt3A_182 = arith.cmpi slt, %select_n3A_175, %lt3A_181 : i32
        %ne3A_183 = arith.xori %lt3A_180, %lt3A_182 : i1
        %and3A_184 = arith.andi %ne3A_183, %ne3A_178 : i1
        %add3A_185 = arith.addi %rem3A_176, %select_n3A_175 : i32
        %select_n3A_186 = arith.select %and3A_184, %add3A_185, %rem3A_176 : i32
        %dma_start3A_187 = arith.constant 0 : i32
        %dma_start3A_188 = arith.constant 0 : i32
        %dma_start3A_189 = tpu.memref_slice %arg15[%select_n3A_186, %dma_start3A_187, %dma_start3A_188] : memref<5x128x64xf32, #tpu.memory_space<vmem>> -> memref<1x128x64xf32, #tpu.memory_space<vmem>>
        %dma_start3A_190 = tpu.memref_squeeze %dma_start3A_189 : memref<1x128x64xf32, #tpu.memory_space<vmem>> -> memref<128x64xf32, #tpu.memory_space<vmem>>
        %dma_start3A_191 = arith.constant 0 : i32
        %dma_start3A_192 = tpu.memref_slice %arg14[%add3A_139, %dma_start3A_191] : memref<157x128xi32, #tpu.memory_space<vmem>> -> memref<1x128xi32, #tpu.memory_space<vmem>>
        %dma_start3A_193 = tpu.memref_squeeze %dma_start3A_192 : memref<1x128xi32, #tpu.memory_space<vmem>> -> memref<128xi32, #tpu.memory_space<vmem>>
        %dma_start3A_194 = arith.constant 0 : i32
        %dma_start3A_195 = arith.constant 0 : i32
        %dma_start3A_196 = tpu.memref_slice %arg17[%dma_start3A_194, %dma_start3A_195] : memref<10240x64xf32, #tpu.memory_space<vmem_shared>> -> memref<10240x64xf32, #tpu.memory_space<vmem_shared>>
        tpu.enqueue_indirect_dma source(%dma_start3A_190 : memref<128x64xf32, #tpu.memory_space<vmem>>) target(%dma_start3A_196 : memref<10240x64xf32, #tpu.memory_space<vmem_shared>>) offsets(%dma_start3A_193 : memref<128xi32, #tpu.memory_space<vmem>>) semaphore(%arg19 : memref<!tpu.dma_semaphore, #tpu.memory_space<semaphore_mem>>) {add = true}
      }
      %scan3A_130 = arith.constant 157 : i32
      %scan3A_131 = arith.constant 0 : i32
      %scan3A_132 = arith.constant 2 : i32
      %scan3A_133 = arith.addi %scan3A_131, %scan3A_132 : i32
      %scan3A_134 = arith.constant 1 : i32
      scf.for %scan3A_136 = %scan3A_131 to %scan3A_133 step %scan3A_134  : i32 {
        %mul3A_137 = arith.constant 1 : i32
        %mul3A_138 = arith.muli %scan3A_136, %mul3A_137 : i32
        %add3A = arith.constant 155 : i32
        %add3A_139 = arith.addi %add3A, %mul3A_138 : i32
        %jit3A = arith.constant 5 : i32
        %eq3A_140 = arith.constant 0 : i32
        %eq3A_141 = arith.cmpi eq, %jit3A, %eq3A_140 : i32
        %jit3A_142 = arith.constant 1 : i32
        %select_n3A = arith.select %eq3A_141, %jit3A_142, %jit3A : i32
        %rem3A = arith.remsi %add3A_139, %select_n3A : i32
        %ne3A = arith.constant 0 : i32
        %ne3A_143 = arith.cmpi ne, %rem3A, %ne3A : i32
        %lt3A = arith.constant 0 : i32
        %lt3A_144 = arith.cmpi slt, %rem3A, %lt3A : i32
        %lt3A_145 = arith.constant 0 : i32
        %lt3A_146 = arith.cmpi slt, %select_n3A, %lt3A_145 : i32
        %ne3A_147 = arith.xori %lt3A_144, %lt3A_146 : i1
        %and3A = arith.andi %ne3A_147, %ne3A_143 : i1
        %add3A_148 = arith.addi %rem3A, %select_n3A : i32
        %select_n3A_149 = arith.select %and3A, %add3A_148, %rem3A : i32
        %dma_wait3A_150 = arith.constant 0 : i32
        %dma_wait3A_151 = arith.constant 0 : i32
        %dma_wait3A_152 = tpu.memref_slice %arg15[%select_n3A_149, %dma_wait3A_150, %dma_wait3A_151] : memref<5x128x64xf32, #tpu.memory_space<vmem>> -> memref<1x128x64xf32, #tpu.memory_space<vmem>>
        %dma_wait3A_153 = tpu.memref_squeeze %dma_wait3A_152 : memref<1x128x64xf32, #tpu.memory_space<vmem>> -> memref<128x64xf32, #tpu.memory_space<vmem>>
        %dma_wait3A_154 = arith.constant 0 : i32
        %dma_wait3A_155 = tpu.memref_slice %arg14[%add3A_139, %dma_wait3A_154] : memref<157x128xi32, #tpu.memory_space<vmem>> -> memref<1x128xi32, #tpu.memory_space<vmem>>
        %dma_wait3A_156 = tpu.memref_squeeze %dma_wait3A_155 : memref<1x128xi32, #tpu.memory_space<vmem>> -> memref<128xi32, #tpu.memory_space<vmem>>
        %dma_wait3A_157 = arith.constant 0 : i32
        %dma_wait3A_158 = arith.constant 0 : i32
        %dma_wait3A_159 = tpu.memref_slice %arg17[%dma_wait3A_157, %dma_wait3A_158] : memref<10240x64xf32, #tpu.memory_space<vmem_shared>> -> memref<10240x64xf32, #tpu.memory_space<vmem_shared>>
        tpu.wait_indirect_dma semaphore(%arg19 : memref<!tpu.dma_semaphore, #tpu.memory_space<semaphore_mem>>) src(%dma_wait3A_153 : memref<128x64xf32, #tpu.memory_space<vmem>>) dst(%dma_wait3A_159 : memref<10240x64xf32, #tpu.memory_space<vmem_shared>>)
      }
      %scan3A_135 = arith.constant 2 : i32
    } else {
    }
    %barrier3A_47 = arith.constant 0 : index
    tpu.barrier barrier_id(%barrier3A_47)
    %eq3A_48 = arith.constant 0 : i32
    %eq3A_49 = arith.cmpi eq, %arg0, %eq3A_48 : i32
    %convert_element_type3A_50 = arith.extui %eq3A_49 : i1 to i32
    %cond3A_51 = arith.constant 0 : i32
    %cond3A_52 = arith.cmpi ne, %convert_element_type3A_50, %cond3A_51 : i32
    scf.if %cond3A_52 {
      "tpu.region"() ({
        %run_scoped3A = tpu.sem_alloc : memref<!tpu.dma_semaphore, #tpu.memory_space<semaphore_mem>>
        %dma_start3A_90 = arith.constant 0 : i32
        %dma_start3A_91 = tpu.memref_slice %arg9[%mul3A_0, %dma_start3A_90] : memref<10240x64xf32, #tpu.memory_space<hbm>> -> memref<640x64xf32, #tpu.memory_space<hbm>>
        %dma_start3A_92 = arith.constant 0 : i32
        %dma_start3A_93 = tpu.memref_slice %arg17[%mul3A_0, %dma_start3A_92] : memref<10240x64xf32, #tpu.memory_space<vmem_shared>> -> memref<640x64xf32, #tpu.memory_space<vmem_shared>>
        tpu.enqueue_dma source(%dma_start3A_93 : memref<640x64xf32, #tpu.memory_space<vmem_shared>>) target(%dma_start3A_91 : memref<640x64xf32, #tpu.memory_space<hbm>>) target_semaphore(%run_scoped3A : memref<!tpu.dma_semaphore, #tpu.memory_space<semaphore_mem>>)
        %dma_wait3A_94 = arith.constant 0 : i32
        %dma_wait3A_95 = tpu.memref_slice %arg9[%mul3A_0, %dma_wait3A_94] : memref<10240x64xf32, #tpu.memory_space<hbm>> -> memref<640x64xf32, #tpu.memory_space<hbm>>
        %dma_wait3A_96 = arith.constant 0 : i32
        %dma_wait3A_97 = tpu.memref_slice %arg17[%mul3A_0, %dma_wait3A_96] : memref<10240x64xf32, #tpu.memory_space<vmem_shared>> -> memref<640x64xf32, #tpu.memory_space<vmem_shared>>
        tpu.wait_dma2 semaphore(%run_scoped3A : memref<!tpu.dma_semaphore, #tpu.memory_space<semaphore_mem>>) src(%dma_wait3A_97 : memref<640x64xf32, #tpu.memory_space<vmem_shared>>) dst(%dma_wait3A_95 : memref<640x64xf32, #tpu.memory_space<hbm>>)
        tpu.yield
      }) : () -> ()
    } else {
    }
    %eq3A_53 = arith.constant 1 : i32
    %eq3A_54 = arith.cmpi eq, %arg0, %eq3A_53 : i32
    %convert_element_type3A_55 = arith.extui %eq3A_54 : i1 to i32
    %cond3A_56 = arith.constant 0 : i32
    %cond3A_57 = arith.cmpi ne, %convert_element_type3A_55, %cond3A_56 : i32
    scf.if %cond3A_57 {
      "tpu.region"() ({
        %run_scoped3A = tpu.sem_alloc : memref<!tpu.dma_semaphore, #tpu.memory_space<semaphore_mem>>
        %dma_start3A_90 = arith.constant 0 : i32
        %dma_start3A_91 = tpu.memref_slice %arg11[%mul3A_0, %dma_start3A_90] : memref<10240x64xf32, #tpu.memory_space<hbm>> -> memref<640x64xf32, #tpu.memory_space<hbm>>
        %dma_start3A_92 = arith.constant 0 : i32
        %dma_start3A_93 = tpu.memref_slice %arg17[%mul3A_0, %dma_start3A_92] : memref<10240x64xf32, #tpu.memory_space<vmem_shared>> -> memref<640x64xf32, #tpu.memory_space<vmem_shared>>
        tpu.enqueue_dma source(%dma_start3A_93 : memref<640x64xf32, #tpu.memory_space<vmem_shared>>) target(%dma_start3A_91 : memref<640x64xf32, #tpu.memory_space<hbm>>) target_semaphore(%run_scoped3A : memref<!tpu.dma_semaphore, #tpu.memory_space<semaphore_mem>>)
        %dma_wait3A_94 = arith.constant 0 : i32
        %dma_wait3A_95 = tpu.memref_slice %arg11[%mul3A_0, %dma_wait3A_94] : memref<10240x64xf32, #tpu.memory_space<hbm>> -> memref<640x64xf32, #tpu.memory_space<hbm>>
        %dma_wait3A_96 = arith.constant 0 : i32
        %dma_wait3A_97 = tpu.memref_slice %arg17[%mul3A_0, %dma_wait3A_96] : memref<10240x64xf32, #tpu.memory_space<vmem_shared>> -> memref<640x64xf32, #tpu.memory_space<vmem_shared>>
        tpu.wait_dma2 semaphore(%run_scoped3A : memref<!tpu.dma_semaphore, #tpu.memory_space<semaphore_mem>>) src(%dma_wait3A_97 : memref<640x64xf32, #tpu.memory_space<vmem_shared>>) dst(%dma_wait3A_95 : memref<640x64xf32, #tpu.memory_space<hbm>>)
        tpu.yield
      }) : () -> ()
    } else {
    }
    %scan3A_58 = arith.constant 0 : i32
    %scan3A_59 = arith.constant 10 : i32
    %scan3A_60 = arith.addi %scan3A_58, %scan3A_59 : i32
    %scan3A_61 = arith.constant 1 : i32
    scf.for %scan3A_90 = %scan3A_58 to %scan3A_60 step %scan3A_61  : i32 {
      %mul3A_91 = arith.constant 1 : i32
      %mul3A_92 = arith.muli %scan3A_90, %mul3A_91 : i32
      %add3A = arith.constant 0 : i32
      %add3A_93 = arith.addi %add3A, %mul3A_92 : i32
      %mul3A_94 = arith.constant 64 : i32
      %mul3A_95 = arith.muli %add3A_93, %mul3A_94 : i32
      %add3A_96 = arith.addi %mul3A_0, %mul3A_95 : i32
      %dma_start3A_97 = arith.constant 0 : i32
      %dma_start3A_98 = tpu.memref_slice %arg17[%add3A_96, %dma_start3A_97] : memref<10240x64xf32, #tpu.memory_space<vmem_shared>> -> memref<64x64xf32, #tpu.memory_space<vmem_shared>>
      %dma_start3A_99 = arith.constant 0 : i32
      %dma_start3A_100 = tpu.memref_slice %arg17[%add3A_96, %dma_start3A_99] : memref<10240x64xf32, #tpu.memory_space<vmem_shared>> -> memref<64x64xf32, #tpu.memory_space<vmem_shared>>
      tpu.enqueue_dma source(%arg16 : memref<64x64xf32, #tpu.memory_space<vmem>>) target(%dma_start3A_100 : memref<64x64xf32, #tpu.memory_space<vmem_shared>>) target_semaphore(%arg19 : memref<!tpu.dma_semaphore, #tpu.memory_space<semaphore_mem>>)
    }
    %scan3A_62 = arith.constant 10 : i32
    %scan3A_63 = arith.constant 0 : i32
    %scan3A_64 = arith.constant 10 : i32
    %scan3A_65 = arith.addi %scan3A_63, %scan3A_64 : i32
    %scan3A_66 = arith.constant 1 : i32
    scf.for %scan3A_90 = %scan3A_63 to %scan3A_65 step %scan3A_66  : i32 {
      %mul3A_91 = arith.constant 1 : i32
      %mul3A_92 = arith.muli %scan3A_90, %mul3A_91 : i32
      %add3A = arith.constant 0 : i32
      %add3A_93 = arith.addi %add3A, %mul3A_92 : i32
      %mul3A_94 = arith.constant 64 : i32
      %mul3A_95 = arith.muli %add3A_93, %mul3A_94 : i32
      %add3A_96 = arith.addi %mul3A_0, %mul3A_95 : i32
      %dma_wait3A_97 = arith.constant 0 : i32
      %dma_wait3A_98 = tpu.memref_slice %arg17[%add3A_96, %dma_wait3A_97] : memref<10240x64xf32, #tpu.memory_space<vmem_shared>> -> memref<64x64xf32, #tpu.memory_space<vmem_shared>>
      %dma_wait3A_99 = arith.constant 0 : i32
      %dma_wait3A_100 = tpu.memref_slice %arg17[%add3A_96, %dma_wait3A_99] : memref<10240x64xf32, #tpu.memory_space<vmem_shared>> -> memref<64x64xf32, #tpu.memory_space<vmem_shared>>
      tpu.wait_dma2 semaphore(%arg19 : memref<!tpu.dma_semaphore, #tpu.memory_space<semaphore_mem>>) src(%arg16 : memref<64x64xf32, #tpu.memory_space<vmem>>) dst(%dma_wait3A_100 : memref<64x64xf32, #tpu.memory_space<vmem_shared>>)
    }
    %scan3A_67 = arith.constant 10 : i32
    %barrier3A_68 = arith.constant 0 : index
    tpu.barrier barrier_id(%barrier3A_68)
    %eq3A_69 = arith.constant 0 : i32
    %eq3A_70 = arith.cmpi eq, %arg0, %eq3A_69 : i32
    %convert_element_type3A_71 = arith.extui %eq3A_70 : i1 to i32
    %cond3A_72 = arith.constant 0 : i32
    %cond3A_73 = arith.cmpi ne, %convert_element_type3A_71, %cond3A_72 : i32
    scf.if %cond3A_73 {
      %dma_start3A_90 = arith.constant 0 : i32
      %dma_start3A_91 = arith.constant 0 : i32
      %dma_start3A_92 = arith.constant 0 : i32
      %dma_start3A_93 = arith.constant 0 : i32
      %dma_start3A_94 = tpu.memref_slice %arg15[%dma_start3A_91, %dma_start3A_92, %dma_start3A_93] : memref<5x128x64xf32, #tpu.memory_space<vmem>> -> memref<1x128x64xf32, #tpu.memory_space<vmem>>
      %dma_start3A_95 = tpu.memref_squeeze %dma_start3A_94 : memref<1x128x64xf32, #tpu.memory_space<vmem>> -> memref<128x64xf32, #tpu.memory_space<vmem>>
      %dma_start3A_96 = arith.constant 0 : i32
      %dma_start3A_97 = tpu.memref_slice %arg13[%dma_start3A_90, %dma_start3A_96] : memref<157x128xi32, #tpu.memory_space<vmem>> -> memref<1x128xi32, #tpu.memory_space<vmem>>
      %dma_start3A_98 = tpu.memref_squeeze %dma_start3A_97 : memref<1x128xi32, #tpu.memory_space<vmem>> -> memref<128xi32, #tpu.memory_space<vmem>>
      %dma_start3A_99 = arith.constant 0 : i32
      %dma_start3A_100 = arith.constant 0 : i32
      %dma_start3A_101 = tpu.memref_slice %arg3[%dma_start3A_99, %dma_start3A_100] : memref<10240x64xf32, #tpu.memory_space<hbm>> -> memref<10240x64xf32, #tpu.memory_space<hbm>>
      tpu.enqueue_indirect_dma source(%dma_start3A_101 : memref<10240x64xf32, #tpu.memory_space<hbm>>) target(%dma_start3A_95 : memref<128x64xf32, #tpu.memory_space<vmem>>) offsets(%dma_start3A_98 : memref<128xi32, #tpu.memory_space<vmem>>) semaphore(%arg18 : memref<!tpu.dma_semaphore, #tpu.memory_space<semaphore_mem>>)
      %dma_start3A_102 = arith.constant 1 : i32
      %dma_start3A_103 = arith.constant 1 : i32
      %dma_start3A_104 = arith.constant 0 : i32
      %dma_start3A_105 = arith.constant 0 : i32
      %dma_start3A_106 = tpu.memref_slice %arg15[%dma_start3A_103, %dma_start3A_104, %dma_start3A_105] : memref<5x128x64xf32, #tpu.memory_space<vmem>> -> memref<1x128x64xf32, #tpu.memory_space<vmem>>
      %dma_start3A_107 = tpu.memref_squeeze %dma_start3A_106 : memref<1x128x64xf32, #tpu.memory_space<vmem>> -> memref<128x64xf32, #tpu.memory_space<vmem>>
      %dma_start3A_108 = arith.constant 0 : i32
      %dma_start3A_109 = tpu.memref_slice %arg13[%dma_start3A_102, %dma_start3A_108] : memref<157x128xi32, #tpu.memory_space<vmem>> -> memref<1x128xi32, #tpu.memory_space<vmem>>
      %dma_start3A_110 = tpu.memref_squeeze %dma_start3A_109 : memref<1x128xi32, #tpu.memory_space<vmem>> -> memref<128xi32, #tpu.memory_space<vmem>>
      %dma_start3A_111 = arith.constant 0 : i32
      %dma_start3A_112 = arith.constant 0 : i32
      %dma_start3A_113 = tpu.memref_slice %arg3[%dma_start3A_111, %dma_start3A_112] : memref<10240x64xf32, #tpu.memory_space<hbm>> -> memref<10240x64xf32, #tpu.memory_space<hbm>>
      tpu.enqueue_indirect_dma source(%dma_start3A_113 : memref<10240x64xf32, #tpu.memory_space<hbm>>) target(%dma_start3A_107 : memref<128x64xf32, #tpu.memory_space<vmem>>) offsets(%dma_start3A_110 : memref<128xi32, #tpu.memory_space<vmem>>) semaphore(%arg18 : memref<!tpu.dma_semaphore, #tpu.memory_space<semaphore_mem>>)
      %dma_start3A_114 = arith.constant 2 : i32
      %dma_start3A_115 = arith.constant 2 : i32
      %dma_start3A_116 = arith.constant 0 : i32
      %dma_start3A_117 = arith.constant 0 : i32
      %dma_start3A_118 = tpu.memref_slice %arg15[%dma_start3A_115, %dma_start3A_116, %dma_start3A_117] : memref<5x128x64xf32, #tpu.memory_space<vmem>> -> memref<1x128x64xf32, #tpu.memory_space<vmem>>
      %dma_start3A_119 = tpu.memref_squeeze %dma_start3A_118 : memref<1x128x64xf32, #tpu.memory_space<vmem>> -> memref<128x64xf32, #tpu.memory_space<vmem>>
      %dma_start3A_120 = arith.constant 0 : i32
      %dma_start3A_121 = tpu.memref_slice %arg13[%dma_start3A_114, %dma_start3A_120] : memref<157x128xi32, #tpu.memory_space<vmem>> -> memref<1x128xi32, #tpu.memory_space<vmem>>
      %dma_start3A_122 = tpu.memref_squeeze %dma_start3A_121 : memref<1x128xi32, #tpu.memory_space<vmem>> -> memref<128xi32, #tpu.memory_space<vmem>>
      %dma_start3A_123 = arith.constant 0 : i32
      %dma_start3A_124 = arith.constant 0 : i32
      %dma_start3A_125 = tpu.memref_slice %arg3[%dma_start3A_123, %dma_start3A_124] : memref<10240x64xf32, #tpu.memory_space<hbm>> -> memref<10240x64xf32, #tpu.memory_space<hbm>>
      tpu.enqueue_indirect_dma source(%dma_start3A_125 : memref<10240x64xf32, #tpu.memory_space<hbm>>) target(%dma_start3A_119 : memref<128x64xf32, #tpu.memory_space<vmem>>) offsets(%dma_start3A_122 : memref<128xi32, #tpu.memory_space<vmem>>) semaphore(%arg18 : memref<!tpu.dma_semaphore, #tpu.memory_space<semaphore_mem>>)
      %scan3A_126 = arith.constant 0 : i32
      %scan3A_127 = arith.constant 157 : i32
      %scan3A_128 = arith.addi %scan3A_126, %scan3A_127 : i32
      %scan3A_129 = arith.constant 1 : i32
      scf.for %scan3A_136 = %scan3A_126 to %scan3A_128 step %scan3A_129  : i32 {
        %mul3A_137 = arith.constant 1 : i32
        %mul3A_138 = arith.muli %scan3A_136, %mul3A_137 : i32
        %add3A = arith.constant 0 : i32
        %add3A_139 = arith.addi %add3A, %mul3A_138 : i32
        %ge3A = arith.constant 2 : i32
        %ge3A_140 = arith.cmpi sge, %add3A_139, %ge3A : i32
        %convert_element_type3A_141 = arith.extui %ge3A_140 : i1 to i32
        %cond3A_142 = arith.constant 0 : i32
        %cond3A_143 = arith.cmpi ne, %convert_element_type3A_141, %cond3A_142 : i32
        scf.if %cond3A_143 {
          %sub3A = arith.constant 2 : i32
          %sub3A_197 = arith.subi %add3A_139, %sub3A : i32
          %sub3A_198 = arith.constant 2 : i32
          %sub3A_199 = arith.subi %add3A_139, %sub3A_198 : i32
          %jit3A_200 = arith.constant 5 : i32
          %eq3A_201 = arith.constant 0 : i32
          %eq3A_202 = arith.cmpi eq, %jit3A_200, %eq3A_201 : i32
          %jit3A_203 = arith.constant 1 : i32
          %select_n3A_204 = arith.select %eq3A_202, %jit3A_203, %jit3A_200 : i32
          %rem3A_205 = arith.remsi %sub3A_199, %select_n3A_204 : i32
          %ne3A_206 = arith.constant 0 : i32
          %ne3A_207 = arith.cmpi ne, %rem3A_205, %ne3A_206 : i32
          %lt3A_208 = arith.constant 0 : i32
          %lt3A_209 = arith.cmpi slt, %rem3A_205, %lt3A_208 : i32
          %lt3A_210 = arith.constant 0 : i32
          %lt3A_211 = arith.cmpi slt, %select_n3A_204, %lt3A_210 : i32
          %ne3A_212 = arith.xori %lt3A_209, %lt3A_211 : i1
          %and3A_213 = arith.andi %ne3A_212, %ne3A_207 : i1
          %add3A_214 = arith.addi %rem3A_205, %select_n3A_204 : i32
          %select_n3A_215 = arith.select %and3A_213, %add3A_214, %rem3A_205 : i32
          %dma_wait3A_216 = arith.constant 0 : i32
          %dma_wait3A_217 = arith.constant 0 : i32
          %dma_wait3A_218 = tpu.memref_slice %arg15[%select_n3A_215, %dma_wait3A_216, %dma_wait3A_217] : memref<5x128x64xf32, #tpu.memory_space<vmem>> -> memref<1x128x64xf32, #tpu.memory_space<vmem>>
          %dma_wait3A_219 = tpu.memref_squeeze %dma_wait3A_218 : memref<1x128x64xf32, #tpu.memory_space<vmem>> -> memref<128x64xf32, #tpu.memory_space<vmem>>
          %dma_wait3A_220 = arith.constant 0 : i32
          %dma_wait3A_221 = tpu.memref_slice %arg14[%sub3A_197, %dma_wait3A_220] : memref<157x128xi32, #tpu.memory_space<vmem>> -> memref<1x128xi32, #tpu.memory_space<vmem>>
          %dma_wait3A_222 = tpu.memref_squeeze %dma_wait3A_221 : memref<1x128xi32, #tpu.memory_space<vmem>> -> memref<128xi32, #tpu.memory_space<vmem>>
          %dma_wait3A_223 = arith.constant 0 : i32
          %dma_wait3A_224 = arith.constant 0 : i32
          %dma_wait3A_225 = tpu.memref_slice %arg17[%dma_wait3A_223, %dma_wait3A_224] : memref<10240x64xf32, #tpu.memory_space<vmem_shared>> -> memref<10240x64xf32, #tpu.memory_space<vmem_shared>>
          tpu.wait_indirect_dma semaphore(%arg19 : memref<!tpu.dma_semaphore, #tpu.memory_space<semaphore_mem>>) src(%dma_wait3A_219 : memref<128x64xf32, #tpu.memory_space<vmem>>) dst(%dma_wait3A_225 : memref<10240x64xf32, #tpu.memory_space<vmem_shared>>)
        } else {
        }
        %add3A_144 = arith.constant 3 : i32
        %add3A_145 = arith.addi %add3A_139, %add3A_144 : i32
        %lt3A = arith.constant 157 : i32
        %lt3A_146 = arith.cmpi slt, %add3A_145, %lt3A : i32
        %convert_element_type3A_147 = arith.extui %lt3A_146 : i1 to i32
        %cond3A_148 = arith.constant 0 : i32
        %cond3A_149 = arith.cmpi ne, %convert_element_type3A_147, %cond3A_148 : i32
        scf.if %cond3A_149 {
          %add3A_197 = arith.constant 3 : i32
          %add3A_198 = arith.addi %add3A_139, %add3A_197 : i32
          %jit3A_199 = arith.constant 5 : i32
          %eq3A_200 = arith.constant 0 : i32
          %eq3A_201 = arith.cmpi eq, %jit3A_199, %eq3A_200 : i32
          %jit3A_202 = arith.constant 1 : i32
          %select_n3A_203 = arith.select %eq3A_201, %jit3A_202, %jit3A_199 : i32
          %rem3A_204 = arith.remsi %add3A_198, %select_n3A_203 : i32
          %ne3A_205 = arith.constant 0 : i32
          %ne3A_206 = arith.cmpi ne, %rem3A_204, %ne3A_205 : i32
          %lt3A_207 = arith.constant 0 : i32
          %lt3A_208 = arith.cmpi slt, %rem3A_204, %lt3A_207 : i32
          %lt3A_209 = arith.constant 0 : i32
          %lt3A_210 = arith.cmpi slt, %select_n3A_203, %lt3A_209 : i32
          %ne3A_211 = arith.xori %lt3A_208, %lt3A_210 : i1
          %and3A_212 = arith.andi %ne3A_211, %ne3A_206 : i1
          %add3A_213 = arith.addi %rem3A_204, %select_n3A_203 : i32
          %select_n3A_214 = arith.select %and3A_212, %add3A_213, %rem3A_204 : i32
          %dma_start3A_215 = arith.constant 0 : i32
          %dma_start3A_216 = arith.constant 0 : i32
          %dma_start3A_217 = tpu.memref_slice %arg15[%select_n3A_214, %dma_start3A_215, %dma_start3A_216] : memref<5x128x64xf32, #tpu.memory_space<vmem>> -> memref<1x128x64xf32, #tpu.memory_space<vmem>>
          %dma_start3A_218 = tpu.memref_squeeze %dma_start3A_217 : memref<1x128x64xf32, #tpu.memory_space<vmem>> -> memref<128x64xf32, #tpu.memory_space<vmem>>
          %dma_start3A_219 = arith.constant 0 : i32
          %dma_start3A_220 = tpu.memref_slice %arg13[%add3A_198, %dma_start3A_219] : memref<157x128xi32, #tpu.memory_space<vmem>> -> memref<1x128xi32, #tpu.memory_space<vmem>>
          %dma_start3A_221 = tpu.memref_squeeze %dma_start3A_220 : memref<1x128xi32, #tpu.memory_space<vmem>> -> memref<128xi32, #tpu.memory_space<vmem>>
          %dma_start3A_222 = arith.constant 0 : i32
          %dma_start3A_223 = arith.constant 0 : i32
          %dma_start3A_224 = tpu.memref_slice %arg3[%dma_start3A_222, %dma_start3A_223] : memref<10240x64xf32, #tpu.memory_space<hbm>> -> memref<10240x64xf32, #tpu.memory_space<hbm>>
          tpu.enqueue_indirect_dma source(%dma_start3A_224 : memref<10240x64xf32, #tpu.memory_space<hbm>>) target(%dma_start3A_218 : memref<128x64xf32, #tpu.memory_space<vmem>>) offsets(%dma_start3A_221 : memref<128xi32, #tpu.memory_space<vmem>>) semaphore(%arg18 : memref<!tpu.dma_semaphore, #tpu.memory_space<semaphore_mem>>)
        } else {
        }
        %jit3A = arith.constant 5 : i32
        %eq3A_150 = arith.constant 0 : i32
        %eq3A_151 = arith.cmpi eq, %jit3A, %eq3A_150 : i32
        %jit3A_152 = arith.constant 1 : i32
        %select_n3A = arith.select %eq3A_151, %jit3A_152, %jit3A : i32
        %rem3A = arith.remsi %add3A_139, %select_n3A : i32
        %ne3A = arith.constant 0 : i32
        %ne3A_153 = arith.cmpi ne, %rem3A, %ne3A : i32
        %lt3A_154 = arith.constant 0 : i32
        %lt3A_155 = arith.cmpi slt, %rem3A, %lt3A_154 : i32
        %lt3A_156 = arith.constant 0 : i32
        %lt3A_157 = arith.cmpi slt, %select_n3A, %lt3A_156 : i32
        %ne3A_158 = arith.xori %lt3A_155, %lt3A_157 : i1
        %and3A = arith.andi %ne3A_158, %ne3A_153 : i1
        %add3A_159 = arith.addi %rem3A, %select_n3A : i32
        %select_n3A_160 = arith.select %and3A, %add3A_159, %rem3A : i32
        %dma_wait3A_161 = arith.constant 0 : i32
        %dma_wait3A_162 = arith.constant 0 : i32
        %dma_wait3A_163 = tpu.memref_slice %arg15[%select_n3A_160, %dma_wait3A_161, %dma_wait3A_162] : memref<5x128x64xf32, #tpu.memory_space<vmem>> -> memref<1x128x64xf32, #tpu.memory_space<vmem>>
        %dma_wait3A_164 = tpu.memref_squeeze %dma_wait3A_163 : memref<1x128x64xf32, #tpu.memory_space<vmem>> -> memref<128x64xf32, #tpu.memory_space<vmem>>
        %dma_wait3A_165 = arith.constant 0 : i32
        %dma_wait3A_166 = tpu.memref_slice %arg13[%add3A_139, %dma_wait3A_165] : memref<157x128xi32, #tpu.memory_space<vmem>> -> memref<1x128xi32, #tpu.memory_space<vmem>>
        %dma_wait3A_167 = tpu.memref_squeeze %dma_wait3A_166 : memref<1x128xi32, #tpu.memory_space<vmem>> -> memref<128xi32, #tpu.memory_space<vmem>>
        %dma_wait3A_168 = arith.constant 0 : i32
        %dma_wait3A_169 = arith.constant 0 : i32
        %dma_wait3A_170 = tpu.memref_slice %arg3[%dma_wait3A_168, %dma_wait3A_169] : memref<10240x64xf32, #tpu.memory_space<hbm>> -> memref<10240x64xf32, #tpu.memory_space<hbm>>
        tpu.wait_indirect_dma semaphore(%arg18 : memref<!tpu.dma_semaphore, #tpu.memory_space<semaphore_mem>>) src(%dma_wait3A_170 : memref<10240x64xf32, #tpu.memory_space<hbm>>) dst(%dma_wait3A_164 : memref<128x64xf32, #tpu.memory_space<vmem>>)
        %jit3A_171 = arith.constant 5 : i32
        %eq3A_172 = arith.constant 0 : i32
        %eq3A_173 = arith.cmpi eq, %jit3A_171, %eq3A_172 : i32
        %jit3A_174 = arith.constant 1 : i32
        %select_n3A_175 = arith.select %eq3A_173, %jit3A_174, %jit3A_171 : i32
        %rem3A_176 = arith.remsi %add3A_139, %select_n3A_175 : i32
        %ne3A_177 = arith.constant 0 : i32
        %ne3A_178 = arith.cmpi ne, %rem3A_176, %ne3A_177 : i32
        %lt3A_179 = arith.constant 0 : i32
        %lt3A_180 = arith.cmpi slt, %rem3A_176, %lt3A_179 : i32
        %lt3A_181 = arith.constant 0 : i32
        %lt3A_182 = arith.cmpi slt, %select_n3A_175, %lt3A_181 : i32
        %ne3A_183 = arith.xori %lt3A_180, %lt3A_182 : i1
        %and3A_184 = arith.andi %ne3A_183, %ne3A_178 : i1
        %add3A_185 = arith.addi %rem3A_176, %select_n3A_175 : i32
        %select_n3A_186 = arith.select %and3A_184, %add3A_185, %rem3A_176 : i32
        %dma_start3A_187 = arith.constant 0 : i32
        %dma_start3A_188 = arith.constant 0 : i32
        %dma_start3A_189 = tpu.memref_slice %arg15[%select_n3A_186, %dma_start3A_187, %dma_start3A_188] : memref<5x128x64xf32, #tpu.memory_space<vmem>> -> memref<1x128x64xf32, #tpu.memory_space<vmem>>
        %dma_start3A_190 = tpu.memref_squeeze %dma_start3A_189 : memref<1x128x64xf32, #tpu.memory_space<vmem>> -> memref<128x64xf32, #tpu.memory_space<vmem>>
        %dma_start3A_191 = arith.constant 0 : i32
        %dma_start3A_192 = tpu.memref_slice %arg14[%add3A_139, %dma_start3A_191] : memref<157x128xi32, #tpu.memory_space<vmem>> -> memref<1x128xi32, #tpu.memory_space<vmem>>
        %dma_start3A_193 = tpu.memref_squeeze %dma_start3A_192 : memref<1x128xi32, #tpu.memory_space<vmem>> -> memref<128xi32, #tpu.memory_space<vmem>>
        %dma_start3A_194 = arith.constant 0 : i32
        %dma_start3A_195 = arith.constant 0 : i32
        %dma_start3A_196 = tpu.memref_slice %arg17[%dma_start3A_194, %dma_start3A_195] : memref<10240x64xf32, #tpu.memory_space<vmem_shared>> -> memref<10240x64xf32, #tpu.memory_space<vmem_shared>>
        tpu.enqueue_indirect_dma source(%dma_start3A_190 : memref<128x64xf32, #tpu.memory_space<vmem>>) target(%dma_start3A_196 : memref<10240x64xf32, #tpu.memory_space<vmem_shared>>) offsets(%dma_start3A_193 : memref<128xi32, #tpu.memory_space<vmem>>) semaphore(%arg19 : memref<!tpu.dma_semaphore, #tpu.memory_space<semaphore_mem>>) {add = true}
      }
      %scan3A_130 = arith.constant 157 : i32
      %scan3A_131 = arith.constant 0 : i32
      %scan3A_132 = arith.constant 2 : i32
      %scan3A_133 = arith.addi %scan3A_131, %scan3A_132 : i32
      %scan3A_134 = arith.constant 1 : i32
      scf.for %scan3A_136 = %scan3A_131 to %scan3A_133 step %scan3A_134  : i32 {
        %mul3A_137 = arith.constant 1 : i32
        %mul3A_138 = arith.muli %scan3A_136, %mul3A_137 : i32
        %add3A = arith.constant 155 : i32
        %add3A_139 = arith.addi %add3A, %mul3A_138 : i32
        %jit3A = arith.constant 5 : i32
        %eq3A_140 = arith.constant 0 : i32
        %eq3A_141 = arith.cmpi eq, %jit3A, %eq3A_140 : i32
        %jit3A_142 = arith.constant 1 : i32
        %select_n3A = arith.select %eq3A_141, %jit3A_142, %jit3A : i32
        %rem3A = arith.remsi %add3A_139, %select_n3A : i32
        %ne3A = arith.constant 0 : i32
        %ne3A_143 = arith.cmpi ne, %rem3A, %ne3A : i32
        %lt3A = arith.constant 0 : i32
        %lt3A_144 = arith.cmpi slt, %rem3A, %lt3A : i32
        %lt3A_145 = arith.constant 0 : i32
        %lt3A_146 = arith.cmpi slt, %select_n3A, %lt3A_145 : i32
        %ne3A_147 = arith.xori %lt3A_144, %lt3A_146 : i1
        %and3A = arith.andi %ne3A_147, %ne3A_143 : i1
        %add3A_148 = arith.addi %rem3A, %select_n3A : i32
        %select_n3A_149 = arith.select %and3A, %add3A_148, %rem3A : i32
        %dma_wait3A_150 = arith.constant 0 : i32
        %dma_wait3A_151 = arith.constant 0 : i32
        %dma_wait3A_152 = tpu.memref_slice %arg15[%select_n3A_149, %dma_wait3A_150, %dma_wait3A_151] : memref<5x128x64xf32, #tpu.memory_space<vmem>> -> memref<1x128x64xf32, #tpu.memory_space<vmem>>
        %dma_wait3A_153 = tpu.memref_squeeze %dma_wait3A_152 : memref<1x128x64xf32, #tpu.memory_space<vmem>> -> memref<128x64xf32, #tpu.memory_space<vmem>>
        %dma_wait3A_154 = arith.constant 0 : i32
        %dma_wait3A_155 = tpu.memref_slice %arg14[%add3A_139, %dma_wait3A_154] : memref<157x128xi32, #tpu.memory_space<vmem>> -> memref<1x128xi32, #tpu.memory_space<vmem>>
        %dma_wait3A_156 = tpu.memref_squeeze %dma_wait3A_155 : memref<1x128xi32, #tpu.memory_space<vmem>> -> memref<128xi32, #tpu.memory_space<vmem>>
        %dma_wait3A_157 = arith.constant 0 : i32
        %dma_wait3A_158 = arith.constant 0 : i32
        %dma_wait3A_159 = tpu.memref_slice %arg17[%dma_wait3A_157, %dma_wait3A_158] : memref<10240x64xf32, #tpu.memory_space<vmem_shared>> -> memref<10240x64xf32, #tpu.memory_space<vmem_shared>>
        tpu.wait_indirect_dma semaphore(%arg19 : memref<!tpu.dma_semaphore, #tpu.memory_space<semaphore_mem>>) src(%dma_wait3A_153 : memref<128x64xf32, #tpu.memory_space<vmem>>) dst(%dma_wait3A_159 : memref<10240x64xf32, #tpu.memory_space<vmem_shared>>)
      }
      %scan3A_135 = arith.constant 2 : i32
    } else {
    }
    %eq3A_74 = arith.constant 1 : i32
    %eq3A_75 = arith.cmpi eq, %arg0, %eq3A_74 : i32
    %convert_element_type3A_76 = arith.extui %eq3A_75 : i1 to i32
    %cond3A_77 = arith.constant 0 : i32
    %cond3A_78 = arith.cmpi ne, %convert_element_type3A_76, %cond3A_77 : i32
    scf.if %cond3A_78 {
      %dma_start3A_90 = arith.constant 0 : i32
      %dma_start3A_91 = arith.constant 0 : i32
      %dma_start3A_92 = arith.constant 0 : i32
      %dma_start3A_93 = arith.constant 0 : i32
      %dma_start3A_94 = tpu.memref_slice %arg15[%dma_start3A_91, %dma_start3A_92, %dma_start3A_93] : memref<5x128x64xf32, #tpu.memory_space<vmem>> -> memref<1x128x64xf32, #tpu.memory_space<vmem>>
      %dma_start3A_95 = tpu.memref_squeeze %dma_start3A_94 : memref<1x128x64xf32, #tpu.memory_space<vmem>> -> memref<128x64xf32, #tpu.memory_space<vmem>>
      %dma_start3A_96 = arith.constant 0 : i32
      %dma_start3A_97 = tpu.memref_slice %arg13[%dma_start3A_90, %dma_start3A_96] : memref<157x128xi32, #tpu.memory_space<vmem>> -> memref<1x128xi32, #tpu.memory_space<vmem>>
      %dma_start3A_98 = tpu.memref_squeeze %dma_start3A_97 : memref<1x128xi32, #tpu.memory_space<vmem>> -> memref<128xi32, #tpu.memory_space<vmem>>
      %dma_start3A_99 = arith.constant 0 : i32
      %dma_start3A_100 = arith.constant 0 : i32
      %dma_start3A_101 = tpu.memref_slice %arg5[%dma_start3A_99, %dma_start3A_100] : memref<10240x64xf32, #tpu.memory_space<hbm>> -> memref<10240x64xf32, #tpu.memory_space<hbm>>
      tpu.enqueue_indirect_dma source(%dma_start3A_101 : memref<10240x64xf32, #tpu.memory_space<hbm>>) target(%dma_start3A_95 : memref<128x64xf32, #tpu.memory_space<vmem>>) offsets(%dma_start3A_98 : memref<128xi32, #tpu.memory_space<vmem>>) semaphore(%arg18 : memref<!tpu.dma_semaphore, #tpu.memory_space<semaphore_mem>>)
      %dma_start3A_102 = arith.constant 1 : i32
      %dma_start3A_103 = arith.constant 1 : i32
      %dma_start3A_104 = arith.constant 0 : i32
      %dma_start3A_105 = arith.constant 0 : i32
      %dma_start3A_106 = tpu.memref_slice %arg15[%dma_start3A_103, %dma_start3A_104, %dma_start3A_105] : memref<5x128x64xf32, #tpu.memory_space<vmem>> -> memref<1x128x64xf32, #tpu.memory_space<vmem>>
      %dma_start3A_107 = tpu.memref_squeeze %dma_start3A_106 : memref<1x128x64xf32, #tpu.memory_space<vmem>> -> memref<128x64xf32, #tpu.memory_space<vmem>>
      %dma_start3A_108 = arith.constant 0 : i32
      %dma_start3A_109 = tpu.memref_slice %arg13[%dma_start3A_102, %dma_start3A_108] : memref<157x128xi32, #tpu.memory_space<vmem>> -> memref<1x128xi32, #tpu.memory_space<vmem>>
      %dma_start3A_110 = tpu.memref_squeeze %dma_start3A_109 : memref<1x128xi32, #tpu.memory_space<vmem>> -> memref<128xi32, #tpu.memory_space<vmem>>
      %dma_start3A_111 = arith.constant 0 : i32
      %dma_start3A_112 = arith.constant 0 : i32
      %dma_start3A_113 = tpu.memref_slice %arg5[%dma_start3A_111, %dma_start3A_112] : memref<10240x64xf32, #tpu.memory_space<hbm>> -> memref<10240x64xf32, #tpu.memory_space<hbm>>
      tpu.enqueue_indirect_dma source(%dma_start3A_113 : memref<10240x64xf32, #tpu.memory_space<hbm>>) target(%dma_start3A_107 : memref<128x64xf32, #tpu.memory_space<vmem>>) offsets(%dma_start3A_110 : memref<128xi32, #tpu.memory_space<vmem>>) semaphore(%arg18 : memref<!tpu.dma_semaphore, #tpu.memory_space<semaphore_mem>>)
      %dma_start3A_114 = arith.constant 2 : i32
      %dma_start3A_115 = arith.constant 2 : i32
      %dma_start3A_116 = arith.constant 0 : i32
      %dma_start3A_117 = arith.constant 0 : i32
      %dma_start3A_118 = tpu.memref_slice %arg15[%dma_start3A_115, %dma_start3A_116, %dma_start3A_117] : memref<5x128x64xf32, #tpu.memory_space<vmem>> -> memref<1x128x64xf32, #tpu.memory_space<vmem>>
      %dma_start3A_119 = tpu.memref_squeeze %dma_start3A_118 : memref<1x128x64xf32, #tpu.memory_space<vmem>> -> memref<128x64xf32, #tpu.memory_space<vmem>>
      %dma_start3A_120 = arith.constant 0 : i32
      %dma_start3A_121 = tpu.memref_slice %arg13[%dma_start3A_114, %dma_start3A_120] : memref<157x128xi32, #tpu.memory_space<vmem>> -> memref<1x128xi32, #tpu.memory_space<vmem>>
      %dma_start3A_122 = tpu.memref_squeeze %dma_start3A_121 : memref<1x128xi32, #tpu.memory_space<vmem>> -> memref<128xi32, #tpu.memory_space<vmem>>
      %dma_start3A_123 = arith.constant 0 : i32
      %dma_start3A_124 = arith.constant 0 : i32
      %dma_start3A_125 = tpu.memref_slice %arg5[%dma_start3A_123, %dma_start3A_124] : memref<10240x64xf32, #tpu.memory_space<hbm>> -> memref<10240x64xf32, #tpu.memory_space<hbm>>
      tpu.enqueue_indirect_dma source(%dma_start3A_125 : memref<10240x64xf32, #tpu.memory_space<hbm>>) target(%dma_start3A_119 : memref<128x64xf32, #tpu.memory_space<vmem>>) offsets(%dma_start3A_122 : memref<128xi32, #tpu.memory_space<vmem>>) semaphore(%arg18 : memref<!tpu.dma_semaphore, #tpu.memory_space<semaphore_mem>>)
      %scan3A_126 = arith.constant 0 : i32
      %scan3A_127 = arith.constant 157 : i32
      %scan3A_128 = arith.addi %scan3A_126, %scan3A_127 : i32
      %scan3A_129 = arith.constant 1 : i32
      scf.for %scan3A_136 = %scan3A_126 to %scan3A_128 step %scan3A_129  : i32 {
        %mul3A_137 = arith.constant 1 : i32
        %mul3A_138 = arith.muli %scan3A_136, %mul3A_137 : i32
        %add3A = arith.constant 0 : i32
        %add3A_139 = arith.addi %add3A, %mul3A_138 : i32
        %ge3A = arith.constant 2 : i32
        %ge3A_140 = arith.cmpi sge, %add3A_139, %ge3A : i32
        %convert_element_type3A_141 = arith.extui %ge3A_140 : i1 to i32
        %cond3A_142 = arith.constant 0 : i32
        %cond3A_143 = arith.cmpi ne, %convert_element_type3A_141, %cond3A_142 : i32
        scf.if %cond3A_143 {
          %sub3A = arith.constant 2 : i32
          %sub3A_197 = arith.subi %add3A_139, %sub3A : i32
          %sub3A_198 = arith.constant 2 : i32
          %sub3A_199 = arith.subi %add3A_139, %sub3A_198 : i32
          %jit3A_200 = arith.constant 5 : i32
          %eq3A_201 = arith.constant 0 : i32
          %eq3A_202 = arith.cmpi eq, %jit3A_200, %eq3A_201 : i32
          %jit3A_203 = arith.constant 1 : i32
          %select_n3A_204 = arith.select %eq3A_202, %jit3A_203, %jit3A_200 : i32
          %rem3A_205 = arith.remsi %sub3A_199, %select_n3A_204 : i32
          %ne3A_206 = arith.constant 0 : i32
          %ne3A_207 = arith.cmpi ne, %rem3A_205, %ne3A_206 : i32
          %lt3A_208 = arith.constant 0 : i32
          %lt3A_209 = arith.cmpi slt, %rem3A_205, %lt3A_208 : i32
          %lt3A_210 = arith.constant 0 : i32
          %lt3A_211 = arith.cmpi slt, %select_n3A_204, %lt3A_210 : i32
          %ne3A_212 = arith.xori %lt3A_209, %lt3A_211 : i1
          %and3A_213 = arith.andi %ne3A_212, %ne3A_207 : i1
          %add3A_214 = arith.addi %rem3A_205, %select_n3A_204 : i32
          %select_n3A_215 = arith.select %and3A_213, %add3A_214, %rem3A_205 : i32
          %dma_wait3A_216 = arith.constant 0 : i32
          %dma_wait3A_217 = arith.constant 0 : i32
          %dma_wait3A_218 = tpu.memref_slice %arg15[%select_n3A_215, %dma_wait3A_216, %dma_wait3A_217] : memref<5x128x64xf32, #tpu.memory_space<vmem>> -> memref<1x128x64xf32, #tpu.memory_space<vmem>>
          %dma_wait3A_219 = tpu.memref_squeeze %dma_wait3A_218 : memref<1x128x64xf32, #tpu.memory_space<vmem>> -> memref<128x64xf32, #tpu.memory_space<vmem>>
          %dma_wait3A_220 = arith.constant 0 : i32
          %dma_wait3A_221 = tpu.memref_slice %arg14[%sub3A_197, %dma_wait3A_220] : memref<157x128xi32, #tpu.memory_space<vmem>> -> memref<1x128xi32, #tpu.memory_space<vmem>>
          %dma_wait3A_222 = tpu.memref_squeeze %dma_wait3A_221 : memref<1x128xi32, #tpu.memory_space<vmem>> -> memref<128xi32, #tpu.memory_space<vmem>>
          %dma_wait3A_223 = arith.constant 0 : i32
          %dma_wait3A_224 = arith.constant 0 : i32
          %dma_wait3A_225 = tpu.memref_slice %arg17[%dma_wait3A_223, %dma_wait3A_224] : memref<10240x64xf32, #tpu.memory_space<vmem_shared>> -> memref<10240x64xf32, #tpu.memory_space<vmem_shared>>
          tpu.wait_indirect_dma semaphore(%arg19 : memref<!tpu.dma_semaphore, #tpu.memory_space<semaphore_mem>>) src(%dma_wait3A_219 : memref<128x64xf32, #tpu.memory_space<vmem>>) dst(%dma_wait3A_225 : memref<10240x64xf32, #tpu.memory_space<vmem_shared>>)
        } else {
        }
        %add3A_144 = arith.constant 3 : i32
        %add3A_145 = arith.addi %add3A_139, %add3A_144 : i32
        %lt3A = arith.constant 157 : i32
        %lt3A_146 = arith.cmpi slt, %add3A_145, %lt3A : i32
        %convert_element_type3A_147 = arith.extui %lt3A_146 : i1 to i32
        %cond3A_148 = arith.constant 0 : i32
        %cond3A_149 = arith.cmpi ne, %convert_element_type3A_147, %cond3A_148 : i32
        scf.if %cond3A_149 {
          %add3A_197 = arith.constant 3 : i32
          %add3A_198 = arith.addi %add3A_139, %add3A_197 : i32
          %jit3A_199 = arith.constant 5 : i32
          %eq3A_200 = arith.constant 0 : i32
          %eq3A_201 = arith.cmpi eq, %jit3A_199, %eq3A_200 : i32
          %jit3A_202 = arith.constant 1 : i32
          %select_n3A_203 = arith.select %eq3A_201, %jit3A_202, %jit3A_199 : i32
          %rem3A_204 = arith.remsi %add3A_198, %select_n3A_203 : i32
          %ne3A_205 = arith.constant 0 : i32
          %ne3A_206 = arith.cmpi ne, %rem3A_204, %ne3A_205 : i32
          %lt3A_207 = arith.constant 0 : i32
          %lt3A_208 = arith.cmpi slt, %rem3A_204, %lt3A_207 : i32
          %lt3A_209 = arith.constant 0 : i32
          %lt3A_210 = arith.cmpi slt, %select_n3A_203, %lt3A_209 : i32
          %ne3A_211 = arith.xori %lt3A_208, %lt3A_210 : i1
          %and3A_212 = arith.andi %ne3A_211, %ne3A_206 : i1
          %add3A_213 = arith.addi %rem3A_204, %select_n3A_203 : i32
          %select_n3A_214 = arith.select %and3A_212, %add3A_213, %rem3A_204 : i32
          %dma_start3A_215 = arith.constant 0 : i32
          %dma_start3A_216 = arith.constant 0 : i32
          %dma_start3A_217 = tpu.memref_slice %arg15[%select_n3A_214, %dma_start3A_215, %dma_start3A_216] : memref<5x128x64xf32, #tpu.memory_space<vmem>> -> memref<1x128x64xf32, #tpu.memory_space<vmem>>
          %dma_start3A_218 = tpu.memref_squeeze %dma_start3A_217 : memref<1x128x64xf32, #tpu.memory_space<vmem>> -> memref<128x64xf32, #tpu.memory_space<vmem>>
          %dma_start3A_219 = arith.constant 0 : i32
          %dma_start3A_220 = tpu.memref_slice %arg13[%add3A_198, %dma_start3A_219] : memref<157x128xi32, #tpu.memory_space<vmem>> -> memref<1x128xi32, #tpu.memory_space<vmem>>
          %dma_start3A_221 = tpu.memref_squeeze %dma_start3A_220 : memref<1x128xi32, #tpu.memory_space<vmem>> -> memref<128xi32, #tpu.memory_space<vmem>>
          %dma_start3A_222 = arith.constant 0 : i32
          %dma_start3A_223 = arith.constant 0 : i32
          %dma_start3A_224 = tpu.memref_slice %arg5[%dma_start3A_222, %dma_start3A_223] : memref<10240x64xf32, #tpu.memory_space<hbm>> -> memref<10240x64xf32, #tpu.memory_space<hbm>>
          tpu.enqueue_indirect_dma source(%dma_start3A_224 : memref<10240x64xf32, #tpu.memory_space<hbm>>) target(%dma_start3A_218 : memref<128x64xf32, #tpu.memory_space<vmem>>) offsets(%dma_start3A_221 : memref<128xi32, #tpu.memory_space<vmem>>) semaphore(%arg18 : memref<!tpu.dma_semaphore, #tpu.memory_space<semaphore_mem>>)
        } else {
        }
        %jit3A = arith.constant 5 : i32
        %eq3A_150 = arith.constant 0 : i32
        %eq3A_151 = arith.cmpi eq, %jit3A, %eq3A_150 : i32
        %jit3A_152 = arith.constant 1 : i32
        %select_n3A = arith.select %eq3A_151, %jit3A_152, %jit3A : i32
        %rem3A = arith.remsi %add3A_139, %select_n3A : i32
        %ne3A = arith.constant 0 : i32
        %ne3A_153 = arith.cmpi ne, %rem3A, %ne3A : i32
        %lt3A_154 = arith.constant 0 : i32
        %lt3A_155 = arith.cmpi slt, %rem3A, %lt3A_154 : i32
        %lt3A_156 = arith.constant 0 : i32
        %lt3A_157 = arith.cmpi slt, %select_n3A, %lt3A_156 : i32
        %ne3A_158 = arith.xori %lt3A_155, %lt3A_157 : i1
        %and3A = arith.andi %ne3A_158, %ne3A_153 : i1
        %add3A_159 = arith.addi %rem3A, %select_n3A : i32
        %select_n3A_160 = arith.select %and3A, %add3A_159, %rem3A : i32
        %dma_wait3A_161 = arith.constant 0 : i32
        %dma_wait3A_162 = arith.constant 0 : i32
        %dma_wait3A_163 = tpu.memref_slice %arg15[%select_n3A_160, %dma_wait3A_161, %dma_wait3A_162] : memref<5x128x64xf32, #tpu.memory_space<vmem>> -> memref<1x128x64xf32, #tpu.memory_space<vmem>>
        %dma_wait3A_164 = tpu.memref_squeeze %dma_wait3A_163 : memref<1x128x64xf32, #tpu.memory_space<vmem>> -> memref<128x64xf32, #tpu.memory_space<vmem>>
        %dma_wait3A_165 = arith.constant 0 : i32
        %dma_wait3A_166 = tpu.memref_slice %arg13[%add3A_139, %dma_wait3A_165] : memref<157x128xi32, #tpu.memory_space<vmem>> -> memref<1x128xi32, #tpu.memory_space<vmem>>
        %dma_wait3A_167 = tpu.memref_squeeze %dma_wait3A_166 : memref<1x128xi32, #tpu.memory_space<vmem>> -> memref<128xi32, #tpu.memory_space<vmem>>
        %dma_wait3A_168 = arith.constant 0 : i32
        %dma_wait3A_169 = arith.constant 0 : i32
        %dma_wait3A_170 = tpu.memref_slice %arg5[%dma_wait3A_168, %dma_wait3A_169] : memref<10240x64xf32, #tpu.memory_space<hbm>> -> memref<10240x64xf32, #tpu.memory_space<hbm>>
        tpu.wait_indirect_dma semaphore(%arg18 : memref<!tpu.dma_semaphore, #tpu.memory_space<semaphore_mem>>) src(%dma_wait3A_170 : memref<10240x64xf32, #tpu.memory_space<hbm>>) dst(%dma_wait3A_164 : memref<128x64xf32, #tpu.memory_space<vmem>>)
        %jit3A_171 = arith.constant 5 : i32
        %eq3A_172 = arith.constant 0 : i32
        %eq3A_173 = arith.cmpi eq, %jit3A_171, %eq3A_172 : i32
        %jit3A_174 = arith.constant 1 : i32
        %select_n3A_175 = arith.select %eq3A_173, %jit3A_174, %jit3A_171 : i32
        %rem3A_176 = arith.remsi %add3A_139, %select_n3A_175 : i32
        %ne3A_177 = arith.constant 0 : i32
        %ne3A_178 = arith.cmpi ne, %rem3A_176, %ne3A_177 : i32
        %lt3A_179 = arith.constant 0 : i32
        %lt3A_180 = arith.cmpi slt, %rem3A_176, %lt3A_179 : i32
        %lt3A_181 = arith.constant 0 : i32
        %lt3A_182 = arith.cmpi slt, %select_n3A_175, %lt3A_181 : i32
        %ne3A_183 = arith.xori %lt3A_180, %lt3A_182 : i1
        %and3A_184 = arith.andi %ne3A_183, %ne3A_178 : i1
        %add3A_185 = arith.addi %rem3A_176, %select_n3A_175 : i32
        %select_n3A_186 = arith.select %and3A_184, %add3A_185, %rem3A_176 : i32
        %dma_start3A_187 = arith.constant 0 : i32
        %dma_start3A_188 = arith.constant 0 : i32
        %dma_start3A_189 = tpu.memref_slice %arg15[%select_n3A_186, %dma_start3A_187, %dma_start3A_188] : memref<5x128x64xf32, #tpu.memory_space<vmem>> -> memref<1x128x64xf32, #tpu.memory_space<vmem>>
        %dma_start3A_190 = tpu.memref_squeeze %dma_start3A_189 : memref<1x128x64xf32, #tpu.memory_space<vmem>> -> memref<128x64xf32, #tpu.memory_space<vmem>>
        %dma_start3A_191 = arith.constant 0 : i32
        %dma_start3A_192 = tpu.memref_slice %arg14[%add3A_139, %dma_start3A_191] : memref<157x128xi32, #tpu.memory_space<vmem>> -> memref<1x128xi32, #tpu.memory_space<vmem>>
        %dma_start3A_193 = tpu.memref_squeeze %dma_start3A_192 : memref<1x128xi32, #tpu.memory_space<vmem>> -> memref<128xi32, #tpu.memory_space<vmem>>
        %dma_start3A_194 = arith.constant 0 : i32
        %dma_start3A_195 = arith.constant 0 : i32
        %dma_start3A_196 = tpu.memref_slice %arg17[%dma_start3A_194, %dma_start3A_195] : memref<10240x64xf32, #tpu.memory_space<vmem_shared>> -> memref<10240x64xf32, #tpu.memory_space<vmem_shared>>
        tpu.enqueue_indirect_dma source(%dma_start3A_190 : memref<128x64xf32, #tpu.memory_space<vmem>>) target(%dma_start3A_196 : memref<10240x64xf32, #tpu.memory_space<vmem_shared>>) offsets(%dma_start3A_193 : memref<128xi32, #tpu.memory_space<vmem>>) semaphore(%arg19 : memref<!tpu.dma_semaphore, #tpu.memory_space<semaphore_mem>>) {add = true}
      }
      %scan3A_130 = arith.constant 157 : i32
      %scan3A_131 = arith.constant 0 : i32
      %scan3A_132 = arith.constant 2 : i32
      %scan3A_133 = arith.addi %scan3A_131, %scan3A_132 : i32
      %scan3A_134 = arith.constant 1 : i32
      scf.for %scan3A_136 = %scan3A_131 to %scan3A_133 step %scan3A_134  : i32 {
        %mul3A_137 = arith.constant 1 : i32
        %mul3A_138 = arith.muli %scan3A_136, %mul3A_137 : i32
        %add3A = arith.constant 155 : i32
        %add3A_139 = arith.addi %add3A, %mul3A_138 : i32
        %jit3A = arith.constant 5 : i32
        %eq3A_140 = arith.constant 0 : i32
        %eq3A_141 = arith.cmpi eq, %jit3A, %eq3A_140 : i32
        %jit3A_142 = arith.constant 1 : i32
        %select_n3A = arith.select %eq3A_141, %jit3A_142, %jit3A : i32
        %rem3A = arith.remsi %add3A_139, %select_n3A : i32
        %ne3A = arith.constant 0 : i32
        %ne3A_143 = arith.cmpi ne, %rem3A, %ne3A : i32
        %lt3A = arith.constant 0 : i32
        %lt3A_144 = arith.cmpi slt, %rem3A, %lt3A : i32
        %lt3A_145 = arith.constant 0 : i32
        %lt3A_146 = arith.cmpi slt, %select_n3A, %lt3A_145 : i32
        %ne3A_147 = arith.xori %lt3A_144, %lt3A_146 : i1
        %and3A = arith.andi %ne3A_147, %ne3A_143 : i1
        %add3A_148 = arith.addi %rem3A, %select_n3A : i32
        %select_n3A_149 = arith.select %and3A, %add3A_148, %rem3A : i32
        %dma_wait3A_150 = arith.constant 0 : i32
        %dma_wait3A_151 = arith.constant 0 : i32
        %dma_wait3A_152 = tpu.memref_slice %arg15[%select_n3A_149, %dma_wait3A_150, %dma_wait3A_151] : memref<5x128x64xf32, #tpu.memory_space<vmem>> -> memref<1x128x64xf32, #tpu.memory_space<vmem>>
        %dma_wait3A_153 = tpu.memref_squeeze %dma_wait3A_152 : memref<1x128x64xf32, #tpu.memory_space<vmem>> -> memref<128x64xf32, #tpu.memory_space<vmem>>
        %dma_wait3A_154 = arith.constant 0 : i32
        %dma_wait3A_155 = tpu.memref_slice %arg14[%add3A_139, %dma_wait3A_154] : memref<157x128xi32, #tpu.memory_space<vmem>> -> memref<1x128xi32, #tpu.memory_space<vmem>>
        %dma_wait3A_156 = tpu.memref_squeeze %dma_wait3A_155 : memref<1x128xi32, #tpu.memory_space<vmem>> -> memref<128xi32, #tpu.memory_space<vmem>>
        %dma_wait3A_157 = arith.constant 0 : i32
        %dma_wait3A_158 = arith.constant 0 : i32
        %dma_wait3A_159 = tpu.memref_slice %arg17[%dma_wait3A_157, %dma_wait3A_158] : memref<10240x64xf32, #tpu.memory_space<vmem_shared>> -> memref<10240x64xf32, #tpu.memory_space<vmem_shared>>
        tpu.wait_indirect_dma semaphore(%arg19 : memref<!tpu.dma_semaphore, #tpu.memory_space<semaphore_mem>>) src(%dma_wait3A_153 : memref<128x64xf32, #tpu.memory_space<vmem>>) dst(%dma_wait3A_159 : memref<10240x64xf32, #tpu.memory_space<vmem_shared>>)
      }
      %scan3A_135 = arith.constant 2 : i32
    } else {
    }
    %barrier3A_79 = arith.constant 0 : index
    tpu.barrier barrier_id(%barrier3A_79)
    %eq3A_80 = arith.constant 0 : i32
    %eq3A_81 = arith.cmpi eq, %arg0, %eq3A_80 : i32
    %convert_element_type3A_82 = arith.extui %eq3A_81 : i1 to i32
    %cond3A_83 = arith.constant 0 : i32
    %cond3A_84 = arith.cmpi ne, %convert_element_type3A_82, %cond3A_83 : i32
    scf.if %cond3A_84 {
      "tpu.region"() ({
        %run_scoped3A = tpu.sem_alloc : memref<!tpu.dma_semaphore, #tpu.memory_space<semaphore_mem>>
        %dma_start3A_90 = arith.constant 0 : i32
        %dma_start3A_91 = tpu.memref_slice %arg10[%mul3A_0, %dma_start3A_90] : memref<10240x64xf32, #tpu.memory_space<hbm>> -> memref<640x64xf32, #tpu.memory_space<hbm>>
        %dma_start3A_92 = arith.constant 0 : i32
        %dma_start3A_93 = tpu.memref_slice %arg17[%mul3A_0, %dma_start3A_92] : memref<10240x64xf32, #tpu.memory_space<vmem_shared>> -> memref<640x64xf32, #tpu.memory_space<vmem_shared>>
        tpu.enqueue_dma source(%dma_start3A_93 : memref<640x64xf32, #tpu.memory_space<vmem_shared>>) target(%dma_start3A_91 : memref<640x64xf32, #tpu.memory_space<hbm>>) target_semaphore(%run_scoped3A : memref<!tpu.dma_semaphore, #tpu.memory_space<semaphore_mem>>)
        %dma_wait3A_94 = arith.constant 0 : i32
        %dma_wait3A_95 = tpu.memref_slice %arg10[%mul3A_0, %dma_wait3A_94] : memref<10240x64xf32, #tpu.memory_space<hbm>> -> memref<640x64xf32, #tpu.memory_space<hbm>>
        %dma_wait3A_96 = arith.constant 0 : i32
        %dma_wait3A_97 = tpu.memref_slice %arg17[%mul3A_0, %dma_wait3A_96] : memref<10240x64xf32, #tpu.memory_space<vmem_shared>> -> memref<640x64xf32, #tpu.memory_space<vmem_shared>>
        tpu.wait_dma2 semaphore(%run_scoped3A : memref<!tpu.dma_semaphore, #tpu.memory_space<semaphore_mem>>) src(%dma_wait3A_97 : memref<640x64xf32, #tpu.memory_space<vmem_shared>>) dst(%dma_wait3A_95 : memref<640x64xf32, #tpu.memory_space<hbm>>)
        tpu.yield
      }) : () -> ()
    } else {
    }
    %eq3A_85 = arith.constant 1 : i32
    %eq3A_86 = arith.cmpi eq, %arg0, %eq3A_85 : i32
    %convert_element_type3A_87 = arith.extui %eq3A_86 : i1 to i32
    %cond3A_88 = arith.constant 0 : i32
    %cond3A_89 = arith.cmpi ne, %convert_element_type3A_87, %cond3A_88 : i32
    scf.if %cond3A_89 {
      "tpu.region"() ({
        %run_scoped3A = tpu.sem_alloc : memref<!tpu.dma_semaphore, #tpu.memory_space<semaphore_mem>>
        %dma_start3A_90 = arith.constant 0 : i32
        %dma_start3A_91 = tpu.memref_slice %arg12[%mul3A_0, %dma_start3A_90] : memref<10240x64xf32, #tpu.memory_space<hbm>> -> memref<640x64xf32, #tpu.memory_space<hbm>>
        %dma_start3A_92 = arith.constant 0 : i32
        %dma_start3A_93 = tpu.memref_slice %arg17[%mul3A_0, %dma_start3A_92] : memref<10240x64xf32, #tpu.memory_space<vmem_shared>> -> memref<640x64xf32, #tpu.memory_space<vmem_shared>>
        tpu.enqueue_dma source(%dma_start3A_93 : memref<640x64xf32, #tpu.memory_space<vmem_shared>>) target(%dma_start3A_91 : memref<640x64xf32, #tpu.memory_space<hbm>>) target_semaphore(%run_scoped3A : memref<!tpu.dma_semaphore, #tpu.memory_space<semaphore_mem>>)
        %dma_wait3A_94 = arith.constant 0 : i32
        %dma_wait3A_95 = tpu.memref_slice %arg12[%mul3A_0, %dma_wait3A_94] : memref<10240x64xf32, #tpu.memory_space<hbm>> -> memref<640x64xf32, #tpu.memory_space<hbm>>
        %dma_wait3A_96 = arith.constant 0 : i32
        %dma_wait3A_97 = tpu.memref_slice %arg17[%mul3A_0, %dma_wait3A_96] : memref<10240x64xf32, #tpu.memory_space<vmem_shared>> -> memref<640x64xf32, #tpu.memory_space<vmem_shared>>
        tpu.wait_dma2 semaphore(%run_scoped3A : memref<!tpu.dma_semaphore, #tpu.memory_space<semaphore_mem>>) src(%dma_wait3A_97 : memref<640x64xf32, #tpu.memory_space<vmem_shared>>) dst(%dma_wait3A_95 : memref<640x64xf32, #tpu.memory_space<hbm>>)
        tpu.yield
      }) : () -> ()
    } else {
    }
    return
  }
}

#map = affine_map<(d0, d1) -> (0, 0)>
#map1 = affine_map<(d0, d1) -> (0, 0, 0)>
module attributes {stable_mosaic.version = 14 : i64} {
  func.func @prop(%arg0: i32, %arg1: i32, %arg2: memref<10240x32xf32, #tpu.memory_space<hbm>>, %arg3: memref<10240x32xf32, #tpu.memory_space<hbm>>, %arg4: memref<16x157x128xi32, #tpu.memory_space<hbm>>, %arg5: memref<16x157x128xi32, #tpu.memory_space<hbm>>, %arg6: memref<64x32xf32, #tpu.memory_space<hbm>>, %arg7: memref<10240x32xf32, #tpu.memory_space<hbm>>, %arg8: memref<10240x32xf32, #tpu.memory_space<hbm>>, %arg9: memref<157x128xi32, #tpu.memory_space<vmem>>, %arg10: memref<157x128xi32, #tpu.memory_space<vmem>>, %arg11: memref<5x128x32xf32, #tpu.memory_space<vmem>>, %arg12: memref<64x32xf32, #tpu.memory_space<vmem>>, %arg13: memref<10240x32xf32, #tpu.memory_space<vmem_shared>>, %arg14: memref<!tpu.dma_semaphore, #tpu.memory_space<semaphore_mem>>, %arg15: memref<!tpu.dma_semaphore, #tpu.memory_space<semaphore_mem>>) attributes {dimension_semantics = [#tpu.dimension_semantics<core_parallel>, #tpu.dimension_semantics<subcore_parallel>], iteration_bounds = array<i64: 2, 16>, scalar_prefetch = 0 : i64, scratch_operands = 7 : i64, tpu.core_type = #tpu.core_type<sc_vector_subcore>, window_params = [{transform_indices = #map}, {transform_indices = #map}, {transform_indices = #map1}, {transform_indices = #map1}, {transform_indices = #map}, {transform_indices = #map}, {transform_indices = #map}]} {
    %mul3A = arith.constant 640 : i32
    %mul3A_0 = arith.muli %arg1, %mul3A : i32
    %dma_start3A = arith.constant 0 : i32
    %dma_start3A_1 = arith.constant 0 : i32
    %dma_start3A_2 = tpu.memref_slice %arg4[%arg1, %dma_start3A, %dma_start3A_1] : memref<16x157x128xi32, #tpu.memory_space<hbm>> -> memref<1x157x128xi32, #tpu.memory_space<hbm>>
    %dma_start3A_3 = tpu.memref_squeeze %dma_start3A_2 : memref<1x157x128xi32, #tpu.memory_space<hbm>> -> memref<157x128xi32, #tpu.memory_space<hbm>>
    %dma_start3A_4 = arith.constant 0 : i32
    %dma_start3A_5 = arith.constant 0 : i32
    %dma_start3A_6 = tpu.memref_slice %arg4[%arg1, %dma_start3A_4, %dma_start3A_5] : memref<16x157x128xi32, #tpu.memory_space<hbm>> -> memref<1x157x128xi32, #tpu.memory_space<hbm>>
    %dma_start3A_7 = tpu.memref_squeeze %dma_start3A_6 : memref<1x157x128xi32, #tpu.memory_space<hbm>> -> memref<157x128xi32, #tpu.memory_space<hbm>>
    tpu.enqueue_dma source(%dma_start3A_7 : memref<157x128xi32, #tpu.memory_space<hbm>>) target(%arg9 : memref<157x128xi32, #tpu.memory_space<vmem>>) target_semaphore(%arg14 : memref<!tpu.dma_semaphore, #tpu.memory_space<semaphore_mem>>)
    %dma_start3A_8 = arith.constant 0 : i32
    %dma_start3A_9 = arith.constant 0 : i32
    %dma_start3A_10 = tpu.memref_slice %arg5[%arg1, %dma_start3A_8, %dma_start3A_9] : memref<16x157x128xi32, #tpu.memory_space<hbm>> -> memref<1x157x128xi32, #tpu.memory_space<hbm>>
    %dma_start3A_11 = tpu.memref_squeeze %dma_start3A_10 : memref<1x157x128xi32, #tpu.memory_space<hbm>> -> memref<157x128xi32, #tpu.memory_space<hbm>>
    %dma_start3A_12 = arith.constant 0 : i32
    %dma_start3A_13 = arith.constant 0 : i32
    %dma_start3A_14 = tpu.memref_slice %arg5[%arg1, %dma_start3A_12, %dma_start3A_13] : memref<16x157x128xi32, #tpu.memory_space<hbm>> -> memref<1x157x128xi32, #tpu.memory_space<hbm>>
    %dma_start3A_15 = tpu.memref_squeeze %dma_start3A_14 : memref<1x157x128xi32, #tpu.memory_space<hbm>> -> memref<157x128xi32, #tpu.memory_space<hbm>>
    tpu.enqueue_dma source(%dma_start3A_15 : memref<157x128xi32, #tpu.memory_space<hbm>>) target(%arg10 : memref<157x128xi32, #tpu.memory_space<vmem>>) target_semaphore(%arg14 : memref<!tpu.dma_semaphore, #tpu.memory_space<semaphore_mem>>)
    "tpu.region"() ({
      %run_scoped3A = tpu.sem_alloc : memref<!tpu.dma_semaphore, #tpu.memory_space<semaphore_mem>>
      tpu.enqueue_dma source(%arg6 : memref<64x32xf32, #tpu.memory_space<hbm>>) target(%arg12 : memref<64x32xf32, #tpu.memory_space<vmem>>) target_semaphore(%run_scoped3A : memref<!tpu.dma_semaphore, #tpu.memory_space<semaphore_mem>>)
      tpu.wait_dma2 semaphore(%run_scoped3A : memref<!tpu.dma_semaphore, #tpu.memory_space<semaphore_mem>>) src(%arg6 : memref<64x32xf32, #tpu.memory_space<hbm>>) dst(%arg12 : memref<64x32xf32, #tpu.memory_space<vmem>>)
      tpu.yield
    }) : () -> ()
    %scan3A = arith.constant 0 : i32
    %scan3A_16 = arith.constant 10 : i32
    %scan3A_17 = arith.addi %scan3A, %scan3A_16 : i32
    %scan3A_18 = arith.constant 1 : i32
    scf.for %scan3A_58 = %scan3A to %scan3A_17 step %scan3A_18  : i32 {
      %mul3A_59 = arith.constant 1 : i32
      %mul3A_60 = arith.muli %scan3A_58, %mul3A_59 : i32
      %add3A = arith.constant 0 : i32
      %add3A_61 = arith.addi %add3A, %mul3A_60 : i32
      %mul3A_62 = arith.constant 64 : i32
      %mul3A_63 = arith.muli %add3A_61, %mul3A_62 : i32
      %add3A_64 = arith.addi %mul3A_0, %mul3A_63 : i32
      %dma_start3A_65 = arith.constant 0 : i32
      %dma_start3A_66 = tpu.memref_slice %arg13[%add3A_64, %dma_start3A_65] : memref<10240x32xf32, #tpu.memory_space<vmem_shared>> -> memref<64x32xf32, #tpu.memory_space<vmem_shared>>
      %dma_start3A_67 = arith.constant 0 : i32
      %dma_start3A_68 = tpu.memref_slice %arg13[%add3A_64, %dma_start3A_67] : memref<10240x32xf32, #tpu.memory_space<vmem_shared>> -> memref<64x32xf32, #tpu.memory_space<vmem_shared>>
      tpu.enqueue_dma source(%arg12 : memref<64x32xf32, #tpu.memory_space<vmem>>) target(%dma_start3A_68 : memref<64x32xf32, #tpu.memory_space<vmem_shared>>) target_semaphore(%arg15 : memref<!tpu.dma_semaphore, #tpu.memory_space<semaphore_mem>>)
    }
    %scan3A_19 = arith.constant 10 : i32
    %scan3A_20 = arith.constant 0 : i32
    %scan3A_21 = arith.constant 10 : i32
    %scan3A_22 = arith.addi %scan3A_20, %scan3A_21 : i32
    %scan3A_23 = arith.constant 1 : i32
    scf.for %scan3A_58 = %scan3A_20 to %scan3A_22 step %scan3A_23  : i32 {
      %mul3A_59 = arith.constant 1 : i32
      %mul3A_60 = arith.muli %scan3A_58, %mul3A_59 : i32
      %add3A = arith.constant 0 : i32
      %add3A_61 = arith.addi %add3A, %mul3A_60 : i32
      %mul3A_62 = arith.constant 64 : i32
      %mul3A_63 = arith.muli %add3A_61, %mul3A_62 : i32
      %add3A_64 = arith.addi %mul3A_0, %mul3A_63 : i32
      %dma_wait3A_65 = arith.constant 0 : i32
      %dma_wait3A_66 = tpu.memref_slice %arg13[%add3A_64, %dma_wait3A_65] : memref<10240x32xf32, #tpu.memory_space<vmem_shared>> -> memref<64x32xf32, #tpu.memory_space<vmem_shared>>
      %dma_wait3A_67 = arith.constant 0 : i32
      %dma_wait3A_68 = tpu.memref_slice %arg13[%add3A_64, %dma_wait3A_67] : memref<10240x32xf32, #tpu.memory_space<vmem_shared>> -> memref<64x32xf32, #tpu.memory_space<vmem_shared>>
      tpu.wait_dma2 semaphore(%arg15 : memref<!tpu.dma_semaphore, #tpu.memory_space<semaphore_mem>>) src(%arg12 : memref<64x32xf32, #tpu.memory_space<vmem>>) dst(%dma_wait3A_68 : memref<64x32xf32, #tpu.memory_space<vmem_shared>>)
    }
    %scan3A_24 = arith.constant 10 : i32
    %dma_wait3A = arith.constant 0 : i32
    %dma_wait3A_25 = arith.constant 0 : i32
    %dma_wait3A_26 = tpu.memref_slice %arg4[%arg1, %dma_wait3A, %dma_wait3A_25] : memref<16x157x128xi32, #tpu.memory_space<hbm>> -> memref<1x157x128xi32, #tpu.memory_space<hbm>>
    %dma_wait3A_27 = tpu.memref_squeeze %dma_wait3A_26 : memref<1x157x128xi32, #tpu.memory_space<hbm>> -> memref<157x128xi32, #tpu.memory_space<hbm>>
    %dma_wait3A_28 = arith.constant 0 : i32
    %dma_wait3A_29 = arith.constant 0 : i32
    %dma_wait3A_30 = tpu.memref_slice %arg4[%arg1, %dma_wait3A_28, %dma_wait3A_29] : memref<16x157x128xi32, #tpu.memory_space<hbm>> -> memref<1x157x128xi32, #tpu.memory_space<hbm>>
    %dma_wait3A_31 = tpu.memref_squeeze %dma_wait3A_30 : memref<1x157x128xi32, #tpu.memory_space<hbm>> -> memref<157x128xi32, #tpu.memory_space<hbm>>
    tpu.wait_dma2 semaphore(%arg14 : memref<!tpu.dma_semaphore, #tpu.memory_space<semaphore_mem>>) src(%dma_wait3A_31 : memref<157x128xi32, #tpu.memory_space<hbm>>) dst(%arg9 : memref<157x128xi32, #tpu.memory_space<vmem>>)
    %dma_wait3A_32 = arith.constant 0 : i32
    %dma_wait3A_33 = arith.constant 0 : i32
    %dma_wait3A_34 = tpu.memref_slice %arg5[%arg1, %dma_wait3A_32, %dma_wait3A_33] : memref<16x157x128xi32, #tpu.memory_space<hbm>> -> memref<1x157x128xi32, #tpu.memory_space<hbm>>
    %dma_wait3A_35 = tpu.memref_squeeze %dma_wait3A_34 : memref<1x157x128xi32, #tpu.memory_space<hbm>> -> memref<157x128xi32, #tpu.memory_space<hbm>>
    %dma_wait3A_36 = arith.constant 0 : i32
    %dma_wait3A_37 = arith.constant 0 : i32
    %dma_wait3A_38 = tpu.memref_slice %arg5[%arg1, %dma_wait3A_36, %dma_wait3A_37] : memref<16x157x128xi32, #tpu.memory_space<hbm>> -> memref<1x157x128xi32, #tpu.memory_space<hbm>>
    %dma_wait3A_39 = tpu.memref_squeeze %dma_wait3A_38 : memref<1x157x128xi32, #tpu.memory_space<hbm>> -> memref<157x128xi32, #tpu.memory_space<hbm>>
    tpu.wait_dma2 semaphore(%arg14 : memref<!tpu.dma_semaphore, #tpu.memory_space<semaphore_mem>>) src(%dma_wait3A_39 : memref<157x128xi32, #tpu.memory_space<hbm>>) dst(%arg10 : memref<157x128xi32, #tpu.memory_space<vmem>>)
    %barrier3A = arith.constant 0 : index
    tpu.barrier barrier_id(%barrier3A)
    %eq3A = arith.constant 0 : i32
    %eq3A_40 = arith.cmpi eq, %arg0, %eq3A : i32
    %convert_element_type3A = arith.extui %eq3A_40 : i1 to i32
    %cond3A = arith.constant 0 : i32
    %cond3A_41 = arith.cmpi ne, %convert_element_type3A, %cond3A : i32
    scf.if %cond3A_41 {
      %dma_start3A_58 = arith.constant 0 : i32
      %dma_start3A_59 = arith.constant 0 : i32
      %dma_start3A_60 = arith.constant 0 : i32
      %dma_start3A_61 = arith.constant 0 : i32
      %dma_start3A_62 = tpu.memref_slice %arg11[%dma_start3A_59, %dma_start3A_60, %dma_start3A_61] : memref<5x128x32xf32, #tpu.memory_space<vmem>> -> memref<1x128x32xf32, #tpu.memory_space<vmem>>
      %dma_start3A_63 = tpu.memref_squeeze %dma_start3A_62 : memref<1x128x32xf32, #tpu.memory_space<vmem>> -> memref<128x32xf32, #tpu.memory_space<vmem>>
      %dma_start3A_64 = arith.constant 0 : i32
      %dma_start3A_65 = tpu.memref_slice %arg9[%dma_start3A_58, %dma_start3A_64] : memref<157x128xi32, #tpu.memory_space<vmem>> -> memref<1x128xi32, #tpu.memory_space<vmem>>
      %dma_start3A_66 = tpu.memref_squeeze %dma_start3A_65 : memref<1x128xi32, #tpu.memory_space<vmem>> -> memref<128xi32, #tpu.memory_space<vmem>>
      %dma_start3A_67 = arith.constant 0 : i32
      %dma_start3A_68 = arith.constant 0 : i32
      %dma_start3A_69 = tpu.memref_slice %arg2[%dma_start3A_67, %dma_start3A_68] : memref<10240x32xf32, #tpu.memory_space<hbm>> -> memref<10240x32xf32, #tpu.memory_space<hbm>>
      tpu.enqueue_indirect_dma source(%dma_start3A_69 : memref<10240x32xf32, #tpu.memory_space<hbm>>) target(%dma_start3A_63 : memref<128x32xf32, #tpu.memory_space<vmem>>) offsets(%dma_start3A_66 : memref<128xi32, #tpu.memory_space<vmem>>) semaphore(%arg14 : memref<!tpu.dma_semaphore, #tpu.memory_space<semaphore_mem>>)
      %dma_start3A_70 = arith.constant 1 : i32
      %dma_start3A_71 = arith.constant 1 : i32
      %dma_start3A_72 = arith.constant 0 : i32
      %dma_start3A_73 = arith.constant 0 : i32
      %dma_start3A_74 = tpu.memref_slice %arg11[%dma_start3A_71, %dma_start3A_72, %dma_start3A_73] : memref<5x128x32xf32, #tpu.memory_space<vmem>> -> memref<1x128x32xf32, #tpu.memory_space<vmem>>
      %dma_start3A_75 = tpu.memref_squeeze %dma_start3A_74 : memref<1x128x32xf32, #tpu.memory_space<vmem>> -> memref<128x32xf32, #tpu.memory_space<vmem>>
      %dma_start3A_76 = arith.constant 0 : i32
      %dma_start3A_77 = tpu.memref_slice %arg9[%dma_start3A_70, %dma_start3A_76] : memref<157x128xi32, #tpu.memory_space<vmem>> -> memref<1x128xi32, #tpu.memory_space<vmem>>
      %dma_start3A_78 = tpu.memref_squeeze %dma_start3A_77 : memref<1x128xi32, #tpu.memory_space<vmem>> -> memref<128xi32, #tpu.memory_space<vmem>>
      %dma_start3A_79 = arith.constant 0 : i32
      %dma_start3A_80 = arith.constant 0 : i32
      %dma_start3A_81 = tpu.memref_slice %arg2[%dma_start3A_79, %dma_start3A_80] : memref<10240x32xf32, #tpu.memory_space<hbm>> -> memref<10240x32xf32, #tpu.memory_space<hbm>>
      tpu.enqueue_indirect_dma source(%dma_start3A_81 : memref<10240x32xf32, #tpu.memory_space<hbm>>) target(%dma_start3A_75 : memref<128x32xf32, #tpu.memory_space<vmem>>) offsets(%dma_start3A_78 : memref<128xi32, #tpu.memory_space<vmem>>) semaphore(%arg14 : memref<!tpu.dma_semaphore, #tpu.memory_space<semaphore_mem>>)
      %dma_start3A_82 = arith.constant 2 : i32
      %dma_start3A_83 = arith.constant 2 : i32
      %dma_start3A_84 = arith.constant 0 : i32
      %dma_start3A_85 = arith.constant 0 : i32
      %dma_start3A_86 = tpu.memref_slice %arg11[%dma_start3A_83, %dma_start3A_84, %dma_start3A_85] : memref<5x128x32xf32, #tpu.memory_space<vmem>> -> memref<1x128x32xf32, #tpu.memory_space<vmem>>
      %dma_start3A_87 = tpu.memref_squeeze %dma_start3A_86 : memref<1x128x32xf32, #tpu.memory_space<vmem>> -> memref<128x32xf32, #tpu.memory_space<vmem>>
      %dma_start3A_88 = arith.constant 0 : i32
      %dma_start3A_89 = tpu.memref_slice %arg9[%dma_start3A_82, %dma_start3A_88] : memref<157x128xi32, #tpu.memory_space<vmem>> -> memref<1x128xi32, #tpu.memory_space<vmem>>
      %dma_start3A_90 = tpu.memref_squeeze %dma_start3A_89 : memref<1x128xi32, #tpu.memory_space<vmem>> -> memref<128xi32, #tpu.memory_space<vmem>>
      %dma_start3A_91 = arith.constant 0 : i32
      %dma_start3A_92 = arith.constant 0 : i32
      %dma_start3A_93 = tpu.memref_slice %arg2[%dma_start3A_91, %dma_start3A_92] : memref<10240x32xf32, #tpu.memory_space<hbm>> -> memref<10240x32xf32, #tpu.memory_space<hbm>>
      tpu.enqueue_indirect_dma source(%dma_start3A_93 : memref<10240x32xf32, #tpu.memory_space<hbm>>) target(%dma_start3A_87 : memref<128x32xf32, #tpu.memory_space<vmem>>) offsets(%dma_start3A_90 : memref<128xi32, #tpu.memory_space<vmem>>) semaphore(%arg14 : memref<!tpu.dma_semaphore, #tpu.memory_space<semaphore_mem>>)
      %scan3A_94 = arith.constant 0 : i32
      %scan3A_95 = arith.constant 157 : i32
      %scan3A_96 = arith.addi %scan3A_94, %scan3A_95 : i32
      %scan3A_97 = arith.constant 1 : i32
      scf.for %scan3A_104 = %scan3A_94 to %scan3A_96 step %scan3A_97  : i32 {
        %mul3A_105 = arith.constant 1 : i32
        %mul3A_106 = arith.muli %scan3A_104, %mul3A_105 : i32
        %add3A = arith.constant 0 : i32
        %add3A_107 = arith.addi %add3A, %mul3A_106 : i32
        %ge3A = arith.constant 2 : i32
        %ge3A_108 = arith.cmpi sge, %add3A_107, %ge3A : i32
        %convert_element_type3A_109 = arith.extui %ge3A_108 : i1 to i32
        %cond3A_110 = arith.constant 0 : i32
        %cond3A_111 = arith.cmpi ne, %convert_element_type3A_109, %cond3A_110 : i32
        scf.if %cond3A_111 {
          %sub3A = arith.constant 2 : i32
          %sub3A_165 = arith.subi %add3A_107, %sub3A : i32
          %sub3A_166 = arith.constant 2 : i32
          %sub3A_167 = arith.subi %add3A_107, %sub3A_166 : i32
          %jit3A_168 = arith.constant 5 : i32
          %eq3A_169 = arith.constant 0 : i32
          %eq3A_170 = arith.cmpi eq, %jit3A_168, %eq3A_169 : i32
          %jit3A_171 = arith.constant 1 : i32
          %select_n3A_172 = arith.select %eq3A_170, %jit3A_171, %jit3A_168 : i32
          %rem3A_173 = arith.remsi %sub3A_167, %select_n3A_172 : i32
          %ne3A_174 = arith.constant 0 : i32
          %ne3A_175 = arith.cmpi ne, %rem3A_173, %ne3A_174 : i32
          %lt3A_176 = arith.constant 0 : i32
          %lt3A_177 = arith.cmpi slt, %rem3A_173, %lt3A_176 : i32
          %lt3A_178 = arith.constant 0 : i32
          %lt3A_179 = arith.cmpi slt, %select_n3A_172, %lt3A_178 : i32
          %ne3A_180 = arith.xori %lt3A_177, %lt3A_179 : i1
          %and3A_181 = arith.andi %ne3A_180, %ne3A_175 : i1
          %add3A_182 = arith.addi %rem3A_173, %select_n3A_172 : i32
          %select_n3A_183 = arith.select %and3A_181, %add3A_182, %rem3A_173 : i32
          %dma_wait3A_184 = arith.constant 0 : i32
          %dma_wait3A_185 = arith.constant 0 : i32
          %dma_wait3A_186 = tpu.memref_slice %arg11[%select_n3A_183, %dma_wait3A_184, %dma_wait3A_185] : memref<5x128x32xf32, #tpu.memory_space<vmem>> -> memref<1x128x32xf32, #tpu.memory_space<vmem>>
          %dma_wait3A_187 = tpu.memref_squeeze %dma_wait3A_186 : memref<1x128x32xf32, #tpu.memory_space<vmem>> -> memref<128x32xf32, #tpu.memory_space<vmem>>
          %dma_wait3A_188 = arith.constant 0 : i32
          %dma_wait3A_189 = tpu.memref_slice %arg10[%sub3A_165, %dma_wait3A_188] : memref<157x128xi32, #tpu.memory_space<vmem>> -> memref<1x128xi32, #tpu.memory_space<vmem>>
          %dma_wait3A_190 = tpu.memref_squeeze %dma_wait3A_189 : memref<1x128xi32, #tpu.memory_space<vmem>> -> memref<128xi32, #tpu.memory_space<vmem>>
          %dma_wait3A_191 = arith.constant 0 : i32
          %dma_wait3A_192 = arith.constant 0 : i32
          %dma_wait3A_193 = tpu.memref_slice %arg13[%dma_wait3A_191, %dma_wait3A_192] : memref<10240x32xf32, #tpu.memory_space<vmem_shared>> -> memref<10240x32xf32, #tpu.memory_space<vmem_shared>>
          tpu.wait_indirect_dma semaphore(%arg15 : memref<!tpu.dma_semaphore, #tpu.memory_space<semaphore_mem>>) src(%dma_wait3A_187 : memref<128x32xf32, #tpu.memory_space<vmem>>) dst(%dma_wait3A_193 : memref<10240x32xf32, #tpu.memory_space<vmem_shared>>)
        } else {
        }
        %add3A_112 = arith.constant 3 : i32
        %add3A_113 = arith.addi %add3A_107, %add3A_112 : i32
        %lt3A = arith.constant 157 : i32
        %lt3A_114 = arith.cmpi slt, %add3A_113, %lt3A : i32
        %convert_element_type3A_115 = arith.extui %lt3A_114 : i1 to i32
        %cond3A_116 = arith.constant 0 : i32
        %cond3A_117 = arith.cmpi ne, %convert_element_type3A_115, %cond3A_116 : i32
        scf.if %cond3A_117 {
          %add3A_165 = arith.constant 3 : i32
          %add3A_166 = arith.addi %add3A_107, %add3A_165 : i32
          %jit3A_167 = arith.constant 5 : i32
          %eq3A_168 = arith.constant 0 : i32
          %eq3A_169 = arith.cmpi eq, %jit3A_167, %eq3A_168 : i32
          %jit3A_170 = arith.constant 1 : i32
          %select_n3A_171 = arith.select %eq3A_169, %jit3A_170, %jit3A_167 : i32
          %rem3A_172 = arith.remsi %add3A_166, %select_n3A_171 : i32
          %ne3A_173 = arith.constant 0 : i32
          %ne3A_174 = arith.cmpi ne, %rem3A_172, %ne3A_173 : i32
          %lt3A_175 = arith.constant 0 : i32
          %lt3A_176 = arith.cmpi slt, %rem3A_172, %lt3A_175 : i32
          %lt3A_177 = arith.constant 0 : i32
          %lt3A_178 = arith.cmpi slt, %select_n3A_171, %lt3A_177 : i32
          %ne3A_179 = arith.xori %lt3A_176, %lt3A_178 : i1
          %and3A_180 = arith.andi %ne3A_179, %ne3A_174 : i1
          %add3A_181 = arith.addi %rem3A_172, %select_n3A_171 : i32
          %select_n3A_182 = arith.select %and3A_180, %add3A_181, %rem3A_172 : i32
          %dma_start3A_183 = arith.constant 0 : i32
          %dma_start3A_184 = arith.constant 0 : i32
          %dma_start3A_185 = tpu.memref_slice %arg11[%select_n3A_182, %dma_start3A_183, %dma_start3A_184] : memref<5x128x32xf32, #tpu.memory_space<vmem>> -> memref<1x128x32xf32, #tpu.memory_space<vmem>>
          %dma_start3A_186 = tpu.memref_squeeze %dma_start3A_185 : memref<1x128x32xf32, #tpu.memory_space<vmem>> -> memref<128x32xf32, #tpu.memory_space<vmem>>
          %dma_start3A_187 = arith.constant 0 : i32
          %dma_start3A_188 = tpu.memref_slice %arg9[%add3A_166, %dma_start3A_187] : memref<157x128xi32, #tpu.memory_space<vmem>> -> memref<1x128xi32, #tpu.memory_space<vmem>>
          %dma_start3A_189 = tpu.memref_squeeze %dma_start3A_188 : memref<1x128xi32, #tpu.memory_space<vmem>> -> memref<128xi32, #tpu.memory_space<vmem>>
          %dma_start3A_190 = arith.constant 0 : i32
          %dma_start3A_191 = arith.constant 0 : i32
          %dma_start3A_192 = tpu.memref_slice %arg2[%dma_start3A_190, %dma_start3A_191] : memref<10240x32xf32, #tpu.memory_space<hbm>> -> memref<10240x32xf32, #tpu.memory_space<hbm>>
          tpu.enqueue_indirect_dma source(%dma_start3A_192 : memref<10240x32xf32, #tpu.memory_space<hbm>>) target(%dma_start3A_186 : memref<128x32xf32, #tpu.memory_space<vmem>>) offsets(%dma_start3A_189 : memref<128xi32, #tpu.memory_space<vmem>>) semaphore(%arg14 : memref<!tpu.dma_semaphore, #tpu.memory_space<semaphore_mem>>)
        } else {
        }
        %jit3A = arith.constant 5 : i32
        %eq3A_118 = arith.constant 0 : i32
        %eq3A_119 = arith.cmpi eq, %jit3A, %eq3A_118 : i32
        %jit3A_120 = arith.constant 1 : i32
        %select_n3A = arith.select %eq3A_119, %jit3A_120, %jit3A : i32
        %rem3A = arith.remsi %add3A_107, %select_n3A : i32
        %ne3A = arith.constant 0 : i32
        %ne3A_121 = arith.cmpi ne, %rem3A, %ne3A : i32
        %lt3A_122 = arith.constant 0 : i32
        %lt3A_123 = arith.cmpi slt, %rem3A, %lt3A_122 : i32
        %lt3A_124 = arith.constant 0 : i32
        %lt3A_125 = arith.cmpi slt, %select_n3A, %lt3A_124 : i32
        %ne3A_126 = arith.xori %lt3A_123, %lt3A_125 : i1
        %and3A = arith.andi %ne3A_126, %ne3A_121 : i1
        %add3A_127 = arith.addi %rem3A, %select_n3A : i32
        %select_n3A_128 = arith.select %and3A, %add3A_127, %rem3A : i32
        %dma_wait3A_129 = arith.constant 0 : i32
        %dma_wait3A_130 = arith.constant 0 : i32
        %dma_wait3A_131 = tpu.memref_slice %arg11[%select_n3A_128, %dma_wait3A_129, %dma_wait3A_130] : memref<5x128x32xf32, #tpu.memory_space<vmem>> -> memref<1x128x32xf32, #tpu.memory_space<vmem>>
        %dma_wait3A_132 = tpu.memref_squeeze %dma_wait3A_131 : memref<1x128x32xf32, #tpu.memory_space<vmem>> -> memref<128x32xf32, #tpu.memory_space<vmem>>
        %dma_wait3A_133 = arith.constant 0 : i32
        %dma_wait3A_134 = tpu.memref_slice %arg9[%add3A_107, %dma_wait3A_133] : memref<157x128xi32, #tpu.memory_space<vmem>> -> memref<1x128xi32, #tpu.memory_space<vmem>>
        %dma_wait3A_135 = tpu.memref_squeeze %dma_wait3A_134 : memref<1x128xi32, #tpu.memory_space<vmem>> -> memref<128xi32, #tpu.memory_space<vmem>>
        %dma_wait3A_136 = arith.constant 0 : i32
        %dma_wait3A_137 = arith.constant 0 : i32
        %dma_wait3A_138 = tpu.memref_slice %arg2[%dma_wait3A_136, %dma_wait3A_137] : memref<10240x32xf32, #tpu.memory_space<hbm>> -> memref<10240x32xf32, #tpu.memory_space<hbm>>
        tpu.wait_indirect_dma semaphore(%arg14 : memref<!tpu.dma_semaphore, #tpu.memory_space<semaphore_mem>>) src(%dma_wait3A_138 : memref<10240x32xf32, #tpu.memory_space<hbm>>) dst(%dma_wait3A_132 : memref<128x32xf32, #tpu.memory_space<vmem>>)
        %jit3A_139 = arith.constant 5 : i32
        %eq3A_140 = arith.constant 0 : i32
        %eq3A_141 = arith.cmpi eq, %jit3A_139, %eq3A_140 : i32
        %jit3A_142 = arith.constant 1 : i32
        %select_n3A_143 = arith.select %eq3A_141, %jit3A_142, %jit3A_139 : i32
        %rem3A_144 = arith.remsi %add3A_107, %select_n3A_143 : i32
        %ne3A_145 = arith.constant 0 : i32
        %ne3A_146 = arith.cmpi ne, %rem3A_144, %ne3A_145 : i32
        %lt3A_147 = arith.constant 0 : i32
        %lt3A_148 = arith.cmpi slt, %rem3A_144, %lt3A_147 : i32
        %lt3A_149 = arith.constant 0 : i32
        %lt3A_150 = arith.cmpi slt, %select_n3A_143, %lt3A_149 : i32
        %ne3A_151 = arith.xori %lt3A_148, %lt3A_150 : i1
        %and3A_152 = arith.andi %ne3A_151, %ne3A_146 : i1
        %add3A_153 = arith.addi %rem3A_144, %select_n3A_143 : i32
        %select_n3A_154 = arith.select %and3A_152, %add3A_153, %rem3A_144 : i32
        %dma_start3A_155 = arith.constant 0 : i32
        %dma_start3A_156 = arith.constant 0 : i32
        %dma_start3A_157 = tpu.memref_slice %arg11[%select_n3A_154, %dma_start3A_155, %dma_start3A_156] : memref<5x128x32xf32, #tpu.memory_space<vmem>> -> memref<1x128x32xf32, #tpu.memory_space<vmem>>
        %dma_start3A_158 = tpu.memref_squeeze %dma_start3A_157 : memref<1x128x32xf32, #tpu.memory_space<vmem>> -> memref<128x32xf32, #tpu.memory_space<vmem>>
        %dma_start3A_159 = arith.constant 0 : i32
        %dma_start3A_160 = tpu.memref_slice %arg10[%add3A_107, %dma_start3A_159] : memref<157x128xi32, #tpu.memory_space<vmem>> -> memref<1x128xi32, #tpu.memory_space<vmem>>
        %dma_start3A_161 = tpu.memref_squeeze %dma_start3A_160 : memref<1x128xi32, #tpu.memory_space<vmem>> -> memref<128xi32, #tpu.memory_space<vmem>>
        %dma_start3A_162 = arith.constant 0 : i32
        %dma_start3A_163 = arith.constant 0 : i32
        %dma_start3A_164 = tpu.memref_slice %arg13[%dma_start3A_162, %dma_start3A_163] : memref<10240x32xf32, #tpu.memory_space<vmem_shared>> -> memref<10240x32xf32, #tpu.memory_space<vmem_shared>>
        tpu.enqueue_indirect_dma source(%dma_start3A_158 : memref<128x32xf32, #tpu.memory_space<vmem>>) target(%dma_start3A_164 : memref<10240x32xf32, #tpu.memory_space<vmem_shared>>) offsets(%dma_start3A_161 : memref<128xi32, #tpu.memory_space<vmem>>) semaphore(%arg15 : memref<!tpu.dma_semaphore, #tpu.memory_space<semaphore_mem>>) {add = true}
      }
      %scan3A_98 = arith.constant 157 : i32
      %scan3A_99 = arith.constant 0 : i32
      %scan3A_100 = arith.constant 2 : i32
      %scan3A_101 = arith.addi %scan3A_99, %scan3A_100 : i32
      %scan3A_102 = arith.constant 1 : i32
      scf.for %scan3A_104 = %scan3A_99 to %scan3A_101 step %scan3A_102  : i32 {
        %mul3A_105 = arith.constant 1 : i32
        %mul3A_106 = arith.muli %scan3A_104, %mul3A_105 : i32
        %add3A = arith.constant 155 : i32
        %add3A_107 = arith.addi %add3A, %mul3A_106 : i32
        %jit3A = arith.constant 5 : i32
        %eq3A_108 = arith.constant 0 : i32
        %eq3A_109 = arith.cmpi eq, %jit3A, %eq3A_108 : i32
        %jit3A_110 = arith.constant 1 : i32
        %select_n3A = arith.select %eq3A_109, %jit3A_110, %jit3A : i32
        %rem3A = arith.remsi %add3A_107, %select_n3A : i32
        %ne3A = arith.constant 0 : i32
        %ne3A_111 = arith.cmpi ne, %rem3A, %ne3A : i32
        %lt3A = arith.constant 0 : i32
        %lt3A_112 = arith.cmpi slt, %rem3A, %lt3A : i32
        %lt3A_113 = arith.constant 0 : i32
        %lt3A_114 = arith.cmpi slt, %select_n3A, %lt3A_113 : i32
        %ne3A_115 = arith.xori %lt3A_112, %lt3A_114 : i1
        %and3A = arith.andi %ne3A_115, %ne3A_111 : i1
        %add3A_116 = arith.addi %rem3A, %select_n3A : i32
        %select_n3A_117 = arith.select %and3A, %add3A_116, %rem3A : i32
        %dma_wait3A_118 = arith.constant 0 : i32
        %dma_wait3A_119 = arith.constant 0 : i32
        %dma_wait3A_120 = tpu.memref_slice %arg11[%select_n3A_117, %dma_wait3A_118, %dma_wait3A_119] : memref<5x128x32xf32, #tpu.memory_space<vmem>> -> memref<1x128x32xf32, #tpu.memory_space<vmem>>
        %dma_wait3A_121 = tpu.memref_squeeze %dma_wait3A_120 : memref<1x128x32xf32, #tpu.memory_space<vmem>> -> memref<128x32xf32, #tpu.memory_space<vmem>>
        %dma_wait3A_122 = arith.constant 0 : i32
        %dma_wait3A_123 = tpu.memref_slice %arg10[%add3A_107, %dma_wait3A_122] : memref<157x128xi32, #tpu.memory_space<vmem>> -> memref<1x128xi32, #tpu.memory_space<vmem>>
        %dma_wait3A_124 = tpu.memref_squeeze %dma_wait3A_123 : memref<1x128xi32, #tpu.memory_space<vmem>> -> memref<128xi32, #tpu.memory_space<vmem>>
        %dma_wait3A_125 = arith.constant 0 : i32
        %dma_wait3A_126 = arith.constant 0 : i32
        %dma_wait3A_127 = tpu.memref_slice %arg13[%dma_wait3A_125, %dma_wait3A_126] : memref<10240x32xf32, #tpu.memory_space<vmem_shared>> -> memref<10240x32xf32, #tpu.memory_space<vmem_shared>>
        tpu.wait_indirect_dma semaphore(%arg15 : memref<!tpu.dma_semaphore, #tpu.memory_space<semaphore_mem>>) src(%dma_wait3A_121 : memref<128x32xf32, #tpu.memory_space<vmem>>) dst(%dma_wait3A_127 : memref<10240x32xf32, #tpu.memory_space<vmem_shared>>)
      }
      %scan3A_103 = arith.constant 2 : i32
    } else {
    }
    %eq3A_42 = arith.constant 1 : i32
    %eq3A_43 = arith.cmpi eq, %arg0, %eq3A_42 : i32
    %convert_element_type3A_44 = arith.extui %eq3A_43 : i1 to i32
    %cond3A_45 = arith.constant 0 : i32
    %cond3A_46 = arith.cmpi ne, %convert_element_type3A_44, %cond3A_45 : i32
    scf.if %cond3A_46 {
      %dma_start3A_58 = arith.constant 0 : i32
      %dma_start3A_59 = arith.constant 0 : i32
      %dma_start3A_60 = arith.constant 0 : i32
      %dma_start3A_61 = arith.constant 0 : i32
      %dma_start3A_62 = tpu.memref_slice %arg11[%dma_start3A_59, %dma_start3A_60, %dma_start3A_61] : memref<5x128x32xf32, #tpu.memory_space<vmem>> -> memref<1x128x32xf32, #tpu.memory_space<vmem>>
      %dma_start3A_63 = tpu.memref_squeeze %dma_start3A_62 : memref<1x128x32xf32, #tpu.memory_space<vmem>> -> memref<128x32xf32, #tpu.memory_space<vmem>>
      %dma_start3A_64 = arith.constant 0 : i32
      %dma_start3A_65 = tpu.memref_slice %arg9[%dma_start3A_58, %dma_start3A_64] : memref<157x128xi32, #tpu.memory_space<vmem>> -> memref<1x128xi32, #tpu.memory_space<vmem>>
      %dma_start3A_66 = tpu.memref_squeeze %dma_start3A_65 : memref<1x128xi32, #tpu.memory_space<vmem>> -> memref<128xi32, #tpu.memory_space<vmem>>
      %dma_start3A_67 = arith.constant 0 : i32
      %dma_start3A_68 = arith.constant 0 : i32
      %dma_start3A_69 = tpu.memref_slice %arg3[%dma_start3A_67, %dma_start3A_68] : memref<10240x32xf32, #tpu.memory_space<hbm>> -> memref<10240x32xf32, #tpu.memory_space<hbm>>
      tpu.enqueue_indirect_dma source(%dma_start3A_69 : memref<10240x32xf32, #tpu.memory_space<hbm>>) target(%dma_start3A_63 : memref<128x32xf32, #tpu.memory_space<vmem>>) offsets(%dma_start3A_66 : memref<128xi32, #tpu.memory_space<vmem>>) semaphore(%arg14 : memref<!tpu.dma_semaphore, #tpu.memory_space<semaphore_mem>>)
      %dma_start3A_70 = arith.constant 1 : i32
      %dma_start3A_71 = arith.constant 1 : i32
      %dma_start3A_72 = arith.constant 0 : i32
      %dma_start3A_73 = arith.constant 0 : i32
      %dma_start3A_74 = tpu.memref_slice %arg11[%dma_start3A_71, %dma_start3A_72, %dma_start3A_73] : memref<5x128x32xf32, #tpu.memory_space<vmem>> -> memref<1x128x32xf32, #tpu.memory_space<vmem>>
      %dma_start3A_75 = tpu.memref_squeeze %dma_start3A_74 : memref<1x128x32xf32, #tpu.memory_space<vmem>> -> memref<128x32xf32, #tpu.memory_space<vmem>>
      %dma_start3A_76 = arith.constant 0 : i32
      %dma_start3A_77 = tpu.memref_slice %arg9[%dma_start3A_70, %dma_start3A_76] : memref<157x128xi32, #tpu.memory_space<vmem>> -> memref<1x128xi32, #tpu.memory_space<vmem>>
      %dma_start3A_78 = tpu.memref_squeeze %dma_start3A_77 : memref<1x128xi32, #tpu.memory_space<vmem>> -> memref<128xi32, #tpu.memory_space<vmem>>
      %dma_start3A_79 = arith.constant 0 : i32
      %dma_start3A_80 = arith.constant 0 : i32
      %dma_start3A_81 = tpu.memref_slice %arg3[%dma_start3A_79, %dma_start3A_80] : memref<10240x32xf32, #tpu.memory_space<hbm>> -> memref<10240x32xf32, #tpu.memory_space<hbm>>
      tpu.enqueue_indirect_dma source(%dma_start3A_81 : memref<10240x32xf32, #tpu.memory_space<hbm>>) target(%dma_start3A_75 : memref<128x32xf32, #tpu.memory_space<vmem>>) offsets(%dma_start3A_78 : memref<128xi32, #tpu.memory_space<vmem>>) semaphore(%arg14 : memref<!tpu.dma_semaphore, #tpu.memory_space<semaphore_mem>>)
      %dma_start3A_82 = arith.constant 2 : i32
      %dma_start3A_83 = arith.constant 2 : i32
      %dma_start3A_84 = arith.constant 0 : i32
      %dma_start3A_85 = arith.constant 0 : i32
      %dma_start3A_86 = tpu.memref_slice %arg11[%dma_start3A_83, %dma_start3A_84, %dma_start3A_85] : memref<5x128x32xf32, #tpu.memory_space<vmem>> -> memref<1x128x32xf32, #tpu.memory_space<vmem>>
      %dma_start3A_87 = tpu.memref_squeeze %dma_start3A_86 : memref<1x128x32xf32, #tpu.memory_space<vmem>> -> memref<128x32xf32, #tpu.memory_space<vmem>>
      %dma_start3A_88 = arith.constant 0 : i32
      %dma_start3A_89 = tpu.memref_slice %arg9[%dma_start3A_82, %dma_start3A_88] : memref<157x128xi32, #tpu.memory_space<vmem>> -> memref<1x128xi32, #tpu.memory_space<vmem>>
      %dma_start3A_90 = tpu.memref_squeeze %dma_start3A_89 : memref<1x128xi32, #tpu.memory_space<vmem>> -> memref<128xi32, #tpu.memory_space<vmem>>
      %dma_start3A_91 = arith.constant 0 : i32
      %dma_start3A_92 = arith.constant 0 : i32
      %dma_start3A_93 = tpu.memref_slice %arg3[%dma_start3A_91, %dma_start3A_92] : memref<10240x32xf32, #tpu.memory_space<hbm>> -> memref<10240x32xf32, #tpu.memory_space<hbm>>
      tpu.enqueue_indirect_dma source(%dma_start3A_93 : memref<10240x32xf32, #tpu.memory_space<hbm>>) target(%dma_start3A_87 : memref<128x32xf32, #tpu.memory_space<vmem>>) offsets(%dma_start3A_90 : memref<128xi32, #tpu.memory_space<vmem>>) semaphore(%arg14 : memref<!tpu.dma_semaphore, #tpu.memory_space<semaphore_mem>>)
      %scan3A_94 = arith.constant 0 : i32
      %scan3A_95 = arith.constant 157 : i32
      %scan3A_96 = arith.addi %scan3A_94, %scan3A_95 : i32
      %scan3A_97 = arith.constant 1 : i32
      scf.for %scan3A_104 = %scan3A_94 to %scan3A_96 step %scan3A_97  : i32 {
        %mul3A_105 = arith.constant 1 : i32
        %mul3A_106 = arith.muli %scan3A_104, %mul3A_105 : i32
        %add3A = arith.constant 0 : i32
        %add3A_107 = arith.addi %add3A, %mul3A_106 : i32
        %ge3A = arith.constant 2 : i32
        %ge3A_108 = arith.cmpi sge, %add3A_107, %ge3A : i32
        %convert_element_type3A_109 = arith.extui %ge3A_108 : i1 to i32
        %cond3A_110 = arith.constant 0 : i32
        %cond3A_111 = arith.cmpi ne, %convert_element_type3A_109, %cond3A_110 : i32
        scf.if %cond3A_111 {
          %sub3A = arith.constant 2 : i32
          %sub3A_165 = arith.subi %add3A_107, %sub3A : i32
          %sub3A_166 = arith.constant 2 : i32
          %sub3A_167 = arith.subi %add3A_107, %sub3A_166 : i32
          %jit3A_168 = arith.constant 5 : i32
          %eq3A_169 = arith.constant 0 : i32
          %eq3A_170 = arith.cmpi eq, %jit3A_168, %eq3A_169 : i32
          %jit3A_171 = arith.constant 1 : i32
          %select_n3A_172 = arith.select %eq3A_170, %jit3A_171, %jit3A_168 : i32
          %rem3A_173 = arith.remsi %sub3A_167, %select_n3A_172 : i32
          %ne3A_174 = arith.constant 0 : i32
          %ne3A_175 = arith.cmpi ne, %rem3A_173, %ne3A_174 : i32
          %lt3A_176 = arith.constant 0 : i32
          %lt3A_177 = arith.cmpi slt, %rem3A_173, %lt3A_176 : i32
          %lt3A_178 = arith.constant 0 : i32
          %lt3A_179 = arith.cmpi slt, %select_n3A_172, %lt3A_178 : i32
          %ne3A_180 = arith.xori %lt3A_177, %lt3A_179 : i1
          %and3A_181 = arith.andi %ne3A_180, %ne3A_175 : i1
          %add3A_182 = arith.addi %rem3A_173, %select_n3A_172 : i32
          %select_n3A_183 = arith.select %and3A_181, %add3A_182, %rem3A_173 : i32
          %dma_wait3A_184 = arith.constant 0 : i32
          %dma_wait3A_185 = arith.constant 0 : i32
          %dma_wait3A_186 = tpu.memref_slice %arg11[%select_n3A_183, %dma_wait3A_184, %dma_wait3A_185] : memref<5x128x32xf32, #tpu.memory_space<vmem>> -> memref<1x128x32xf32, #tpu.memory_space<vmem>>
          %dma_wait3A_187 = tpu.memref_squeeze %dma_wait3A_186 : memref<1x128x32xf32, #tpu.memory_space<vmem>> -> memref<128x32xf32, #tpu.memory_space<vmem>>
          %dma_wait3A_188 = arith.constant 0 : i32
          %dma_wait3A_189 = tpu.memref_slice %arg10[%sub3A_165, %dma_wait3A_188] : memref<157x128xi32, #tpu.memory_space<vmem>> -> memref<1x128xi32, #tpu.memory_space<vmem>>
          %dma_wait3A_190 = tpu.memref_squeeze %dma_wait3A_189 : memref<1x128xi32, #tpu.memory_space<vmem>> -> memref<128xi32, #tpu.memory_space<vmem>>
          %dma_wait3A_191 = arith.constant 0 : i32
          %dma_wait3A_192 = arith.constant 0 : i32
          %dma_wait3A_193 = tpu.memref_slice %arg13[%dma_wait3A_191, %dma_wait3A_192] : memref<10240x32xf32, #tpu.memory_space<vmem_shared>> -> memref<10240x32xf32, #tpu.memory_space<vmem_shared>>
          tpu.wait_indirect_dma semaphore(%arg15 : memref<!tpu.dma_semaphore, #tpu.memory_space<semaphore_mem>>) src(%dma_wait3A_187 : memref<128x32xf32, #tpu.memory_space<vmem>>) dst(%dma_wait3A_193 : memref<10240x32xf32, #tpu.memory_space<vmem_shared>>)
        } else {
        }
        %add3A_112 = arith.constant 3 : i32
        %add3A_113 = arith.addi %add3A_107, %add3A_112 : i32
        %lt3A = arith.constant 157 : i32
        %lt3A_114 = arith.cmpi slt, %add3A_113, %lt3A : i32
        %convert_element_type3A_115 = arith.extui %lt3A_114 : i1 to i32
        %cond3A_116 = arith.constant 0 : i32
        %cond3A_117 = arith.cmpi ne, %convert_element_type3A_115, %cond3A_116 : i32
        scf.if %cond3A_117 {
          %add3A_165 = arith.constant 3 : i32
          %add3A_166 = arith.addi %add3A_107, %add3A_165 : i32
          %jit3A_167 = arith.constant 5 : i32
          %eq3A_168 = arith.constant 0 : i32
          %eq3A_169 = arith.cmpi eq, %jit3A_167, %eq3A_168 : i32
          %jit3A_170 = arith.constant 1 : i32
          %select_n3A_171 = arith.select %eq3A_169, %jit3A_170, %jit3A_167 : i32
          %rem3A_172 = arith.remsi %add3A_166, %select_n3A_171 : i32
          %ne3A_173 = arith.constant 0 : i32
          %ne3A_174 = arith.cmpi ne, %rem3A_172, %ne3A_173 : i32
          %lt3A_175 = arith.constant 0 : i32
          %lt3A_176 = arith.cmpi slt, %rem3A_172, %lt3A_175 : i32
          %lt3A_177 = arith.constant 0 : i32
          %lt3A_178 = arith.cmpi slt, %select_n3A_171, %lt3A_177 : i32
          %ne3A_179 = arith.xori %lt3A_176, %lt3A_178 : i1
          %and3A_180 = arith.andi %ne3A_179, %ne3A_174 : i1
          %add3A_181 = arith.addi %rem3A_172, %select_n3A_171 : i32
          %select_n3A_182 = arith.select %and3A_180, %add3A_181, %rem3A_172 : i32
          %dma_start3A_183 = arith.constant 0 : i32
          %dma_start3A_184 = arith.constant 0 : i32
          %dma_start3A_185 = tpu.memref_slice %arg11[%select_n3A_182, %dma_start3A_183, %dma_start3A_184] : memref<5x128x32xf32, #tpu.memory_space<vmem>> -> memref<1x128x32xf32, #tpu.memory_space<vmem>>
          %dma_start3A_186 = tpu.memref_squeeze %dma_start3A_185 : memref<1x128x32xf32, #tpu.memory_space<vmem>> -> memref<128x32xf32, #tpu.memory_space<vmem>>
          %dma_start3A_187 = arith.constant 0 : i32
          %dma_start3A_188 = tpu.memref_slice %arg9[%add3A_166, %dma_start3A_187] : memref<157x128xi32, #tpu.memory_space<vmem>> -> memref<1x128xi32, #tpu.memory_space<vmem>>
          %dma_start3A_189 = tpu.memref_squeeze %dma_start3A_188 : memref<1x128xi32, #tpu.memory_space<vmem>> -> memref<128xi32, #tpu.memory_space<vmem>>
          %dma_start3A_190 = arith.constant 0 : i32
          %dma_start3A_191 = arith.constant 0 : i32
          %dma_start3A_192 = tpu.memref_slice %arg3[%dma_start3A_190, %dma_start3A_191] : memref<10240x32xf32, #tpu.memory_space<hbm>> -> memref<10240x32xf32, #tpu.memory_space<hbm>>
          tpu.enqueue_indirect_dma source(%dma_start3A_192 : memref<10240x32xf32, #tpu.memory_space<hbm>>) target(%dma_start3A_186 : memref<128x32xf32, #tpu.memory_space<vmem>>) offsets(%dma_start3A_189 : memref<128xi32, #tpu.memory_space<vmem>>) semaphore(%arg14 : memref<!tpu.dma_semaphore, #tpu.memory_space<semaphore_mem>>)
        } else {
        }
        %jit3A = arith.constant 5 : i32
        %eq3A_118 = arith.constant 0 : i32
        %eq3A_119 = arith.cmpi eq, %jit3A, %eq3A_118 : i32
        %jit3A_120 = arith.constant 1 : i32
        %select_n3A = arith.select %eq3A_119, %jit3A_120, %jit3A : i32
        %rem3A = arith.remsi %add3A_107, %select_n3A : i32
        %ne3A = arith.constant 0 : i32
        %ne3A_121 = arith.cmpi ne, %rem3A, %ne3A : i32
        %lt3A_122 = arith.constant 0 : i32
        %lt3A_123 = arith.cmpi slt, %rem3A, %lt3A_122 : i32
        %lt3A_124 = arith.constant 0 : i32
        %lt3A_125 = arith.cmpi slt, %select_n3A, %lt3A_124 : i32
        %ne3A_126 = arith.xori %lt3A_123, %lt3A_125 : i1
        %and3A = arith.andi %ne3A_126, %ne3A_121 : i1
        %add3A_127 = arith.addi %rem3A, %select_n3A : i32
        %select_n3A_128 = arith.select %and3A, %add3A_127, %rem3A : i32
        %dma_wait3A_129 = arith.constant 0 : i32
        %dma_wait3A_130 = arith.constant 0 : i32
        %dma_wait3A_131 = tpu.memref_slice %arg11[%select_n3A_128, %dma_wait3A_129, %dma_wait3A_130] : memref<5x128x32xf32, #tpu.memory_space<vmem>> -> memref<1x128x32xf32, #tpu.memory_space<vmem>>
        %dma_wait3A_132 = tpu.memref_squeeze %dma_wait3A_131 : memref<1x128x32xf32, #tpu.memory_space<vmem>> -> memref<128x32xf32, #tpu.memory_space<vmem>>
        %dma_wait3A_133 = arith.constant 0 : i32
        %dma_wait3A_134 = tpu.memref_slice %arg9[%add3A_107, %dma_wait3A_133] : memref<157x128xi32, #tpu.memory_space<vmem>> -> memref<1x128xi32, #tpu.memory_space<vmem>>
        %dma_wait3A_135 = tpu.memref_squeeze %dma_wait3A_134 : memref<1x128xi32, #tpu.memory_space<vmem>> -> memref<128xi32, #tpu.memory_space<vmem>>
        %dma_wait3A_136 = arith.constant 0 : i32
        %dma_wait3A_137 = arith.constant 0 : i32
        %dma_wait3A_138 = tpu.memref_slice %arg3[%dma_wait3A_136, %dma_wait3A_137] : memref<10240x32xf32, #tpu.memory_space<hbm>> -> memref<10240x32xf32, #tpu.memory_space<hbm>>
        tpu.wait_indirect_dma semaphore(%arg14 : memref<!tpu.dma_semaphore, #tpu.memory_space<semaphore_mem>>) src(%dma_wait3A_138 : memref<10240x32xf32, #tpu.memory_space<hbm>>) dst(%dma_wait3A_132 : memref<128x32xf32, #tpu.memory_space<vmem>>)
        %jit3A_139 = arith.constant 5 : i32
        %eq3A_140 = arith.constant 0 : i32
        %eq3A_141 = arith.cmpi eq, %jit3A_139, %eq3A_140 : i32
        %jit3A_142 = arith.constant 1 : i32
        %select_n3A_143 = arith.select %eq3A_141, %jit3A_142, %jit3A_139 : i32
        %rem3A_144 = arith.remsi %add3A_107, %select_n3A_143 : i32
        %ne3A_145 = arith.constant 0 : i32
        %ne3A_146 = arith.cmpi ne, %rem3A_144, %ne3A_145 : i32
        %lt3A_147 = arith.constant 0 : i32
        %lt3A_148 = arith.cmpi slt, %rem3A_144, %lt3A_147 : i32
        %lt3A_149 = arith.constant 0 : i32
        %lt3A_150 = arith.cmpi slt, %select_n3A_143, %lt3A_149 : i32
        %ne3A_151 = arith.xori %lt3A_148, %lt3A_150 : i1
        %and3A_152 = arith.andi %ne3A_151, %ne3A_146 : i1
        %add3A_153 = arith.addi %rem3A_144, %select_n3A_143 : i32
        %select_n3A_154 = arith.select %and3A_152, %add3A_153, %rem3A_144 : i32
        %dma_start3A_155 = arith.constant 0 : i32
        %dma_start3A_156 = arith.constant 0 : i32
        %dma_start3A_157 = tpu.memref_slice %arg11[%select_n3A_154, %dma_start3A_155, %dma_start3A_156] : memref<5x128x32xf32, #tpu.memory_space<vmem>> -> memref<1x128x32xf32, #tpu.memory_space<vmem>>
        %dma_start3A_158 = tpu.memref_squeeze %dma_start3A_157 : memref<1x128x32xf32, #tpu.memory_space<vmem>> -> memref<128x32xf32, #tpu.memory_space<vmem>>
        %dma_start3A_159 = arith.constant 0 : i32
        %dma_start3A_160 = tpu.memref_slice %arg10[%add3A_107, %dma_start3A_159] : memref<157x128xi32, #tpu.memory_space<vmem>> -> memref<1x128xi32, #tpu.memory_space<vmem>>
        %dma_start3A_161 = tpu.memref_squeeze %dma_start3A_160 : memref<1x128xi32, #tpu.memory_space<vmem>> -> memref<128xi32, #tpu.memory_space<vmem>>
        %dma_start3A_162 = arith.constant 0 : i32
        %dma_start3A_163 = arith.constant 0 : i32
        %dma_start3A_164 = tpu.memref_slice %arg13[%dma_start3A_162, %dma_start3A_163] : memref<10240x32xf32, #tpu.memory_space<vmem_shared>> -> memref<10240x32xf32, #tpu.memory_space<vmem_shared>>
        tpu.enqueue_indirect_dma source(%dma_start3A_158 : memref<128x32xf32, #tpu.memory_space<vmem>>) target(%dma_start3A_164 : memref<10240x32xf32, #tpu.memory_space<vmem_shared>>) offsets(%dma_start3A_161 : memref<128xi32, #tpu.memory_space<vmem>>) semaphore(%arg15 : memref<!tpu.dma_semaphore, #tpu.memory_space<semaphore_mem>>) {add = true}
      }
      %scan3A_98 = arith.constant 157 : i32
      %scan3A_99 = arith.constant 0 : i32
      %scan3A_100 = arith.constant 2 : i32
      %scan3A_101 = arith.addi %scan3A_99, %scan3A_100 : i32
      %scan3A_102 = arith.constant 1 : i32
      scf.for %scan3A_104 = %scan3A_99 to %scan3A_101 step %scan3A_102  : i32 {
        %mul3A_105 = arith.constant 1 : i32
        %mul3A_106 = arith.muli %scan3A_104, %mul3A_105 : i32
        %add3A = arith.constant 155 : i32
        %add3A_107 = arith.addi %add3A, %mul3A_106 : i32
        %jit3A = arith.constant 5 : i32
        %eq3A_108 = arith.constant 0 : i32
        %eq3A_109 = arith.cmpi eq, %jit3A, %eq3A_108 : i32
        %jit3A_110 = arith.constant 1 : i32
        %select_n3A = arith.select %eq3A_109, %jit3A_110, %jit3A : i32
        %rem3A = arith.remsi %add3A_107, %select_n3A : i32
        %ne3A = arith.constant 0 : i32
        %ne3A_111 = arith.cmpi ne, %rem3A, %ne3A : i32
        %lt3A = arith.constant 0 : i32
        %lt3A_112 = arith.cmpi slt, %rem3A, %lt3A : i32
        %lt3A_113 = arith.constant 0 : i32
        %lt3A_114 = arith.cmpi slt, %select_n3A, %lt3A_113 : i32
        %ne3A_115 = arith.xori %lt3A_112, %lt3A_114 : i1
        %and3A = arith.andi %ne3A_115, %ne3A_111 : i1
        %add3A_116 = arith.addi %rem3A, %select_n3A : i32
        %select_n3A_117 = arith.select %and3A, %add3A_116, %rem3A : i32
        %dma_wait3A_118 = arith.constant 0 : i32
        %dma_wait3A_119 = arith.constant 0 : i32
        %dma_wait3A_120 = tpu.memref_slice %arg11[%select_n3A_117, %dma_wait3A_118, %dma_wait3A_119] : memref<5x128x32xf32, #tpu.memory_space<vmem>> -> memref<1x128x32xf32, #tpu.memory_space<vmem>>
        %dma_wait3A_121 = tpu.memref_squeeze %dma_wait3A_120 : memref<1x128x32xf32, #tpu.memory_space<vmem>> -> memref<128x32xf32, #tpu.memory_space<vmem>>
        %dma_wait3A_122 = arith.constant 0 : i32
        %dma_wait3A_123 = tpu.memref_slice %arg10[%add3A_107, %dma_wait3A_122] : memref<157x128xi32, #tpu.memory_space<vmem>> -> memref<1x128xi32, #tpu.memory_space<vmem>>
        %dma_wait3A_124 = tpu.memref_squeeze %dma_wait3A_123 : memref<1x128xi32, #tpu.memory_space<vmem>> -> memref<128xi32, #tpu.memory_space<vmem>>
        %dma_wait3A_125 = arith.constant 0 : i32
        %dma_wait3A_126 = arith.constant 0 : i32
        %dma_wait3A_127 = tpu.memref_slice %arg13[%dma_wait3A_125, %dma_wait3A_126] : memref<10240x32xf32, #tpu.memory_space<vmem_shared>> -> memref<10240x32xf32, #tpu.memory_space<vmem_shared>>
        tpu.wait_indirect_dma semaphore(%arg15 : memref<!tpu.dma_semaphore, #tpu.memory_space<semaphore_mem>>) src(%dma_wait3A_121 : memref<128x32xf32, #tpu.memory_space<vmem>>) dst(%dma_wait3A_127 : memref<10240x32xf32, #tpu.memory_space<vmem_shared>>)
      }
      %scan3A_103 = arith.constant 2 : i32
    } else {
    }
    %barrier3A_47 = arith.constant 0 : index
    tpu.barrier barrier_id(%barrier3A_47)
    %eq3A_48 = arith.constant 0 : i32
    %eq3A_49 = arith.cmpi eq, %arg0, %eq3A_48 : i32
    %convert_element_type3A_50 = arith.extui %eq3A_49 : i1 to i32
    %cond3A_51 = arith.constant 0 : i32
    %cond3A_52 = arith.cmpi ne, %convert_element_type3A_50, %cond3A_51 : i32
    scf.if %cond3A_52 {
      "tpu.region"() ({
        %run_scoped3A = tpu.sem_alloc : memref<!tpu.dma_semaphore, #tpu.memory_space<semaphore_mem>>
        %dma_start3A_58 = arith.constant 0 : i32
        %dma_start3A_59 = tpu.memref_slice %arg7[%mul3A_0, %dma_start3A_58] : memref<10240x32xf32, #tpu.memory_space<hbm>> -> memref<640x32xf32, #tpu.memory_space<hbm>>
        %dma_start3A_60 = arith.constant 0 : i32
        %dma_start3A_61 = tpu.memref_slice %arg13[%mul3A_0, %dma_start3A_60] : memref<10240x32xf32, #tpu.memory_space<vmem_shared>> -> memref<640x32xf32, #tpu.memory_space<vmem_shared>>
        tpu.enqueue_dma source(%dma_start3A_61 : memref<640x32xf32, #tpu.memory_space<vmem_shared>>) target(%dma_start3A_59 : memref<640x32xf32, #tpu.memory_space<hbm>>) target_semaphore(%run_scoped3A : memref<!tpu.dma_semaphore, #tpu.memory_space<semaphore_mem>>)
        %dma_wait3A_62 = arith.constant 0 : i32
        %dma_wait3A_63 = tpu.memref_slice %arg7[%mul3A_0, %dma_wait3A_62] : memref<10240x32xf32, #tpu.memory_space<hbm>> -> memref<640x32xf32, #tpu.memory_space<hbm>>
        %dma_wait3A_64 = arith.constant 0 : i32
        %dma_wait3A_65 = tpu.memref_slice %arg13[%mul3A_0, %dma_wait3A_64] : memref<10240x32xf32, #tpu.memory_space<vmem_shared>> -> memref<640x32xf32, #tpu.memory_space<vmem_shared>>
        tpu.wait_dma2 semaphore(%run_scoped3A : memref<!tpu.dma_semaphore, #tpu.memory_space<semaphore_mem>>) src(%dma_wait3A_65 : memref<640x32xf32, #tpu.memory_space<vmem_shared>>) dst(%dma_wait3A_63 : memref<640x32xf32, #tpu.memory_space<hbm>>)
        tpu.yield
      }) : () -> ()
    } else {
    }
    %eq3A_53 = arith.constant 1 : i32
    %eq3A_54 = arith.cmpi eq, %arg0, %eq3A_53 : i32
    %convert_element_type3A_55 = arith.extui %eq3A_54 : i1 to i32
    %cond3A_56 = arith.constant 0 : i32
    %cond3A_57 = arith.cmpi ne, %convert_element_type3A_55, %cond3A_56 : i32
    scf.if %cond3A_57 {
      "tpu.region"() ({
        %run_scoped3A = tpu.sem_alloc : memref<!tpu.dma_semaphore, #tpu.memory_space<semaphore_mem>>
        %dma_start3A_58 = arith.constant 0 : i32
        %dma_start3A_59 = tpu.memref_slice %arg8[%mul3A_0, %dma_start3A_58] : memref<10240x32xf32, #tpu.memory_space<hbm>> -> memref<640x32xf32, #tpu.memory_space<hbm>>
        %dma_start3A_60 = arith.constant 0 : i32
        %dma_start3A_61 = tpu.memref_slice %arg13[%mul3A_0, %dma_start3A_60] : memref<10240x32xf32, #tpu.memory_space<vmem_shared>> -> memref<640x32xf32, #tpu.memory_space<vmem_shared>>
        tpu.enqueue_dma source(%dma_start3A_61 : memref<640x32xf32, #tpu.memory_space<vmem_shared>>) target(%dma_start3A_59 : memref<640x32xf32, #tpu.memory_space<hbm>>) target_semaphore(%run_scoped3A : memref<!tpu.dma_semaphore, #tpu.memory_space<semaphore_mem>>)
        %dma_wait3A_62 = arith.constant 0 : i32
        %dma_wait3A_63 = tpu.memref_slice %arg8[%mul3A_0, %dma_wait3A_62] : memref<10240x32xf32, #tpu.memory_space<hbm>> -> memref<640x32xf32, #tpu.memory_space<hbm>>
        %dma_wait3A_64 = arith.constant 0 : i32
        %dma_wait3A_65 = tpu.memref_slice %arg13[%mul3A_0, %dma_wait3A_64] : memref<10240x32xf32, #tpu.memory_space<vmem_shared>> -> memref<640x32xf32, #tpu.memory_space<vmem_shared>>
        tpu.wait_dma2 semaphore(%run_scoped3A : memref<!tpu.dma_semaphore, #tpu.memory_space<semaphore_mem>>) src(%dma_wait3A_65 : memref<640x32xf32, #tpu.memory_space<vmem_shared>>) dst(%dma_wait3A_63 : memref<640x32xf32, #tpu.memory_space<hbm>>)
        tpu.yield
      }) : () -> ()
    } else {
    }
    return
  }
}

module attributes {stable_mosaic.version = 14 : i64} {
  func.func @body(%arg0: i32, %arg1: memref<512x128xf32, #tpu.memory_space<vmem>>, %arg2: memref<512x16xf32, #tpu.memory_space<vmem>>, %arg3: memref<512x16xf32, #tpu.memory_space<vmem>>, %arg4: memref<512x128xf32, #tpu.memory_space<vmem>>, %arg5: memref<512x64xf32, #tpu.memory_space<vmem>>, %arg6: memref<512x64xf32, #tpu.memory_space<vmem>>) attributes {dimension_semantics = [#tpu.dimension_semantics<arbitrary>], iteration_bounds = array<i64: 20>, scalar_prefetch = 0 : i64, scratch_operands = 0 : i64, tpu.core_type = #tpu.core_type<tc>, window_params = [{transform_indices = @transform_0, window_bounds = array<i64: 512, 128>}, {transform_indices = @transform_1, window_bounds = array<i64: 512, 16>}, {transform_indices = @transform_2, window_bounds = array<i64: 512, 16>}, {transform_indices = @transform_3, window_bounds = array<i64: 512, 128>}, {transform_indices = @transform_4, window_bounds = array<i64: 512, 64>}, {transform_indices = @transform_5, window_bounds = array<i64: 512, 64>}]} {
    %get3A = arith.constant 0 : index
    %get3A_0 = arith.constant 0 : index
    %get3A_1 = vector.load %arg2[%get3A, %get3A_0] : memref<512x16xf32, #tpu.memory_space<vmem>>, vector<512x1xf32>
    %get3A_2 = arith.constant 0 : index
    %get3A_3 = arith.constant 0 : index
    %get3A_4 = vector.load %arg3[%get3A_2, %get3A_3] : memref<512x16xf32, #tpu.memory_space<vmem>>, vector<512x1xf32>
    %add3A = arith.addf %get3A_1, %get3A_4 : vector<512x1xf32>
    %add3A_5 = arith.constant 1.000000e+00 : f32
    %add3A_6 = vector.broadcast %add3A_5 : f32 to vector<512x1xf32>
    %add3A_7 = arith.addf %add3A, %add3A_6 : vector<512x1xf32>
    %rsqrt3A = math.rsqrt %add3A_7 : vector<512x1xf32>
    %broadcast_in_dim3A = vector.shape_cast %rsqrt3A : vector<512x1xf32> to vector<512x1xf32>
    %broadcast_in_dim3A_8 = vector.broadcast %broadcast_in_dim3A : vector<512x1xf32> to vector<512x128xf32>
    %swap3A = arith.constant 0 : index
    %swap3A_9 = arith.constant 0 : index
    %swap3A_10 = vector.load %arg4[%swap3A, %swap3A_9] : memref<512x128xf32, #tpu.memory_space<vmem>>, vector<512x128xf32>
    tpu.vector_store %arg4[%swap3A, %swap3A_9], %broadcast_in_dim3A_8 {strides = array<i32>} : memref<512x128xf32, #tpu.memory_space<vmem>>, vector<512x128xf32>,
    %get3A_11 = arith.constant 0 : index
    %get3A_12 = arith.constant 0 : index
    %get3A_13 = vector.load %arg1[%get3A_11, %get3A_12] : memref<512x128xf32, #tpu.memory_space<vmem>>, vector<512x128xf32>
    %mul3A = vector.broadcast %rsqrt3A : vector<512x1xf32> to vector<512x128xf32>
    %mul3A_14 = arith.mulf %get3A_13, %mul3A : vector<512x128xf32>
    %slice3A = vector.extract_strided_slice %mul3A_14 {offsets = [0, 0], sizes = [512, 64], strides = [1, 1]} : vector<512x128xf32> to vector<512x64xf32>
    %slice3A_15 = vector.extract_strided_slice %mul3A_14 {offsets = [0, 64], sizes = [512, 64], strides = [1, 1]} : vector<512x128xf32> to vector<512x64xf32>
    %swap3A_16 = arith.constant 0 : index
    %swap3A_17 = arith.constant 0 : index
    %swap3A_18 = vector.load %arg5[%swap3A_16, %swap3A_17] : memref<512x64xf32, #tpu.memory_space<vmem>>, vector<512x64xf32>
    tpu.vector_store %arg5[%swap3A_16, %swap3A_17], %slice3A {strides = array<i32>} : memref<512x64xf32, #tpu.memory_space<vmem>>, vector<512x64xf32>,
    %swap3A_19 = arith.constant 0 : index
    %swap3A_20 = arith.constant 0 : index
    %swap3A_21 = vector.load %arg6[%swap3A_19, %swap3A_20] : memref<512x64xf32, #tpu.memory_space<vmem>>, vector<512x64xf32>
    tpu.vector_store %arg6[%swap3A_19, %swap3A_20], %slice3A_15 {strides = array<i32>} : memref<512x64xf32, #tpu.memory_space<vmem>>, vector<512x64xf32>,
    return
  }
  func.func @transform_0(%arg0: i32) -> (i32, i32) {
    %c0_i32 = arith.constant 0 : i32
    %c0_i32_0 = arith.constant 0 : i32
    return %arg0, %c0_i32 : i32, i32
  }
  func.func @transform_1(%arg0: i32) -> (i32, i32) {
    %c0_i32 = arith.constant 0 : i32
    %c0_i32_0 = arith.constant 0 : i32
    return %arg0, %c0_i32 : i32, i32
  }
  func.func @transform_2(%arg0: i32) -> (i32, i32) {
    %c0_i32 = arith.constant 0 : i32
    %c0_i32_0 = arith.constant 0 : i32
    return %arg0, %c0_i32 : i32, i32
  }
  func.func @transform_3(%arg0: i32) -> (i32, i32) {
    %c0_i32 = arith.constant 0 : i32
    %c0_i32_0 = arith.constant 0 : i32
    return %arg0, %c0_i32 : i32, i32
  }
  func.func @transform_4(%arg0: i32) -> (i32, i32) {
    %c0_i32 = arith.constant 0 : i32
    %c0_i32_0 = arith.constant 0 : i32
    return %arg0, %c0_i32 : i32, i32
  }
  func.func @transform_5(%arg0: i32) -> (i32, i32) {
    %c0_i32 = arith.constant 0 : i32
    %c0_i32_0 = arith.constant 0 : i32
    return %arg0, %c0_i32 : i32, i32
  }
}

module attributes {stable_mosaic.version = 14 : i64} {
  func.func @body(%arg0: i32, %arg1: memref<512x64xf32, #tpu.memory_space<vmem>>, %arg2: memref<512x64xf32, #tpu.memory_space<vmem>>, %arg3: memref<512x64xf32, #tpu.memory_space<vmem>>, %arg4: memref<512x64xf32, #tpu.memory_space<vmem>>, %arg5: memref<512x128xf32, #tpu.memory_space<vmem>>, %arg6: memref<1x256xf32, #tpu.memory_space<vmem>>, %arg7: memref<128x256xf32, #tpu.memory_space<vmem>>, %arg8: memref<256x256xf32, #tpu.memory_space<vmem>>, %arg9: memref<512x64xf32, #tpu.memory_space<vmem>>, %arg10: memref<512x64xf32, #tpu.memory_space<vmem>>, %arg11: memref<512x64xf32, #tpu.memory_space<vmem>>, %arg12: memref<512x64xf32, #tpu.memory_space<vmem>>, %arg13: memref<512x64xf32, #tpu.memory_space<vmem>>, %arg14: memref<512x64xf32, #tpu.memory_space<vmem>>, %arg15: memref<512x64xf32, #tpu.memory_space<vmem>>, %arg16: memref<512x64xf32, #tpu.memory_space<vmem>>) attributes {dimension_semantics = [#tpu.dimension_semantics<arbitrary>], iteration_bounds = array<i64: 20>, scalar_prefetch = 0 : i64, scratch_operands = 0 : i64, tpu.core_type = #tpu.core_type<tc>, window_params = [{transform_indices = @transform_0, window_bounds = array<i64: 512, 64>}, {transform_indices = @transform_1, window_bounds = array<i64: 512, 64>}, {transform_indices = @transform_2, window_bounds = array<i64: 512, 64>}, {transform_indices = @transform_3, window_bounds = array<i64: 512, 64>}, {transform_indices = @transform_4, window_bounds = array<i64: 512, 128>}, {pipeline_mode = #tpu.pipeline_mode<synchronous>, transform_indices = @transform_5, window_bounds = array<i64: 1, 256>}, {pipeline_mode = #tpu.pipeline_mode<synchronous>, transform_indices = @transform_6, window_bounds = array<i64: 128, 256>}, {pipeline_mode = #tpu.pipeline_mode<synchronous>, transform_indices = @transform_7, window_bounds = array<i64: 256, 256>}, {transform_indices = @transform_8, window_bounds = array<i64: 512, 64>}, {transform_indices = @transform_9, window_bounds = array<i64: 512, 64>}, {transform_indices = @transform_10, window_bounds = array<i64: 512, 64>}, {transform_indices = @transform_11, window_bounds = array<i64: 512, 64>}, {transform_indices = @transform_12, window_bounds = array<i64: 512, 64>}, {transform_indices = @transform_13, window_bounds = array<i64: 512, 64>}, {transform_indices = @transform_14, window_bounds = array<i64: 512, 64>}, {transform_indices = @transform_15, window_bounds = array<i64: 512, 64>}]} {
    %get3A = arith.constant 0 : index
    %get3A_0 = arith.constant 0 : index
    %get3A_1 = vector.load %arg5[%get3A, %get3A_0] : memref<512x128xf32, #tpu.memory_space<vmem>>, vector<512x1xf32>
    %get3A_2 = arith.constant 0 : index
    %get3A_3 = arith.constant 0 : index
    %get3A_4 = vector.load %arg1[%get3A_2, %get3A_3] : memref<512x64xf32, #tpu.memory_space<vmem>>, vector<512x64xf32>
    %get3A_5 = arith.constant 0 : index
    %get3A_6 = arith.constant 0 : index
    %get3A_7 = vector.load %arg3[%get3A_5, %get3A_6] : memref<512x64xf32, #tpu.memory_space<vmem>>, vector<512x64xf32>
    %add3A = arith.addf %get3A_4, %get3A_7 : vector<512x64xf32>
    %mul3A = vector.broadcast %get3A_1 : vector<512x1xf32> to vector<512x64xf32>
    %mul3A_8 = arith.mulf %mul3A, %add3A : vector<512x64xf32>
    %get3A_9 = arith.constant 0 : index
    %get3A_10 = arith.constant 0 : index
    %get3A_11 = vector.load %arg2[%get3A_9, %get3A_10] : memref<512x64xf32, #tpu.memory_space<vmem>>, vector<512x64xf32>
    %get3A_12 = arith.constant 0 : index
    %get3A_13 = arith.constant 0 : index
    %get3A_14 = vector.load %arg4[%get3A_12, %get3A_13] : memref<512x64xf32, #tpu.memory_space<vmem>>, vector<512x64xf32>
    %add3A_15 = arith.addf %get3A_11, %get3A_14 : vector<512x64xf32>
    %mul3A_16 = vector.broadcast %get3A_1 : vector<512x1xf32> to vector<512x64xf32>
    %mul3A_17 = arith.mulf %mul3A_16, %add3A_15 : vector<512x64xf32>
    %concatenate3A = tpu.concatenate %mul3A_8, %mul3A_17 in 1 : vector<512x64xf32>, vector<512x64xf32> -> vector<512x128xf32>
    %get3A_18 = arith.constant 0 : index
    %get3A_19 = arith.constant 0 : index
    %get3A_20 = vector.load %arg7[%get3A_18, %get3A_19] : memref<128x256xf32, #tpu.memory_space<vmem>>, vector<128x256xf32>
    %dot_general3A = arith.constant dense<0.000000e+00> : vector<512x256xf32>
    %dot_general3A_21 = tpu.matmul %concatenate3A, %get3A_20, %dot_general3A {dimension_numbers = #tpu.dot_dimension_numbers<[1], [0], [0], [1], [0, 0, 1, 1], [], []>, transpose_lhs_hint = false} : vector<512x128xf32>, vector<128x256xf32>, vector<512x256xf32> -> vector<512x256xf32>
    %get3A_22 = arith.constant 0 : index
    %get3A_23 = arith.constant 0 : index
    %get3A_24 = vector.load %arg6[%get3A_22, %get3A_23] : memref<1x256xf32, #tpu.memory_space<vmem>>, vector<1x256xf32>
    %add3A_25 = vector.broadcast %get3A_24 : vector<1x256xf32> to vector<512x256xf32>
    %add3A_26 = arith.addf %dot_general3A_21, %add3A_25 : vector<512x256xf32>
    %max3A = arith.constant 0.000000e+00 : f32
    %max3A_27 = vector.broadcast %max3A : f32 to vector<512x256xf32>
    %max3A_28 = arith.maximumf %add3A_26, %max3A_27 : vector<512x256xf32>
    %slice3A = vector.extract_strided_slice %max3A_28 {offsets = [0, 0], sizes = [512, 64], strides = [1, 1]} : vector<512x256xf32> to vector<512x64xf32>
    %slice3A_29 = vector.extract_strided_slice %max3A_28 {offsets = [0, 64], sizes = [512, 64], strides = [1, 1]} : vector<512x256xf32> to vector<512x64xf32>
    %slice3A_30 = vector.extract_strided_slice %max3A_28 {offsets = [0, 128], sizes = [512, 64], strides = [1, 1]} : vector<512x256xf32> to vector<512x64xf32>
    %slice3A_31 = vector.extract_strided_slice %max3A_28 {offsets = [0, 192], sizes = [512, 64], strides = [1, 1]} : vector<512x256xf32> to vector<512x64xf32>
    %swap3A = arith.constant 0 : index
    %swap3A_32 = arith.constant 0 : index
    %swap3A_33 = vector.load %arg9[%swap3A, %swap3A_32] : memref<512x64xf32, #tpu.memory_space<vmem>>, vector<512x64xf32>
    tpu.vector_store %arg9[%swap3A, %swap3A_32], %slice3A {strides = array<i32>} : memref<512x64xf32, #tpu.memory_space<vmem>>, vector<512x64xf32>,
    %swap3A_34 = arith.constant 0 : index
    %swap3A_35 = arith.constant 0 : index
    %swap3A_36 = vector.load %arg10[%swap3A_34, %swap3A_35] : memref<512x64xf32, #tpu.memory_space<vmem>>, vector<512x64xf32>
    tpu.vector_store %arg10[%swap3A_34, %swap3A_35], %slice3A_29 {strides = array<i32>} : memref<512x64xf32, #tpu.memory_space<vmem>>, vector<512x64xf32>,
    %swap3A_37 = arith.constant 0 : index
    %swap3A_38 = arith.constant 0 : index
    %swap3A_39 = vector.load %arg11[%swap3A_37, %swap3A_38] : memref<512x64xf32, #tpu.memory_space<vmem>>, vector<512x64xf32>
    tpu.vector_store %arg11[%swap3A_37, %swap3A_38], %slice3A_30 {strides = array<i32>} : memref<512x64xf32, #tpu.memory_space<vmem>>, vector<512x64xf32>,
    %swap3A_40 = arith.constant 0 : index
    %swap3A_41 = arith.constant 0 : index
    %swap3A_42 = vector.load %arg12[%swap3A_40, %swap3A_41] : memref<512x64xf32, #tpu.memory_space<vmem>>, vector<512x64xf32>
    tpu.vector_store %arg12[%swap3A_40, %swap3A_41], %slice3A_31 {strides = array<i32>} : memref<512x64xf32, #tpu.memory_space<vmem>>, vector<512x64xf32>,
    %get3A_43 = arith.constant 0 : index
    %get3A_44 = arith.constant 0 : index
    %get3A_45 = vector.load %arg8[%get3A_43, %get3A_44] : memref<256x256xf32, #tpu.memory_space<vmem>>, vector<256x256xf32>
    %dot_general3A_46 = arith.constant dense<0.000000e+00> : vector<512x256xf32>
    %dot_general3A_47 = tpu.matmul %max3A_28, %get3A_45, %dot_general3A_46 {dimension_numbers = #tpu.dot_dimension_numbers<[1], [0], [0], [1], [0, 0, 1, 1], [], []>, transpose_lhs_hint = false} : vector<512x256xf32>, vector<256x256xf32>, vector<512x256xf32> -> vector<512x256xf32>
    %mul3A_48 = vector.broadcast %get3A_1 : vector<512x1xf32> to vector<512x256xf32>
    %mul3A_49 = arith.mulf %dot_general3A_47, %mul3A_48 : vector<512x256xf32>
    %slice3A_50 = vector.extract_strided_slice %mul3A_49 {offsets = [0, 0], sizes = [512, 64], strides = [1, 1]} : vector<512x256xf32> to vector<512x64xf32>
    %slice3A_51 = vector.extract_strided_slice %mul3A_49 {offsets = [0, 64], sizes = [512, 64], strides = [1, 1]} : vector<512x256xf32> to vector<512x64xf32>
    %slice3A_52 = vector.extract_strided_slice %mul3A_49 {offsets = [0, 128], sizes = [512, 64], strides = [1, 1]} : vector<512x256xf32> to vector<512x64xf32>
    %slice3A_53 = vector.extract_strided_slice %mul3A_49 {offsets = [0, 192], sizes = [512, 64], strides = [1, 1]} : vector<512x256xf32> to vector<512x64xf32>
    %swap3A_54 = arith.constant 0 : index
    %swap3A_55 = arith.constant 0 : index
    %swap3A_56 = vector.load %arg13[%swap3A_54, %swap3A_55] : memref<512x64xf32, #tpu.memory_space<vmem>>, vector<512x64xf32>
    tpu.vector_store %arg13[%swap3A_54, %swap3A_55], %slice3A_50 {strides = array<i32>} : memref<512x64xf32, #tpu.memory_space<vmem>>, vector<512x64xf32>,
    %swap3A_57 = arith.constant 0 : index
    %swap3A_58 = arith.constant 0 : index
    %swap3A_59 = vector.load %arg14[%swap3A_57, %swap3A_58] : memref<512x64xf32, #tpu.memory_space<vmem>>, vector<512x64xf32>
    tpu.vector_store %arg14[%swap3A_57, %swap3A_58], %slice3A_51 {strides = array<i32>} : memref<512x64xf32, #tpu.memory_space<vmem>>, vector<512x64xf32>,
    %swap3A_60 = arith.constant 0 : index
    %swap3A_61 = arith.constant 0 : index
    %swap3A_62 = vector.load %arg15[%swap3A_60, %swap3A_61] : memref<512x64xf32, #tpu.memory_space<vmem>>, vector<512x64xf32>
    tpu.vector_store %arg15[%swap3A_60, %swap3A_61], %slice3A_52 {strides = array<i32>} : memref<512x64xf32, #tpu.memory_space<vmem>>, vector<512x64xf32>,
    %swap3A_63 = arith.constant 0 : index
    %swap3A_64 = arith.constant 0 : index
    %swap3A_65 = vector.load %arg16[%swap3A_63, %swap3A_64] : memref<512x64xf32, #tpu.memory_space<vmem>>, vector<512x64xf32>
    tpu.vector_store %arg16[%swap3A_63, %swap3A_64], %slice3A_53 {strides = array<i32>} : memref<512x64xf32, #tpu.memory_space<vmem>>, vector<512x64xf32>,
    return
  }
  func.func @transform_0(%arg0: i32) -> (i32, i32) {
    %c0_i32 = arith.constant 0 : i32
    %c0_i32_0 = arith.constant 0 : i32
    return %arg0, %c0_i32 : i32, i32
  }
  func.func @transform_1(%arg0: i32) -> (i32, i32) {
    %c0_i32 = arith.constant 0 : i32
    %c0_i32_0 = arith.constant 0 : i32
    return %arg0, %c0_i32 : i32, i32
  }
  func.func @transform_2(%arg0: i32) -> (i32, i32) {
    %c0_i32 = arith.constant 0 : i32
    %c0_i32_0 = arith.constant 0 : i32
    return %arg0, %c0_i32 : i32, i32
  }
  func.func @transform_3(%arg0: i32) -> (i32, i32) {
    %c0_i32 = arith.constant 0 : i32
    %c0_i32_0 = arith.constant 0 : i32
    return %arg0, %c0_i32 : i32, i32
  }
  func.func @transform_4(%arg0: i32) -> (i32, i32) {
    %c0_i32 = arith.constant 0 : i32
    %c0_i32_0 = arith.constant 0 : i32
    return %arg0, %c0_i32 : i32, i32
  }
  func.func @transform_5(%arg0: i32) -> (i32, i32) {
    %c0_i32 = arith.constant 0 : i32
    %c0_i32_0 = arith.constant 0 : i32
    %c0_i32_1 = arith.constant 0 : i32
    return %c0_i32, %c0_i32_0 : i32, i32
  }
  func.func @transform_6(%arg0: i32) -> (i32, i32) {
    %c0_i32 = arith.constant 0 : i32
    %c0_i32_0 = arith.constant 0 : i32
    %c0_i32_1 = arith.constant 0 : i32
    return %c0_i32, %c0_i32_0 : i32, i32
  }
  func.func @transform_7(%arg0: i32) -> (i32, i32) {
    %c0_i32 = arith.constant 0 : i32
    %c0_i32_0 = arith.constant 0 : i32
    %c0_i32_1 = arith.constant 0 : i32
    return %c0_i32, %c0_i32_0 : i32, i32
  }
  func.func @transform_8(%arg0: i32) -> (i32, i32) {
    %c0_i32 = arith.constant 0 : i32
    %c0_i32_0 = arith.constant 0 : i32
    return %arg0, %c0_i32 : i32, i32
  }
  func.func @transform_9(%arg0: i32) -> (i32, i32) {
    %c0_i32 = arith.constant 0 : i32
    %c0_i32_0 = arith.constant 0 : i32
    return %arg0, %c0_i32 : i32, i32
  }
  func.func @transform_10(%arg0: i32) -> (i32, i32) {
    %c0_i32 = arith.constant 0 : i32
    %c0_i32_0 = arith.constant 0 : i32
    return %arg0, %c0_i32 : i32, i32
  }
  func.func @transform_11(%arg0: i32) -> (i32, i32) {
    %c0_i32 = arith.constant 0 : i32
    %c0_i32_0 = arith.constant 0 : i32
    return %arg0, %c0_i32 : i32, i32
  }
  func.func @transform_12(%arg0: i32) -> (i32, i32) {
    %c0_i32 = arith.constant 0 : i32
    %c0_i32_0 = arith.constant 0 : i32
    return %arg0, %c0_i32 : i32, i32
  }
  func.func @transform_13(%arg0: i32) -> (i32, i32) {
    %c0_i32 = arith.constant 0 : i32
    %c0_i32_0 = arith.constant 0 : i32
    return %arg0, %c0_i32 : i32, i32
  }
  func.func @transform_14(%arg0: i32) -> (i32, i32) {
    %c0_i32 = arith.constant 0 : i32
    %c0_i32_0 = arith.constant 0 : i32
    return %arg0, %c0_i32 : i32, i32
  }
  func.func @transform_15(%arg0: i32) -> (i32, i32) {
    %c0_i32 = arith.constant 0 : i32
    %c0_i32_0 = arith.constant 0 : i32
    return %arg0, %c0_i32 : i32, i32
  }
}

module attributes {stable_mosaic.version = 14 : i64} {
  func.func @body(%arg0: i32, %arg1: memref<512x64xf32, #tpu.memory_space<vmem>>, %arg2: memref<512x64xf32, #tpu.memory_space<vmem>>, %arg3: memref<512x64xf32, #tpu.memory_space<vmem>>, %arg4: memref<512x64xf32, #tpu.memory_space<vmem>>, %arg5: memref<512x64xf32, #tpu.memory_space<vmem>>, %arg6: memref<512x64xf32, #tpu.memory_space<vmem>>, %arg7: memref<512x64xf32, #tpu.memory_space<vmem>>, %arg8: memref<512x64xf32, #tpu.memory_space<vmem>>, %arg9: memref<512x64xf32, #tpu.memory_space<vmem>>, %arg10: memref<512x64xf32, #tpu.memory_space<vmem>>, %arg11: memref<512x64xf32, #tpu.memory_space<vmem>>, %arg12: memref<512x64xf32, #tpu.memory_space<vmem>>, %arg13: memref<512x128xf32, #tpu.memory_space<vmem>>, %arg14: memref<1x256xf32, #tpu.memory_space<vmem>>, %arg15: memref<256x256xf32, #tpu.memory_space<vmem>>, %arg16: memref<512x64xf32, #tpu.memory_space<vmem>>, %arg17: memref<512x64xf32, #tpu.memory_space<vmem>>, %arg18: memref<512x64xf32, #tpu.memory_space<vmem>>, %arg19: memref<512x64xf32, #tpu.memory_space<vmem>>) attributes {dimension_semantics = [#tpu.dimension_semantics<arbitrary>], iteration_bounds = array<i64: 20>, scalar_prefetch = 0 : i64, scratch_operands = 0 : i64, tpu.core_type = #tpu.core_type<tc>, window_params = [{transform_indices = @transform_0, window_bounds = array<i64: 512, 64>}, {transform_indices = @transform_1, window_bounds = array<i64: 512, 64>}, {transform_indices = @transform_2, window_bounds = array<i64: 512, 64>}, {transform_indices = @transform_3, window_bounds = array<i64: 512, 64>}, {transform_indices = @transform_4, window_bounds = array<i64: 512, 64>}, {transform_indices = @transform_5, window_bounds = array<i64: 512, 64>}, {transform_indices = @transform_6, window_bounds = array<i64: 512, 64>}, {transform_indices = @transform_7, window_bounds = array<i64: 512, 64>}, {transform_indices = @transform_8, window_bounds = array<i64: 512, 64>}, {transform_indices = @transform_9, window_bounds = array<i64: 512, 64>}, {transform_indices = @transform_10, window_bounds = array<i64: 512, 64>}, {transform_indices = @transform_11, window_bounds = array<i64: 512, 64>}, {transform_indices = @transform_12, window_bounds = array<i64: 512, 128>}, {pipeline_mode = #tpu.pipeline_mode<synchronous>, transform_indices = @transform_13, window_bounds = array<i64: 1, 256>}, {pipeline_mode = #tpu.pipeline_mode<synchronous>, transform_indices = @transform_14, window_bounds = array<i64: 256, 256>}, {transform_indices = @transform_15, window_bounds = array<i64: 512, 64>}, {transform_indices = @transform_16, window_bounds = array<i64: 512, 64>}, {transform_indices = @transform_17, window_bounds = array<i64: 512, 64>}, {transform_indices = @transform_18, window_bounds = array<i64: 512, 64>}]} {
    %get3A = arith.constant 0 : index
    %get3A_0 = arith.constant 0 : index
    %get3A_1 = vector.load %arg13[%get3A, %get3A_0] : memref<512x128xf32, #tpu.memory_space<vmem>>, vector<512x1xf32>
    %get3A_2 = arith.constant 0 : index
    %get3A_3 = arith.constant 0 : index
    %get3A_4 = vector.load %arg14[%get3A_2, %get3A_3] : memref<1x256xf32, #tpu.memory_space<vmem>>, vector<1x256xf32>
    %get3A_5 = arith.constant 0 : index
    %get3A_6 = arith.constant 0 : index
    %get3A_7 = vector.load %arg1[%get3A_5, %get3A_6] : memref<512x64xf32, #tpu.memory_space<vmem>>, vector<512x64xf32>
    %get3A_8 = arith.constant 0 : index
    %get3A_9 = arith.constant 0 : index
    %get3A_10 = vector.load %arg5[%get3A_8, %get3A_9] : memref<512x64xf32, #tpu.memory_space<vmem>>, vector<512x64xf32>
    %add3A = arith.addf %get3A_7, %get3A_10 : vector<512x64xf32>
    %mul3A = vector.broadcast %get3A_1 : vector<512x1xf32> to vector<512x64xf32>
    %mul3A_11 = arith.mulf %mul3A, %add3A : vector<512x64xf32>
    %slice3A = vector.extract_strided_slice %get3A_4 {offsets = [0, 0], sizes = [1, 64], strides = [1, 1]} : vector<1x256xf32> to vector<1x64xf32>
    %add3A_12 = vector.broadcast %slice3A : vector<1x64xf32> to vector<512x64xf32>
    %add3A_13 = arith.addf %mul3A_11, %add3A_12 : vector<512x64xf32>
    %max3A = arith.constant 0.000000e+00 : f32
    %max3A_14 = vector.broadcast %max3A : f32 to vector<512x64xf32>
    %max3A_15 = arith.maximumf %add3A_13, %max3A_14 : vector<512x64xf32>
    %get3A_16 = arith.constant 0 : index
    %get3A_17 = arith.constant 0 : index
    %get3A_18 = vector.load %arg9[%get3A_16, %get3A_17] : memref<512x64xf32, #tpu.memory_space<vmem>>, vector<512x64xf32>
    %add3A_19 = arith.addf %max3A_15, %get3A_18 : vector<512x64xf32>
    %get3A_20 = arith.constant 0 : index
    %get3A_21 = arith.constant 0 : index
    %get3A_22 = vector.load %arg2[%get3A_20, %get3A_21] : memref<512x64xf32, #tpu.memory_space<vmem>>, vector<512x64xf32>
    %get3A_23 = arith.constant 0 : index
    %get3A_24 = arith.constant 0 : index
    %get3A_25 = vector.load %arg6[%get3A_23, %get3A_24] : memref<512x64xf32, #tpu.memory_space<vmem>>, vector<512x64xf32>
    %add3A_26 = arith.addf %get3A_22, %get3A_25 : vector<512x64xf32>
    %mul3A_27 = vector.broadcast %get3A_1 : vector<512x1xf32> to vector<512x64xf32>
    %mul3A_28 = arith.mulf %mul3A_27, %add3A_26 : vector<512x64xf32>
    %slice3A_29 = vector.extract_strided_slice %get3A_4 {offsets = [0, 64], sizes = [1, 64], strides = [1, 1]} : vector<1x256xf32> to vector<1x64xf32>
    %add3A_30 = vector.broadcast %slice3A_29 : vector<1x64xf32> to vector<512x64xf32>
    %add3A_31 = arith.addf %mul3A_28, %add3A_30 : vector<512x64xf32>
    %max3A_32 = arith.constant 0.000000e+00 : f32
    %max3A_33 = vector.broadcast %max3A_32 : f32 to vector<512x64xf32>
    %max3A_34 = arith.maximumf %add3A_31, %max3A_33 : vector<512x64xf32>
    %get3A_35 = arith.constant 0 : index
    %get3A_36 = arith.constant 0 : index
    %get3A_37 = vector.load %arg10[%get3A_35, %get3A_36] : memref<512x64xf32, #tpu.memory_space<vmem>>, vector<512x64xf32>
    %add3A_38 = arith.addf %max3A_34, %get3A_37 : vector<512x64xf32>
    %get3A_39 = arith.constant 0 : index
    %get3A_40 = arith.constant 0 : index
    %get3A_41 = vector.load %arg3[%get3A_39, %get3A_40] : memref<512x64xf32, #tpu.memory_space<vmem>>, vector<512x64xf32>
    %get3A_42 = arith.constant 0 : index
    %get3A_43 = arith.constant 0 : index
    %get3A_44 = vector.load %arg7[%get3A_42, %get3A_43] : memref<512x64xf32, #tpu.memory_space<vmem>>, vector<512x64xf32>
    %add3A_45 = arith.addf %get3A_41, %get3A_44 : vector<512x64xf32>
    %mul3A_46 = vector.broadcast %get3A_1 : vector<512x1xf32> to vector<512x64xf32>
    %mul3A_47 = arith.mulf %mul3A_46, %add3A_45 : vector<512x64xf32>
    %slice3A_48 = vector.extract_strided_slice %get3A_4 {offsets = [0, 128], sizes = [1, 64], strides = [1, 1]} : vector<1x256xf32> to vector<1x64xf32>
    %add3A_49 = vector.broadcast %slice3A_48 : vector<1x64xf32> to vector<512x64xf32>
    %add3A_50 = arith.addf %mul3A_47, %add3A_49 : vector<512x64xf32>
    %max3A_51 = arith.constant 0.000000e+00 : f32
    %max3A_52 = vector.broadcast %max3A_51 : f32 to vector<512x64xf32>
    %max3A_53 = arith.maximumf %add3A_50, %max3A_52 : vector<512x64xf32>
    %get3A_54 = arith.constant 0 : index
    %get3A_55 = arith.constant 0 : index
    %get3A_56 = vector.load %arg11[%get3A_54, %get3A_55] : memref<512x64xf32, #tpu.memory_space<vmem>>, vector<512x64xf32>
    %add3A_57 = arith.addf %max3A_53, %get3A_56 : vector<512x64xf32>
    %get3A_58 = arith.constant 0 : index
    %get3A_59 = arith.constant 0 : index
    %get3A_60 = vector.load %arg4[%get3A_58, %get3A_59] : memref<512x64xf32, #tpu.memory_space<vmem>>, vector<512x64xf32>
    %get3A_61 = arith.constant 0 : index
    %get3A_62 = arith.constant 0 : index
    %get3A_63 = vector.load %arg8[%get3A_61, %get3A_62] : memref<512x64xf32, #tpu.memory_space<vmem>>, vector<512x64xf32>
    %add3A_64 = arith.addf %get3A_60, %get3A_63 : vector<512x64xf32>
    %mul3A_65 = vector.broadcast %get3A_1 : vector<512x1xf32> to vector<512x64xf32>
    %mul3A_66 = arith.mulf %mul3A_65, %add3A_64 : vector<512x64xf32>
    %slice3A_67 = vector.extract_strided_slice %get3A_4 {offsets = [0, 192], sizes = [1, 64], strides = [1, 1]} : vector<1x256xf32> to vector<1x64xf32>
    %add3A_68 = vector.broadcast %slice3A_67 : vector<1x64xf32> to vector<512x64xf32>
    %add3A_69 = arith.addf %mul3A_66, %add3A_68 : vector<512x64xf32>
    %max3A_70 = arith.constant 0.000000e+00 : f32
    %max3A_71 = vector.broadcast %max3A_70 : f32 to vector<512x64xf32>
    %max3A_72 = arith.maximumf %add3A_69, %max3A_71 : vector<512x64xf32>
    %get3A_73 = arith.constant 0 : index
    %get3A_74 = arith.constant 0 : index
    %get3A_75 = vector.load %arg12[%get3A_73, %get3A_74] : memref<512x64xf32, #tpu.memory_space<vmem>>, vector<512x64xf32>
    %add3A_76 = arith.addf %max3A_72, %get3A_75 : vector<512x64xf32>
    %concatenate3A = tpu.concatenate %add3A_19, %add3A_38, %add3A_57, %add3A_76 in 1 : vector<512x64xf32>, vector<512x64xf32>, vector<512x64xf32>, vector<512x64xf32> -> vector<512x256xf32>
    %get3A_77 = arith.constant 0 : index
    %get3A_78 = arith.constant 0 : index
    %get3A_79 = vector.load %arg15[%get3A_77, %get3A_78] : memref<256x256xf32, #tpu.memory_space<vmem>>, vector<256x256xf32>
    %dot_general3A = arith.constant dense<0.000000e+00> : vector<512x256xf32>
    %dot_general3A_80 = tpu.matmul %concatenate3A, %get3A_79, %dot_general3A {dimension_numbers = #tpu.dot_dimension_numbers<[1], [0], [0], [1], [0, 0, 1, 1], [], []>, transpose_lhs_hint = false} : vector<512x256xf32>, vector<256x256xf32>, vector<512x256xf32> -> vector<512x256xf32>
    %mul3A_81 = vector.broadcast %get3A_1 : vector<512x1xf32> to vector<512x256xf32>
    %mul3A_82 = arith.mulf %dot_general3A_80, %mul3A_81 : vector<512x256xf32>
    %slice3A_83 = vector.extract_strided_slice %mul3A_82 {offsets = [0, 0], sizes = [512, 64], strides = [1, 1]} : vector<512x256xf32> to vector<512x64xf32>
    %slice3A_84 = vector.extract_strided_slice %mul3A_82 {offsets = [0, 64], sizes = [512, 64], strides = [1, 1]} : vector<512x256xf32> to vector<512x64xf32>
    %slice3A_85 = vector.extract_strided_slice %mul3A_82 {offsets = [0, 128], sizes = [512, 64], strides = [1, 1]} : vector<512x256xf32> to vector<512x64xf32>
    %slice3A_86 = vector.extract_strided_slice %mul3A_82 {offsets = [0, 192], sizes = [512, 64], strides = [1, 1]} : vector<512x256xf32> to vector<512x64xf32>
    %swap3A = arith.constant 0 : index
    %swap3A_87 = arith.constant 0 : index
    %swap3A_88 = vector.load %arg16[%swap3A, %swap3A_87] : memref<512x64xf32, #tpu.memory_space<vmem>>, vector<512x64xf32>
    tpu.vector_store %arg16[%swap3A, %swap3A_87], %slice3A_83 {strides = array<i32>} : memref<512x64xf32, #tpu.memory_space<vmem>>, vector<512x64xf32>,
    %swap3A_89 = arith.constant 0 : index
    %swap3A_90 = arith.constant 0 : index
    %swap3A_91 = vector.load %arg17[%swap3A_89, %swap3A_90] : memref<512x64xf32, #tpu.memory_space<vmem>>, vector<512x64xf32>
    tpu.vector_store %arg17[%swap3A_89, %swap3A_90], %slice3A_84 {strides = array<i32>} : memref<512x64xf32, #tpu.memory_space<vmem>>, vector<512x64xf32>,
    %swap3A_92 = arith.constant 0 : index
    %swap3A_93 = arith.constant 0 : index
    %swap3A_94 = vector.load %arg18[%swap3A_92, %swap3A_93] : memref<512x64xf32, #tpu.memory_space<vmem>>, vector<512x64xf32>
    tpu.vector_store %arg18[%swap3A_92, %swap3A_93], %slice3A_85 {strides = array<i32>} : memref<512x64xf32, #tpu.memory_space<vmem>>, vector<512x64xf32>,
    %swap3A_95 = arith.constant 0 : index
    %swap3A_96 = arith.constant 0 : index
    %swap3A_97 = vector.load %arg19[%swap3A_95, %swap3A_96] : memref<512x64xf32, #tpu.memory_space<vmem>>, vector<512x64xf32>
    tpu.vector_store %arg19[%swap3A_95, %swap3A_96], %slice3A_86 {strides = array<i32>} : memref<512x64xf32, #tpu.memory_space<vmem>>, vector<512x64xf32>,
    return
  }
  func.func @transform_0(%arg0: i32) -> (i32, i32) {
    %c0_i32 = arith.constant 0 : i32
    %c0_i32_0 = arith.constant 0 : i32
    return %arg0, %c0_i32 : i32, i32
  }
  func.func @transform_1(%arg0: i32) -> (i32, i32) {
    %c0_i32 = arith.constant 0 : i32
    %c0_i32_0 = arith.constant 0 : i32
    return %arg0, %c0_i32 : i32, i32
  }
  func.func @transform_2(%arg0: i32) -> (i32, i32) {
    %c0_i32 = arith.constant 0 : i32
    %c0_i32_0 = arith.constant 0 : i32
    return %arg0, %c0_i32 : i32, i32
  }
  func.func @transform_3(%arg0: i32) -> (i32, i32) {
    %c0_i32 = arith.constant 0 : i32
    %c0_i32_0 = arith.constant 0 : i32
    return %arg0, %c0_i32 : i32, i32
  }
  func.func @transform_4(%arg0: i32) -> (i32, i32) {
    %c0_i32 = arith.constant 0 : i32
    %c0_i32_0 = arith.constant 0 : i32
    return %arg0, %c0_i32 : i32, i32
  }
  func.func @transform_5(%arg0: i32) -> (i32, i32) {
    %c0_i32 = arith.constant 0 : i32
    %c0_i32_0 = arith.constant 0 : i32
    return %arg0, %c0_i32 : i32, i32
  }
  func.func @transform_6(%arg0: i32) -> (i32, i32) {
    %c0_i32 = arith.constant 0 : i32
    %c0_i32_0 = arith.constant 0 : i32
    return %arg0, %c0_i32 : i32, i32
  }
  func.func @transform_7(%arg0: i32) -> (i32, i32) {
    %c0_i32 = arith.constant 0 : i32
    %c0_i32_0 = arith.constant 0 : i32
    return %arg0, %c0_i32 : i32, i32
  }
  func.func @transform_8(%arg0: i32) -> (i32, i32) {
    %c0_i32 = arith.constant 0 : i32
    %c0_i32_0 = arith.constant 0 : i32
    return %arg0, %c0_i32 : i32, i32
  }
  func.func @transform_9(%arg0: i32) -> (i32, i32) {
    %c0_i32 = arith.constant 0 : i32
    %c0_i32_0 = arith.constant 0 : i32
    return %arg0, %c0_i32 : i32, i32
  }
  func.func @transform_10(%arg0: i32) -> (i32, i32) {
    %c0_i32 = arith.constant 0 : i32
    %c0_i32_0 = arith.constant 0 : i32
    return %arg0, %c0_i32 : i32, i32
  }
  func.func @transform_11(%arg0: i32) -> (i32, i32) {
    %c0_i32 = arith.constant 0 : i32
    %c0_i32_0 = arith.constant 0 : i32
    return %arg0, %c0_i32 : i32, i32
  }
  func.func @transform_12(%arg0: i32) -> (i32, i32) {
    %c0_i32 = arith.constant 0 : i32
    %c0_i32_0 = arith.constant 0 : i32
    return %arg0, %c0_i32 : i32, i32
  }
  func.func @transform_13(%arg0: i32) -> (i32, i32) {
    %c0_i32 = arith.constant 0 : i32
    %c0_i32_0 = arith.constant 0 : i32
    %c0_i32_1 = arith.constant 0 : i32
    return %c0_i32, %c0_i32_0 : i32, i32
  }
  func.func @transform_14(%arg0: i32) -> (i32, i32) {
    %c0_i32 = arith.constant 0 : i32
    %c0_i32_0 = arith.constant 0 : i32
    %c0_i32_1 = arith.constant 0 : i32
    return %c0_i32, %c0_i32_0 : i32, i32
  }
  func.func @transform_15(%arg0: i32) -> (i32, i32) {
    %c0_i32 = arith.constant 0 : i32
    %c0_i32_0 = arith.constant 0 : i32
    return %arg0, %c0_i32 : i32, i32
  }
  func.func @transform_16(%arg0: i32) -> (i32, i32) {
    %c0_i32 = arith.constant 0 : i32
    %c0_i32_0 = arith.constant 0 : i32
    return %arg0, %c0_i32 : i32, i32
  }
  func.func @transform_17(%arg0: i32) -> (i32, i32) {
    %c0_i32 = arith.constant 0 : i32
    %c0_i32_0 = arith.constant 0 : i32
    return %arg0, %c0_i32 : i32, i32
  }
  func.func @transform_18(%arg0: i32) -> (i32, i32) {
    %c0_i32 = arith.constant 0 : i32
    %c0_i32_0 = arith.constant 0 : i32
    return %arg0, %c0_i32 : i32, i32
  }
}

module attributes {stable_mosaic.version = 14 : i64} {
  func.func @body(%arg0: i32, %arg1: memref<512x64xf32, #tpu.memory_space<vmem>>, %arg2: memref<512x64xf32, #tpu.memory_space<vmem>>, %arg3: memref<512x64xf32, #tpu.memory_space<vmem>>, %arg4: memref<512x64xf32, #tpu.memory_space<vmem>>, %arg5: memref<512x64xf32, #tpu.memory_space<vmem>>, %arg6: memref<512x64xf32, #tpu.memory_space<vmem>>, %arg7: memref<512x64xf32, #tpu.memory_space<vmem>>, %arg8: memref<512x64xf32, #tpu.memory_space<vmem>>, %arg9: memref<512x64xf32, #tpu.memory_space<vmem>>, %arg10: memref<512x64xf32, #tpu.memory_space<vmem>>, %arg11: memref<512x64xf32, #tpu.memory_space<vmem>>, %arg12: memref<512x64xf32, #tpu.memory_space<vmem>>, %arg13: memref<512x128xf32, #tpu.memory_space<vmem>>, %arg14: memref<1x256xf32, #tpu.memory_space<vmem>>, %arg15: memref<256x64xf32, #tpu.memory_space<vmem>>, %arg16: memref<512x32xf32, #tpu.memory_space<vmem>>, %arg17: memref<512x32xf32, #tpu.memory_space<vmem>>) attributes {dimension_semantics = [#tpu.dimension_semantics<arbitrary>], iteration_bounds = array<i64: 20>, scalar_prefetch = 0 : i64, scratch_operands = 0 : i64, tpu.core_type = #tpu.core_type<tc>, window_params = [{transform_indices = @transform_0, window_bounds = array<i64: 512, 64>}, {transform_indices = @transform_1, window_bounds = array<i64: 512, 64>}, {transform_indices = @transform_2, window_bounds = array<i64: 512, 64>}, {transform_indices = @transform_3, window_bounds = array<i64: 512, 64>}, {transform_indices = @transform_4, window_bounds = array<i64: 512, 64>}, {transform_indices = @transform_5, window_bounds = array<i64: 512, 64>}, {transform_indices = @transform_6, window_bounds = array<i64: 512, 64>}, {transform_indices = @transform_7, window_bounds = array<i64: 512, 64>}, {transform_indices = @transform_8, window_bounds = array<i64: 512, 64>}, {transform_indices = @transform_9, window_bounds = array<i64: 512, 64>}, {transform_indices = @transform_10, window_bounds = array<i64: 512, 64>}, {transform_indices = @transform_11, window_bounds = array<i64: 512, 64>}, {transform_indices = @transform_12, window_bounds = array<i64: 512, 128>}, {pipeline_mode = #tpu.pipeline_mode<synchronous>, transform_indices = @transform_13, window_bounds = array<i64: 1, 256>}, {pipeline_mode = #tpu.pipeline_mode<synchronous>, transform_indices = @transform_14, window_bounds = array<i64: 256, 64>}, {transform_indices = @transform_15, window_bounds = array<i64: 512, 32>}, {transform_indices = @transform_16, window_bounds = array<i64: 512, 32>}]} {
    %get3A = arith.constant 0 : index
    %get3A_0 = arith.constant 0 : index
    %get3A_1 = vector.load %arg13[%get3A, %get3A_0] : memref<512x128xf32, #tpu.memory_space<vmem>>, vector<512x1xf32>
    %get3A_2 = arith.constant 0 : index
    %get3A_3 = arith.constant 0 : index
    %get3A_4 = vector.load %arg14[%get3A_2, %get3A_3] : memref<1x256xf32, #tpu.memory_space<vmem>>, vector<1x256xf32>
    %get3A_5 = arith.constant 0 : index
    %get3A_6 = arith.constant 0 : index
    %get3A_7 = vector.load %arg1[%get3A_5, %get3A_6] : memref<512x64xf32, #tpu.memory_space<vmem>>, vector<512x64xf32>
    %get3A_8 = arith.constant 0 : index
    %get3A_9 = arith.constant 0 : index
    %get3A_10 = vector.load %arg5[%get3A_8, %get3A_9] : memref<512x64xf32, #tpu.memory_space<vmem>>, vector<512x64xf32>
    %add3A = arith.addf %get3A_7, %get3A_10 : vector<512x64xf32>
    %mul3A = vector.broadcast %get3A_1 : vector<512x1xf32> to vector<512x64xf32>
    %mul3A_11 = arith.mulf %mul3A, %add3A : vector<512x64xf32>
    %slice3A = vector.extract_strided_slice %get3A_4 {offsets = [0, 0], sizes = [1, 64], strides = [1, 1]} : vector<1x256xf32> to vector<1x64xf32>
    %add3A_12 = vector.broadcast %slice3A : vector<1x64xf32> to vector<512x64xf32>
    %add3A_13 = arith.addf %mul3A_11, %add3A_12 : vector<512x64xf32>
    %max3A = arith.constant 0.000000e+00 : f32
    %max3A_14 = vector.broadcast %max3A : f32 to vector<512x64xf32>
    %max3A_15 = arith.maximumf %add3A_13, %max3A_14 : vector<512x64xf32>
    %get3A_16 = arith.constant 0 : index
    %get3A_17 = arith.constant 0 : index
    %get3A_18 = vector.load %arg9[%get3A_16, %get3A_17] : memref<512x64xf32, #tpu.memory_space<vmem>>, vector<512x64xf32>
    %add3A_19 = arith.addf %max3A_15, %get3A_18 : vector<512x64xf32>
    %get3A_20 = arith.constant 0 : index
    %get3A_21 = arith.constant 0 : index
    %get3A_22 = vector.load %arg2[%get3A_20, %get3A_21] : memref<512x64xf32, #tpu.memory_space<vmem>>, vector<512x64xf32>
    %get3A_23 = arith.constant 0 : index
    %get3A_24 = arith.constant 0 : index
    %get3A_25 = vector.load %arg6[%get3A_23, %get3A_24] : memref<512x64xf32, #tpu.memory_space<vmem>>, vector<512x64xf32>
    %add3A_26 = arith.addf %get3A_22, %get3A_25 : vector<512x64xf32>
    %mul3A_27 = vector.broadcast %get3A_1 : vector<512x1xf32> to vector<512x64xf32>
    %mul3A_28 = arith.mulf %mul3A_27, %add3A_26 : vector<512x64xf32>
    %slice3A_29 = vector.extract_strided_slice %get3A_4 {offsets = [0, 64], sizes = [1, 64], strides = [1, 1]} : vector<1x256xf32> to vector<1x64xf32>
    %add3A_30 = vector.broadcast %slice3A_29 : vector<1x64xf32> to vector<512x64xf32>
    %add3A_31 = arith.addf %mul3A_28, %add3A_30 : vector<512x64xf32>
    %max3A_32 = arith.constant 0.000000e+00 : f32
    %max3A_33 = vector.broadcast %max3A_32 : f32 to vector<512x64xf32>
    %max3A_34 = arith.maximumf %add3A_31, %max3A_33 : vector<512x64xf32>
    %get3A_35 = arith.constant 0 : index
    %get3A_36 = arith.constant 0 : index
    %get3A_37 = vector.load %arg10[%get3A_35, %get3A_36] : memref<512x64xf32, #tpu.memory_space<vmem>>, vector<512x64xf32>
    %add3A_38 = arith.addf %max3A_34, %get3A_37 : vector<512x64xf32>
    %get3A_39 = arith.constant 0 : index
    %get3A_40 = arith.constant 0 : index
    %get3A_41 = vector.load %arg3[%get3A_39, %get3A_40] : memref<512x64xf32, #tpu.memory_space<vmem>>, vector<512x64xf32>
    %get3A_42 = arith.constant 0 : index
    %get3A_43 = arith.constant 0 : index
    %get3A_44 = vector.load %arg7[%get3A_42, %get3A_43] : memref<512x64xf32, #tpu.memory_space<vmem>>, vector<512x64xf32>
    %add3A_45 = arith.addf %get3A_41, %get3A_44 : vector<512x64xf32>
    %mul3A_46 = vector.broadcast %get3A_1 : vector<512x1xf32> to vector<512x64xf32>
    %mul3A_47 = arith.mulf %mul3A_46, %add3A_45 : vector<512x64xf32>
    %slice3A_48 = vector.extract_strided_slice %get3A_4 {offsets = [0, 128], sizes = [1, 64], strides = [1, 1]} : vector<1x256xf32> to vector<1x64xf32>
    %add3A_49 = vector.broadcast %slice3A_48 : vector<1x64xf32> to vector<512x64xf32>
    %add3A_50 = arith.addf %mul3A_47, %add3A_49 : vector<512x64xf32>
    %max3A_51 = arith.constant 0.000000e+00 : f32
    %max3A_52 = vector.broadcast %max3A_51 : f32 to vector<512x64xf32>
    %max3A_53 = arith.maximumf %add3A_50, %max3A_52 : vector<512x64xf32>
    %get3A_54 = arith.constant 0 : index
    %get3A_55 = arith.constant 0 : index
    %get3A_56 = vector.load %arg11[%get3A_54, %get3A_55] : memref<512x64xf32, #tpu.memory_space<vmem>>, vector<512x64xf32>
    %add3A_57 = arith.addf %max3A_53, %get3A_56 : vector<512x64xf32>
    %get3A_58 = arith.constant 0 : index
    %get3A_59 = arith.constant 0 : index
    %get3A_60 = vector.load %arg4[%get3A_58, %get3A_59] : memref<512x64xf32, #tpu.memory_space<vmem>>, vector<512x64xf32>
    %get3A_61 = arith.constant 0 : index
    %get3A_62 = arith.constant 0 : index
    %get3A_63 = vector.load %arg8[%get3A_61, %get3A_62] : memref<512x64xf32, #tpu.memory_space<vmem>>, vector<512x64xf32>
    %add3A_64 = arith.addf %get3A_60, %get3A_63 : vector<512x64xf32>
    %mul3A_65 = vector.broadcast %get3A_1 : vector<512x1xf32> to vector<512x64xf32>
    %mul3A_66 = arith.mulf %mul3A_65, %add3A_64 : vector<512x64xf32>
    %slice3A_67 = vector.extract_strided_slice %get3A_4 {offsets = [0, 192], sizes = [1, 64], strides = [1, 1]} : vector<1x256xf32> to vector<1x64xf32>
    %add3A_68 = vector.broadcast %slice3A_67 : vector<1x64xf32> to vector<512x64xf32>
    %add3A_69 = arith.addf %mul3A_66, %add3A_68 : vector<512x64xf32>
    %max3A_70 = arith.constant 0.000000e+00 : f32
    %max3A_71 = vector.broadcast %max3A_70 : f32 to vector<512x64xf32>
    %max3A_72 = arith.maximumf %add3A_69, %max3A_71 : vector<512x64xf32>
    %get3A_73 = arith.constant 0 : index
    %get3A_74 = arith.constant 0 : index
    %get3A_75 = vector.load %arg12[%get3A_73, %get3A_74] : memref<512x64xf32, #tpu.memory_space<vmem>>, vector<512x64xf32>
    %add3A_76 = arith.addf %max3A_72, %get3A_75 : vector<512x64xf32>
    %concatenate3A = tpu.concatenate %add3A_19, %add3A_38, %add3A_57, %add3A_76 in 1 : vector<512x64xf32>, vector<512x64xf32>, vector<512x64xf32>, vector<512x64xf32> -> vector<512x256xf32>
    %get3A_77 = arith.constant 0 : index
    %get3A_78 = arith.constant 0 : index
    %get3A_79 = vector.load %arg15[%get3A_77, %get3A_78] : memref<256x64xf32, #tpu.memory_space<vmem>>, vector<256x64xf32>
    %dot_general3A = arith.constant dense<0.000000e+00> : vector<512x64xf32>
    %dot_general3A_80 = tpu.matmul %concatenate3A, %get3A_79, %dot_general3A {dimension_numbers = #tpu.dot_dimension_numbers<[1], [0], [0], [1], [0, 0, 1, 1], [], []>, transpose_lhs_hint = false} : vector<512x256xf32>, vector<256x64xf32>, vector<512x64xf32> -> vector<512x64xf32>
    %mul3A_81 = vector.broadcast %get3A_1 : vector<512x1xf32> to vector<512x64xf32>
    %mul3A_82 = arith.mulf %dot_general3A_80, %mul3A_81 : vector<512x64xf32>
    %slice3A_83 = vector.extract_strided_slice %mul3A_82 {offsets = [0, 0], sizes = [512, 32], strides = [1, 1]} : vector<512x64xf32> to vector<512x32xf32>
    %slice3A_84 = vector.extract_strided_slice %mul3A_82 {offsets = [0, 32], sizes = [512, 32], strides = [1, 1]} : vector<512x64xf32> to vector<512x32xf32>
    %swap3A = arith.constant 0 : index
    %swap3A_85 = arith.constant 0 : index
    %swap3A_86 = vector.load %arg16[%swap3A, %swap3A_85] : memref<512x32xf32, #tpu.memory_space<vmem>>, vector<512x32xf32>
    tpu.vector_store %arg16[%swap3A, %swap3A_85], %slice3A_83 {strides = array<i32>} : memref<512x32xf32, #tpu.memory_space<vmem>>, vector<512x32xf32>,
    %swap3A_87 = arith.constant 0 : index
    %swap3A_88 = arith.constant 0 : index
    %swap3A_89 = vector.load %arg17[%swap3A_87, %swap3A_88] : memref<512x32xf32, #tpu.memory_space<vmem>>, vector<512x32xf32>
    tpu.vector_store %arg17[%swap3A_87, %swap3A_88], %slice3A_84 {strides = array<i32>} : memref<512x32xf32, #tpu.memory_space<vmem>>, vector<512x32xf32>,
    return
  }
  func.func @transform_0(%arg0: i32) -> (i32, i32) {
    %c0_i32 = arith.constant 0 : i32
    %c0_i32_0 = arith.constant 0 : i32
    return %arg0, %c0_i32 : i32, i32
  }
  func.func @transform_1(%arg0: i32) -> (i32, i32) {
    %c0_i32 = arith.constant 0 : i32
    %c0_i32_0 = arith.constant 0 : i32
    return %arg0, %c0_i32 : i32, i32
  }
  func.func @transform_2(%arg0: i32) -> (i32, i32) {
    %c0_i32 = arith.constant 0 : i32
    %c0_i32_0 = arith.constant 0 : i32
    return %arg0, %c0_i32 : i32, i32
  }
  func.func @transform_3(%arg0: i32) -> (i32, i32) {
    %c0_i32 = arith.constant 0 : i32
    %c0_i32_0 = arith.constant 0 : i32
    return %arg0, %c0_i32 : i32, i32
  }
  func.func @transform_4(%arg0: i32) -> (i32, i32) {
    %c0_i32 = arith.constant 0 : i32
    %c0_i32_0 = arith.constant 0 : i32
    return %arg0, %c0_i32 : i32, i32
  }
  func.func @transform_5(%arg0: i32) -> (i32, i32) {
    %c0_i32 = arith.constant 0 : i32
    %c0_i32_0 = arith.constant 0 : i32
    return %arg0, %c0_i32 : i32, i32
  }
  func.func @transform_6(%arg0: i32) -> (i32, i32) {
    %c0_i32 = arith.constant 0 : i32
    %c0_i32_0 = arith.constant 0 : i32
    return %arg0, %c0_i32 : i32, i32
  }
  func.func @transform_7(%arg0: i32) -> (i32, i32) {
    %c0_i32 = arith.constant 0 : i32
    %c0_i32_0 = arith.constant 0 : i32
    return %arg0, %c0_i32 : i32, i32
  }
  func.func @transform_8(%arg0: i32) -> (i32, i32) {
    %c0_i32 = arith.constant 0 : i32
    %c0_i32_0 = arith.constant 0 : i32
    return %arg0, %c0_i32 : i32, i32
  }
  func.func @transform_9(%arg0: i32) -> (i32, i32) {
    %c0_i32 = arith.constant 0 : i32
    %c0_i32_0 = arith.constant 0 : i32
    return %arg0, %c0_i32 : i32, i32
  }
  func.func @transform_10(%arg0: i32) -> (i32, i32) {
    %c0_i32 = arith.constant 0 : i32
    %c0_i32_0 = arith.constant 0 : i32
    return %arg0, %c0_i32 : i32, i32
  }
  func.func @transform_11(%arg0: i32) -> (i32, i32) {
    %c0_i32 = arith.constant 0 : i32
    %c0_i32_0 = arith.constant 0 : i32
    return %arg0, %c0_i32 : i32, i32
  }
  func.func @transform_12(%arg0: i32) -> (i32, i32) {
    %c0_i32 = arith.constant 0 : i32
    %c0_i32_0 = arith.constant 0 : i32
    return %arg0, %c0_i32 : i32, i32
  }
  func.func @transform_13(%arg0: i32) -> (i32, i32) {
    %c0_i32 = arith.constant 0 : i32
    %c0_i32_0 = arith.constant 0 : i32
    %c0_i32_1 = arith.constant 0 : i32
    return %c0_i32, %c0_i32_0 : i32, i32
  }
  func.func @transform_14(%arg0: i32) -> (i32, i32) {
    %c0_i32 = arith.constant 0 : i32
    %c0_i32_0 = arith.constant 0 : i32
    %c0_i32_1 = arith.constant 0 : i32
    return %c0_i32, %c0_i32_0 : i32, i32
  }
  func.func @transform_15(%arg0: i32) -> (i32, i32) {
    %c0_i32 = arith.constant 0 : i32
    %c0_i32_0 = arith.constant 0 : i32
    return %arg0, %c0_i32 : i32, i32
  }
  func.func @transform_16(%arg0: i32) -> (i32, i32) {
    %c0_i32 = arith.constant 0 : i32
    %c0_i32_0 = arith.constant 0 : i32
    return %arg0, %c0_i32 : i32, i32
  }
}

module attributes {stable_mosaic.version = 14 : i64} {
  func.func @body(%arg0: i32, %arg1: memref<512x32xf32, #tpu.memory_space<vmem>>, %arg2: memref<512x32xf32, #tpu.memory_space<vmem>>, %arg3: memref<512x32xf32, #tpu.memory_space<vmem>>, %arg4: memref<512x32xf32, #tpu.memory_space<vmem>>, %arg5: memref<512x128xf32, #tpu.memory_space<vmem>>, %arg6: memref<1x64xf32, #tpu.memory_space<vmem>>, %arg7: memref<512x1xi32, #tpu.memory_space<vmem>>, %arg8: memref<64x64xf32, #tpu.memory_space<vmem>>, %arg9: memref<64x128xf32, #tpu.memory_space<vmem>>) attributes {dimension_semantics = [#tpu.dimension_semantics<arbitrary>], iteration_bounds = array<i64: 20>, scalar_prefetch = 0 : i64, scratch_operands = 1 : i64, tpu.core_type = #tpu.core_type<tc>, window_params = [{transform_indices = @transform_0, window_bounds = array<i64: 512, 32>}, {transform_indices = @transform_1, window_bounds = array<i64: 512, 32>}, {transform_indices = @transform_2, window_bounds = array<i64: 512, 32>}, {transform_indices = @transform_3, window_bounds = array<i64: 512, 32>}, {transform_indices = @transform_4, window_bounds = array<i64: 512, 128>}, {pipeline_mode = #tpu.pipeline_mode<synchronous>, transform_indices = @transform_5, window_bounds = array<i64: 1, 64>}, {transform_indices = @transform_6, window_bounds = array<i64: 512, 1>}, {pipeline_mode = #tpu.pipeline_mode<synchronous>, transform_indices = @transform_7, window_bounds = array<i64: 64, 64>}]} {
    %eq3A = arith.constant 0 : i32
    %eq3A_0 = arith.cmpi eq, %arg0, %eq3A : i32
    %convert_element_type3A = arith.extui %eq3A_0 : i1 to i32
    %cond3A = arith.constant 0 : i32
    %cond3A_1 = arith.cmpi ne, %convert_element_type3A, %cond3A : i32
    scf.if %cond3A_1 {
      %broadcast_in_dim3A_44 = arith.constant 0.000000e+00 : f32
      %broadcast_in_dim3A_45 = vector.broadcast %broadcast_in_dim3A_44 : f32 to vector<64x128xf32>
      %swap3A_46 = arith.constant 0 : index
      %swap3A_47 = arith.constant 0 : index
      %swap3A_48 = vector.load %arg9[%swap3A_46, %swap3A_47] : memref<64x128xf32, #tpu.memory_space<vmem>>, vector<64x128xf32>
      tpu.vector_store %arg9[%swap3A_46, %swap3A_47], %broadcast_in_dim3A_45 {strides = array<i32>} : memref<64x128xf32, #tpu.memory_space<vmem>>, vector<64x128xf32>,
    } else {
    }
    %get3A = arith.constant 0 : index
    %get3A_2 = arith.constant 0 : index
    %get3A_3 = vector.load %arg5[%get3A, %get3A_2] : memref<512x128xf32, #tpu.memory_space<vmem>>, vector<512x1xf32>
    %get3A_4 = arith.constant 0 : index
    %get3A_5 = arith.constant 0 : index
    %get3A_6 = vector.load %arg1[%get3A_4, %get3A_5] : memref<512x32xf32, #tpu.memory_space<vmem>>, vector<512x32xf32>
    %get3A_7 = arith.constant 0 : index
    %get3A_8 = arith.constant 0 : index
    %get3A_9 = vector.load %arg3[%get3A_7, %get3A_8] : memref<512x32xf32, #tpu.memory_space<vmem>>, vector<512x32xf32>
    %add3A = arith.addf %get3A_6, %get3A_9 : vector<512x32xf32>
    %get3A_10 = arith.constant 0 : index
    %get3A_11 = arith.constant 0 : index
    %get3A_12 = vector.load %arg2[%get3A_10, %get3A_11] : memref<512x32xf32, #tpu.memory_space<vmem>>, vector<512x32xf32>
    %get3A_13 = arith.constant 0 : index
    %get3A_14 = arith.constant 0 : index
    %get3A_15 = vector.load %arg4[%get3A_13, %get3A_14] : memref<512x32xf32, #tpu.memory_space<vmem>>, vector<512x32xf32>
    %add3A_16 = arith.addf %get3A_12, %get3A_15 : vector<512x32xf32>
    %concatenate3A = tpu.concatenate %add3A, %add3A_16 in 1 : vector<512x32xf32>, vector<512x32xf32> -> vector<512x64xf32>
    %mul3A = vector.broadcast %get3A_3 : vector<512x1xf32> to vector<512x64xf32>
    %mul3A_17 = arith.mulf %mul3A, %concatenate3A : vector<512x64xf32>
    %get3A_18 = arith.constant 0 : index
    %get3A_19 = arith.constant 0 : index
    %get3A_20 = vector.load %arg6[%get3A_18, %get3A_19] : memref<1x64xf32, #tpu.memory_space<vmem>>, vector<1x64xf32>
    %add3A_21 = vector.broadcast %get3A_20 : vector<1x64xf32> to vector<512x64xf32>
    %add3A_22 = arith.addf %mul3A_17, %add3A_21 : vector<512x64xf32>
    %broadcast_in_dim3A = arith.constant 1.000000e+00 : f32
    %broadcast_in_dim3A_23 = vector.broadcast %broadcast_in_dim3A : f32 to vector<512x64xf32>
    %concatenate3A_24 = tpu.concatenate %add3A_22, %broadcast_in_dim3A_23 in 1 : vector<512x64xf32>, vector<512x64xf32> -> vector<512x128xf32>
    %get3A_25 = arith.constant 0 : index
    %get3A_26 = arith.constant 0 : index
    %get3A_27 = vector.load %arg7[%get3A_25, %get3A_26] : memref<512x1xi32, #tpu.memory_space<vmem>>, vector<512x1xi32>
    %iota3A = tpu.iota {dimensions = array<i32: 1>} : vector<512x64xi32>
    %eq3A_28 = vector.broadcast %get3A_27 : vector<512x1xi32> to vector<512x64xi32>
    %eq3A_29 = arith.cmpi eq, %eq3A_28, %iota3A : vector<512x64xi32>
    %convert_element_type3A_30 = arith.extui %eq3A_29 : vector<512x64xi1> to vector<512x64xi32>
    %convert_element_type3A_31 = arith.sitofp %convert_element_type3A_30 : vector<512x64xi32> to vector<512x64xf32>
    %get3A_32 = arith.constant 0 : index
    %get3A_33 = arith.constant 0 : index
    %get3A_34 = vector.load %arg9[%get3A_32, %get3A_33] : memref<64x128xf32, #tpu.memory_space<vmem>>, vector<64x128xf32>
    %dot_general3A = arith.constant dense<0.000000e+00> : vector<64x128xf32>
    %dot_general3A_35 = tpu.matmul %convert_element_type3A_31, %concatenate3A_24, %dot_general3A {dimension_numbers = #tpu.dot_dimension_numbers<[0], [0], [1], [1], [0, 1, 1, 1], [], []>, transpose_lhs_hint = false} : vector<512x64xf32>, vector<512x128xf32>, vector<64x128xf32> -> vector<64x128xf32>
    %add3A_36 = arith.addf %get3A_34, %dot_general3A_35 : vector<64x128xf32>
    %swap3A = arith.constant 0 : index
    %swap3A_37 = arith.constant 0 : index
    %swap3A_38 = vector.load %arg9[%swap3A, %swap3A_37] : memref<64x128xf32, #tpu.memory_space<vmem>>, vector<64x128xf32>
    tpu.vector_store %arg9[%swap3A, %swap3A_37], %add3A_36 {strides = array<i32>} : memref<64x128xf32, #tpu.memory_space<vmem>>, vector<64x128xf32>,
    %eq3A_39 = arith.constant 19 : i32
    %eq3A_40 = arith.cmpi eq, %arg0, %eq3A_39 : i32
    %convert_element_type3A_41 = arith.extui %eq3A_40 : i1 to i32
    %cond3A_42 = arith.constant 0 : i32
    %cond3A_43 = arith.cmpi ne, %convert_element_type3A_41, %cond3A_42 : i32
    scf.if %cond3A_43 {
      %get3A_44 = arith.constant 0 : index
      %get3A_45 = arith.constant 0 : index
      %get3A_46 = vector.load %arg9[%get3A_44, %get3A_45] : memref<64x128xf32, #tpu.memory_space<vmem>>, vector<64x128xf32>
      %slice3A = vector.extract_strided_slice %get3A_46 {offsets = [0, 0], sizes = [64, 64], strides = [1, 1]} : vector<64x128xf32> to vector<64x64xf32>
      %slice3A_47 = vector.extract_strided_slice %get3A_46 {offsets = [0, 64], sizes = [64, 1], strides = [1, 1]} : vector<64x128xf32> to vector<64x1xf32>
      %max3A = arith.constant 1.000000e+00 : f32
      %max3A_48 = vector.broadcast %max3A : f32 to vector<64x1xf32>
      %max3A_49 = arith.maximumf %slice3A_47, %max3A_48 : vector<64x1xf32>
      %div3A = vector.broadcast %max3A_49 : vector<64x1xf32> to vector<64x64xf32>
      %div3A_50 = arith.divf %slice3A, %div3A : vector<64x64xf32>
      %reduce_max3A = arith.constant dense<0xFF800000> : vector<64xf32>
      %reduce_max3A_51 = vector.multi_reduction <maximumf>, %div3A_50, %reduce_max3A [1] : vector<64x64xf32> to vector<64xf32>
      %broadcast_in_dim3A_52 = vector.shape_cast %reduce_max3A_51 : vector<64xf32> to vector<64x1xf32>
      %sub3A = vector.broadcast %broadcast_in_dim3A_52 : vector<64x1xf32> to vector<64x64xf32>
      %sub3A_53 = arith.subf %div3A_50, %sub3A : vector<64x64xf32>
      %exp3A = math.exp %sub3A_53 : vector<64x64xf32>
      %reduce_sum3A = arith.constant dense<0.000000e+00> : vector<64xf32>
      %reduce_sum3A_54 = vector.multi_reduction <add>, %exp3A, %reduce_sum3A [1] : vector<64x64xf32> to vector<64xf32>
      %broadcast_in_dim3A_55 = vector.shape_cast %reduce_sum3A_54 : vector<64xf32> to vector<64x1xf32>
      %log3A = math.log %broadcast_in_dim3A_55 : vector<64x1xf32>
      %sub3A_56 = vector.broadcast %log3A : vector<64x1xf32> to vector<64x64xf32>
      %sub3A_57 = arith.subf %sub3A_53, %sub3A_56 : vector<64x64xf32>
      %swap3A_58 = arith.constant 0 : index
      %swap3A_59 = arith.constant 0 : index
      %swap3A_60 = vector.load %arg8[%swap3A_58, %swap3A_59] : memref<64x64xf32, #tpu.memory_space<vmem>>, vector<64x64xf32>
      tpu.vector_store %arg8[%swap3A_58, %swap3A_59], %sub3A_57 {strides = array<i32>} : memref<64x64xf32, #tpu.memory_space<vmem>>, vector<64x64xf32>,
    } else {
    }
    return
  }
  func.func @transform_0(%arg0: i32) -> (i32, i32) {
    %c0_i32 = arith.constant 0 : i32
    %c0_i32_0 = arith.constant 0 : i32
    return %arg0, %c0_i32 : i32, i32
  }
  func.func @transform_1(%arg0: i32) -> (i32, i32) {
    %c0_i32 = arith.constant 0 : i32
    %c0_i32_0 = arith.constant 0 : i32
    return %arg0, %c0_i32 : i32, i32
  }
  func.func @transform_2(%arg0: i32) -> (i32, i32) {
    %c0_i32 = arith.constant 0 : i32
    %c0_i32_0 = arith.constant 0 : i32
    return %arg0, %c0_i32 : i32, i32
  }
  func.func @transform_3(%arg0: i32) -> (i32, i32) {
    %c0_i32 = arith.constant 0 : i32
    %c0_i32_0 = arith.constant 0 : i32
    return %arg0, %c0_i32 : i32, i32
  }
  func.func @transform_4(%arg0: i32) -> (i32, i32) {
    %c0_i32 = arith.constant 0 : i32
    %c0_i32_0 = arith.constant 0 : i32
    return %arg0, %c0_i32 : i32, i32
  }
  func.func @transform_5(%arg0: i32) -> (i32, i32) {
    %c0_i32 = arith.constant 0 : i32
    %c0_i32_0 = arith.constant 0 : i32
    %c0_i32_1 = arith.constant 0 : i32
    return %c0_i32, %c0_i32_0 : i32, i32
  }
  func.func @transform_6(%arg0: i32) -> (i32, i32) {
    %c0_i32 = arith.constant 0 : i32
    %c0_i32_0 = arith.constant 0 : i32
    return %arg0, %c0_i32 : i32, i32
  }
  func.func @transform_7(%arg0: i32) -> (i32, i32) {
    %c0_i32 = arith.constant 0 : i32
    %c0_i32_0 = arith.constant 0 : i32
    %c0_i32_1 = arith.constant 0 : i32
    return %c0_i32, %c0_i32_0 : i32, i32
  }
}

</mosaic_0001>

<sc_bundles>
// kernel: kernel.12.cloned.1.call-start
scs
__scs_entry_jumppad:
0x0: {  	(pc) =	sbr.rel $0x88, $3  }
0x1: {  	(tag) =	ssettag $0x0;
	lr =	simm.s32 $0x1  }
0x2: {  	[smem:$0x3F96] =	sst lr;
	_ =	strace $0xD0000000  }
0x3: {  	_ = 	snop  }
0x4: {  	_ = 	snop  }
0x5: {  	_ = 	snop  }
0x6: {  	_ = 	snop  }
0x7: {  	_ = 	snop  }
__scs_overlays_trampoline_lowered:
0x8: {  	[smem:$0x3FA5] =	sst s0  }
0x9: {  	[smem:$0x3FA6] =	sst s1  }
0xa: {  	[smem:$0x3FA7] =	sst s2  }
0xb: {  	[smem:$0x3FA8] =	sst s3  }
0xc: {  	[smem:$0x3FA9] =	sst s4  }
0xd: {  	[smem:$0x3FAA] =	sst s5  }
0xe: {  	[smem:$0x3FAB] =	sst s6  }
0xf: {  	[smem:$0x3FAC] =	sst s7  }
0x10: {  	[smem:$0x3FAD] =	sst s8  }
0x11: {  	[smem:$0x3FAE] =	sst s9;
	s0 =	simm.s32 @!p0 $0x0  }
0x12: {  	s1 =	sld [smem:$0x3F94];
	s0 =	simm.s32 @p0 $0x1  }
0x13: {  	[smem:$0x3FAF] =	sst s0;
	s0 =	simm.s32 @!p1 $0x0  }
0x14: {  	s2 =	sld [smem:$0x3F93];
	s0 =	simm.s32 @p1 $0x1  }
0x15: {  	[smem:$0x3FB0] =	sst s0;
	s0 =	simm.s32 @!p2 $0x0  }
0x16: {  	s3 =	sld [smem:$0x3FDB];
	s0 =	simm.s32 @p2 $0x1  }
0x17: {  	s4 =	simm.s32 $0x1BF5;
	[smem:$0x3FB2] =	sst s0  }
0x18: {  	s0 =	sld [smem:$0x3F95];
	_ =	swait.ge [sflag:s4], $0x0  }
0x19: {  	s7 =	sld [smem:$0x3F96]  }
0x1a: {  	s8 =	sadd.s32 $0xFFFFE003, lr  }
0x1b: {  	s9 =	sadd.s32 $0xFFFFFEF7, lr;
	s5 =	simm.s32 $0xFFFFFFFF;
	p2 =	slt.u32 s8, $0xFFFFF086  }
0x1c: {  	p1 =	slt.u32 s9, $0xF7A;
	s5 =	simm.s32 @!p2 $0x0  }
0x1d: {  	s5 =	simm.s32 @p1 $0x1;
	p0 =	seq.s32 s7, s2  }
0x1e: {  	s7 =	smul.u32 @!p0 $0xF7A, s2;
	p2 =	seq.s32 @!p0 s5, $0x0  }
0x1f: {  	s9 =	smul.u32 $0xF7A, s1;
	s8 =	simm.s32 @!p0 $0x1BF5;
	p2 =	por !p2, p0  }
0x20: {  	[sflag:s8] =	ssyncset.s32 @!p0 $0xFFFFF086;
	s6 =	sadd.s32 @!p0 s3, s7;
	s7 =	simm.s32 @!p0 $0x108  }
0x21: {  	s3 =	sadd.s32 s3, s9;
	s6 =	sadd.s32 @!p0 $0x88, s6;
	s7 =	simm.s32 @p2 $0x1082  }
0x22: {  	[simem:s7], [sflag:s8] =	dma.local @!p0 [hbm:s6], $0xF7A  }
0x23: {  	s9 =	sor.u32 $0xD0000000, s2;
	s6 =	simm.s32 $0x108;
	_ =	swait.ge @!p0 [sflag:s8], $0x0  }
0x24: {  	s3 =	sadd.s32 $0x88, s3;
	s6 =	simm.s32 @!p1 $0x1082;
	[sflag:s4] =	ssyncset.s32 $0xFFFFF086  }
0x25: {  	[simem:s6], [sflag:s4] =	dma.local [hbm:s3], $0xF7A  }
0x26: {  	[smem:$0x3F96] =	sst s1;
	(tag) =	ssettag s2;
	_ =	strace s9  }
0x27: {  	s1 =	sld [smem:$0x3FA6]  }
0x28: {  	s2 =	sld [smem:$0x3FA7]  }
0x29: {  	s4 =	sld [smem:$0x3FA9]  }
0x2a: {  	p0 =	seq.s32 s5, $0x0;
	s5 =	sld [smem:$0x3FAA]  }
0x2b: {  	s6 =	sld [smem:$0x3FAB]  }
0x2c: {  	s7 =	sld [smem:$0x3FAC]  }
0x2d: {  	s3 =	simm.s32 $0x108;
	s8 =	sld [smem:$0x3FAD]  }
0x2e: {  	s3 =	simm.s32 @!p0 $0x1082;
	s9 =	sld [smem:$0x3FAE]  }
0x2f: {  	lr =	sadd.s32 s0, s3;
	s0 =	sld [smem:$0x3FA5]  }
0x30: {  	s3 =	sld [smem:$0x3FA8]  }
0x31: {  	[smem:$0x3FB1] =	sst s10  }
0x32: {  	s10 =	sld [smem:$0x3FAF];
	_ =	sdelay $0x3  }
0x33: {  	p0 =	seq.s32 s10, $0x1;
	s10 =	sld [smem:$0x3FB1];
	_ =	sdelay $0x3  }
0x34: {  	[smem:$0x3FB1] =	sst s10  }
0x35: {  	s10 =	sld [smem:$0x3FB0];
	_ =	sdelay $0x3  }
0x36: {  	p1 =	seq.s32 s10, $0x1;
	s10 =	sld [smem:$0x3FB1];
	_ =	sdelay $0x3  }
0x37: {  	[smem:$0x3FB1] =	sst s10  }
0x38: {  	s10 =	sld [smem:$0x3FB2]  }
0x39: {  	_ = 	snop;
	(pc) =	sbr.ind lr, $3  }
0x3a: {  	_ = 	snop  }
0x3b: {  	_ = 	snop  }
0x3c: {  	p2 =	seq.s32 s10, $0x1;
	s10 =	sld [smem:$0x3FB1]  }
0x3d: {  	_ =	shalt  }
0x3e: {  	_ =	shalt  }
0x3f: {  	_ =	shalt  }
0x40: {  	_ =	shalt  }
0x41: {  	_ =	shalt  }
0x42: {  	_ =	shalt  }
0x43: {  	_ =	shalt  }
0x44: {  	_ =	shalt  }
0x45: {  	_ =	shalt  }
0x46: {  	_ =	shalt  }
0x47: {  	_ =	shalt  }
0x48: {  	_ =	shalt  }
0x49: {  	_ =	shalt  }
0x4a: {  	_ =	shalt  }
0x4b: {  	_ =	shalt  }
0x4c: {  	_ =	shalt  }
0x4d: {  	_ =	shalt  }
0x4e: {  	_ =	shalt  }
0x4f: {  	_ =	shalt  }
0x50: {  	_ =	shalt  }
0x51: {  	_ =	shalt  }
0x52: {  	_ =	shalt  }
0x53: {  	_ =	shalt  }
0x54: {  	_ =	shalt  }
0x55: {  	_ =	shalt  }
0x56: {  	_ =	shalt  }
0x57: {  	_ =	shalt  }
0x58: {  	_ =	shalt  }
0x59: {  	_ =	shalt  }
0x5a: {  	_ =	shalt  }
0x5b: {  	_ =	shalt  }
0x5c: {  	_ =	shalt  }
0x5d: {  	_ =	shalt  }
0x5e: {  	_ =	shalt  }
0x5f: {  	_ =	shalt  }
0x60: {  	_ =	shalt  }
0x61: {  	_ =	shalt  }
0x62: {  	_ =	shalt  }
0x63: {  	_ =	shalt  }
0x64: {  	_ =	shalt  }
0x65: {  	_ =	shalt  }
0x66: {  	_ =	shalt  }
0x67: {  	_ =	shalt  }
0x68: {  	_ =	shalt  }
0x69: {  	_ =	shalt  }
0x6a: {  	_ =	shalt  }
0x6b: {  	_ =	shalt  }
0x6c: {  	_ =	shalt  }
0x6d: {  	_ =	shalt  }
0x6e: {  	_ =	shalt  }
0x6f: {  	_ =	shalt  }
0x70: {  	_ =	shalt  }
0x71: {  	_ =	shalt  }
0x72: {  	_ =	shalt  }
0x73: {  	_ =	shalt  }
0x74: {  	_ =	shalt  }
0x75: {  	_ =	shalt  }
0x76: {  	_ =	shalt  }
0x77: {  	_ =	shalt  }
0x78: {  	_ =	shalt  }
0x79: {  	_ =	shalt  }
0x7a: {  	_ =	shalt  }
0x7b: {  	_ =	shalt  }
0x7c: {  	_ =	shalt  }
0x7d: {  	_ =	shalt  }
0x7e: {  	_ =	shalt  }
0x7f: {  	_ =	shalt  }
0x80: {  	_ =	shalt  }
0x81: {  	_ =	shalt  }
0x82: {  	_ =	shalt  }
0x83: {  	_ =	shalt  }
0x84: {  	_ =	shalt  }
0x85: {  	_ =	shalt  }
0x86: {  	_ =	shalt  }
0x87: {  	_ =	shalt  }
.Lfunc_end0:
.L_simem_size_0:
called_computation_lowered:
.L_overlay_start_0:
0x88: {  	s2 =	sld [smem:$0x3FD9]  }
0x89: {  	s3 =	sld [smem:$0x3FFE];
	_ =	sdelay $0x1  }
0x8a: {  	s1 =	srdreg.scid  }
0x8b: {  	s0 =	sand.u32 $0x1, s1  }
0x8c: {  	s17 =	sshll.u32 s0, $0xA;
	s2 =	sadd.s32 s3, s2  }
0x8d: {  	s2 =	sadd.s32 s2, s17  }
0x8e: {  	[smem:$0x3FBD] =	sst s2  }
0x8f: {  	_ = 	snop  }
0x90: {  	s2 =	sld [smem:$0x3FD0];
	(tm) =	ssettm $0x1  }
0x91: {  	s18 =	sld [smem:$0x3FFB];
	_ =	sdelay $0x3  }
0x92: {  	_ =	strace s18  }
0x93: {  	s3 =	sld [smem:$0x3FFC];
	_ =	sdelay $0x3  }
0x94: {  	_ =	strace s3  }
0x95: {  	s3 =	sld [smem:$0x3FFD];
	_ =	sdelay $0x3  }
0x96: {  	_ =	strace s3  }
0x97: {  	_ =	strace $0x8FFFFFFF  }
0x98: {  	s19 =	sld [smem:$0x3FDB];
	_ =	sdelay $0x1  }
0x99: {  	s4 =	simm.s32 $_scs_section_size  }
0x9a: {  	s5 =	simm.s32 $_size__tile_overlayer_lowered;
	s6 =	simm.s32 $_tile_overlayer_lowered  }
0x9b: {  	s22 =	simm.s32 $0x1BFF;
	s21 =	sshll.u32 s6, $0x1;
	s3 =	sadd.s32 s4, s19  }
0x9c: {  	s7 =	simm.s32 $0x0;
	s20 =	sshll.u32 s5, $0x1;
	s5 =	sadd.s32 s21, s3  }
0x9d: {  	[timem:s7], [sflag:s22] =	dma.local [hbm:s5], s20  }
0x9e: {  	_ =	swait.ge [sflag:s22], s20  }
0x9f: {  	s4 =	ssub.s32 $0x0, s20;
	[sflag:s22] =	ssyncset.done $0x0  }
0xa0: {  	[sflag:s22] =	ssyncadd.s32 s4;
	_ =	sdelay $0x1  }
0xa1: {  	s23 =	simm.s32 $0x1B8B  }
0xa2: {  	_ =	swait.ge [sflag:s23], $0x1  }
0xa3: {  	[sflag:s23] =	ssyncset.done $0x0  }
0xa4: {  	s25 =	simm.s32 $0x1B8E;
	s24 =	sld [smem:$0x3FFE];
	[sflag:s23] =	ssyncadd.s32 $0xFFFFFFFF  }
0xa5: {  	s26 =	simm.s32 $execute0_lowered;
	[smem:$0x3FD2] =	sst s25  }
0xa6: {  	s5 =	sshll.u32 s26, $0x1;
	_ =	strace $0x80000046;
	[dreg:$0x1] =	wrdreg $0xFFFFFFFF  }
0xa7: {  	s28 =	simm.s32 $_size_execute0_lowered;
	s3 =	sadd.s32 s3, s5;
	[dreg:$0x0] =	wrdreg $0x0  }
0xa8: {  	s5 =	sshll.u32 s28, $0x1;
	[dreg:$0x2] =	wrdreg s3  }
0xa9: {  	[dreg:$0x3] =	wrdreg s5  }
0xaa: {  	[dreg:$0x4] =	wrdreg $0xC0  }
0xab: {  	_ =	task [dreg:s7], $0x5FFFF  }
0xac: {  	[dreg:$0x1] =	wrdreg $0xFFFFFFFF  }
0xad: {  	[dreg:$0x0] =	wrdreg $0x60  }
0xae: {  	[dreg:$0x2] =	wrdreg s2  }
0xaf: {  	[dreg:$0x3] =	wrdreg s24  }
0xb0: {  	[dreg:$0x4] =	wrdreg $0xC9000  }
0xb1: {  	[dreg:$0x5] =	wrdreg $0x9  }
0xb2: {  	_ =	task.clear_ibuf [dreg:s7], $0x6FFFF;
	_ =	strace $0x90000046  }
0xb3: {  	s29 =	simm.s32 $0x9;
	_ =	strace $0x80000048  }
0xb4: {  	_ =	swait.ge [sflag:s29], $0x1  }
0xb5: {  	[sflag:s29] =	ssyncadd.s32 $0xFFFFFFFF  }
0xb6: {  	_ =	strace $0x90000048  }
0xb7: {  	_ =	sfence  }
0xb8: {  	s30 =	sld [smem:$0x0];
	_ =	sdelay $0x2  }
0xb9: {  	s31 =	sshll.u32 s1, $0xD;
	s1 =	sshrl.u32 s1, $0x2  }
0xba: {  	s3 =	sand.u32 $0x4000, s31;
	s1 =	sadd.s32 s1, s30  }
0xbb: {  	s0 =	sor.u32 s3, s0;
	s1 =	sshll.u32 s1, $0x11  }
0xbc: {  	s0 =	sor.u32 s1, s0  }
0xbd: {  	s0 =	sadd.s32 $0x8F2B, s0  }
0xbe: {  	[sflag:s0] =	ssyncadd.remote.s32 $0x1  }
0xbf: {  	_ =	sfence.sel $0xFFFF  }
0xc0: {  	[dreg:$0x0] =	wrdreg $0xFFFFFFFF;
	(pc) =	sbr.abs _section_cstart, $3  }
0xc1: {  	[dreg:$0x1] =	wrdreg $0xFFFFFFFF  }
0xc2: {  	_ =	task.clear_ibuf [dreg:s7], $0x2FFFF;
	_ =	strace $0x9FFFFFFF  }
0xc3: {  	(tm) =	ssettm $0x7FFFFFFF  }
tec
execute0_lowered:
.L_overlay_start_1:
0x0: {  	(tag) =	ssettag $0x1  }
0x1: {  	s0 =	rddreg [dreg:$0x1]  }
0x2: {  	s3 =	rddreg [dreg:$0x2]  }
0x3: {  	s1 =	stileid.u32;
	s4 =	simm.s32 $0x0;
	s5 =	srdreg.scid  }
0x4: {  	s23 =	simm.s32 $0x3;
	s24 =	simm.s32 $0x2;
	s28 =	simm.s32 $0x9D00  }
0x5: {  	s29 =	simm.s32 $0x80;
	s30 =	simm.s32 $0x0;
	s2 =	smul.u32 $0x9D0, s1  }
0x6: {  	[smem:$0x7FF] =	sst s4;
	s22 =	sand.u32 $0x1, s5;
	s5 =	sadd.s32 $0x1B200, s0  }
0x7: {  	s9 =	smul.u32 $0xA000, s1;
	s6 =	sadd.s32 $0x20400, s0;
	s7 =	sadd.s32 $0x1B400, s0  }
0x8: {  	s12 =	smul.u32 $0x2800, s1;
	_ =	strace $0x80000047;
	s8 =	ssub.s32 $0x2, s22  }
0x9: {  	p0 =	sne.s32 s22, $0x0;
	s22 =	simm.s32 $0xC500;
	s2 =	sadd.s32 s2, s0  }
0xa: {  	s26 =	sshrl.u32 s8, $0x1;
	s10 =	sshrl.u32 s9, $0x2;
	s11 =	sshrl.u32 s12, $0x3  }
0xb: {  	s31 =	sadd.s32 s12, s3;
	s0 =	ssub.s32 s8, s26;
	s8 =	sadd.s32 $0x11400, s2  }
.Ltmp0:
0xc: {  	s9 =	sadd.s32 $0x7600, s2;
	s10 =	sadd.s32 s10, s3;
	(pc) =	sbr.rel .LBB2_1-.Ltmp0, $4  }
0xd: {  	s25 =	sshrl.u32 s31, $0x3;
	s26 =	simm.s32 $0x1;
	s12 =	smax.u32 s0, $0x1  }
0xe: {  	s13 =	sadd.s32 $0x400, s10;
	s14 =	sadd.s32 $0x800, s10;
	s15 =	sadd.s32 $0xC00, s10  }
0xf: {  	s16 =	sadd.s32 $0x1000, s10;
	s17 =	sadd.s32 $0x1400, s10;
	s18 =	sadd.s32 $0x1800, s10  }
0x10: {  	s19 =	sadd.s32 $0x1C00, s10;
	s20 =	sadd.s32 $0x2000, s10;
	s21 =	sadd.s32 $0x2400, s10  }
.LBB2_17:
0x11: {  	[sflag:s2] =	ssyncadd.s32 @!p1 $0xFFFFF800;
	s0 =	smov.u32 s7  }
.LBB2_18:
0x12: {  	s30 =	sadd.s32 $0x1, s30  }
0x13: {  	s2 =	sshll.u32 s1, $0x6;
	s0 =	sadd.s32 s0, s11;
	p1 =	sne.s32 s30, s12  }
.Ltmp1:
0x14: {  	[bflag:$0x0] =	sbarrier.arrive $0xFFFF;
	s2 =	sor.u32 $0x1C03, s2;
	(pc) =	sbr.rel @!p1 .LBB2_19-.Ltmp1, $4  }
0x15: {  	[hbm:s0], [sflag:s2] =	dma.local [spmem:s25], $0x500  }
0x16: {  	_ =	swait.ge [sflag:s23], $0x500  }
0x17: {  	[sflag:s23] =	ssyncset.done $0x0  }
0x18: {  	[sflag:s23] =	ssyncadd.s32 $0xFFFFFB00  }
.LBB2_1:
0x19: {  	[tilespmem:s4], [sflag:$0x1] =	stream.linear.gather [hbm4b:s8+s4], $0x4E80, $0x38;
	[tilespmem:$0xF100] =	vst v63  }
0x1a: {  	s31 =	simm.s32 $0x4E80  }
0x1b: {  	[tilespmem:s31], [sflag:$0x1] =	stream.linear.gather [hbm4b:s9+s4], $0x4E80, $0x38;
	[tilespmem:$0xF100] =	vst v63  }
0x1c: {  	_ = 	snop  }
0x1d: {  	[tilespmem:s22], [sflag:$0x3] =	stream.linear.gather [hbm4b:s5+s4], $0x400, $0x38;
	[tilespmem:$0xF100] =	vst v63  }
0x1e: {  	_ =	swait.ge [sflag:s23], $0x400  }
0x1f: {  	[sflag:s23] =	ssyncset.done $0x0  }
0x20: {  	[sflag:s23] =	ssyncadd.s32 $0xFFFFFC00  }
0x21: {  	[spmem:s10] =	stream.linear.scatter [tilespmem:s22], [sflag:$0x2], $0x400, $0x38;
	[tilespmem:$0xF100] =	vst v63  }
0x22: {  	_ = 	snop  }
0x23: {  	[spmem:s13] =	stream.linear.scatter [tilespmem:s22], [sflag:$0x2], $0x400, $0x38;
	[tilespmem:$0xF100] =	vst v63  }
0x24: {  	_ = 	snop  }
0x25: {  	[spmem:s14] =	stream.linear.scatter [tilespmem:s22], [sflag:$0x2], $0x400, $0x38;
	[tilespmem:$0xF100] =	vst v63  }
0x26: {  	_ = 	snop  }
0x27: {  	[spmem:s15] =	stream.linear.scatter [tilespmem:s22], [sflag:$0x2], $0x400, $0x38;
	[tilespmem:$0xF100] =	vst v63  }
0x28: {  	_ = 	snop  }
0x29: {  	[spmem:s16] =	stream.linear.scatter [tilespmem:s22], [sflag:$0x2], $0x400, $0x38;
	[tilespmem:$0xF100] =	vst v63  }
0x2a: {  	_ = 	snop  }
0x2b: {  	[spmem:s17] =	stream.linear.scatter [tilespmem:s22], [sflag:$0x2], $0x400, $0x38;
	[tilespmem:$0xF100] =	vst v63  }
0x2c: {  	_ = 	snop  }
0x2d: {  	[spmem:s18] =	stream.linear.scatter [tilespmem:s22], [sflag:$0x2], $0x400, $0x38;
	[tilespmem:$0xF100] =	vst v63  }
0x2e: {  	_ = 	snop  }
0x2f: {  	[spmem:s19] =	stream.linear.scatter [tilespmem:s22], [sflag:$0x2], $0x400, $0x38;
	[tilespmem:$0xF100] =	vst v63  }
0x30: {  	_ = 	snop  }
0x31: {  	[spmem:s20] =	stream.linear.scatter [tilespmem:s22], [sflag:$0x2], $0x400, $0x38;
	[tilespmem:$0xF100] =	vst v63  }
0x32: {  	_ = 	snop  }
0x33: {  	[spmem:s21] =	stream.linear.scatter [tilespmem:s22], [sflag:$0x2], $0x400, $0x38;
	[tilespmem:$0xF100] =	vst v63  }
0x34: {  	_ =	swait.ge [sflag:s24], $0x400  }
0x35: {  	[sflag:s24] =	ssyncset.done $0x0  }
0x36: {  	[sflag:s24] =	ssyncadd.s32 $0xFFFFFC00  }
0x37: {  	_ =	swait.ge [sflag:s24], $0x400  }
0x38: {  	[sflag:s24] =	ssyncset.done $0x0  }
0x39: {  	[sflag:s24] =	ssyncadd.s32 $0xFFFFFC00  }
0x3a: {  	_ =	swait.ge [sflag:s24], $0x400  }
0x3b: {  	[sflag:s24] =	ssyncset.done $0x0  }
0x3c: {  	[sflag:s24] =	ssyncadd.s32 $0xFFFFFC00  }
0x3d: {  	_ =	swait.ge [sflag:s24], $0x400  }
0x3e: {  	[sflag:s24] =	ssyncset.done $0x0  }
0x3f: {  	[sflag:s24] =	ssyncadd.s32 $0xFFFFFC00  }
0x40: {  	_ =	swait.ge [sflag:s24], $0x400  }
0x41: {  	[sflag:s24] =	ssyncset.done $0x0  }
0x42: {  	[sflag:s24] =	ssyncadd.s32 $0xFFFFFC00  }
0x43: {  	_ =	swait.ge [sflag:s24], $0x400  }
0x44: {  	[sflag:s24] =	ssyncset.done $0x0  }
0x45: {  	[sflag:s24] =	ssyncadd.s32 $0xFFFFFC00  }
0x46: {  	_ =	swait.ge [sflag:s24], $0x400  }
0x47: {  	[sflag:s24] =	ssyncset.done $0x0  }
0x48: {  	[sflag:s24] =	ssyncadd.s32 $0xFFFFFC00  }
0x49: {  	_ =	swait.ge [sflag:s24], $0x400  }
0x4a: {  	[sflag:s24] =	ssyncset.done $0x0  }
0x4b: {  	[sflag:s24] =	ssyncadd.s32 $0xFFFFFC00  }
0x4c: {  	_ =	swait.ge [sflag:s24], $0x400  }
0x4d: {  	[sflag:s24] =	ssyncset.done $0x0  }
0x4e: {  	[sflag:s24] =	ssyncadd.s32 $0xFFFFFC00  }
0x4f: {  	_ =	swait.ge [sflag:s24], $0x400  }
0x50: {  	[sflag:s24] =	ssyncset.done $0x0  }
0x51: {  	[sflag:s24] =	ssyncadd.s32 $0xFFFFFC00  }
0x52: {  	_ =	swait.ge [sflag:s26], $0x4E80  }
0x53: {  	[sflag:s26] =	ssyncset.done $0x0  }
0x54: {  	[sflag:s26] =	ssyncadd.s32 $0xFFFFB180  }
0x55: {  	_ =	swait.ge [sflag:s26], $0x4E80  }
0x56: {  	[sflag:s26] =	ssyncset.done $0x0  }
0x57: {  	[sflag:s26] =	ssyncadd.s32 $0xFFFFB180  }
0x58: {  	[bflag:$0x0] =	sbarrier.arrive $0xFFFF  }
0x59: {  	s0 =	rddreg [dreg:$0x0]  }
0x5a: {  	[tilespmem:s28], [sflag:$0x3] =	stream.linear.gather [hbm4b:s0+s4], $0x800, $0x38;
	[tilespmem:$0xF100] =	vst v63  }
.Ltmp2:
0x5b: {  	_ = 	snop;
	(pc) =	sbr.rel @p0 .LBB2_10-.Ltmp2, $4  }
.Ltmp3:
0x5c: {  	_ = 	snop;
	(pc) =	sbr.rel @!p0 .LBB2_2-.Ltmp3, $4  }
0x5d: {  	_ =	swait.ge [sflag:s23], $0x800  }
0x5e: {  	[sflag:s23] =	ssyncset.done $0x0  }
0x5f: {  	s2 =	simm.s32 $0x0;
	s0 =	simm.s32 $0xFFFFFFFD;
	[sflag:s23] =	ssyncadd.s32 $0xFFFFF800  }
0x60: {  	_ = 	snop  }
.LBB2_3:
0x61: {  	_ =	swait.ge [sflag:s24], $0x800  }
0x62: {  	[sflag:s24] =	ssyncset.done $0x0  }
0x63: {  	[sflag:s24] =	ssyncadd.s32 $0xFFFFF800  }
.LBB2_5:
0x64: {  	[spmem:s3] =	stream.indirect.scatter.add.f32 [tilespmem:s28], [sflag:$0x2], $0x10, s31, s29, $0xb8;
	[tilespmem:$0xF100] =	vst v63  }
.LBB2_6:
0x65: {  	s0 =	sadd.s32 $0x1, s0  }
0x66: {  	p1 =	sne.s32 s0, $0x9A  }
.Ltmp4:
0x67: {  	_ = 	snop;
	(pc) =	sbr.rel @!p1 .LBB2_7-.Ltmp4, $2  }
0x68: {  	_ =	sdelay $0x2  }
0x69: {  	s31 =	sadd.s32 $0x80, s31  }
.LBB2_2:
0x6a: {  	p1 =	sgt.u32 s0, $0x4A  }
.Ltmp5:
0x6b: {  	_ = 	snop;
	(pc) =	sbr.rel @!p1 .LBB2_3-.Ltmp5, $1  }
0x6c: {  	_ =	sdelay $0x3  }
0x6d: {  	s2 =	sadd.s32 $0x3, s0  }
0x6e: {  	p1 =	sgt.u32 s2, $0x4D  }
.Ltmp6:
0x6f: {  	_ = 	snop;
	(pc) =	sbr.rel @p1 .LBB2_6-.Ltmp6, $4  }
.Ltmp7:
0x70: {  	_ = 	snop;
	(pc) =	sbr.rel @!p1 .LBB2_5-.Ltmp7, $4  }
0x71: {  	_ = 	snop  }
0x72: {  	_ = 	snop  }
0x73: {  	_ = 	snop  }
0x74: {  	_ = 	snop  }
.LBB2_11:
0x75: {  	_ =	swait.ge [sflag:s24], $0x800  }
0x76: {  	[sflag:s24] =	ssyncset.done $0x0  }
0x77: {  	[sflag:s24] =	ssyncadd.s32 $0xFFFFF800  }
.LBB2_13:
0x78: {  	[spmem:s3] =	stream.indirect.scatter.add.f32 [tilespmem:s28], [sflag:$0x2], $0x10, s31, s29, $0xb8;
	[tilespmem:$0xF100] =	vst v63  }
.LBB2_14:
0x79: {  	s2 =	sadd.s32 $0x1, s2  }
0x7a: {  	p1 =	sne.s32 s2, $0x9D  }
.Ltmp8:
0x7b: {  	_ = 	snop;
	(pc) =	sbr.rel @!p1 .LBB2_15-.Ltmp8, $2  }
0x7c: {  	_ =	sdelay $0x2  }
0x7d: {  	s31 =	sadd.s32 $0x80, s31  }
.LBB2_10:
0x7e: {  	p1 =	slt.u32 s2, $0x51  }
.Ltmp9:
0x7f: {  	_ = 	snop;
	(pc) =	sbr.rel @!p1 .LBB2_11-.Ltmp9, $1  }
0x80: {  	_ =	sdelay $0x3  }
0x81: {  	p1 =	slt.u32 s2, $0x4E  }
.Ltmp10:
0x82: {  	_ = 	snop;
	(pc) =	sbr.rel @p1 .LBB2_14-.Ltmp10, $4  }
.Ltmp11:
0x83: {  	_ = 	snop;
	(pc) =	sbr.rel @!p1 .LBB2_13-.Ltmp11, $4  }
0x84: {  	_ = 	snop  }
0x85: {  	_ = 	snop  }
0x86: {  	_ = 	snop  }
0x87: {  	_ = 	snop  }
.LBB2_7:
0x88: {  	p1 =	por $0x1, $0x1  }
0x89: {  	s2 =	simm.s32 @!p1 $0x2  }
0x8a: {  	_ =	swait.ge @!p1 [sflag:s2], $0x800  }
0x8b: {  	s0 =	simm.s32 $0xFFFFFFB6;
	[sflag:s2] =	ssyncset.done @!p1 $0x0  }
.LBB2_8:
0x8c: {  	[sflag:s2] =	ssyncadd.s32 @!p1 $0xFFFFF800;
	s2 =	smov.u32 s0;
	s0 =	sadd.s32 $0x1, s0  }
0x8d: {  	p2 =	seq.s32 s0, $0x52  }
.Ltmp12:
0x8e: {  	(pc) =	sbr.rel @!p2 .LBB2_8-.Ltmp12, $4  }
0x8f: {  	p1 =	sgt.u32 s2, $0x2  }
0x90: {  	s2 =	simm.s32 @!p1 $0x2  }
0x91: {  	_ =	swait.ge @!p1 [sflag:s2], $0x800  }
0x92: {  	[sflag:s2] =	ssyncset.done @!p1 $0x0  }
.Ltmp13:
0x93: {  	(pc) =	sbr.rel .LBB2_18-.Ltmp13, $2  }
0x94: {  	_ =	sdelay $0x2  }
0x95: {  	[sflag:s2] =	ssyncadd.s32 @!p1 $0xFFFFF800;
	s0 =	smov.u32 s6  }
.LBB2_15:
0x96: {  	p1 =	por $0x1, $0x1  }
0x97: {  	s2 =	simm.s32 @!p1 $0x2  }
0x98: {  	_ =	swait.ge @!p1 [sflag:s2], $0x800  }
0x99: {  	s0 =	simm.s32 $0x1;
	[sflag:s2] =	ssyncset.done @!p1 $0x0  }
.LBB2_16:
0x9a: {  	[sflag:s2] =	ssyncadd.s32 @!p1 $0xFFFFF800;
	s2 =	smov.u32 s0;
	s0 =	sadd.s32 $0x1, s0  }
0x9b: {  	p2 =	sne.s32 s0, $0x9D  }
.Ltmp14:
0x9c: {  	(pc) =	sbr.rel @p2 .LBB2_16-.Ltmp14, $4  }
0x9d: {  	p1 =	slt.u32 s2, $0x9A  }
0x9e: {  	s2 =	simm.s32 @!p1 $0x2  }
0x9f: {  	_ =	swait.ge @!p1 [sflag:s2], $0x800  }
0xa0: {  	[sflag:s2] =	ssyncset.done @!p1 $0x0  }
.Ltmp15:
0xa1: {  	_ = 	snop;
	(pc) =	sbr.rel .LBB2_17-.Ltmp15, $1  }
0xa2: {  	_ =	sdelay $0x3  }
.LBB2_19:
0xa3: {  	_ =	sfence.sel $0x180000  }
0xa4: {  	[bflag:$0x0] =	sbarrier.arrive $0xFFFF  }
0xa5: {  	_ =	strace $0x90000047  }
0xa6: {  	[bflag:$0x2] =	sbarrier.arrive $0xFFFF  }
0xa7: {  	p0 =	sne.s32 s1, $0x0;
	s0 =	rddreg [dreg:$0x3]  }
0xa8: {  	s0 =	sadd.s32 @!p0 $0x100000, s0  }
0xa9: {  	[sflag:s0] =	ssyncadd.tile.s32 @!p0 $0x1;
	_ =	shalt  }
.Lfunc_end2:
_tile_overlayer_lowered:
.L_overlay_start_2:
0xaa: {  	(tag) =	ssettag $0x2  }
0xab: {  	s0 =	rddreg [dreg:$0x0];
	s2 =	stileid.u32  }
0xac: {  	s1 =	rddreg [dreg:$0x1];
	p0 =	sne.s32 s2, $0x0  }
0xad: {  	s3 =	rddreg [dreg:$0x2];
	[bflag:$0x3] =	sbarrier.arrive $0xFFFF;
	s2 =	simm.s32 @!p0 $0x1C03  }
0xae: {  	[timem:s3], [sflag:s2] =	dma.local @!p0 [hbm:s0], s1  }
0xaf: {  	s0 =	simm.s32 @!p0 $0x3  }
0xb0: {  	_ =	swait.ge @!p0 [sflag:s0], s1  }
0xb1: {  	s1 =	ssub.s32 @!p0 $0x0, s1;
	[sflag:s0] =	ssyncset.done @!p0 $0x0  }
0xb2: {  	[sflag:s0] =	ssyncadd.s32 @!p0 s1  }
0xb3: {  	[bflag:$0x3] =	sbarrier.arrive $0xFFFF  }
0xb4: {  	_ =	shalt  }

// kernel: kernel.15.cloned.1.call-start
scs
__scs_entry_jumppad:
0x0: {  	(pc) =	sbr.rel $0x88, $3  }
0x1: {  	(tag) =	ssettag $0x0;
	lr =	simm.s32 $0x1  }
0x2: {  	[smem:$0x3F96] =	sst lr;
	_ =	strace $0xD0000000  }
0x3: {  	_ = 	snop  }
0x4: {  	_ = 	snop  }
0x5: {  	_ = 	snop  }
0x6: {  	_ = 	snop  }
0x7: {  	_ = 	snop  }
__scs_overlays_trampoline_lowered:
0x8: {  	[smem:$0x3FA5] =	sst s0  }
0x9: {  	[smem:$0x3FA6] =	sst s1  }
0xa: {  	[smem:$0x3FA7] =	sst s2  }
0xb: {  	[smem:$0x3FA8] =	sst s3  }
0xc: {  	[smem:$0x3FA9] =	sst s4  }
0xd: {  	[smem:$0x3FAA] =	sst s5  }
0xe: {  	[smem:$0x3FAB] =	sst s6  }
0xf: {  	[smem:$0x3FAC] =	sst s7  }
0x10: {  	[smem:$0x3FAD] =	sst s8  }
0x11: {  	[smem:$0x3FAE] =	sst s9;
	s0 =	simm.s32 @!p0 $0x0  }
0x12: {  	s1 =	sld [smem:$0x3F94];
	s0 =	simm.s32 @p0 $0x1  }
0x13: {  	[smem:$0x3FAF] =	sst s0;
	s0 =	simm.s32 @!p1 $0x0  }
0x14: {  	s2 =	sld [smem:$0x3F93];
	s0 =	simm.s32 @p1 $0x1  }
0x15: {  	[smem:$0x3FB0] =	sst s0;
	s0 =	simm.s32 @!p2 $0x0  }
0x16: {  	s3 =	sld [smem:$0x3FDB];
	s0 =	simm.s32 @p2 $0x1  }
0x17: {  	s4 =	simm.s32 $0x1BF5;
	[smem:$0x3FB2] =	sst s0  }
0x18: {  	s0 =	sld [smem:$0x3F95];
	_ =	swait.ge [sflag:s4], $0x0  }
0x19: {  	s7 =	sld [smem:$0x3F96]  }
0x1a: {  	s8 =	sadd.s32 $0xFFFFE003, lr  }
0x1b: {  	s9 =	sadd.s32 $0xFFFFFEF7, lr;
	s5 =	simm.s32 $0xFFFFFFFF;
	p2 =	slt.u32 s8, $0xFFFFF086  }
0x1c: {  	p1 =	slt.u32 s9, $0xF7A;
	s5 =	simm.s32 @!p2 $0x0  }
0x1d: {  	s5 =	simm.s32 @p1 $0x1;
	p0 =	seq.s32 s7, s2  }
0x1e: {  	s7 =	smul.u32 @!p0 $0xF7A, s2;
	p2 =	seq.s32 @!p0 s5, $0x0  }
0x1f: {  	s9 =	smul.u32 $0xF7A, s1;
	s8 =	simm.s32 @!p0 $0x1BF5;
	p2 =	por !p2, p0  }
0x20: {  	[sflag:s8] =	ssyncset.s32 @!p0 $0xFFFFF086;
	s6 =	sadd.s32 @!p0 s3, s7;
	s7 =	simm.s32 @!p0 $0x108  }
0x21: {  	s3 =	sadd.s32 s3, s9;
	s6 =	sadd.s32 @!p0 $0x88, s6;
	s7 =	simm.s32 @p2 $0x1082  }
0x22: {  	[simem:s7], [sflag:s8] =	dma.local @!p0 [hbm:s6], $0xF7A  }
0x23: {  	s9 =	sor.u32 $0xD0000000, s2;
	s6 =	simm.s32 $0x108;
	_ =	swait.ge @!p0 [sflag:s8], $0x0  }
0x24: {  	s3 =	sadd.s32 $0x88, s3;
	s6 =	simm.s32 @!p1 $0x1082;
	[sflag:s4] =	ssyncset.s32 $0xFFFFF086  }
0x25: {  	[simem:s6], [sflag:s4] =	dma.local [hbm:s3], $0xF7A  }
0x26: {  	[smem:$0x3F96] =	sst s1;
	(tag) =	ssettag s2;
	_ =	strace s9  }
0x27: {  	s1 =	sld [smem:$0x3FA6]  }
0x28: {  	s2 =	sld [smem:$0x3FA7]  }
0x29: {  	s4 =	sld [smem:$0x3FA9]  }
0x2a: {  	p0 =	seq.s32 s5, $0x0;
	s5 =	sld [smem:$0x3FAA]  }
0x2b: {  	s6 =	sld [smem:$0x3FAB]  }
0x2c: {  	s7 =	sld [smem:$0x3FAC]  }
0x2d: {  	s3 =	simm.s32 $0x108;
	s8 =	sld [smem:$0x3FAD]  }
0x2e: {  	s3 =	simm.s32 @!p0 $0x1082;
	s9 =	sld [smem:$0x3FAE]  }
0x2f: {  	lr =	sadd.s32 s0, s3;
	s0 =	sld [smem:$0x3FA5]  }
0x30: {  	s3 =	sld [smem:$0x3FA8]  }
0x31: {  	[smem:$0x3FB1] =	sst s10  }
0x32: {  	s10 =	sld [smem:$0x3FAF];
	_ =	sdelay $0x3  }
0x33: {  	p0 =	seq.s32 s10, $0x1;
	s10 =	sld [smem:$0x3FB1];
	_ =	sdelay $0x3  }
0x34: {  	[smem:$0x3FB1] =	sst s10  }
0x35: {  	s10 =	sld [smem:$0x3FB0];
	_ =	sdelay $0x3  }
0x36: {  	p1 =	seq.s32 s10, $0x1;
	s10 =	sld [smem:$0x3FB1];
	_ =	sdelay $0x3  }
0x37: {  	[smem:$0x3FB1] =	sst s10  }
0x38: {  	s10 =	sld [smem:$0x3FB2]  }
0x39: {  	_ = 	snop;
	(pc) =	sbr.ind lr, $3  }
0x3a: {  	_ = 	snop  }
0x3b: {  	_ = 	snop  }
0x3c: {  	p2 =	seq.s32 s10, $0x1;
	s10 =	sld [smem:$0x3FB1]  }
0x3d: {  	_ =	shalt  }
0x3e: {  	_ =	shalt  }
0x3f: {  	_ =	shalt  }
0x40: {  	_ =	shalt  }
0x41: {  	_ =	shalt  }
0x42: {  	_ =	shalt  }
0x43: {  	_ =	shalt  }
0x44: {  	_ =	shalt  }
0x45: {  	_ =	shalt  }
0x46: {  	_ =	shalt  }
0x47: {  	_ =	shalt  }
0x48: {  	_ =	shalt  }
0x49: {  	_ =	shalt  }
0x4a: {  	_ =	shalt  }
0x4b: {  	_ =	shalt  }
0x4c: {  	_ =	shalt  }
0x4d: {  	_ =	shalt  }
0x4e: {  	_ =	shalt  }
0x4f: {  	_ =	shalt  }
0x50: {  	_ =	shalt  }
0x51: {  	_ =	shalt  }
0x52: {  	_ =	shalt  }
0x53: {  	_ =	shalt  }
0x54: {  	_ =	shalt  }
0x55: {  	_ =	shalt  }
0x56: {  	_ =	shalt  }
0x57: {  	_ =	shalt  }
0x58: {  	_ =	shalt  }
0x59: {  	_ =	shalt  }
0x5a: {  	_ =	shalt  }
0x5b: {  	_ =	shalt  }
0x5c: {  	_ =	shalt  }
0x5d: {  	_ =	shalt  }
0x5e: {  	_ =	shalt  }
0x5f: {  	_ =	shalt  }
0x60: {  	_ =	shalt  }
0x61: {  	_ =	shalt  }
0x62: {  	_ =	shalt  }
0x63: {  	_ =	shalt  }
0x64: {  	_ =	shalt  }
0x65: {  	_ =	shalt  }
0x66: {  	_ =	shalt  }
0x67: {  	_ =	shalt  }
0x68: {  	_ =	shalt  }
0x69: {  	_ =	shalt  }
0x6a: {  	_ =	shalt  }
0x6b: {  	_ =	shalt  }
0x6c: {  	_ =	shalt  }
0x6d: {  	_ =	shalt  }
0x6e: {  	_ =	shalt  }
0x6f: {  	_ =	shalt  }
0x70: {  	_ =	shalt  }
0x71: {  	_ =	shalt  }
0x72: {  	_ =	shalt  }
0x73: {  	_ =	shalt  }
0x74: {  	_ =	shalt  }
0x75: {  	_ =	shalt  }
0x76: {  	_ =	shalt  }
0x77: {  	_ =	shalt  }
0x78: {  	_ =	shalt  }
0x79: {  	_ =	shalt  }
0x7a: {  	_ =	shalt  }
0x7b: {  	_ =	shalt  }
0x7c: {  	_ =	shalt  }
0x7d: {  	_ =	shalt  }
0x7e: {  	_ =	shalt  }
0x7f: {  	_ =	shalt  }
0x80: {  	_ =	shalt  }
0x81: {  	_ =	shalt  }
0x82: {  	_ =	shalt  }
0x83: {  	_ =	shalt  }
0x84: {  	_ =	shalt  }
0x85: {  	_ =	shalt  }
0x86: {  	_ =	shalt  }
0x87: {  	_ =	shalt  }
.Lfunc_end0:
.L_simem_size_0:
called_computation.1_lowered:
.L_overlay_start_0:
0x88: {  	s2 =	sld [smem:$0x3FD9]  }
0x89: {  	s3 =	sld [smem:$0x3FFE];
	_ =	sdelay $0x1  }
0x8a: {  	s1 =	srdreg.scid  }
0x8b: {  	s0 =	sand.u32 $0x1, s1  }
0x8c: {  	s17 =	sshll.u32 s0, $0xA;
	s2 =	sadd.s32 s3, s2  }
0x8d: {  	s2 =	sadd.s32 s2, s17  }
0x8e: {  	[smem:$0x3FBD] =	sst s2  }
0x8f: {  	_ = 	snop  }
0x90: {  	s2 =	sld [smem:$0x3FD0];
	(tm) =	ssettm $0x1  }
0x91: {  	s18 =	sld [smem:$0x3FFB];
	_ =	sdelay $0x3  }
0x92: {  	_ =	strace s18  }
0x93: {  	s3 =	sld [smem:$0x3FFC];
	_ =	sdelay $0x3  }
0x94: {  	_ =	strace s3  }
0x95: {  	s3 =	sld [smem:$0x3FFD];
	_ =	sdelay $0x3  }
0x96: {  	_ =	strace s3  }
0x97: {  	_ =	strace $0x8FFFFFFF  }
0x98: {  	s19 =	sld [smem:$0x3FDB];
	_ =	sdelay $0x1  }
0x99: {  	s4 =	simm.s32 $_scs_section_size  }
0x9a: {  	s5 =	simm.s32 $_size__tile_overlayer_lowered;
	s6 =	simm.s32 $_tile_overlayer_lowered  }
0x9b: {  	s22 =	simm.s32 $0x1BFF;
	s21 =	sshll.u32 s6, $0x1;
	s3 =	sadd.s32 s4, s19  }
0x9c: {  	s7 =	simm.s32 $0x0;
	s20 =	sshll.u32 s5, $0x1;
	s5 =	sadd.s32 s21, s3  }
0x9d: {  	[timem:s7], [sflag:s22] =	dma.local [hbm:s5], s20  }
0x9e: {  	_ =	swait.ge [sflag:s22], s20  }
0x9f: {  	s4 =	ssub.s32 $0x0, s20;
	[sflag:s22] =	ssyncset.done $0x0  }
0xa0: {  	[sflag:s22] =	ssyncadd.s32 s4;
	_ =	sdelay $0x1  }
0xa1: {  	s23 =	simm.s32 $0x1B8B  }
0xa2: {  	_ =	swait.ge [sflag:s23], $0x1  }
0xa3: {  	[sflag:s23] =	ssyncset.done $0x0  }
0xa4: {  	s25 =	simm.s32 $0x1B8E;
	s24 =	sld [smem:$0x3FFE];
	[sflag:s23] =	ssyncadd.s32 $0xFFFFFFFF  }
0xa5: {  	s26 =	simm.s32 $execute0_lowered;
	[smem:$0x3FD2] =	sst s25  }
0xa6: {  	s5 =	sshll.u32 s26, $0x1;
	_ =	strace $0x80000049;
	[dreg:$0x1] =	wrdreg $0xFFFFFFFF  }
0xa7: {  	s28 =	simm.s32 $_size_execute0_lowered;
	s3 =	sadd.s32 s3, s5;
	[dreg:$0x0] =	wrdreg $0x0  }
0xa8: {  	s5 =	sshll.u32 s28, $0x1;
	[dreg:$0x2] =	wrdreg s3  }
0xa9: {  	[dreg:$0x3] =	wrdreg s5  }
0xaa: {  	[dreg:$0x4] =	wrdreg $0xC0  }
0xab: {  	_ =	task [dreg:s7], $0x5FFFF  }
0xac: {  	[dreg:$0x1] =	wrdreg $0xFFFFFFFF  }
0xad: {  	[dreg:$0x0] =	wrdreg $0x60  }
0xae: {  	[dreg:$0x2] =	wrdreg s24  }
0xaf: {  	[dreg:$0x3] =	wrdreg s2  }
0xb0: {  	[dreg:$0x4] =	wrdreg $0x14D000  }
0xb1: {  	[dreg:$0x5] =	wrdreg $0x9  }
0xb2: {  	_ =	task.clear_ibuf [dreg:s7], $0x6FFFF;
	_ =	strace $0x90000049  }
0xb3: {  	s29 =	simm.s32 $0x9;
	_ =	strace $0x8000004B  }
0xb4: {  	_ =	swait.ge [sflag:s29], $0x1  }
0xb5: {  	[sflag:s29] =	ssyncadd.s32 $0xFFFFFFFF  }
0xb6: {  	_ =	strace $0x9000004B  }
0xb7: {  	_ =	sfence  }
0xb8: {  	s30 =	sld [smem:$0x0];
	_ =	sdelay $0x2  }
0xb9: {  	s31 =	sshll.u32 s1, $0xD;
	s1 =	sshrl.u32 s1, $0x2  }
0xba: {  	s3 =	sand.u32 $0x4000, s31;
	s1 =	sadd.s32 s1, s30  }
0xbb: {  	s0 =	sor.u32 s3, s0;
	s1 =	sshll.u32 s1, $0x11  }
0xbc: {  	s0 =	sor.u32 s1, s0  }
0xbd: {  	s0 =	sadd.s32 $0x8F2B, s0  }
0xbe: {  	[sflag:s0] =	ssyncadd.remote.s32 $0x1  }
0xbf: {  	_ =	sfence.sel $0xFFFF  }
0xc0: {  	[dreg:$0x0] =	wrdreg $0xFFFFFFFF;
	(pc) =	sbr.abs _section_cstart, $3  }
0xc1: {  	[dreg:$0x1] =	wrdreg $0xFFFFFFFF  }
0xc2: {  	_ =	task.clear_ibuf [dreg:s7], $0x2FFFF;
	_ =	strace $0x9FFFFFFF  }
0xc3: {  	(tm) =	ssettm $0x7FFFFFFF  }
tec
execute0_lowered:
.L_overlay_start_1:
0x0: {  	(tag) =	ssettag $0x1  }
0x1: {  	s0 =	rddreg [dreg:$0x0]  }
0x2: {  	s3 =	rddreg [dreg:$0x2]  }
0x3: {  	s4 =	simm.s32 $0x0;
	s9 =	stileid.u32;
	s2 =	srdreg.scid  }
0x4: {  	s28 =	simm.s32 $0x2;
	s29 =	simm.s32 $0x1;
	s30 =	simm.s32 $0x80  }
0x5: {  	[smem:$0x7FF] =	sst s4;
	s1 =	smul.u32 $0x9D0, s9;
	s5 =	sadd.s32 $0xA7200, s0  }
0x6: {  	s6 =	sadd.s32 $0x93200, s0;
	s2 =	sand.u32 $0x1, s2;
	s8 =	smul.u32 $0x28000, s9  }
0x7: {  	s7 =	sadd.s32 $0xCF200, s0;
	s13 =	smul.u32 $0xA000, s9;
	_ =	strace $0x8000004A  }
0x8: {  	[dreg:$0x4] =	wrdreg s7;
	s24 =	ssub.s32 $0x2, s2;
	p0 =	sne.s32 s2, $0x0  }
0x9: {  	s7 =	simm.s32 $0xDD00;
	s1 =	sadd.s32 s1, s0;
	s0 =	sadd.s32 $0xBB200, s0  }
0xa: {  	s25 =	sshrl.u32 s24, $0x1;
	s26 =	sshrl.u32 s8, $0x2;
	s12 =	sshrl.u32 s13, $0x3  }
0xb: {  	s31 =	sadd.s32 s13, s3;
	s8 =	simm.s32 $0x0;
	[dreg:$0x5] =	wrdreg s0  }
0xc: {  	s0 =	ssub.s32 s24, s25;
	s9 =	sadd.s32 $0x11400, s1;
	s10 =	sadd.s32 $0x7600, s1  }
.Ltmp0:
0xd: {  	s11 =	sadd.s32 s26, s3;
	s24 =	simm.s32 $0x13D00;
	(pc) =	sbr.rel .LBB2_1-.Ltmp0, $4  }
0xe: {  	s25 =	sshrl.u32 s31, $0x3;
	s26 =	simm.s32 $0x3;
	s13 =	smax.u32 s0, $0x1  }
0xf: {  	s14 =	sadd.s32 $0x1000, s11;
	s15 =	sadd.s32 $0x2000, s11;
	s16 =	sadd.s32 $0x3000, s11  }
0x10: {  	s17 =	sadd.s32 $0x4000, s11;
	s18 =	sadd.s32 $0x5000, s11;
	s19 =	sadd.s32 $0x6000, s11  }
0x11: {  	s20 =	sadd.s32 $0x7000, s11;
	s21 =	sadd.s32 $0x8000, s11;
	s22 =	sadd.s32 $0x9000, s11  }
.LBB2_7:
0x12: {  	s1 =	rddreg [dreg:$0x5]  }
.LBB2_8:
0x13: {  	_ =	swait.ge [sflag:s28], $0x2000  }
0x14: {  	[sflag:s28] =	ssyncset.done $0x0  }
0x15: {  	[sflag:s28] =	ssyncadd.s32 $0xFFFFE000  }
0x16: {  	s0 =	stileid.u32;
	_ =	swait.ge [sflag:s28], $0x2000  }
0x17: {  	s1 =	sadd.s32 s1, s12;
	s8 =	sadd.s32 $0x1, s8;
	[sflag:s28] =	ssyncset.done $0x0  }
0x18: {  	s0 =	sshll.u32 s0, $0x6;
	p1 =	sne.s32 s8, s13;
	[sflag:s28] =	ssyncadd.s32 $0xFFFFE000  }
.Ltmp1:
0x19: {  	s0 =	sor.u32 $0x1C03, s0;
	[bflag:$0x0] =	sbarrier.arrive $0xFFFF;
	(pc) =	sbr.rel @!p1 .LBB2_9-.Ltmp1, $4  }
0x1a: {  	[hbm:s1], [sflag:s0] =	dma.local [spmem:s25], $0x1400  }
0x1b: {  	_ =	swait.ge [sflag:s26], $0x1400  }
0x1c: {  	[sflag:s26] =	ssyncset.done $0x0  }
0x1d: {  	[sflag:s26] =	ssyncadd.s32 $0xFFFFEC00  }
.LBB2_1:
0x1e: {  	[tilespmem:s4], [sflag:$0x1] =	stream.linear.gather [hbm4b:s9+s4], $0x4E80, $0x38;
	[tilespmem:$0x1ED00] =	vst v63  }
0x1f: {  	s0 =	simm.s32 $0x4E80  }
0x20: {  	[tilespmem:s0], [sflag:$0x1] =	stream.linear.gather [hbm4b:s10+s4], $0x4E80, $0x38;
	[tilespmem:$0x1ED00] =	vst v63  }
0x21: {  	s31 =	rddreg [dreg:$0x1]  }
0x22: {  	[tilespmem:s24], [sflag:$0x3] =	stream.linear.gather [hbm4b:s31+s4], $0x1000, $0x38;
	[tilespmem:$0x1ED00] =	vst v63  }
0x23: {  	_ =	swait.ge [sflag:s26], $0x1000  }
0x24: {  	[sflag:s26] =	ssyncset.done $0x0  }
0x25: {  	[sflag:s26] =	ssyncadd.s32 $0xFFFFF000  }
0x26: {  	[spmem:s11] =	stream.linear.scatter [tilespmem:s24], [sflag:$0x2], $0x1000, $0x38;
	[tilespmem:$0x1ED00] =	vst v63  }
0x27: {  	_ = 	snop  }
0x28: {  	[spmem:s14] =	stream.linear.scatter [tilespmem:s24], [sflag:$0x2], $0x1000, $0x38;
	[tilespmem:$0x1ED00] =	vst v63  }
0x29: {  	_ = 	snop  }
0x2a: {  	[spmem:s15] =	stream.linear.scatter [tilespmem:s24], [sflag:$0x2], $0x1000, $0x38;
	[tilespmem:$0x1ED00] =	vst v63  }
0x2b: {  	_ = 	snop  }
0x2c: {  	[spmem:s16] =	stream.linear.scatter [tilespmem:s24], [sflag:$0x2], $0x1000, $0x38;
	[tilespmem:$0x1ED00] =	vst v63  }
0x2d: {  	_ = 	snop  }
0x2e: {  	[spmem:s17] =	stream.linear.scatter [tilespmem:s24], [sflag:$0x2], $0x1000, $0x38;
	[tilespmem:$0x1ED00] =	vst v63  }
0x2f: {  	_ = 	snop  }
0x30: {  	[spmem:s18] =	stream.linear.scatter [tilespmem:s24], [sflag:$0x2], $0x1000, $0x38;
	[tilespmem:$0x1ED00] =	vst v63  }
0x31: {  	_ = 	snop  }
0x32: {  	[spmem:s19] =	stream.linear.scatter [tilespmem:s24], [sflag:$0x2], $0x1000, $0x38;
	[tilespmem:$0x1ED00] =	vst v63  }
0x33: {  	_ = 	snop  }
0x34: {  	[spmem:s20] =	stream.linear.scatter [tilespmem:s24], [sflag:$0x2], $0x1000, $0x38;
	[tilespmem:$0x1ED00] =	vst v63  }
0x35: {  	_ = 	snop  }
0x36: {  	[spmem:s21] =	stream.linear.scatter [tilespmem:s24], [sflag:$0x2], $0x1000, $0x38;
	[tilespmem:$0x1ED00] =	vst v63  }
0x37: {  	_ = 	snop  }
0x38: {  	[spmem:s22] =	stream.linear.scatter [tilespmem:s24], [sflag:$0x2], $0x1000, $0x38;
	[tilespmem:$0x1ED00] =	vst v63  }
0x39: {  	_ =	swait.ge [sflag:s28], $0x1000  }
0x3a: {  	[sflag:s28] =	ssyncset.done $0x0  }
0x3b: {  	[sflag:s28] =	ssyncadd.s32 $0xFFFFF000  }
0x3c: {  	_ =	swait.ge [sflag:s28], $0x1000  }
0x3d: {  	[sflag:s28] =	ssyncset.done $0x0  }
0x3e: {  	[sflag:s28] =	ssyncadd.s32 $0xFFFFF000  }
0x3f: {  	_ =	swait.ge [sflag:s28], $0x1000  }
0x40: {  	[sflag:s28] =	ssyncset.done $0x0  }
0x41: {  	[sflag:s28] =	ssyncadd.s32 $0xFFFFF000  }
0x42: {  	_ =	swait.ge [sflag:s28], $0x1000  }
0x43: {  	[sflag:s28] =	ssyncset.done $0x0  }
0x44: {  	[sflag:s28] =	ssyncadd.s32 $0xFFFFF000  }
0x45: {  	_ =	swait.ge [sflag:s28], $0x1000  }
0x46: {  	[sflag:s28] =	ssyncset.done $0x0  }
0x47: {  	[sflag:s28] =	ssyncadd.s32 $0xFFFFF000  }
0x48: {  	_ =	swait.ge [sflag:s28], $0x1000  }
0x49: {  	[sflag:s28] =	ssyncset.done $0x0  }
0x4a: {  	[sflag:s28] =	ssyncadd.s32 $0xFFFFF000  }
0x4b: {  	_ =	swait.ge [sflag:s28], $0x1000  }
0x4c: {  	[sflag:s28] =	ssyncset.done $0x0  }
0x4d: {  	[sflag:s28] =	ssyncadd.s32 $0xFFFFF000  }
0x4e: {  	_ =	swait.ge [sflag:s28], $0x1000  }
0x4f: {  	[sflag:s28] =	ssyncset.done $0x0  }
0x50: {  	[sflag:s28] =	ssyncadd.s32 $0xFFFFF000  }
0x51: {  	_ =	swait.ge [sflag:s28], $0x1000  }
0x52: {  	[sflag:s28] =	ssyncset.done $0x0  }
0x53: {  	[sflag:s28] =	ssyncadd.s32 $0xFFFFF000  }
0x54: {  	_ =	swait.ge [sflag:s28], $0x1000  }
0x55: {  	[sflag:s28] =	ssyncset.done $0x0  }
0x56: {  	[sflag:s28] =	ssyncadd.s32 $0xFFFFF000  }
0x57: {  	_ =	swait.ge [sflag:s29], $0x4E80  }
0x58: {  	[sflag:s29] =	ssyncset.done $0x0  }
0x59: {  	[sflag:s29] =	ssyncadd.s32 $0xFFFFB180  }
.Ltmp2:
0x5a: {  	_ =	swait.ge [sflag:s29], $0x4E80;
	(pc) =	sbr.rel @p0 .LBB2_5-.Ltmp2, $4  }
0x5b: {  	[sflag:s29] =	ssyncset.done $0x0  }
0x5c: {  	[sflag:s29] =	ssyncadd.s32 $0xFFFFB180  }
0x5d: {  	[bflag:$0x0] =	sbarrier.arrive $0xFFFF  }
0x5e: {  	s1 =	simm.s32 $0x0;
	s0 =	simm.s32 $0x9D00  }
0x5f: {  	[tilespmem:s0], [sflag:$0x1] =	stream.indirect.gather [hbm4b:s5+s30], $0x40, s1, s30, $0xb8;
	[tilespmem:$0x1ED00] =	vst v63  }
0x60: {  	s2 =	simm.s32 $0xBD00  }
0x61: {  	[tilespmem:s2], [sflag:$0x1] =	stream.indirect.gather [hbm4b:s5+s30], $0x40, s30, s30, $0xb8;
	[tilespmem:$0x1ED00] =	vst v63  }
0x62: {  	s23 =	simm.s32 $0x100  }
0x63: {  	[tilespmem:s7], [sflag:$0x1] =	stream.indirect.gather [hbm4b:s5+s30], $0x40, s23, s30, $0xb8;
	[tilespmem:$0x1ED00] =	vst v63  }
0x64: {  	s31 =	simm.s32 $0x180;
	s23 =	simm.s32 $0x4E80  }
.LBB2_3:
0x65: {  	p1 =	slt.u32 s1, $0x2  }
0x66: {  	s0 =	simm.s32 @!p1 $0x2  }
0x67: {  	p2 =	sgt.u32 @!p1 s1, $0x99;
	_ =	swait.ge @!p1 [sflag:s0], $0x2000  }
0x68: {  	p2 =	por p1, !p2;
	[sflag:s0] =	ssyncset.done @!p1 $0x0  }
0x69: {  	[sflag:s0] =	ssyncadd.s32 @!p1 $0xFFFFE000;
	s0 =	sadd.s32 @p2 $0x3, s1  }
0x6a: {  	s2 =	smul.u32 @p2 $0xCD, s0;
	_ =	sdelay $0x1  }
0x6b: {  	s2 =	sshrl.u32 @p2 s2, $0xA  }
0x6c: {  	s2 =	sand.u32 @p2 $0x3F, s2  }
0x6d: {  	s2 =	smul.u32 @p2 $0x5, s2;
	_ =	sdelay $0x1  }
0x6e: {  	s0 =	ssub.s32 @p2 s0, s2  }
0x6f: {  	s0 =	sand.u32 @p2 $0xFF, s0  }
0x70: {  	s0 =	sshll.u32 @p2 s0, $0xD  }
0x71: {  	s2 =	smul.u32 $0xCD, s1;
	s0 =	sadd.s32 @p2 $0x9D00, s0  }
0x72: {  	[tilespmem:s0], [sflag:$0x1] =	stream.indirect.gather @p2 [hbm4b:s5+s30], $0x40, s31, s30, $0xb8;
	[tilespmem:$0x1ED00] =	vst v63  }
0x73: {  	s0 =	sshrl.u32 s2, $0xA  }
0x74: {  	s0 =	sand.u32 $0x3F, s0  }
0x75: {  	s0 =	smul.u32 $0x5, s0;
	_ =	sdelay $0x1  }
0x76: {  	s0 =	ssub.s32 s1, s0;
	s1 =	sadd.s32 $0x1, s1  }
0x77: {  	p1 =	seq.s32 s1, $0x9D  }
.Ltmp3:
0x78: {  	_ =	swait.ge [sflag:s29], $0x2000;
	s0 =	sand.u32 $0xFF, s0;
	(pc) =	sbr.rel @!p1 .LBB2_3-.Ltmp3, $4  }
0x79: {  	[sflag:s29] =	ssyncset.done $0x0;
	s0 =	sshll.u32 s0, $0xD  }
0x7a: {  	[sflag:s29] =	ssyncadd.s32 $0xFFFFE000;
	s0 =	sadd.s32 $0x9D00, s0  }
0x7b: {  	[spmem:s3] =	stream.indirect.scatter.add.f32 [tilespmem:s0], [sflag:$0x2], $0x40, s23, s30, $0xb8;
	[tilespmem:$0x1ED00] =	vst v63  }
0x7c: {  	s31 =	sadd.s32 $0x80, s31;
	s23 =	sadd.s32 $0x80, s23  }
.Ltmp4:
0x7d: {  	(pc) =	sbr.rel .LBB2_8-.Ltmp4, $2  }
0x7e: {  	_ =	sdelay $0x2  }
0x7f: {  	s1 =	rddreg [dreg:$0x4]  }
.LBB2_5:
0x80: {  	[tilespmem:s0], [sflag:$0x1] =	stream.indirect.gather [hbm4b:s6+s30], $0x40, s1, s30, $0xb8;
	[tilespmem:$0x1ED00] =	vst v63  }
0x81: {  	s2 =	simm.s32 $0xBD00  }
0x82: {  	[tilespmem:s2], [sflag:$0x1] =	stream.indirect.gather [hbm4b:s6+s30], $0x40, s30, s30, $0xb8;
	[tilespmem:$0x1ED00] =	vst v63  }
0x83: {  	s23 =	simm.s32 $0x100  }
0x84: {  	[tilespmem:s7], [sflag:$0x1] =	stream.indirect.gather [hbm4b:s6+s30], $0x40, s23, s30, $0xb8;
	[tilespmem:$0x1ED00] =	vst v63  }
0x85: {  	s31 =	simm.s32 $0x180;
	s23 =	simm.s32 $0x4E80  }
.LBB2_6:
0x86: {  	p1 =	slt.u32 s1, $0x2  }
0x87: {  	s0 =	simm.s32 @!p1 $0x2  }
0x88: {  	p2 =	sgt.u32 @!p1 s1, $0x99;
	_ =	swait.ge @!p1 [sflag:s0], $0x2000  }
0x89: {  	p2 =	por p1, !p2;
	[sflag:s0] =	ssyncset.done @!p1 $0x0  }
0x8a: {  	[sflag:s0] =	ssyncadd.s32 @!p1 $0xFFFFE000;
	s0 =	sadd.s32 @p2 $0x3, s1  }
0x8b: {  	s2 =	smul.u32 @p2 $0xCD, s0;
	_ =	sdelay $0x1  }
0x8c: {  	s2 =	sshrl.u32 @p2 s2, $0xA  }
0x8d: {  	s2 =	sand.u32 @p2 $0x3F, s2  }
0x8e: {  	s2 =	smul.u32 @p2 $0x5, s2;
	_ =	sdelay $0x1  }
0x8f: {  	s0 =	ssub.s32 @p2 s0, s2  }
0x90: {  	s0 =	sand.u32 @p2 $0xFF, s0  }
0x91: {  	s0 =	sshll.u32 @p2 s0, $0xD  }
0x92: {  	s2 =	smul.u32 $0xCD, s1;
	s0 =	sadd.s32 @p2 $0x9D00, s0  }
0x93: {  	[tilespmem:s0], [sflag:$0x1] =	stream.indirect.gather @p2 [hbm4b:s6+s30], $0x40, s31, s30, $0xb8;
	[tilespmem:$0x1ED00] =	vst v63  }
0x94: {  	s0 =	sshrl.u32 s2, $0xA  }
0x95: {  	s0 =	sand.u32 $0x3F, s0  }
0x96: {  	s0 =	smul.u32 $0x5, s0;
	_ =	sdelay $0x1  }
0x97: {  	s0 =	ssub.s32 s1, s0;
	s1 =	sadd.s32 $0x1, s1  }
0x98: {  	p1 =	sne.s32 s1, $0x9D  }
.Ltmp5:
0x99: {  	_ =	swait.ge [sflag:s29], $0x2000;
	s0 =	sand.u32 $0xFF, s0;
	(pc) =	sbr.rel @p1 .LBB2_6-.Ltmp5, $4  }
0x9a: {  	[sflag:s29] =	ssyncset.done $0x0;
	s0 =	sshll.u32 s0, $0xD  }
0x9b: {  	[sflag:s29] =	ssyncadd.s32 $0xFFFFE000;
	s0 =	sadd.s32 $0x9D00, s0  }
0x9c: {  	[spmem:s3] =	stream.indirect.scatter.add.f32 [tilespmem:s0], [sflag:$0x2], $0x40, s23, s30, $0xb8;
	[tilespmem:$0x1ED00] =	vst v63  }
0x9d: {  	s31 =	sadd.s32 $0x80, s31;
	s23 =	sadd.s32 $0x80, s23  }
.Ltmp6:
0x9e: {  	_ = 	snop;
	(pc) =	sbr.rel .LBB2_7-.Ltmp6, $1  }
0x9f: {  	_ =	sdelay $0x3  }
.LBB2_9:
0xa0: {  	_ =	sfence.sel $0x180000  }
0xa1: {  	[bflag:$0x0] =	sbarrier.arrive $0xFFFF  }
0xa2: {  	_ =	strace $0x9000004A  }
0xa3: {  	s0 =	stileid.u32;
	[bflag:$0x2] =	sbarrier.arrive $0xFFFF  }
0xa4: {  	p0 =	sne.s32 s0, $0x0;
	s0 =	rddreg [dreg:$0x3]  }
0xa5: {  	s0 =	sadd.s32 @!p0 $0x100000, s0  }
0xa6: {  	[sflag:s0] =	ssyncadd.tile.s32 @!p0 $0x1;
	_ =	shalt  }
.Lfunc_end2:
_tile_overlayer_lowered:
.L_overlay_start_2:
0xa7: {  	(tag) =	ssettag $0x2  }
0xa8: {  	s0 =	rddreg [dreg:$0x0];
	s2 =	stileid.u32  }
0xa9: {  	s1 =	rddreg [dreg:$0x1];
	p0 =	sne.s32 s2, $0x0  }
0xaa: {  	s3 =	rddreg [dreg:$0x2];
	[bflag:$0x3] =	sbarrier.arrive $0xFFFF;
	s2 =	simm.s32 @!p0 $0x1C03  }
0xab: {  	[timem:s3], [sflag:s2] =	dma.local @!p0 [hbm:s0], s1  }
0xac: {  	s0 =	simm.s32 @!p0 $0x3  }
0xad: {  	_ =	swait.ge @!p0 [sflag:s0], s1  }
0xae: {  	s1 =	ssub.s32 @!p0 $0x0, s1;
	[sflag:s0] =	ssyncset.done @!p0 $0x0  }
0xaf: {  	[sflag:s0] =	ssyncadd.s32 @!p0 s1  }
0xb0: {  	[bflag:$0x3] =	sbarrier.arrive $0xFFFF  }
0xb1: {  	_ =	shalt  }

// kernel: kernel.18.cloned.1.call-start
scs
__scs_entry_jumppad:
0x0: {  	(pc) =	sbr.rel $0x88, $3  }
0x1: {  	(tag) =	ssettag $0x0;
	lr =	simm.s32 $0x1  }
0x2: {  	[smem:$0x3F96] =	sst lr;
	_ =	strace $0xD0000000  }
0x3: {  	_ = 	snop  }
0x4: {  	_ = 	snop  }
0x5: {  	_ = 	snop  }
0x6: {  	_ = 	snop  }
0x7: {  	_ = 	snop  }
__scs_overlays_trampoline_lowered:
0x8: {  	[smem:$0x3FA5] =	sst s0  }
0x9: {  	[smem:$0x3FA6] =	sst s1  }
0xa: {  	[smem:$0x3FA7] =	sst s2  }
0xb: {  	[smem:$0x3FA8] =	sst s3  }
0xc: {  	[smem:$0x3FA9] =	sst s4  }
0xd: {  	[smem:$0x3FAA] =	sst s5  }
0xe: {  	[smem:$0x3FAB] =	sst s6  }
0xf: {  	[smem:$0x3FAC] =	sst s7  }
0x10: {  	[smem:$0x3FAD] =	sst s8  }
0x11: {  	[smem:$0x3FAE] =	sst s9;
	s0 =	simm.s32 @!p0 $0x0  }
0x12: {  	s1 =	sld [smem:$0x3F94];
	s0 =	simm.s32 @p0 $0x1  }
0x13: {  	[smem:$0x3FAF] =	sst s0;
	s0 =	simm.s32 @!p1 $0x0  }
0x14: {  	s2 =	sld [smem:$0x3F93];
	s0 =	simm.s32 @p1 $0x1  }
0x15: {  	[smem:$0x3FB0] =	sst s0;
	s0 =	simm.s32 @!p2 $0x0  }
0x16: {  	s3 =	sld [smem:$0x3FDB];
	s0 =	simm.s32 @p2 $0x1  }
0x17: {  	s4 =	simm.s32 $0x1BF5;
	[smem:$0x3FB2] =	sst s0  }
0x18: {  	s0 =	sld [smem:$0x3F95];
	_ =	swait.ge [sflag:s4], $0x0  }
0x19: {  	s7 =	sld [smem:$0x3F96]  }
0x1a: {  	s8 =	sadd.s32 $0xFFFFE003, lr  }
0x1b: {  	s9 =	sadd.s32 $0xFFFFFEF7, lr;
	s5 =	simm.s32 $0xFFFFFFFF;
	p2 =	slt.u32 s8, $0xFFFFF086  }
0x1c: {  	p1 =	slt.u32 s9, $0xF7A;
	s5 =	simm.s32 @!p2 $0x0  }
0x1d: {  	s5 =	simm.s32 @p1 $0x1;
	p0 =	seq.s32 s7, s2  }
0x1e: {  	s7 =	smul.u32 @!p0 $0xF7A, s2;
	p2 =	seq.s32 @!p0 s5, $0x0  }
0x1f: {  	s9 =	smul.u32 $0xF7A, s1;
	s8 =	simm.s32 @!p0 $0x1BF5;
	p2 =	por !p2, p0  }
0x20: {  	[sflag:s8] =	ssyncset.s32 @!p0 $0xFFFFF086;
	s6 =	sadd.s32 @!p0 s3, s7;
	s7 =	simm.s32 @!p0 $0x108  }
0x21: {  	s3 =	sadd.s32 s3, s9;
	s6 =	sadd.s32 @!p0 $0x88, s6;
	s7 =	simm.s32 @p2 $0x1082  }
0x22: {  	[simem:s7], [sflag:s8] =	dma.local @!p0 [hbm:s6], $0xF7A  }
0x23: {  	s9 =	sor.u32 $0xD0000000, s2;
	s6 =	simm.s32 $0x108;
	_ =	swait.ge @!p0 [sflag:s8], $0x0  }
0x24: {  	s3 =	sadd.s32 $0x88, s3;
	s6 =	simm.s32 @!p1 $0x1082;
	[sflag:s4] =	ssyncset.s32 $0xFFFFF086  }
0x25: {  	[simem:s6], [sflag:s4] =	dma.local [hbm:s3], $0xF7A  }
0x26: {  	[smem:$0x3F96] =	sst s1;
	(tag) =	ssettag s2;
	_ =	strace s9  }
0x27: {  	s1 =	sld [smem:$0x3FA6]  }
0x28: {  	s2 =	sld [smem:$0x3FA7]  }
0x29: {  	s4 =	sld [smem:$0x3FA9]  }
0x2a: {  	p0 =	seq.s32 s5, $0x0;
	s5 =	sld [smem:$0x3FAA]  }
0x2b: {  	s6 =	sld [smem:$0x3FAB]  }
0x2c: {  	s7 =	sld [smem:$0x3FAC]  }
0x2d: {  	s3 =	simm.s32 $0x108;
	s8 =	sld [smem:$0x3FAD]  }
0x2e: {  	s3 =	simm.s32 @!p0 $0x1082;
	s9 =	sld [smem:$0x3FAE]  }
0x2f: {  	lr =	sadd.s32 s0, s3;
	s0 =	sld [smem:$0x3FA5]  }
0x30: {  	s3 =	sld [smem:$0x3FA8]  }
0x31: {  	[smem:$0x3FB1] =	sst s10  }
0x32: {  	s10 =	sld [smem:$0x3FAF];
	_ =	sdelay $0x3  }
0x33: {  	p0 =	seq.s32 s10, $0x1;
	s10 =	sld [smem:$0x3FB1];
	_ =	sdelay $0x3  }
0x34: {  	[smem:$0x3FB1] =	sst s10  }
0x35: {  	s10 =	sld [smem:$0x3FB0];
	_ =	sdelay $0x3  }
0x36: {  	p1 =	seq.s32 s10, $0x1;
	s10 =	sld [smem:$0x3FB1];
	_ =	sdelay $0x3  }
0x37: {  	[smem:$0x3FB1] =	sst s10  }
0x38: {  	s10 =	sld [smem:$0x3FB2]  }
0x39: {  	_ = 	snop;
	(pc) =	sbr.ind lr, $3  }
0x3a: {  	_ = 	snop  }
0x3b: {  	_ = 	snop  }
0x3c: {  	p2 =	seq.s32 s10, $0x1;
	s10 =	sld [smem:$0x3FB1]  }
0x3d: {  	_ =	shalt  }
0x3e: {  	_ =	shalt  }
0x3f: {  	_ =	shalt  }
0x40: {  	_ =	shalt  }
0x41: {  	_ =	shalt  }
0x42: {  	_ =	shalt  }
0x43: {  	_ =	shalt  }
0x44: {  	_ =	shalt  }
0x45: {  	_ =	shalt  }
0x46: {  	_ =	shalt  }
0x47: {  	_ =	shalt  }
0x48: {  	_ =	shalt  }
0x49: {  	_ =	shalt  }
0x4a: {  	_ =	shalt  }
0x4b: {  	_ =	shalt  }
0x4c: {  	_ =	shalt  }
0x4d: {  	_ =	shalt  }
0x4e: {  	_ =	shalt  }
0x4f: {  	_ =	shalt  }
0x50: {  	_ =	shalt  }
0x51: {  	_ =	shalt  }
0x52: {  	_ =	shalt  }
0x53: {  	_ =	shalt  }
0x54: {  	_ =	shalt  }
0x55: {  	_ =	shalt  }
0x56: {  	_ =	shalt  }
0x57: {  	_ =	shalt  }
0x58: {  	_ =	shalt  }
0x59: {  	_ =	shalt  }
0x5a: {  	_ =	shalt  }
0x5b: {  	_ =	shalt  }
0x5c: {  	_ =	shalt  }
0x5d: {  	_ =	shalt  }
0x5e: {  	_ =	shalt  }
0x5f: {  	_ =	shalt  }
0x60: {  	_ =	shalt  }
0x61: {  	_ =	shalt  }
0x62: {  	_ =	shalt  }
0x63: {  	_ =	shalt  }
0x64: {  	_ =	shalt  }
0x65: {  	_ =	shalt  }
0x66: {  	_ =	shalt  }
0x67: {  	_ =	shalt  }
0x68: {  	_ =	shalt  }
0x69: {  	_ =	shalt  }
0x6a: {  	_ =	shalt  }
0x6b: {  	_ =	shalt  }
0x6c: {  	_ =	shalt  }
0x6d: {  	_ =	shalt  }
0x6e: {  	_ =	shalt  }
0x6f: {  	_ =	shalt  }
0x70: {  	_ =	shalt  }
0x71: {  	_ =	shalt  }
0x72: {  	_ =	shalt  }
0x73: {  	_ =	shalt  }
0x74: {  	_ =	shalt  }
0x75: {  	_ =	shalt  }
0x76: {  	_ =	shalt  }
0x77: {  	_ =	shalt  }
0x78: {  	_ =	shalt  }
0x79: {  	_ =	shalt  }
0x7a: {  	_ =	shalt  }
0x7b: {  	_ =	shalt  }
0x7c: {  	_ =	shalt  }
0x7d: {  	_ =	shalt  }
0x7e: {  	_ =	shalt  }
0x7f: {  	_ =	shalt  }
0x80: {  	_ =	shalt  }
0x81: {  	_ =	shalt  }
0x82: {  	_ =	shalt  }
0x83: {  	_ =	shalt  }
0x84: {  	_ =	shalt  }
0x85: {  	_ =	shalt  }
0x86: {  	_ =	shalt  }
0x87: {  	_ =	shalt  }
.Lfunc_end0:
.L_simem_size_0:
called_computation.2_lowered:
.L_overlay_start_0:
0x88: {  	s2 =	sld [smem:$0x3FD9]  }
0x89: {  	s3 =	sld [smem:$0x3FFE];
	_ =	sdelay $0x1  }
0x8a: {  	s1 =	srdreg.scid  }
0x8b: {  	s0 =	sand.u32 $0x1, s1  }
0x8c: {  	s17 =	sshll.u32 s0, $0xA;
	s2 =	sadd.s32 s3, s2  }
0x8d: {  	s2 =	sadd.s32 s2, s17  }
0x8e: {  	[smem:$0x3FBD] =	sst s2  }
0x8f: {  	_ = 	snop  }
0x90: {  	s2 =	sld [smem:$0x3FD0];
	(tm) =	ssettm $0x1  }
0x91: {  	s18 =	sld [smem:$0x3FFB];
	_ =	sdelay $0x3  }
0x92: {  	_ =	strace s18  }
0x93: {  	s3 =	sld [smem:$0x3FFC];
	_ =	sdelay $0x3  }
0x94: {  	_ =	strace s3  }
0x95: {  	s3 =	sld [smem:$0x3FFD];
	_ =	sdelay $0x3  }
0x96: {  	_ =	strace s3  }
0x97: {  	_ =	strace $0x8FFFFFFF  }
0x98: {  	s19 =	sld [smem:$0x3FDB];
	_ =	sdelay $0x1  }
0x99: {  	s4 =	simm.s32 $_scs_section_size  }
0x9a: {  	s5 =	simm.s32 $_size__tile_overlayer_lowered;
	s6 =	simm.s32 $_tile_overlayer_lowered  }
0x9b: {  	s22 =	simm.s32 $0x1BFF;
	s21 =	sshll.u32 s6, $0x1;
	s3 =	sadd.s32 s4, s19  }
0x9c: {  	s7 =	simm.s32 $0x0;
	s20 =	sshll.u32 s5, $0x1;
	s5 =	sadd.s32 s21, s3  }
0x9d: {  	[timem:s7], [sflag:s22] =	dma.local [hbm:s5], s20  }
0x9e: {  	_ =	swait.ge [sflag:s22], s20  }
0x9f: {  	s4 =	ssub.s32 $0x0, s20;
	[sflag:s22] =	ssyncset.done $0x0  }
0xa0: {  	[sflag:s22] =	ssyncadd.s32 s4;
	_ =	sdelay $0x1  }
0xa1: {  	s23 =	simm.s32 $0x1B8B  }
0xa2: {  	_ =	swait.ge [sflag:s23], $0x1  }
0xa3: {  	[sflag:s23] =	ssyncset.done $0x0  }
0xa4: {  	s25 =	simm.s32 $0x1B8E;
	s24 =	sld [smem:$0x3FFE];
	[sflag:s23] =	ssyncadd.s32 $0xFFFFFFFF  }
0xa5: {  	s26 =	simm.s32 $execute0_lowered;
	[smem:$0x3FD2] =	sst s25  }
0xa6: {  	s5 =	sshll.u32 s26, $0x1;
	_ =	strace $0x8000004C;
	[dreg:$0x1] =	wrdreg $0xFFFFFFFF  }
0xa7: {  	s28 =	simm.s32 $_size_execute0_lowered;
	s3 =	sadd.s32 s3, s5;
	[dreg:$0x0] =	wrdreg $0x0  }
0xa8: {  	s5 =	sshll.u32 s28, $0x1;
	[dreg:$0x2] =	wrdreg s3  }
0xa9: {  	[dreg:$0x3] =	wrdreg s5  }
0xaa: {  	[dreg:$0x4] =	wrdreg $0xC0  }
0xab: {  	_ =	task [dreg:s7], $0x5FFFF  }
0xac: {  	[dreg:$0x1] =	wrdreg $0xFFFFFFFF  }
0xad: {  	[dreg:$0x0] =	wrdreg $0x60  }
0xae: {  	[dreg:$0x2] =	wrdreg s24  }
0xaf: {  	[dreg:$0x3] =	wrdreg s2  }
0xb0: {  	[dreg:$0x4] =	wrdreg $0x14D000  }
0xb1: {  	[dreg:$0x5] =	wrdreg $0x9  }
0xb2: {  	_ =	task.clear_ibuf [dreg:s7], $0x6FFFF;
	_ =	strace $0x9000004C  }
0xb3: {  	s29 =	simm.s32 $0x9;
	_ =	strace $0x8000004E  }
0xb4: {  	_ =	swait.ge [sflag:s29], $0x1  }
0xb5: {  	[sflag:s29] =	ssyncadd.s32 $0xFFFFFFFF  }
0xb6: {  	_ =	strace $0x9000004E  }
0xb7: {  	_ =	sfence  }
0xb8: {  	s30 =	sld [smem:$0x0];
	_ =	sdelay $0x2  }
0xb9: {  	s31 =	sshll.u32 s1, $0xD;
	s1 =	sshrl.u32 s1, $0x2  }
0xba: {  	s3 =	sand.u32 $0x4000, s31;
	s1 =	sadd.s32 s1, s30  }
0xbb: {  	s0 =	sor.u32 s3, s0;
	s1 =	sshll.u32 s1, $0x11  }
0xbc: {  	s0 =	sor.u32 s1, s0  }
0xbd: {  	s0 =	sadd.s32 $0x8F2B, s0  }
0xbe: {  	[sflag:s0] =	ssyncadd.remote.s32 $0x1  }
0xbf: {  	_ =	sfence.sel $0xFFFF  }
0xc0: {  	[dreg:$0x0] =	wrdreg $0xFFFFFFFF;
	(pc) =	sbr.abs _section_cstart, $3  }
0xc1: {  	[dreg:$0x1] =	wrdreg $0xFFFFFFFF  }
0xc2: {  	_ =	task.clear_ibuf [dreg:s7], $0x2FFFF;
	_ =	strace $0x9FFFFFFF  }
0xc3: {  	(tm) =	ssettm $0x7FFFFFFF  }
tec
execute0_lowered:
.L_overlay_start_1:
0x0: {  	(tag) =	ssettag $0x1  }
0x1: {  	s0 =	rddreg [dreg:$0x0]  }
0x2: {  	s2 =	rddreg [dreg:$0x2]  }
0x3: {  	s4 =	simm.s32 $0x0;
	s11 =	stileid.u32;
	s3 =	srdreg.scid  }
0x4: {  	s30 =	simm.s32 $0x13D00;
	s29 =	simm.s32 $0xDD00;
	s5 =	sadd.s32 $0x1BF200, s0  }
0x5: {  	[smem:$0x7FF] =	sst s4;
	s6 =	sadd.s32 $0x1AB200, s0;
	s1 =	smul.u32 $0x9D0, s11  }
0x6: {  	s31 =	simm.s32 $0x3;
	s7 =	sadd.s32 $0x197200, s0;
	s8 =	sadd.s32 $0x183200, s0  }
0x7: {  	s9 =	sadd.s32 $0x20F200, s0;
	s3 =	sand.u32 $0x1, s3;
	s20 =	sadd.s32 $0x1FB200, s0  }
0x8: {  	s10 =	smul.u32 $0x28000, s11;
	_ =	strace $0x8000004D;
	[dreg:$0x4] =	wrdreg s9  }
0x9: {  	s12 =	sadd.s32 $0x1E7200, s0;
	s24 =	smul.u32 $0xA000, s11;
	[dreg:$0x5] =	wrdreg s20  }
0xa: {  	s21 =	ssub.s32 $0x2, s3;
	[dreg:$0x6] =	wrdreg s12;
	p0 =	sne.s32 s3, $0x0  }
0xb: {  	s9 =	simm.s32 $0x80;
	s3 =	simm.s32 $0x0;
	s1 =	sadd.s32 s1, s0  }
0xc: {  	s0 =	sadd.s32 $0x1D3200, s0;
	s22 =	sshrl.u32 s21, $0x1;
	s23 =	sshrl.u32 s10, $0x2  }
0xd: {  	s16 =	sshrl.u32 s24, $0x3;
	s26 =	sadd.s32 s24, s2;
	[dreg:$0x7] =	wrdreg s0  }
0xe: {  	s0 =	ssub.s32 s21, s22;
	s25 =	sadd.s32 $0x11400, s1;
	[dreg:$0xa] =	wrdreg s26  }
0xf: {  	s1 =	sadd.s32 $0x7600, s1;
	s15 =	sadd.s32 s23, s2;
	[dreg:$0x8] =	wrdreg s25  }
.Ltmp0:
0x10: {  	[dreg:$0x9] =	wrdreg s1;
	s0 =	smax.u32 s0, $0x1;
	(pc) =	sbr.rel .LBB2_1-.Ltmp0, $4  }
0x11: {  	s19 =	sadd.s32 $0x1000, s15;
	s20 =	sadd.s32 $0x2000, s15;
	s21 =	sadd.s32 $0x3000, s15  }
0x12: {  	s22 =	sadd.s32 $0x4000, s15;
	s23 =	sadd.s32 $0x5000, s15;
	s24 =	sadd.s32 $0x6000, s15  }
0x13: {  	s25 =	sadd.s32 $0x7000, s15;
	s26 =	sadd.s32 $0x8000, s15;
	s28 =	sadd.s32 $0x9000, s15  }
0x14: {  	s1 =	simm.s32 $0x1;
	[dreg:$0xb] =	wrdreg s0;
	s0 =	simm.s32 $0x2  }
.LBB2_14:
0x15: {  	s10 =	rddreg [dreg:$0x7]  }
.LBB2_15:
0x16: {  	_ =	swait.ge [sflag:s0], $0x2000  }
0x17: {  	[sflag:s0] =	ssyncset.done $0x0  }
0x18: {  	[sflag:s0] =	ssyncadd.s32 $0xFFFFE000  }
0x19: {  	_ =	swait.ge [sflag:s0], $0x2000  }
0x1a: {  	[sflag:s0] =	ssyncset.done $0x0  }
0x1b: {  	[sflag:s0] =	ssyncadd.s32 $0xFFFFE000  }
0x1c: {  	s10 =	sadd.s32 s10, s16;
	[bflag:$0x0] =	sbarrier.arrive $0xFFFF  }
0x1d: {  	[hbm:s10], [sflag:s13] =	dma.local [spmem:s14], $0x1400  }
0x1e: {  	_ =	swait.ge [sflag:s31], $0x1400  }
0x1f: {  	s3 =	sadd.s32 $0x1, s3;
	s18 =	rddreg [dreg:$0xb]  }
0x20: {  	p1 =	sne.s32 s3, s18  }
.Ltmp1:
0x21: {  	_ = 	snop;
	(pc) =	sbr.rel @!p1 .LBB2_16-.Ltmp1, $3  }
0x22: {  	_ =	sdelay $0x1  }
0x23: {  	[sflag:s31] =	ssyncset.done $0x0  }
0x24: {  	[sflag:s31] =	ssyncadd.s32 $0xFFFFEC00  }
.LBB2_1:
0x25: {  	s10 =	rddreg [dreg:$0x8]  }
0x26: {  	[tilespmem:s4], [sflag:$0x1] =	stream.linear.gather [hbm4b:s10+s4], $0x4E80, $0x38;
	[tilespmem:$0x1ED00] =	vst v63  }
0x27: {  	s17 =	rddreg [dreg:$0x9];
	s11 =	simm.s32 $0x4E80  }
0x28: {  	[tilespmem:s11], [sflag:$0x1] =	stream.linear.gather [hbm4b:s17+s4], $0x4E80, $0x38;
	[tilespmem:$0x1ED00] =	vst v63  }
0x29: {  	s18 =	rddreg [dreg:$0x1]  }
0x2a: {  	[tilespmem:s30], [sflag:$0x3] =	stream.linear.gather [hbm4b:s18+s4], $0x1000, $0x38;
	[tilespmem:$0x1ED00] =	vst v63  }
0x2b: {  	_ =	swait.ge [sflag:s31], $0x1000  }
0x2c: {  	[sflag:s31] =	ssyncset.done $0x0  }
0x2d: {  	[sflag:s31] =	ssyncadd.s32 $0xFFFFF000  }
0x2e: {  	[spmem:s15] =	stream.linear.scatter [tilespmem:s30], [sflag:$0x2], $0x1000, $0x38;
	[tilespmem:$0x1ED00] =	vst v63  }
0x2f: {  	_ = 	snop  }
0x30: {  	[spmem:s19] =	stream.linear.scatter [tilespmem:s30], [sflag:$0x2], $0x1000, $0x38;
	[tilespmem:$0x1ED00] =	vst v63  }
0x31: {  	_ = 	snop  }
0x32: {  	[spmem:s20] =	stream.linear.scatter [tilespmem:s30], [sflag:$0x2], $0x1000, $0x38;
	[tilespmem:$0x1ED00] =	vst v63  }
0x33: {  	_ = 	snop  }
0x34: {  	[spmem:s21] =	stream.linear.scatter [tilespmem:s30], [sflag:$0x2], $0x1000, $0x38;
	[tilespmem:$0x1ED00] =	vst v63  }
0x35: {  	_ = 	snop  }
0x36: {  	[spmem:s22] =	stream.linear.scatter [tilespmem:s30], [sflag:$0x2], $0x1000, $0x38;
	[tilespmem:$0x1ED00] =	vst v63  }
0x37: {  	_ = 	snop  }
0x38: {  	[spmem:s23] =	stream.linear.scatter [tilespmem:s30], [sflag:$0x2], $0x1000, $0x38;
	[tilespmem:$0x1ED00] =	vst v63  }
0x39: {  	_ = 	snop  }
0x3a: {  	[spmem:s24] =	stream.linear.scatter [tilespmem:s30], [sflag:$0x2], $0x1000, $0x38;
	[tilespmem:$0x1ED00] =	vst v63  }
0x3b: {  	_ = 	snop  }
0x3c: {  	[spmem:s25] =	stream.linear.scatter [tilespmem:s30], [sflag:$0x2], $0x1000, $0x38;
	[tilespmem:$0x1ED00] =	vst v63  }
0x3d: {  	_ = 	snop  }
0x3e: {  	[spmem:s26] =	stream.linear.scatter [tilespmem:s30], [sflag:$0x2], $0x1000, $0x38;
	[tilespmem:$0x1ED00] =	vst v63  }
0x3f: {  	_ = 	snop  }
0x40: {  	[spmem:s28] =	stream.linear.scatter [tilespmem:s30], [sflag:$0x2], $0x1000, $0x38;
	[tilespmem:$0x1ED00] =	vst v63  }
0x41: {  	_ =	swait.ge [sflag:s0], $0x1000  }
0x42: {  	[sflag:s0] =	ssyncset.done $0x0  }
0x43: {  	[sflag:s0] =	ssyncadd.s32 $0xFFFFF000  }
0x44: {  	_ =	swait.ge [sflag:s0], $0x1000  }
0x45: {  	[sflag:s0] =	ssyncset.done $0x0  }
0x46: {  	[sflag:s0] =	ssyncadd.s32 $0xFFFFF000  }
0x47: {  	_ =	swait.ge [sflag:s0], $0x1000  }
0x48: {  	[sflag:s0] =	ssyncset.done $0x0  }
0x49: {  	[sflag:s0] =	ssyncadd.s32 $0xFFFFF000  }
0x4a: {  	_ =	swait.ge [sflag:s0], $0x1000  }
0x4b: {  	[sflag:s0] =	ssyncset.done $0x0  }
0x4c: {  	[sflag:s0] =	ssyncadd.s32 $0xFFFFF000  }
0x4d: {  	_ =	swait.ge [sflag:s0], $0x1000  }
0x4e: {  	[sflag:s0] =	ssyncset.done $0x0  }
0x4f: {  	[sflag:s0] =	ssyncadd.s32 $0xFFFFF000  }
0x50: {  	_ =	swait.ge [sflag:s0], $0x1000  }
0x51: {  	[sflag:s0] =	ssyncset.done $0x0  }
0x52: {  	[sflag:s0] =	ssyncadd.s32 $0xFFFFF000  }
0x53: {  	_ =	swait.ge [sflag:s0], $0x1000  }
0x54: {  	[sflag:s0] =	ssyncset.done $0x0  }
0x55: {  	[sflag:s0] =	ssyncadd.s32 $0xFFFFF000  }
0x56: {  	_ =	swait.ge [sflag:s0], $0x1000  }
0x57: {  	[sflag:s0] =	ssyncset.done $0x0  }
0x58: {  	[sflag:s0] =	ssyncadd.s32 $0xFFFFF000  }
0x59: {  	_ =	swait.ge [sflag:s0], $0x1000  }
0x5a: {  	[sflag:s0] =	ssyncset.done $0x0  }
0x5b: {  	[sflag:s0] =	ssyncadd.s32 $0xFFFFF000  }
0x5c: {  	_ =	swait.ge [sflag:s0], $0x1000  }
0x5d: {  	[sflag:s0] =	ssyncset.done $0x0  }
0x5e: {  	[sflag:s0] =	ssyncadd.s32 $0xFFFFF000  }
0x5f: {  	_ =	swait.ge [sflag:s1], $0x4E80  }
0x60: {  	[sflag:s1] =	ssyncset.done $0x0  }
0x61: {  	[sflag:s1] =	ssyncadd.s32 $0xFFFFB180  }
.Ltmp2:
0x62: {  	_ =	swait.ge [sflag:s1], $0x4E80;
	(pc) =	sbr.rel @p0 .LBB2_5-.Ltmp2, $4  }
0x63: {  	[sflag:s1] =	ssyncset.done $0x0  }
0x64: {  	[sflag:s1] =	ssyncadd.s32 $0xFFFFB180  }
0x65: {  	[bflag:$0x0] =	sbarrier.arrive $0xFFFF  }
0x66: {  	s13 =	simm.s32 $0x0;
	s10 =	simm.s32 $0x9D00  }
0x67: {  	[tilespmem:s10], [sflag:$0x1] =	stream.indirect.gather [hbm4b:s5+s9], $0x40, s13, s9, $0xb8;
	[tilespmem:$0x1ED00] =	vst v63  }
0x68: {  	s17 =	simm.s32 $0xBD00  }
0x69: {  	[tilespmem:s17], [sflag:$0x1] =	stream.indirect.gather [hbm4b:s5+s9], $0x40, s9, s9, $0xb8;
	[tilespmem:$0x1ED00] =	vst v63  }
0x6a: {  	s18 =	simm.s32 $0x100;
	s14 =	simm.s32 $0x4E80;
	s17 =	simm.s32 $0x180  }
0x6b: {  	[tilespmem:s29], [sflag:$0x1] =	stream.indirect.gather [hbm4b:s5+s9], $0x40, s18, s9, $0xb8;
	[tilespmem:$0x1ED00] =	vst v63  }
.LBB2_3:
0x6c: {  	p1 =	slt.u32 s13, $0x2  }
0x6d: {  	s10 =	simm.s32 @!p1 $0x2  }
0x6e: {  	p2 =	sgt.u32 @!p1 s13, $0x99;
	_ =	swait.ge @!p1 [sflag:s10], $0x2000  }
0x6f: {  	p2 =	por p1, !p2;
	[sflag:s10] =	ssyncset.done @!p1 $0x0  }
0x70: {  	[sflag:s10] =	ssyncadd.s32 @!p1 $0xFFFFE000;
	s10 =	sadd.s32 @p2 $0x3, s13  }
0x71: {  	s18 =	smul.u32 @p2 $0xCD, s10;
	_ =	sdelay $0x1  }
0x72: {  	s18 =	sshrl.u32 @p2 s18, $0xA  }
0x73: {  	s18 =	sand.u32 @p2 $0x3F, s18  }
0x74: {  	s18 =	smul.u32 @p2 $0x5, s18;
	_ =	sdelay $0x1  }
0x75: {  	s10 =	ssub.s32 @p2 s10, s18  }
0x76: {  	s10 =	sand.u32 @p2 $0xFF, s10  }
0x77: {  	s10 =	sshll.u32 @p2 s10, $0xD  }
0x78: {  	s18 =	smul.u32 $0xCD, s13;
	s10 =	sadd.s32 @p2 $0x9D00, s10  }
0x79: {  	[tilespmem:s10], [sflag:$0x1] =	stream.indirect.gather @p2 [hbm4b:s5+s9], $0x40, s17, s9, $0xb8;
	[tilespmem:$0x1ED00] =	vst v63  }
0x7a: {  	s10 =	sshrl.u32 s18, $0xA  }
0x7b: {  	s10 =	sand.u32 $0x3F, s10  }
0x7c: {  	s10 =	smul.u32 $0x5, s10;
	_ =	sdelay $0x1  }
0x7d: {  	s10 =	ssub.s32 s13, s10;
	s13 =	sadd.s32 $0x1, s13  }
0x7e: {  	p1 =	seq.s32 s13, $0x9D  }
.Ltmp3:
0x7f: {  	_ =	swait.ge [sflag:s1], $0x2000;
	s10 =	sand.u32 $0xFF, s10;
	(pc) =	sbr.rel @!p1 .LBB2_3-.Ltmp3, $4  }
0x80: {  	[sflag:s1] =	ssyncset.done $0x0;
	s10 =	sshll.u32 s10, $0xD  }
0x81: {  	[sflag:s1] =	ssyncadd.s32 $0xFFFFE000;
	s10 =	sadd.s32 $0x9D00, s10  }
0x82: {  	[spmem:s2] =	stream.indirect.scatter.add.f32 [tilespmem:s10], [sflag:$0x2], $0x40, s14, s9, $0xb8;
	[tilespmem:$0x1ED00] =	vst v63  }
0x83: {  	s17 =	sadd.s32 $0x80, s17;
	s14 =	sadd.s32 $0x80, s14  }
.Ltmp4:
0x84: {  	(pc) =	sbr.rel .LBB2_8-.Ltmp4, $2  }
0x85: {  	_ =	sdelay $0x2  }
0x86: {  	s10 =	rddreg [dreg:$0x4]  }
.LBB2_5:
0x87: {  	[tilespmem:s10], [sflag:$0x1] =	stream.indirect.gather [hbm4b:s7+s9], $0x40, s13, s9, $0xb8;
	[tilespmem:$0x1ED00] =	vst v63  }
0x88: {  	s17 =	simm.s32 $0xBD00  }
0x89: {  	[tilespmem:s17], [sflag:$0x1] =	stream.indirect.gather [hbm4b:s7+s9], $0x40, s9, s9, $0xb8;
	[tilespmem:$0x1ED00] =	vst v63  }
0x8a: {  	s18 =	simm.s32 $0x100;
	s14 =	simm.s32 $0x4E80;
	s17 =	simm.s32 $0x180  }
0x8b: {  	[tilespmem:s29], [sflag:$0x1] =	stream.indirect.gather [hbm4b:s7+s9], $0x40, s18, s9, $0xb8;
	[tilespmem:$0x1ED00] =	vst v63  }
.LBB2_6:
0x8c: {  	p1 =	slt.u32 s13, $0x2  }
0x8d: {  	s10 =	simm.s32 @!p1 $0x2  }
0x8e: {  	p2 =	sgt.u32 @!p1 s13, $0x99;
	_ =	swait.ge @!p1 [sflag:s10], $0x2000  }
0x8f: {  	p2 =	por p1, !p2;
	[sflag:s10] =	ssyncset.done @!p1 $0x0  }
0x90: {  	[sflag:s10] =	ssyncadd.s32 @!p1 $0xFFFFE000;
	s10 =	sadd.s32 @p2 $0x3, s13  }
0x91: {  	s18 =	smul.u32 @p2 $0xCD, s10;
	_ =	sdelay $0x1  }
0x92: {  	s18 =	sshrl.u32 @p2 s18, $0xA  }
0x93: {  	s18 =	sand.u32 @p2 $0x3F, s18  }
0x94: {  	s18 =	smul.u32 @p2 $0x5, s18;
	_ =	sdelay $0x1  }
0x95: {  	s10 =	ssub.s32 @p2 s10, s18  }
0x96: {  	s10 =	sand.u32 @p2 $0xFF, s10  }
0x97: {  	s10 =	sshll.u32 @p2 s10, $0xD  }
0x98: {  	s18 =	smul.u32 $0xCD, s13;
	s10 =	sadd.s32 @p2 $0x9D00, s10  }
0x99: {  	[tilespmem:s10], [sflag:$0x1] =	stream.indirect.gather @p2 [hbm4b:s7+s9], $0x40, s17, s9, $0xb8;
	[tilespmem:$0x1ED00] =	vst v63  }
0x9a: {  	s10 =	sshrl.u32 s18, $0xA  }
0x9b: {  	s10 =	sand.u32 $0x3F, s10  }
0x9c: {  	s10 =	smul.u32 $0x5, s10;
	_ =	sdelay $0x1  }
0x9d: {  	s10 =	ssub.s32 s13, s10;
	s13 =	sadd.s32 $0x1, s13  }
0x9e: {  	p1 =	sne.s32 s13, $0x9D  }
.Ltmp5:
0x9f: {  	_ =	swait.ge [sflag:s1], $0x2000;
	s10 =	sand.u32 $0xFF, s10;
	(pc) =	sbr.rel @p1 .LBB2_6-.Ltmp5, $4  }
0xa0: {  	[sflag:s1] =	ssyncset.done $0x0;
	s10 =	sshll.u32 s10, $0xD  }
0xa1: {  	[sflag:s1] =	ssyncadd.s32 $0xFFFFE000;
	s10 =	sadd.s32 $0x9D00, s10  }
0xa2: {  	[spmem:s2] =	stream.indirect.scatter.add.f32 [tilespmem:s10], [sflag:$0x2], $0x40, s14, s9, $0xb8;
	[tilespmem:$0x1ED00] =	vst v63  }
0xa3: {  	s17 =	sadd.s32 $0x80, s17;
	s14 =	sadd.s32 $0x80, s14  }
0xa4: {  	s10 =	rddreg [dreg:$0x6]  }
.LBB2_8:
0xa5: {  	_ =	swait.ge [sflag:s0], $0x2000  }
0xa6: {  	[sflag:s0] =	ssyncset.done $0x0  }
0xa7: {  	[sflag:s0] =	ssyncadd.s32 $0xFFFFE000  }
0xa8: {  	_ =	swait.ge [sflag:s0], $0x2000  }
0xa9: {  	[sflag:s0] =	ssyncset.done $0x0  }
0xaa: {  	[sflag:s0] =	ssyncadd.s32 $0xFFFFE000  }
0xab: {  	s11 =	stileid.u32;
	[bflag:$0x0] =	sbarrier.arrive $0xFFFF  }
0xac: {  	s13 =	sshll.u32 s11, $0x6;
	s18 =	rddreg [dreg:$0xa]  }
0xad: {  	s10 =	sadd.s32 s10, s16;
	s13 =	sor.u32 $0x1C03, s13;
	s14 =	sshrl.u32 s18, $0x3  }
0xae: {  	[hbm:s10], [sflag:s13] =	dma.local [spmem:s14], $0x1400  }
0xaf: {  	_ =	swait.ge [sflag:s31], $0x1400  }
0xb0: {  	[sflag:s31] =	ssyncset.done $0x0  }
0xb1: {  	[sflag:s31] =	ssyncadd.s32 $0xFFFFEC00  }
0xb2: {  	[spmem:s15] =	stream.linear.scatter [tilespmem:s30], [sflag:$0x2], $0x1000, $0x38;
	[tilespmem:$0x1ED00] =	vst v63  }
0xb3: {  	_ = 	snop  }
0xb4: {  	[spmem:s19] =	stream.linear.scatter [tilespmem:s30], [sflag:$0x2], $0x1000, $0x38;
	[tilespmem:$0x1ED00] =	vst v63  }
0xb5: {  	_ = 	snop  }
0xb6: {  	[spmem:s20] =	stream.linear.scatter [tilespmem:s30], [sflag:$0x2], $0x1000, $0x38;
	[tilespmem:$0x1ED00] =	vst v63  }
0xb7: {  	_ = 	snop  }
0xb8: {  	[spmem:s21] =	stream.linear.scatter [tilespmem:s30], [sflag:$0x2], $0x1000, $0x38;
	[tilespmem:$0x1ED00] =	vst v63  }
0xb9: {  	_ = 	snop  }
0xba: {  	[spmem:s22] =	stream.linear.scatter [tilespmem:s30], [sflag:$0x2], $0x1000, $0x38;
	[tilespmem:$0x1ED00] =	vst v63  }
0xbb: {  	_ = 	snop  }
0xbc: {  	[spmem:s23] =	stream.linear.scatter [tilespmem:s30], [sflag:$0x2], $0x1000, $0x38;
	[tilespmem:$0x1ED00] =	vst v63  }
0xbd: {  	_ = 	snop  }
0xbe: {  	[spmem:s24] =	stream.linear.scatter [tilespmem:s30], [sflag:$0x2], $0x1000, $0x38;
	[tilespmem:$0x1ED00] =	vst v63  }
0xbf: {  	_ = 	snop  }
0xc0: {  	[spmem:s25] =	stream.linear.scatter [tilespmem:s30], [sflag:$0x2], $0x1000, $0x38;
	[tilespmem:$0x1ED00] =	vst v63  }
0xc1: {  	_ = 	snop  }
0xc2: {  	[spmem:s26] =	stream.linear.scatter [tilespmem:s30], [sflag:$0x2], $0x1000, $0x38;
	[tilespmem:$0x1ED00] =	vst v63  }
0xc3: {  	_ = 	snop  }
0xc4: {  	[spmem:s28] =	stream.linear.scatter [tilespmem:s30], [sflag:$0x2], $0x1000, $0x38;
	[tilespmem:$0x1ED00] =	vst v63  }
0xc5: {  	_ =	swait.ge [sflag:s0], $0x1000  }
0xc6: {  	[sflag:s0] =	ssyncset.done $0x0  }
0xc7: {  	[sflag:s0] =	ssyncadd.s32 $0xFFFFF000  }
0xc8: {  	_ =	swait.ge [sflag:s0], $0x1000  }
0xc9: {  	[sflag:s0] =	ssyncset.done $0x0  }
0xca: {  	[sflag:s0] =	ssyncadd.s32 $0xFFFFF000  }
0xcb: {  	_ =	swait.ge [sflag:s0], $0x1000  }
0xcc: {  	[sflag:s0] =	ssyncset.done $0x0  }
0xcd: {  	[sflag:s0] =	ssyncadd.s32 $0xFFFFF000  }
0xce: {  	_ =	swait.ge [sflag:s0], $0x1000  }
0xcf: {  	[sflag:s0] =	ssyncset.done $0x0  }
0xd0: {  	[sflag:s0] =	ssyncadd.s32 $0xFFFFF000  }
0xd1: {  	_ =	swait.ge [sflag:s0], $0x1000  }
0xd2: {  	[sflag:s0] =	ssyncset.done $0x0  }
0xd3: {  	[sflag:s0] =	ssyncadd.s32 $0xFFFFF000  }
0xd4: {  	_ =	swait.ge [sflag:s0], $0x1000  }
0xd5: {  	[sflag:s0] =	ssyncset.done $0x0  }
0xd6: {  	[sflag:s0] =	ssyncadd.s32 $0xFFFFF000  }
0xd7: {  	_ =	swait.ge [sflag:s0], $0x1000  }
0xd8: {  	[sflag:s0] =	ssyncset.done $0x0  }
0xd9: {  	[sflag:s0] =	ssyncadd.s32 $0xFFFFF000  }
0xda: {  	_ =	swait.ge [sflag:s0], $0x1000  }
0xdb: {  	[sflag:s0] =	ssyncset.done $0x0  }
0xdc: {  	[sflag:s0] =	ssyncadd.s32 $0xFFFFF000  }
0xdd: {  	_ =	swait.ge [sflag:s0], $0x1000  }
0xde: {  	[sflag:s0] =	ssyncset.done $0x0  }
0xdf: {  	[sflag:s0] =	ssyncadd.s32 $0xFFFFF000  }
.Ltmp6:
0xe0: {  	_ =	swait.ge [sflag:s0], $0x1000;
	(pc) =	sbr.rel @p0 .LBB2_12-.Ltmp6, $4  }
0xe1: {  	[sflag:s0] =	ssyncset.done $0x0  }
0xe2: {  	[sflag:s0] =	ssyncadd.s32 $0xFFFFF000  }
0xe3: {  	[bflag:$0x0] =	sbarrier.arrive $0xFFFF  }
0xe4: {  	s17 =	simm.s32 $0x0;
	s10 =	simm.s32 $0x9D00  }
0xe5: {  	[tilespmem:s10], [sflag:$0x1] =	stream.indirect.gather [hbm4b:s6+s9], $0x40, s17, s9, $0xb8;
	[tilespmem:$0x1ED00] =	vst v63  }
0xe6: {  	s12 =	simm.s32 $0xBD00  }
0xe7: {  	[tilespmem:s12], [sflag:$0x1] =	stream.indirect.gather [hbm4b:s6+s9], $0x40, s9, s9, $0xb8;
	[tilespmem:$0x1ED00] =	vst v63  }
0xe8: {  	s18 =	simm.s32 $0x100  }
0xe9: {  	[tilespmem:s29], [sflag:$0x1] =	stream.indirect.gather [hbm4b:s6+s9], $0x40, s18, s9, $0xb8;
	[tilespmem:$0x1ED00] =	vst v63  }
0xea: {  	s10 =	simm.s32 $0x180;
	s18 =	simm.s32 $0x4E80  }
.LBB2_10:
0xeb: {  	p1 =	slt.u32 s17, $0x2  }
0xec: {  	s11 =	simm.s32 @!p1 $0x2  }
0xed: {  	p2 =	sgt.u32 @!p1 s17, $0x99;
	_ =	swait.ge @!p1 [sflag:s11], $0x2000  }
0xee: {  	p2 =	por p1, !p2;
	[sflag:s11] =	ssyncset.done @!p1 $0x0  }
0xef: {  	[sflag:s11] =	ssyncadd.s32 @!p1 $0xFFFFE000;
	s11 =	sadd.s32 @p2 $0x3, s17  }
0xf0: {  	s12 =	smul.u32 @p2 $0xCD, s11;
	_ =	sdelay $0x1  }
0xf1: {  	s12 =	sshrl.u32 @p2 s12, $0xA  }
0xf2: {  	s12 =	sand.u32 @p2 $0x3F, s12  }
0xf3: {  	s12 =	smul.u32 @p2 $0x5, s12;
	_ =	sdelay $0x1  }
0xf4: {  	s11 =	ssub.s32 @p2 s11, s12  }
0xf5: {  	s11 =	sand.u32 @p2 $0xFF, s11  }
0xf6: {  	s11 =	sshll.u32 @p2 s11, $0xD  }
0xf7: {  	s12 =	smul.u32 $0xCD, s17;
	s11 =	sadd.s32 @p2 $0x9D00, s11  }
0xf8: {  	[tilespmem:s11], [sflag:$0x1] =	stream.indirect.gather @p2 [hbm4b:s6+s9], $0x40, s10, s9, $0xb8;
	[tilespmem:$0x1ED00] =	vst v63  }
0xf9: {  	s11 =	sshrl.u32 s12, $0xA  }
0xfa: {  	s11 =	sand.u32 $0x3F, s11  }
0xfb: {  	s11 =	smul.u32 $0x5, s11;
	_ =	sdelay $0x1  }
0xfc: {  	s11 =	ssub.s32 s17, s11;
	s17 =	sadd.s32 $0x1, s17  }
0xfd: {  	p1 =	seq.s32 s17, $0x9D  }
.Ltmp7:
0xfe: {  	_ =	swait.ge [sflag:s1], $0x2000;
	s11 =	sand.u32 $0xFF, s11;
	(pc) =	sbr.rel @!p1 .LBB2_10-.Ltmp7, $4  }
0xff: {  	[sflag:s1] =	ssyncset.done $0x0;
	s11 =	sshll.u32 s11, $0xD  }
0x100: {  	[sflag:s1] =	ssyncadd.s32 $0xFFFFE000;
	s11 =	sadd.s32 $0x9D00, s11  }
0x101: {  	[spmem:s2] =	stream.indirect.scatter.add.f32 [tilespmem:s11], [sflag:$0x2], $0x40, s18, s9, $0xb8;
	[tilespmem:$0x1ED00] =	vst v63  }
0x102: {  	s10 =	sadd.s32 $0x80, s10;
	s18 =	sadd.s32 $0x80, s18  }
.Ltmp8:
0x103: {  	(pc) =	sbr.rel .LBB2_15-.Ltmp8, $2  }
0x104: {  	_ =	sdelay $0x2  }
0x105: {  	s10 =	rddreg [dreg:$0x5]  }
.LBB2_12:
0x106: {  	[tilespmem:s10], [sflag:$0x1] =	stream.indirect.gather [hbm4b:s8+s9], $0x40, s17, s9, $0xb8;
	[tilespmem:$0x1ED00] =	vst v63  }
0x107: {  	s12 =	simm.s32 $0xBD00  }
0x108: {  	[tilespmem:s12], [sflag:$0x1] =	stream.indirect.gather [hbm4b:s8+s9], $0x40, s9, s9, $0xb8;
	[tilespmem:$0x1ED00] =	vst v63  }
0x109: {  	s18 =	simm.s32 $0x100  }
0x10a: {  	[tilespmem:s29], [sflag:$0x1] =	stream.indirect.gather [hbm4b:s8+s9], $0x40, s18, s9, $0xb8;
	[tilespmem:$0x1ED00] =	vst v63  }
0x10b: {  	s10 =	simm.s32 $0x180;
	s18 =	simm.s32 $0x4E80  }
.LBB2_13:
0x10c: {  	p1 =	slt.u32 s17, $0x2  }
0x10d: {  	s11 =	simm.s32 @!p1 $0x2  }
0x10e: {  	p2 =	sgt.u32 @!p1 s17, $0x99;
	_ =	swait.ge @!p1 [sflag:s11], $0x2000  }
0x10f: {  	p2 =	por p1, !p2;
	[sflag:s11] =	ssyncset.done @!p1 $0x0  }
0x110: {  	[sflag:s11] =	ssyncadd.s32 @!p1 $0xFFFFE000;
	s11 =	sadd.s32 @p2 $0x3, s17  }
0x111: {  	s12 =	smul.u32 @p2 $0xCD, s11;
	_ =	sdelay $0x1  }
0x112: {  	s12 =	sshrl.u32 @p2 s12, $0xA  }
0x113: {  	s12 =	sand.u32 @p2 $0x3F, s12  }
0x114: {  	s12 =	smul.u32 @p2 $0x5, s12;
	_ =	sdelay $0x1  }
0x115: {  	s11 =	ssub.s32 @p2 s11, s12  }
0x116: {  	s11 =	sand.u32 @p2 $0xFF, s11  }
0x117: {  	s11 =	sshll.u32 @p2 s11, $0xD  }
0x118: {  	s12 =	smul.u32 $0xCD, s17;
	s11 =	sadd.s32 @p2 $0x9D00, s11  }
0x119: {  	[tilespmem:s11], [sflag:$0x1] =	stream.indirect.gather @p2 [hbm4b:s8+s9], $0x40, s10, s9, $0xb8;
	[tilespmem:$0x1ED00] =	vst v63  }
0x11a: {  	s11 =	sshrl.u32 s12, $0xA  }
0x11b: {  	s11 =	sand.u32 $0x3F, s11  }
0x11c: {  	s11 =	smul.u32 $0x5, s11;
	_ =	sdelay $0x1  }
0x11d: {  	s11 =	ssub.s32 s17, s11;
	s17 =	sadd.s32 $0x1, s17  }
0x11e: {  	p1 =	sne.s32 s17, $0x9D  }
.Ltmp9:
0x11f: {  	_ =	swait.ge [sflag:s1], $0x2000;
	s11 =	sand.u32 $0xFF, s11;
	(pc) =	sbr.rel @p1 .LBB2_13-.Ltmp9, $4  }
0x120: {  	[sflag:s1] =	ssyncset.done $0x0;
	s11 =	sshll.u32 s11, $0xD  }
0x121: {  	[sflag:s1] =	ssyncadd.s32 $0xFFFFE000;
	s11 =	sadd.s32 $0x9D00, s11  }
0x122: {  	[spmem:s2] =	stream.indirect.scatter.add.f32 [tilespmem:s11], [sflag:$0x2], $0x40, s18, s9, $0xb8;
	[tilespmem:$0x1ED00] =	vst v63  }
0x123: {  	s10 =	sadd.s32 $0x80, s10;
	s18 =	sadd.s32 $0x80, s18  }
.Ltmp10:
0x124: {  	_ = 	snop;
	(pc) =	sbr.rel .LBB2_14-.Ltmp10, $1  }
0x125: {  	_ =	sdelay $0x3  }
.LBB2_16:
0x126: {  	_ =	sfence.sel $0x180000  }
0x127: {  	[bflag:$0x0] =	sbarrier.arrive $0xFFFF  }
0x128: {  	_ =	strace $0x9000004D  }
0x129: {  	s0 =	stileid.u32;
	[bflag:$0x2] =	sbarrier.arrive $0xFFFF  }
0x12a: {  	p0 =	sne.s32 s0, $0x0;
	s0 =	rddreg [dreg:$0x3]  }
0x12b: {  	s0 =	sadd.s32 @!p0 $0x100000, s0  }
0x12c: {  	[sflag:s0] =	ssyncadd.tile.s32 @!p0 $0x1;
	_ =	shalt  }
.Lfunc_end2:
_tile_overlayer_lowered:
.L_overlay_start_2:
0x12d: {  	(tag) =	ssettag $0x2  }
0x12e: {  	s0 =	rddreg [dreg:$0x0];
	s2 =	stileid.u32  }
0x12f: {  	s1 =	rddreg [dreg:$0x1];
	p0 =	sne.s32 s2, $0x0  }
0x130: {  	s3 =	rddreg [dreg:$0x2];
	[bflag:$0x3] =	sbarrier.arrive $0xFFFF;
	s2 =	simm.s32 @!p0 $0x1C03  }
0x131: {  	[timem:s3], [sflag:s2] =	dma.local @!p0 [hbm:s0], s1  }
0x132: {  	s0 =	simm.s32 @!p0 $0x3  }
0x133: {  	_ =	swait.ge @!p0 [sflag:s0], s1  }
0x134: {  	s1 =	ssub.s32 @!p0 $0x0, s1;
	[sflag:s0] =	ssyncset.done @!p0 $0x0  }
0x135: {  	[sflag:s0] =	ssyncadd.s32 @!p0 s1  }
0x136: {  	[bflag:$0x3] =	sbarrier.arrive $0xFFFF  }
0x137: {  	_ =	shalt  }

// kernel: kernel.21.cloned.1.call-start
scs
__scs_entry_jumppad:
0x0: {  	(pc) =	sbr.rel $0x88, $3  }
0x1: {  	(tag) =	ssettag $0x0;
	lr =	simm.s32 $0x1  }
0x2: {  	[smem:$0x3F96] =	sst lr;
	_ =	strace $0xD0000000  }
0x3: {  	_ = 	snop  }
0x4: {  	_ = 	snop  }
0x5: {  	_ = 	snop  }
0x6: {  	_ = 	snop  }
0x7: {  	_ = 	snop  }
__scs_overlays_trampoline_lowered:
0x8: {  	[smem:$0x3FA5] =	sst s0  }
0x9: {  	[smem:$0x3FA6] =	sst s1  }
0xa: {  	[smem:$0x3FA7] =	sst s2  }
0xb: {  	[smem:$0x3FA8] =	sst s3  }
0xc: {  	[smem:$0x3FA9] =	sst s4  }
0xd: {  	[smem:$0x3FAA] =	sst s5  }
0xe: {  	[smem:$0x3FAB] =	sst s6  }
0xf: {  	[smem:$0x3FAC] =	sst s7  }
0x10: {  	[smem:$0x3FAD] =	sst s8  }
0x11: {  	[smem:$0x3FAE] =	sst s9;
	s0 =	simm.s32 @!p0 $0x0  }
0x12: {  	s1 =	sld [smem:$0x3F94];
	s0 =	simm.s32 @p0 $0x1  }
0x13: {  	[smem:$0x3FAF] =	sst s0;
	s0 =	simm.s32 @!p1 $0x0  }
0x14: {  	s2 =	sld [smem:$0x3F93];
	s0 =	simm.s32 @p1 $0x1  }
0x15: {  	[smem:$0x3FB0] =	sst s0;
	s0 =	simm.s32 @!p2 $0x0  }
0x16: {  	s3 =	sld [smem:$0x3FDB];
	s0 =	simm.s32 @p2 $0x1  }
0x17: {  	s4 =	simm.s32 $0x1BF5;
	[smem:$0x3FB2] =	sst s0  }
0x18: {  	s0 =	sld [smem:$0x3F95];
	_ =	swait.ge [sflag:s4], $0x0  }
0x19: {  	s7 =	sld [smem:$0x3F96]  }
0x1a: {  	s8 =	sadd.s32 $0xFFFFE003, lr  }
0x1b: {  	s9 =	sadd.s32 $0xFFFFFEF7, lr;
	s5 =	simm.s32 $0xFFFFFFFF;
	p2 =	slt.u32 s8, $0xFFFFF086  }
0x1c: {  	p1 =	slt.u32 s9, $0xF7A;
	s5 =	simm.s32 @!p2 $0x0  }
0x1d: {  	s5 =	simm.s32 @p1 $0x1;
	p0 =	seq.s32 s7, s2  }
0x1e: {  	s7 =	smul.u32 @!p0 $0xF7A, s2;
	p2 =	seq.s32 @!p0 s5, $0x0  }
0x1f: {  	s9 =	smul.u32 $0xF7A, s1;
	s8 =	simm.s32 @!p0 $0x1BF5;
	p2 =	por !p2, p0  }
0x20: {  	[sflag:s8] =	ssyncset.s32 @!p0 $0xFFFFF086;
	s6 =	sadd.s32 @!p0 s3, s7;
	s7 =	simm.s32 @!p0 $0x108  }
0x21: {  	s3 =	sadd.s32 s3, s9;
	s6 =	sadd.s32 @!p0 $0x88, s6;
	s7 =	simm.s32 @p2 $0x1082  }
0x22: {  	[simem:s7], [sflag:s8] =	dma.local @!p0 [hbm:s6], $0xF7A  }
0x23: {  	s9 =	sor.u32 $0xD0000000, s2;
	s6 =	simm.s32 $0x108;
	_ =	swait.ge @!p0 [sflag:s8], $0x0  }
0x24: {  	s3 =	sadd.s32 $0x88, s3;
	s6 =	simm.s32 @!p1 $0x1082;
	[sflag:s4] =	ssyncset.s32 $0xFFFFF086  }
0x25: {  	[simem:s6], [sflag:s4] =	dma.local [hbm:s3], $0xF7A  }
0x26: {  	[smem:$0x3F96] =	sst s1;
	(tag) =	ssettag s2;
	_ =	strace s9  }
0x27: {  	s1 =	sld [smem:$0x3FA6]  }
0x28: {  	s2 =	sld [smem:$0x3FA7]  }
0x29: {  	s4 =	sld [smem:$0x3FA9]  }
0x2a: {  	p0 =	seq.s32 s5, $0x0;
	s5 =	sld [smem:$0x3FAA]  }
0x2b: {  	s6 =	sld [smem:$0x3FAB]  }
0x2c: {  	s7 =	sld [smem:$0x3FAC]  }
0x2d: {  	s3 =	simm.s32 $0x108;
	s8 =	sld [smem:$0x3FAD]  }
0x2e: {  	s3 =	simm.s32 @!p0 $0x1082;
	s9 =	sld [smem:$0x3FAE]  }
0x2f: {  	lr =	sadd.s32 s0, s3;
	s0 =	sld [smem:$0x3FA5]  }
0x30: {  	s3 =	sld [smem:$0x3FA8]  }
0x31: {  	[smem:$0x3FB1] =	sst s10  }
0x32: {  	s10 =	sld [smem:$0x3FAF];
	_ =	sdelay $0x3  }
0x33: {  	p0 =	seq.s32 s10, $0x1;
	s10 =	sld [smem:$0x3FB1];
	_ =	sdelay $0x3  }
0x34: {  	[smem:$0x3FB1] =	sst s10  }
0x35: {  	s10 =	sld [smem:$0x3FB0];
	_ =	sdelay $0x3  }
0x36: {  	p1 =	seq.s32 s10, $0x1;
	s10 =	sld [smem:$0x3FB1];
	_ =	sdelay $0x3  }
0x37: {  	[smem:$0x3FB1] =	sst s10  }
0x38: {  	s10 =	sld [smem:$0x3FB2]  }
0x39: {  	_ = 	snop;
	(pc) =	sbr.ind lr, $3  }
0x3a: {  	_ = 	snop  }
0x3b: {  	_ = 	snop  }
0x3c: {  	p2 =	seq.s32 s10, $0x1;
	s10 =	sld [smem:$0x3FB1]  }
0x3d: {  	_ =	shalt  }
0x3e: {  	_ =	shalt  }
0x3f: {  	_ =	shalt  }
0x40: {  	_ =	shalt  }
0x41: {  	_ =	shalt  }
0x42: {  	_ =	shalt  }
0x43: {  	_ =	shalt  }
0x44: {  	_ =	shalt  }
0x45: {  	_ =	shalt  }
0x46: {  	_ =	shalt  }
0x47: {  	_ =	shalt  }
0x48: {  	_ =	shalt  }
0x49: {  	_ =	shalt  }
0x4a: {  	_ =	shalt  }
0x4b: {  	_ =	shalt  }
0x4c: {  	_ =	shalt  }
0x4d: {  	_ =	shalt  }
0x4e: {  	_ =	shalt  }
0x4f: {  	_ =	shalt  }
0x50: {  	_ =	shalt  }
0x51: {  	_ =	shalt  }
0x52: {  	_ =	shalt  }
0x53: {  	_ =	shalt  }
0x54: {  	_ =	shalt  }
0x55: {  	_ =	shalt  }
0x56: {  	_ =	shalt  }
0x57: {  	_ =	shalt  }
0x58: {  	_ =	shalt  }
0x59: {  	_ =	shalt  }
0x5a: {  	_ =	shalt  }
0x5b: {  	_ =	shalt  }
0x5c: {  	_ =	shalt  }
0x5d: {  	_ =	shalt  }
0x5e: {  	_ =	shalt  }
0x5f: {  	_ =	shalt  }
0x60: {  	_ =	shalt  }
0x61: {  	_ =	shalt  }
0x62: {  	_ =	shalt  }
0x63: {  	_ =	shalt  }
0x64: {  	_ =	shalt  }
0x65: {  	_ =	shalt  }
0x66: {  	_ =	shalt  }
0x67: {  	_ =	shalt  }
0x68: {  	_ =	shalt  }
0x69: {  	_ =	shalt  }
0x6a: {  	_ =	shalt  }
0x6b: {  	_ =	shalt  }
0x6c: {  	_ =	shalt  }
0x6d: {  	_ =	shalt  }
0x6e: {  	_ =	shalt  }
0x6f: {  	_ =	shalt  }
0x70: {  	_ =	shalt  }
0x71: {  	_ =	shalt  }
0x72: {  	_ =	shalt  }
0x73: {  	_ =	shalt  }
0x74: {  	_ =	shalt  }
0x75: {  	_ =	shalt  }
0x76: {  	_ =	shalt  }
0x77: {  	_ =	shalt  }
0x78: {  	_ =	shalt  }
0x79: {  	_ =	shalt  }
0x7a: {  	_ =	shalt  }
0x7b: {  	_ =	shalt  }
0x7c: {  	_ =	shalt  }
0x7d: {  	_ =	shalt  }
0x7e: {  	_ =	shalt  }
0x7f: {  	_ =	shalt  }
0x80: {  	_ =	shalt  }
0x81: {  	_ =	shalt  }
0x82: {  	_ =	shalt  }
0x83: {  	_ =	shalt  }
0x84: {  	_ =	shalt  }
0x85: {  	_ =	shalt  }
0x86: {  	_ =	shalt  }
0x87: {  	_ =	shalt  }
.Lfunc_end0:
.L_simem_size_0:
called_computation.3_lowered:
.L_overlay_start_0:
0x88: {  	s2 =	sld [smem:$0x3FD9]  }
0x89: {  	s3 =	sld [smem:$0x3FFE];
	_ =	sdelay $0x1  }
0x8a: {  	s1 =	srdreg.scid  }
0x8b: {  	s0 =	sand.u32 $0x1, s1  }
0x8c: {  	s17 =	sshll.u32 s0, $0xA;
	s2 =	sadd.s32 s3, s2  }
0x8d: {  	s2 =	sadd.s32 s2, s17  }
0x8e: {  	[smem:$0x3FBD] =	sst s2  }
0x8f: {  	_ = 	snop  }
0x90: {  	s2 =	sld [smem:$0x3FD0];
	(tm) =	ssettm $0x1  }
0x91: {  	s18 =	sld [smem:$0x3FFB];
	_ =	sdelay $0x3  }
0x92: {  	_ =	strace s18  }
0x93: {  	s3 =	sld [smem:$0x3FFC];
	_ =	sdelay $0x3  }
0x94: {  	_ =	strace s3  }
0x95: {  	s3 =	sld [smem:$0x3FFD];
	_ =	sdelay $0x3  }
0x96: {  	_ =	strace s3  }
0x97: {  	_ =	strace $0x8FFFFFFF  }
0x98: {  	s19 =	sld [smem:$0x3FDB];
	_ =	sdelay $0x1  }
0x99: {  	s4 =	simm.s32 $_scs_section_size  }
0x9a: {  	s5 =	simm.s32 $_size__tile_overlayer_lowered;
	s6 =	simm.s32 $_tile_overlayer_lowered  }
0x9b: {  	s22 =	simm.s32 $0x1BFF;
	s21 =	sshll.u32 s6, $0x1;
	s3 =	sadd.s32 s4, s19  }
0x9c: {  	s7 =	simm.s32 $0x0;
	s20 =	sshll.u32 s5, $0x1;
	s5 =	sadd.s32 s21, s3  }
0x9d: {  	[timem:s7], [sflag:s22] =	dma.local [hbm:s5], s20  }
0x9e: {  	_ =	swait.ge [sflag:s22], s20  }
0x9f: {  	s4 =	ssub.s32 $0x0, s20;
	[sflag:s22] =	ssyncset.done $0x0  }
0xa0: {  	[sflag:s22] =	ssyncadd.s32 s4;
	_ =	sdelay $0x1  }
0xa1: {  	s23 =	simm.s32 $0x1B8B  }
0xa2: {  	_ =	swait.ge [sflag:s23], $0x1  }
0xa3: {  	[sflag:s23] =	ssyncset.done $0x0  }
0xa4: {  	s25 =	simm.s32 $0x1B8E;
	s24 =	sld [smem:$0x3FFE];
	[sflag:s23] =	ssyncadd.s32 $0xFFFFFFFF  }
0xa5: {  	s26 =	simm.s32 $execute0_lowered;
	[smem:$0x3FD2] =	sst s25  }
0xa6: {  	s5 =	sshll.u32 s26, $0x1;
	_ =	strace $0x8000004F;
	[dreg:$0x1] =	wrdreg $0xFFFFFFFF  }
0xa7: {  	s28 =	simm.s32 $_size_execute0_lowered;
	s3 =	sadd.s32 s3, s5;
	[dreg:$0x0] =	wrdreg $0x0  }
0xa8: {  	s5 =	sshll.u32 s28, $0x1;
	[dreg:$0x2] =	wrdreg s3  }
0xa9: {  	[dreg:$0x3] =	wrdreg s5  }
0xaa: {  	[dreg:$0x4] =	wrdreg $0xC0  }
0xab: {  	_ =	task [dreg:s7], $0x5FFFF  }
0xac: {  	[dreg:$0x1] =	wrdreg $0xFFFFFFFF  }
0xad: {  	[dreg:$0x0] =	wrdreg $0x60  }
0xae: {  	[dreg:$0x2] =	wrdreg s24  }
0xaf: {  	[dreg:$0x3] =	wrdreg s2  }
0xb0: {  	[dreg:$0x4] =	wrdreg $0x14D000  }
0xb1: {  	[dreg:$0x5] =	wrdreg $0x9  }
0xb2: {  	_ =	task.clear_ibuf [dreg:s7], $0x6FFFF;
	_ =	strace $0x9000004F  }
0xb3: {  	s29 =	simm.s32 $0x9;
	_ =	strace $0x80000051  }
0xb4: {  	_ =	swait.ge [sflag:s29], $0x1  }
0xb5: {  	[sflag:s29] =	ssyncadd.s32 $0xFFFFFFFF  }
0xb6: {  	_ =	strace $0x90000051  }
0xb7: {  	_ =	sfence  }
0xb8: {  	s30 =	sld [smem:$0x0];
	_ =	sdelay $0x2  }
0xb9: {  	s31 =	sshll.u32 s1, $0xD;
	s1 =	sshrl.u32 s1, $0x2  }
0xba: {  	s3 =	sand.u32 $0x4000, s31;
	s1 =	sadd.s32 s1, s30  }
0xbb: {  	s0 =	sor.u32 s3, s0;
	s1 =	sshll.u32 s1, $0x11  }
0xbc: {  	s0 =	sor.u32 s1, s0  }
0xbd: {  	s0 =	sadd.s32 $0x8F2B, s0  }
0xbe: {  	[sflag:s0] =	ssyncadd.remote.s32 $0x1  }
0xbf: {  	_ =	sfence.sel $0xFFFF  }
0xc0: {  	[dreg:$0x0] =	wrdreg $0xFFFFFFFF;
	(pc) =	sbr.abs _section_cstart, $3  }
0xc1: {  	[dreg:$0x1] =	wrdreg $0xFFFFFFFF  }
0xc2: {  	_ =	task.clear_ibuf [dreg:s7], $0x2FFFF;
	_ =	strace $0x9FFFFFFF  }
0xc3: {  	(tm) =	ssettm $0x7FFFFFFF  }
tec
execute0_lowered:
.L_overlay_start_1:
0x0: {  	(tag) =	ssettag $0x1  }
0x1: {  	s0 =	rddreg [dreg:$0x0]  }
0x2: {  	s2 =	rddreg [dreg:$0x2]  }
0x3: {  	s4 =	simm.s32 $0x0;
	s11 =	stileid.u32;
	s3 =	srdreg.scid  }
0x4: {  	s30 =	simm.s32 $0x13D00;
	s29 =	simm.s32 $0xDD00;
	s5 =	sadd.s32 $0x1BF200, s0  }
0x5: {  	[smem:$0x7FF] =	sst s4;
	s6 =	sadd.s32 $0x1AB200, s0;
	s1 =	smul.u32 $0x9D0, s11  }
0x6: {  	s31 =	simm.s32 $0x3;
	s7 =	sadd.s32 $0x197200, s0;
	s8 =	sadd.s32 $0x183200, s0  }
0x7: {  	s9 =	sadd.s32 $0x20F200, s0;
	s3 =	sand.u32 $0x1, s3;
	s20 =	sadd.s32 $0x1FB200, s0  }
0x8: {  	s10 =	smul.u32 $0x28000, s11;
	_ =	strace $0x80000050;
	[dreg:$0x4] =	wrdreg s9  }
0x9: {  	s12 =	sadd.s32 $0x1E7200, s0;
	s24 =	smul.u32 $0xA000, s11;
	[dreg:$0x5] =	wrdreg s20  }
0xa: {  	s21 =	ssub.s32 $0x2, s3;
	[dreg:$0x6] =	wrdreg s12;
	p0 =	sne.s32 s3, $0x0  }
0xb: {  	s9 =	simm.s32 $0x80;
	s3 =	simm.s32 $0x0;
	s1 =	sadd.s32 s1, s0  }
0xc: {  	s0 =	sadd.s32 $0x1D3200, s0;
	s22 =	sshrl.u32 s21, $0x1;
	s23 =	sshrl.u32 s10, $0x2  }
0xd: {  	s16 =	sshrl.u32 s24, $0x3;
	s26 =	sadd.s32 s24, s2;
	[dreg:$0x7] =	wrdreg s0  }
0xe: {  	s0 =	ssub.s32 s21, s22;
	s25 =	sadd.s32 $0x11400, s1;
	[dreg:$0xa] =	wrdreg s26  }
0xf: {  	s1 =	sadd.s32 $0x7600, s1;
	s15 =	sadd.s32 s23, s2;
	[dreg:$0x8] =	wrdreg s25  }
.Ltmp0:
0x10: {  	[dreg:$0x9] =	wrdreg s1;
	s0 =	smax.u32 s0, $0x1;
	(pc) =	sbr.rel .LBB2_1-.Ltmp0, $4  }
0x11: {  	s19 =	sadd.s32 $0x1000, s15;
	s20 =	sadd.s32 $0x2000, s15;
	s21 =	sadd.s32 $0x3000, s15  }
0x12: {  	s22 =	sadd.s32 $0x4000, s15;
	s23 =	sadd.s32 $0x5000, s15;
	s24 =	sadd.s32 $0x6000, s15  }
0x13: {  	s25 =	sadd.s32 $0x7000, s15;
	s26 =	sadd.s32 $0x8000, s15;
	s28 =	sadd.s32 $0x9000, s15  }
0x14: {  	s1 =	simm.s32 $0x1;
	[dreg:$0xb] =	wrdreg s0;
	s0 =	simm.s32 $0x2  }
.LBB2_14:
0x15: {  	s10 =	rddreg [dreg:$0x7]  }
.LBB2_15:
0x16: {  	_ =	swait.ge [sflag:s0], $0x2000  }
0x17: {  	[sflag:s0] =	ssyncset.done $0x0  }
0x18: {  	[sflag:s0] =	ssyncadd.s32 $0xFFFFE000  }
0x19: {  	_ =	swait.ge [sflag:s0], $0x2000  }
0x1a: {  	[sflag:s0] =	ssyncset.done $0x0  }
0x1b: {  	[sflag:s0] =	ssyncadd.s32 $0xFFFFE000  }
0x1c: {  	s10 =	sadd.s32 s10, s16;
	[bflag:$0x0] =	sbarrier.arrive $0xFFFF  }
0x1d: {  	[hbm:s10], [sflag:s13] =	dma.local [spmem:s14], $0x1400  }
0x1e: {  	_ =	swait.ge [sflag:s31], $0x1400  }
0x1f: {  	s3 =	sadd.s32 $0x1, s3;
	s18 =	rddreg [dreg:$0xb]  }
0x20: {  	p1 =	sne.s32 s3, s18  }
.Ltmp1:
0x21: {  	_ = 	snop;
	(pc) =	sbr.rel @!p1 .LBB2_16-.Ltmp1, $3  }
0x22: {  	_ =	sdelay $0x1  }
0x23: {  	[sflag:s31] =	ssyncset.done $0x0  }
0x24: {  	[sflag:s31] =	ssyncadd.s32 $0xFFFFEC00  }
.LBB2_1:
0x25: {  	s10 =	rddreg [dreg:$0x8]  }
0x26: {  	[tilespmem:s4], [sflag:$0x1] =	stream.linear.gather [hbm4b:s10+s4], $0x4E80, $0x38;
	[tilespmem:$0x1ED00] =	vst v63  }
0x27: {  	s17 =	rddreg [dreg:$0x9];
	s11 =	simm.s32 $0x4E80  }
0x28: {  	[tilespmem:s11], [sflag:$0x1] =	stream.linear.gather [hbm4b:s17+s4], $0x4E80, $0x38;
	[tilespmem:$0x1ED00] =	vst v63  }
0x29: {  	s18 =	rddreg [dreg:$0x1]  }
0x2a: {  	[tilespmem:s30], [sflag:$0x3] =	stream.linear.gather [hbm4b:s18+s4], $0x1000, $0x38;
	[tilespmem:$0x1ED00] =	vst v63  }
0x2b: {  	_ =	swait.ge [sflag:s31], $0x1000  }
0x2c: {  	[sflag:s31] =	ssyncset.done $0x0  }
0x2d: {  	[sflag:s31] =	ssyncadd.s32 $0xFFFFF000  }
0x2e: {  	[spmem:s15] =	stream.linear.scatter [tilespmem:s30], [sflag:$0x2], $0x1000, $0x38;
	[tilespmem:$0x1ED00] =	vst v63  }
0x2f: {  	_ = 	snop  }
0x30: {  	[spmem:s19] =	stream.linear.scatter [tilespmem:s30], [sflag:$0x2], $0x1000, $0x38;
	[tilespmem:$0x1ED00] =	vst v63  }
0x31: {  	_ = 	snop  }
0x32: {  	[spmem:s20] =	stream.linear.scatter [tilespmem:s30], [sflag:$0x2], $0x1000, $0x38;
	[tilespmem:$0x1ED00] =	vst v63  }
0x33: {  	_ = 	snop  }
0x34: {  	[spmem:s21] =	stream.linear.scatter [tilespmem:s30], [sflag:$0x2], $0x1000, $0x38;
	[tilespmem:$0x1ED00] =	vst v63  }
0x35: {  	_ = 	snop  }
0x36: {  	[spmem:s22] =	stream.linear.scatter [tilespmem:s30], [sflag:$0x2], $0x1000, $0x38;
	[tilespmem:$0x1ED00] =	vst v63  }
0x37: {  	_ = 	snop  }
0x38: {  	[spmem:s23] =	stream.linear.scatter [tilespmem:s30], [sflag:$0x2], $0x1000, $0x38;
	[tilespmem:$0x1ED00] =	vst v63  }
0x39: {  	_ = 	snop  }
0x3a: {  	[spmem:s24] =	stream.linear.scatter [tilespmem:s30], [sflag:$0x2], $0x1000, $0x38;
	[tilespmem:$0x1ED00] =	vst v63  }
0x3b: {  	_ = 	snop  }
0x3c: {  	[spmem:s25] =	stream.linear.scatter [tilespmem:s30], [sflag:$0x2], $0x1000, $0x38;
	[tilespmem:$0x1ED00] =	vst v63  }
0x3d: {  	_ = 	snop  }
0x3e: {  	[spmem:s26] =	stream.linear.scatter [tilespmem:s30], [sflag:$0x2], $0x1000, $0x38;
	[tilespmem:$0x1ED00] =	vst v63  }
0x3f: {  	_ = 	snop  }
0x40: {  	[spmem:s28] =	stream.linear.scatter [tilespmem:s30], [sflag:$0x2], $0x1000, $0x38;
	[tilespmem:$0x1ED00] =	vst v63  }
0x41: {  	_ =	swait.ge [sflag:s0], $0x1000  }
0x42: {  	[sflag:s0] =	ssyncset.done $0x0  }
0x43: {  	[sflag:s0] =	ssyncadd.s32 $0xFFFFF000  }
0x44: {  	_ =	swait.ge [sflag:s0], $0x1000  }
0x45: {  	[sflag:s0] =	ssyncset.done $0x0  }
0x46: {  	[sflag:s0] =	ssyncadd.s32 $0xFFFFF000  }
0x47: {  	_ =	swait.ge [sflag:s0], $0x1000  }
0x48: {  	[sflag:s0] =	ssyncset.done $0x0  }
0x49: {  	[sflag:s0] =	ssyncadd.s32 $0xFFFFF000  }
0x4a: {  	_ =	swait.ge [sflag:s0], $0x1000  }
0x4b: {  	[sflag:s0] =	ssyncset.done $0x0  }
0x4c: {  	[sflag:s0] =	ssyncadd.s32 $0xFFFFF000  }
0x4d: {  	_ =	swait.ge [sflag:s0], $0x1000  }
0x4e: {  	[sflag:s0] =	ssyncset.done $0x0  }
0x4f: {  	[sflag:s0] =	ssyncadd.s32 $0xFFFFF000  }
0x50: {  	_ =	swait.ge [sflag:s0], $0x1000  }
0x51: {  	[sflag:s0] =	ssyncset.done $0x0  }
0x52: {  	[sflag:s0] =	ssyncadd.s32 $0xFFFFF000  }
0x53: {  	_ =	swait.ge [sflag:s0], $0x1000  }
0x54: {  	[sflag:s0] =	ssyncset.done $0x0  }
0x55: {  	[sflag:s0] =	ssyncadd.s32 $0xFFFFF000  }
0x56: {  	_ =	swait.ge [sflag:s0], $0x1000  }
0x57: {  	[sflag:s0] =	ssyncset.done $0x0  }
0x58: {  	[sflag:s0] =	ssyncadd.s32 $0xFFFFF000  }
0x59: {  	_ =	swait.ge [sflag:s0], $0x1000  }
0x5a: {  	[sflag:s0] =	ssyncset.done $0x0  }
0x5b: {  	[sflag:s0] =	ssyncadd.s32 $0xFFFFF000  }
0x5c: {  	_ =	swait.ge [sflag:s0], $0x1000  }
0x5d: {  	[sflag:s0] =	ssyncset.done $0x0  }
0x5e: {  	[sflag:s0] =	ssyncadd.s32 $0xFFFFF000  }
0x5f: {  	_ =	swait.ge [sflag:s1], $0x4E80  }
0x60: {  	[sflag:s1] =	ssyncset.done $0x0  }
0x61: {  	[sflag:s1] =	ssyncadd.s32 $0xFFFFB180  }
.Ltmp2:
0x62: {  	_ =	swait.ge [sflag:s1], $0x4E80;
	(pc) =	sbr.rel @p0 .LBB2_5-.Ltmp2, $4  }
0x63: {  	[sflag:s1] =	ssyncset.done $0x0  }
0x64: {  	[sflag:s1] =	ssyncadd.s32 $0xFFFFB180  }
0x65: {  	[bflag:$0x0] =	sbarrier.arrive $0xFFFF  }
0x66: {  	s13 =	simm.s32 $0x0;
	s10 =	simm.s32 $0x9D00  }
0x67: {  	[tilespmem:s10], [sflag:$0x1] =	stream.indirect.gather [hbm4b:s5+s9], $0x40, s13, s9, $0xb8;
	[tilespmem:$0x1ED00] =	vst v63  }
0x68: {  	s17 =	simm.s32 $0xBD00  }
0x69: {  	[tilespmem:s17], [sflag:$0x1] =	stream.indirect.gather [hbm4b:s5+s9], $0x40, s9, s9, $0xb8;
	[tilespmem:$0x1ED00] =	vst v63  }
0x6a: {  	s18 =	simm.s32 $0x100;
	s14 =	simm.s32 $0x4E80;
	s17 =	simm.s32 $0x180  }
0x6b: {  	[tilespmem:s29], [sflag:$0x1] =	stream.indirect.gather [hbm4b:s5+s9], $0x40, s18, s9, $0xb8;
	[tilespmem:$0x1ED00] =	vst v63  }
.LBB2_3:
0x6c: {  	p1 =	slt.u32 s13, $0x2  }
0x6d: {  	s10 =	simm.s32 @!p1 $0x2  }
0x6e: {  	p2 =	sgt.u32 @!p1 s13, $0x99;
	_ =	swait.ge @!p1 [sflag:s10], $0x2000  }
0x6f: {  	p2 =	por p1, !p2;
	[sflag:s10] =	ssyncset.done @!p1 $0x0  }
0x70: {  	[sflag:s10] =	ssyncadd.s32 @!p1 $0xFFFFE000;
	s10 =	sadd.s32 @p2 $0x3, s13  }
0x71: {  	s18 =	smul.u32 @p2 $0xCD, s10;
	_ =	sdelay $0x1  }
0x72: {  	s18 =	sshrl.u32 @p2 s18, $0xA  }
0x73: {  	s18 =	sand.u32 @p2 $0x3F, s18  }
0x74: {  	s18 =	smul.u32 @p2 $0x5, s18;
	_ =	sdelay $0x1  }
0x75: {  	s10 =	ssub.s32 @p2 s10, s18  }
0x76: {  	s10 =	sand.u32 @p2 $0xFF, s10  }
0x77: {  	s10 =	sshll.u32 @p2 s10, $0xD  }
0x78: {  	s18 =	smul.u32 $0xCD, s13;
	s10 =	sadd.s32 @p2 $0x9D00, s10  }
0x79: {  	[tilespmem:s10], [sflag:$0x1] =	stream.indirect.gather @p2 [hbm4b:s5+s9], $0x40, s17, s9, $0xb8;
	[tilespmem:$0x1ED00] =	vst v63  }
0x7a: {  	s10 =	sshrl.u32 s18, $0xA  }
0x7b: {  	s10 =	sand.u32 $0x3F, s10  }
0x7c: {  	s10 =	smul.u32 $0x5, s10;
	_ =	sdelay $0x1  }
0x7d: {  	s10 =	ssub.s32 s13, s10;
	s13 =	sadd.s32 $0x1, s13  }
0x7e: {  	p1 =	seq.s32 s13, $0x9D  }
.Ltmp3:
0x7f: {  	_ =	swait.ge [sflag:s1], $0x2000;
	s10 =	sand.u32 $0xFF, s10;
	(pc) =	sbr.rel @!p1 .LBB2_3-.Ltmp3, $4  }
0x80: {  	[sflag:s1] =	ssyncset.done $0x0;
	s10 =	sshll.u32 s10, $0xD  }
0x81: {  	[sflag:s1] =	ssyncadd.s32 $0xFFFFE000;
	s10 =	sadd.s32 $0x9D00, s10  }
0x82: {  	[spmem:s2] =	stream.indirect.scatter.add.f32 [tilespmem:s10], [sflag:$0x2], $0x40, s14, s9, $0xb8;
	[tilespmem:$0x1ED00] =	vst v63  }
0x83: {  	s17 =	sadd.s32 $0x80, s17;
	s14 =	sadd.s32 $0x80, s14  }
.Ltmp4:
0x84: {  	(pc) =	sbr.rel .LBB2_8-.Ltmp4, $2  }
0x85: {  	_ =	sdelay $0x2  }
0x86: {  	s10 =	rddreg [dreg:$0x4]  }
.LBB2_5:
0x87: {  	[tilespmem:s10], [sflag:$0x1] =	stream.indirect.gather [hbm4b:s7+s9], $0x40, s13, s9, $0xb8;
	[tilespmem:$0x1ED00] =	vst v63  }
0x88: {  	s17 =	simm.s32 $0xBD00  }
0x89: {  	[tilespmem:s17], [sflag:$0x1] =	stream.indirect.gather [hbm4b:s7+s9], $0x40, s9, s9, $0xb8;
	[tilespmem:$0x1ED00] =	vst v63  }
0x8a: {  	s18 =	simm.s32 $0x100;
	s14 =	simm.s32 $0x4E80;
	s17 =	simm.s32 $0x180  }
0x8b: {  	[tilespmem:s29], [sflag:$0x1] =	stream.indirect.gather [hbm4b:s7+s9], $0x40, s18, s9, $0xb8;
	[tilespmem:$0x1ED00] =	vst v63  }
.LBB2_6:
0x8c: {  	p1 =	slt.u32 s13, $0x2  }
0x8d: {  	s10 =	simm.s32 @!p1 $0x2  }
0x8e: {  	p2 =	sgt.u32 @!p1 s13, $0x99;
	_ =	swait.ge @!p1 [sflag:s10], $0x2000  }
0x8f: {  	p2 =	por p1, !p2;
	[sflag:s10] =	ssyncset.done @!p1 $0x0  }
0x90: {  	[sflag:s10] =	ssyncadd.s32 @!p1 $0xFFFFE000;
	s10 =	sadd.s32 @p2 $0x3, s13  }
0x91: {  	s18 =	smul.u32 @p2 $0xCD, s10;
	_ =	sdelay $0x1  }
0x92: {  	s18 =	sshrl.u32 @p2 s18, $0xA  }
0x93: {  	s18 =	sand.u32 @p2 $0x3F, s18  }
0x94: {  	s18 =	smul.u32 @p2 $0x5, s18;
	_ =	sdelay $0x1  }
0x95: {  	s10 =	ssub.s32 @p2 s10, s18  }
0x96: {  	s10 =	sand.u32 @p2 $0xFF, s10  }
0x97: {  	s10 =	sshll.u32 @p2 s10, $0xD  }
0x98: {  	s18 =	smul.u32 $0xCD, s13;
	s10 =	sadd.s32 @p2 $0x9D00, s10  }
0x99: {  	[tilespmem:s10], [sflag:$0x1] =	stream.indirect.gather @p2 [hbm4b:s7+s9], $0x40, s17, s9, $0xb8;
	[tilespmem:$0x1ED00] =	vst v63  }
0x9a: {  	s10 =	sshrl.u32 s18, $0xA  }
0x9b: {  	s10 =	sand.u32 $0x3F, s10  }
0x9c: {  	s10 =	smul.u32 $0x5, s10;
	_ =	sdelay $0x1  }
0x9d: {  	s10 =	ssub.s32 s13, s10;
	s13 =	sadd.s32 $0x1, s13  }
0x9e: {  	p1 =	sne.s32 s13, $0x9D  }
.Ltmp5:
0x9f: {  	_ =	swait.ge [sflag:s1], $0x2000;
	s10 =	sand.u32 $0xFF, s10;
	(pc) =	sbr.rel @p1 .LBB2_6-.Ltmp5, $4  }
0xa0: {  	[sflag:s1] =	ssyncset.done $0x0;
	s10 =	sshll.u32 s10, $0xD  }
0xa1: {  	[sflag:s1] =	ssyncadd.s32 $0xFFFFE000;
	s10 =	sadd.s32 $0x9D00, s10  }
0xa2: {  	[spmem:s2] =	stream.indirect.scatter.add.f32 [tilespmem:s10], [sflag:$0x2], $0x40, s14, s9, $0xb8;
	[tilespmem:$0x1ED00] =	vst v63  }
0xa3: {  	s17 =	sadd.s32 $0x80, s17;
	s14 =	sadd.s32 $0x80, s14  }
0xa4: {  	s10 =	rddreg [dreg:$0x6]  }
.LBB2_8:
0xa5: {  	_ =	swait.ge [sflag:s0], $0x2000  }
0xa6: {  	[sflag:s0] =	ssyncset.done $0x0  }
0xa7: {  	[sflag:s0] =	ssyncadd.s32 $0xFFFFE000  }
0xa8: {  	_ =	swait.ge [sflag:s0], $0x2000  }
0xa9: {  	[sflag:s0] =	ssyncset.done $0x0  }
0xaa: {  	[sflag:s0] =	ssyncadd.s32 $0xFFFFE000  }
0xab: {  	s11 =	stileid.u32;
	[bflag:$0x0] =	sbarrier.arrive $0xFFFF  }
0xac: {  	s13 =	sshll.u32 s11, $0x6;
	s18 =	rddreg [dreg:$0xa]  }
0xad: {  	s10 =	sadd.s32 s10, s16;
	s13 =	sor.u32 $0x1C03, s13;
	s14 =	sshrl.u32 s18, $0x3  }
0xae: {  	[hbm:s10], [sflag:s13] =	dma.local [spmem:s14], $0x1400  }
0xaf: {  	_ =	swait.ge [sflag:s31], $0x1400  }
0xb0: {  	[sflag:s31] =	ssyncset.done $0x0  }
0xb1: {  	[sflag:s31] =	ssyncadd.s32 $0xFFFFEC00  }
0xb2: {  	[spmem:s15] =	stream.linear.scatter [tilespmem:s30], [sflag:$0x2], $0x1000, $0x38;
	[tilespmem:$0x1ED00] =	vst v63  }
0xb3: {  	_ = 	snop  }
0xb4: {  	[spmem:s19] =	stream.linear.scatter [tilespmem:s30], [sflag:$0x2], $0x1000, $0x38;
	[tilespmem:$0x1ED00] =	vst v63  }
0xb5: {  	_ = 	snop  }
0xb6: {  	[spmem:s20] =	stream.linear.scatter [tilespmem:s30], [sflag:$0x2], $0x1000, $0x38;
	[tilespmem:$0x1ED00] =	vst v63  }
0xb7: {  	_ = 	snop  }
0xb8: {  	[spmem:s21] =	stream.linear.scatter [tilespmem:s30], [sflag:$0x2], $0x1000, $0x38;
	[tilespmem:$0x1ED00] =	vst v63  }
0xb9: {  	_ = 	snop  }
0xba: {  	[spmem:s22] =	stream.linear.scatter [tilespmem:s30], [sflag:$0x2], $0x1000, $0x38;
	[tilespmem:$0x1ED00] =	vst v63  }
0xbb: {  	_ = 	snop  }
0xbc: {  	[spmem:s23] =	stream.linear.scatter [tilespmem:s30], [sflag:$0x2], $0x1000, $0x38;
	[tilespmem:$0x1ED00] =	vst v63  }
0xbd: {  	_ = 	snop  }
0xbe: {  	[spmem:s24] =	stream.linear.scatter [tilespmem:s30], [sflag:$0x2], $0x1000, $0x38;
	[tilespmem:$0x1ED00] =	vst v63  }
0xbf: {  	_ = 	snop  }
0xc0: {  	[spmem:s25] =	stream.linear.scatter [tilespmem:s30], [sflag:$0x2], $0x1000, $0x38;
	[tilespmem:$0x1ED00] =	vst v63  }
0xc1: {  	_ = 	snop  }
0xc2: {  	[spmem:s26] =	stream.linear.scatter [tilespmem:s30], [sflag:$0x2], $0x1000, $0x38;
	[tilespmem:$0x1ED00] =	vst v63  }
0xc3: {  	_ = 	snop  }
0xc4: {  	[spmem:s28] =	stream.linear.scatter [tilespmem:s30], [sflag:$0x2], $0x1000, $0x38;
	[tilespmem:$0x1ED00] =	vst v63  }
0xc5: {  	_ =	swait.ge [sflag:s0], $0x1000  }
0xc6: {  	[sflag:s0] =	ssyncset.done $0x0  }
0xc7: {  	[sflag:s0] =	ssyncadd.s32 $0xFFFFF000  }
0xc8: {  	_ =	swait.ge [sflag:s0], $0x1000  }
0xc9: {  	[sflag:s0] =	ssyncset.done $0x0  }
0xca: {  	[sflag:s0] =	ssyncadd.s32 $0xFFFFF000  }
0xcb: {  	_ =	swait.ge [sflag:s0], $0x1000  }
0xcc: {  	[sflag:s0] =	ssyncset.done $0x0  }
0xcd: {  	[sflag:s0] =	ssyncadd.s32 $0xFFFFF000  }
0xce: {  	_ =	swait.ge [sflag:s0], $0x1000  }
0xcf: {  	[sflag:s0] =	ssyncset.done $0x0  }
0xd0: {  	[sflag:s0] =	ssyncadd.s32 $0xFFFFF000  }
0xd1: {  	_ =	swait.ge [sflag:s0], $0x1000  }
0xd2: {  	[sflag:s0] =	ssyncset.done $0x0  }
0xd3: {  	[sflag:s0] =	ssyncadd.s32 $0xFFFFF000  }
0xd4: {  	_ =	swait.ge [sflag:s0], $0x1000  }
0xd5: {  	[sflag:s0] =	ssyncset.done $0x0  }
0xd6: {  	[sflag:s0] =	ssyncadd.s32 $0xFFFFF000  }
0xd7: {  	_ =	swait.ge [sflag:s0], $0x1000  }
0xd8: {  	[sflag:s0] =	ssyncset.done $0x0  }
0xd9: {  	[sflag:s0] =	ssyncadd.s32 $0xFFFFF000  }
0xda: {  	_ =	swait.ge [sflag:s0], $0x1000  }
0xdb: {  	[sflag:s0] =	ssyncset.done $0x0  }
0xdc: {  	[sflag:s0] =	ssyncadd.s32 $0xFFFFF000  }
0xdd: {  	_ =	swait.ge [sflag:s0], $0x1000  }
0xde: {  	[sflag:s0] =	ssyncset.done $0x0  }
0xdf: {  	[sflag:s0] =	ssyncadd.s32 $0xFFFFF000  }
.Ltmp6:
0xe0: {  	_ =	swait.ge [sflag:s0], $0x1000;
	(pc) =	sbr.rel @p0 .LBB2_12-.Ltmp6, $4  }
0xe1: {  	[sflag:s0] =	ssyncset.done $0x0  }
0xe2: {  	[sflag:s0] =	ssyncadd.s32 $0xFFFFF000  }
0xe3: {  	[bflag:$0x0] =	sbarrier.arrive $0xFFFF  }
0xe4: {  	s17 =	simm.s32 $0x0;
	s10 =	simm.s32 $0x9D00  }
0xe5: {  	[tilespmem:s10], [sflag:$0x1] =	stream.indirect.gather [hbm4b:s6+s9], $0x40, s17, s9, $0xb8;
	[tilespmem:$0x1ED00] =	vst v63  }
0xe6: {  	s12 =	simm.s32 $0xBD00  }
0xe7: {  	[tilespmem:s12], [sflag:$0x1] =	stream.indirect.gather [hbm4b:s6+s9], $0x40, s9, s9, $0xb8;
	[tilespmem:$0x1ED00] =	vst v63  }
0xe8: {  	s18 =	simm.s32 $0x100  }
0xe9: {  	[tilespmem:s29], [sflag:$0x1] =	stream.indirect.gather [hbm4b:s6+s9], $0x40, s18, s9, $0xb8;
	[tilespmem:$0x1ED00] =	vst v63  }
0xea: {  	s10 =	simm.s32 $0x180;
	s18 =	simm.s32 $0x4E80  }
.LBB2_10:
0xeb: {  	p1 =	slt.u32 s17, $0x2  }
0xec: {  	s11 =	simm.s32 @!p1 $0x2  }
0xed: {  	p2 =	sgt.u32 @!p1 s17, $0x99;
	_ =	swait.ge @!p1 [sflag:s11], $0x2000  }
0xee: {  	p2 =	por p1, !p2;
	[sflag:s11] =	ssyncset.done @!p1 $0x0  }
0xef: {  	[sflag:s11] =	ssyncadd.s32 @!p1 $0xFFFFE000;
	s11 =	sadd.s32 @p2 $0x3, s17  }
0xf0: {  	s12 =	smul.u32 @p2 $0xCD, s11;
	_ =	sdelay $0x1  }
0xf1: {  	s12 =	sshrl.u32 @p2 s12, $0xA  }
0xf2: {  	s12 =	sand.u32 @p2 $0x3F, s12  }
0xf3: {  	s12 =	smul.u32 @p2 $0x5, s12;
	_ =	sdelay $0x1  }
0xf4: {  	s11 =	ssub.s32 @p2 s11, s12  }
0xf5: {  	s11 =	sand.u32 @p2 $0xFF, s11  }
0xf6: {  	s11 =	sshll.u32 @p2 s11, $0xD  }
0xf7: {  	s12 =	smul.u32 $0xCD, s17;
	s11 =	sadd.s32 @p2 $0x9D00, s11  }
0xf8: {  	[tilespmem:s11], [sflag:$0x1] =	stream.indirect.gather @p2 [hbm4b:s6+s9], $0x40, s10, s9, $0xb8;
	[tilespmem:$0x1ED00] =	vst v63  }
0xf9: {  	s11 =	sshrl.u32 s12, $0xA  }
0xfa: {  	s11 =	sand.u32 $0x3F, s11  }
0xfb: {  	s11 =	smul.u32 $0x5, s11;
	_ =	sdelay $0x1  }
0xfc: {  	s11 =	ssub.s32 s17, s11;
	s17 =	sadd.s32 $0x1, s17  }
0xfd: {  	p1 =	seq.s32 s17, $0x9D  }
.Ltmp7:
0xfe: {  	_ =	swait.ge [sflag:s1], $0x2000;
	s11 =	sand.u32 $0xFF, s11;
	(pc) =	sbr.rel @!p1 .LBB2_10-.Ltmp7, $4  }
0xff: {  	[sflag:s1] =	ssyncset.done $0x0;
	s11 =	sshll.u32 s11, $0xD  }
0x100: {  	[sflag:s1] =	ssyncadd.s32 $0xFFFFE000;
	s11 =	sadd.s32 $0x9D00, s11  }
0x101: {  	[spmem:s2] =	stream.indirect.scatter.add.f32 [tilespmem:s11], [sflag:$0x2], $0x40, s18, s9, $0xb8;
	[tilespmem:$0x1ED00] =	vst v63  }
0x102: {  	s10 =	sadd.s32 $0x80, s10;
	s18 =	sadd.s32 $0x80, s18  }
.Ltmp8:
0x103: {  	(pc) =	sbr.rel .LBB2_15-.Ltmp8, $2  }
0x104: {  	_ =	sdelay $0x2  }
0x105: {  	s10 =	rddreg [dreg:$0x5]  }
.LBB2_12:
0x106: {  	[tilespmem:s10], [sflag:$0x1] =	stream.indirect.gather [hbm4b:s8+s9], $0x40, s17, s9, $0xb8;
	[tilespmem:$0x1ED00] =	vst v63  }
0x107: {  	s12 =	simm.s32 $0xBD00  }
0x108: {  	[tilespmem:s12], [sflag:$0x1] =	stream.indirect.gather [hbm4b:s8+s9], $0x40, s9, s9, $0xb8;
	[tilespmem:$0x1ED00] =	vst v63  }
0x109: {  	s18 =	simm.s32 $0x100  }
0x10a: {  	[tilespmem:s29], [sflag:$0x1] =	stream.indirect.gather [hbm4b:s8+s9], $0x40, s18, s9, $0xb8;
	[tilespmem:$0x1ED00] =	vst v63  }
0x10b: {  	s10 =	simm.s32 $0x180;
	s18 =	simm.s32 $0x4E80  }
.LBB2_13:
0x10c: {  	p1 =	slt.u32 s17, $0x2  }
0x10d: {  	s11 =	simm.s32 @!p1 $0x2  }
0x10e: {  	p2 =	sgt.u32 @!p1 s17, $0x99;
	_ =	swait.ge @!p1 [sflag:s11], $0x2000  }
0x10f: {  	p2 =	por p1, !p2;
	[sflag:s11] =	ssyncset.done @!p1 $0x0  }
0x110: {  	[sflag:s11] =	ssyncadd.s32 @!p1 $0xFFFFE000;
	s11 =	sadd.s32 @p2 $0x3, s17  }
0x111: {  	s12 =	smul.u32 @p2 $0xCD, s11;
	_ =	sdelay $0x1  }
0x112: {  	s12 =	sshrl.u32 @p2 s12, $0xA  }
0x113: {  	s12 =	sand.u32 @p2 $0x3F, s12  }
0x114: {  	s12 =	smul.u32 @p2 $0x5, s12;
	_ =	sdelay $0x1  }
0x115: {  	s11 =	ssub.s32 @p2 s11, s12  }
0x116: {  	s11 =	sand.u32 @p2 $0xFF, s11  }
0x117: {  	s11 =	sshll.u32 @p2 s11, $0xD  }
0x118: {  	s12 =	smul.u32 $0xCD, s17;
	s11 =	sadd.s32 @p2 $0x9D00, s11  }
0x119: {  	[tilespmem:s11], [sflag:$0x1] =	stream.indirect.gather @p2 [hbm4b:s8+s9], $0x40, s10, s9, $0xb8;
	[tilespmem:$0x1ED00] =	vst v63  }
0x11a: {  	s11 =	sshrl.u32 s12, $0xA  }
0x11b: {  	s11 =	sand.u32 $0x3F, s11  }
0x11c: {  	s11 =	smul.u32 $0x5, s11;
	_ =	sdelay $0x1  }
0x11d: {  	s11 =	ssub.s32 s17, s11;
	s17 =	sadd.s32 $0x1, s17  }
0x11e: {  	p1 =	sne.s32 s17, $0x9D  }
.Ltmp9:
0x11f: {  	_ =	swait.ge [sflag:s1], $0x2000;
	s11 =	sand.u32 $0xFF, s11;
	(pc) =	sbr.rel @p1 .LBB2_13-.Ltmp9, $4  }
0x120: {  	[sflag:s1] =	ssyncset.done $0x0;
	s11 =	sshll.u32 s11, $0xD  }
0x121: {  	[sflag:s1] =	ssyncadd.s32 $0xFFFFE000;
	s11 =	sadd.s32 $0x9D00, s11  }
0x122: {  	[spmem:s2] =	stream.indirect.scatter.add.f32 [tilespmem:s11], [sflag:$0x2], $0x40, s18, s9, $0xb8;
	[tilespmem:$0x1ED00] =	vst v63  }
0x123: {  	s10 =	sadd.s32 $0x80, s10;
	s18 =	sadd.s32 $0x80, s18  }
.Ltmp10:
0x124: {  	_ = 	snop;
	(pc) =	sbr.rel .LBB2_14-.Ltmp10, $1  }
0x125: {  	_ =	sdelay $0x3  }
.LBB2_16:
0x126: {  	_ =	sfence.sel $0x180000  }
0x127: {  	[bflag:$0x0] =	sbarrier.arrive $0xFFFF  }
0x128: {  	_ =	strace $0x90000050  }
0x129: {  	s0 =	stileid.u32;
	[bflag:$0x2] =	sbarrier.arrive $0xFFFF  }
0x12a: {  	p0 =	sne.s32 s0, $0x0;
	s0 =	rddreg [dreg:$0x3]  }
0x12b: {  	s0 =	sadd.s32 @!p0 $0x100000, s0  }
0x12c: {  	[sflag:s0] =	ssyncadd.tile.s32 @!p0 $0x1;
	_ =	shalt  }
.Lfunc_end2:
_tile_overlayer_lowered:
.L_overlay_start_2:
0x12d: {  	(tag) =	ssettag $0x2  }
0x12e: {  	s0 =	rddreg [dreg:$0x0];
	s2 =	stileid.u32  }
0x12f: {  	s1 =	rddreg [dreg:$0x1];
	p0 =	sne.s32 s2, $0x0  }
0x130: {  	s3 =	rddreg [dreg:$0x2];
	[bflag:$0x3] =	sbarrier.arrive $0xFFFF;
	s2 =	simm.s32 @!p0 $0x1C03  }
0x131: {  	[timem:s3], [sflag:s2] =	dma.local @!p0 [hbm:s0], s1  }
0x132: {  	s0 =	simm.s32 @!p0 $0x3  }
0x133: {  	_ =	swait.ge @!p0 [sflag:s0], s1  }
0x134: {  	s1 =	ssub.s32 @!p0 $0x0, s1;
	[sflag:s0] =	ssyncset.done @!p0 $0x0  }
0x135: {  	[sflag:s0] =	ssyncadd.s32 @!p0 s1  }
0x136: {  	[bflag:$0x3] =	sbarrier.arrive $0xFFFF  }
0x137: {  	_ =	shalt  }

// kernel: kernel.24.cloned.1.call-start
scs
__scs_entry_jumppad:
0x0: {  	(pc) =	sbr.rel $0x88, $3  }
0x1: {  	(tag) =	ssettag $0x0;
	lr =	simm.s32 $0x1  }
0x2: {  	[smem:$0x3F96] =	sst lr;
	_ =	strace $0xD0000000  }
0x3: {  	_ = 	snop  }
0x4: {  	_ = 	snop  }
0x5: {  	_ = 	snop  }
0x6: {  	_ = 	snop  }
0x7: {  	_ = 	snop  }
__scs_overlays_trampoline_lowered:
0x8: {  	[smem:$0x3FA5] =	sst s0  }
0x9: {  	[smem:$0x3FA6] =	sst s1  }
0xa: {  	[smem:$0x3FA7] =	sst s2  }
0xb: {  	[smem:$0x3FA8] =	sst s3  }
0xc: {  	[smem:$0x3FA9] =	sst s4  }
0xd: {  	[smem:$0x3FAA] =	sst s5  }
0xe: {  	[smem:$0x3FAB] =	sst s6  }
0xf: {  	[smem:$0x3FAC] =	sst s7  }
0x10: {  	[smem:$0x3FAD] =	sst s8  }
0x11: {  	[smem:$0x3FAE] =	sst s9;
	s0 =	simm.s32 @!p0 $0x0  }
0x12: {  	s1 =	sld [smem:$0x3F94];
	s0 =	simm.s32 @p0 $0x1  }
0x13: {  	[smem:$0x3FAF] =	sst s0;
	s0 =	simm.s32 @!p1 $0x0  }
0x14: {  	s2 =	sld [smem:$0x3F93];
	s0 =	simm.s32 @p1 $0x1  }
0x15: {  	[smem:$0x3FB0] =	sst s0;
	s0 =	simm.s32 @!p2 $0x0  }
0x16: {  	s3 =	sld [smem:$0x3FDB];
	s0 =	simm.s32 @p2 $0x1  }
0x17: {  	s4 =	simm.s32 $0x1BF5;
	[smem:$0x3FB2] =	sst s0  }
0x18: {  	s0 =	sld [smem:$0x3F95];
	_ =	swait.ge [sflag:s4], $0x0  }
0x19: {  	s7 =	sld [smem:$0x3F96]  }
0x1a: {  	s8 =	sadd.s32 $0xFFFFE003, lr  }
0x1b: {  	s9 =	sadd.s32 $0xFFFFFEF7, lr;
	s5 =	simm.s32 $0xFFFFFFFF;
	p2 =	slt.u32 s8, $0xFFFFF086  }
0x1c: {  	p1 =	slt.u32 s9, $0xF7A;
	s5 =	simm.s32 @!p2 $0x0  }
0x1d: {  	s5 =	simm.s32 @p1 $0x1;
	p0 =	seq.s32 s7, s2  }
0x1e: {  	s7 =	smul.u32 @!p0 $0xF7A, s2;
	p2 =	seq.s32 @!p0 s5, $0x0  }
0x1f: {  	s9 =	smul.u32 $0xF7A, s1;
	s8 =	simm.s32 @!p0 $0x1BF5;
	p2 =	por !p2, p0  }
0x20: {  	[sflag:s8] =	ssyncset.s32 @!p0 $0xFFFFF086;
	s6 =	sadd.s32 @!p0 s3, s7;
	s7 =	simm.s32 @!p0 $0x108  }
0x21: {  	s3 =	sadd.s32 s3, s9;
	s6 =	sadd.s32 @!p0 $0x88, s6;
	s7 =	simm.s32 @p2 $0x1082  }
0x22: {  	[simem:s7], [sflag:s8] =	dma.local @!p0 [hbm:s6], $0xF7A  }
0x23: {  	s9 =	sor.u32 $0xD0000000, s2;
	s6 =	simm.s32 $0x108;
	_ =	swait.ge @!p0 [sflag:s8], $0x0  }
0x24: {  	s3 =	sadd.s32 $0x88, s3;
	s6 =	simm.s32 @!p1 $0x1082;
	[sflag:s4] =	ssyncset.s32 $0xFFFFF086  }
0x25: {  	[simem:s6], [sflag:s4] =	dma.local [hbm:s3], $0xF7A  }
0x26: {  	[smem:$0x3F96] =	sst s1;
	(tag) =	ssettag s2;
	_ =	strace s9  }
0x27: {  	s1 =	sld [smem:$0x3FA6]  }
0x28: {  	s2 =	sld [smem:$0x3FA7]  }
0x29: {  	s4 =	sld [smem:$0x3FA9]  }
0x2a: {  	p0 =	seq.s32 s5, $0x0;
	s5 =	sld [smem:$0x3FAA]  }
0x2b: {  	s6 =	sld [smem:$0x3FAB]  }
0x2c: {  	s7 =	sld [smem:$0x3FAC]  }
0x2d: {  	s3 =	simm.s32 $0x108;
	s8 =	sld [smem:$0x3FAD]  }
0x2e: {  	s3 =	simm.s32 @!p0 $0x1082;
	s9 =	sld [smem:$0x3FAE]  }
0x2f: {  	lr =	sadd.s32 s0, s3;
	s0 =	sld [smem:$0x3FA5]  }
0x30: {  	s3 =	sld [smem:$0x3FA8]  }
0x31: {  	[smem:$0x3FB1] =	sst s10  }
0x32: {  	s10 =	sld [smem:$0x3FAF];
	_ =	sdelay $0x3  }
0x33: {  	p0 =	seq.s32 s10, $0x1;
	s10 =	sld [smem:$0x3FB1];
	_ =	sdelay $0x3  }
0x34: {  	[smem:$0x3FB1] =	sst s10  }
0x35: {  	s10 =	sld [smem:$0x3FB0];
	_ =	sdelay $0x3  }
0x36: {  	p1 =	seq.s32 s10, $0x1;
	s10 =	sld [smem:$0x3FB1];
	_ =	sdelay $0x3  }
0x37: {  	[smem:$0x3FB1] =	sst s10  }
0x38: {  	s10 =	sld [smem:$0x3FB2]  }
0x39: {  	_ = 	snop;
	(pc) =	sbr.ind lr, $3  }
0x3a: {  	_ = 	snop  }
0x3b: {  	_ = 	snop  }
0x3c: {  	p2 =	seq.s32 s10, $0x1;
	s10 =	sld [smem:$0x3FB1]  }
0x3d: {  	_ =	shalt  }
0x3e: {  	_ =	shalt  }
0x3f: {  	_ =	shalt  }
0x40: {  	_ =	shalt  }
0x41: {  	_ =	shalt  }
0x42: {  	_ =	shalt  }
0x43: {  	_ =	shalt  }
0x44: {  	_ =	shalt  }
0x45: {  	_ =	shalt  }
0x46: {  	_ =	shalt  }
0x47: {  	_ =	shalt  }
0x48: {  	_ =	shalt  }
0x49: {  	_ =	shalt  }
0x4a: {  	_ =	shalt  }
0x4b: {  	_ =	shalt  }
0x4c: {  	_ =	shalt  }
0x4d: {  	_ =	shalt  }
0x4e: {  	_ =	shalt  }
0x4f: {  	_ =	shalt  }
0x50: {  	_ =	shalt  }
0x51: {  	_ =	shalt  }
0x52: {  	_ =	shalt  }
0x53: {  	_ =	shalt  }
0x54: {  	_ =	shalt  }
0x55: {  	_ =	shalt  }
0x56: {  	_ =	shalt  }
0x57: {  	_ =	shalt  }
0x58: {  	_ =	shalt  }
0x59: {  	_ =	shalt  }
0x5a: {  	_ =	shalt  }
0x5b: {  	_ =	shalt  }
0x5c: {  	_ =	shalt  }
0x5d: {  	_ =	shalt  }
0x5e: {  	_ =	shalt  }
0x5f: {  	_ =	shalt  }
0x60: {  	_ =	shalt  }
0x61: {  	_ =	shalt  }
0x62: {  	_ =	shalt  }
0x63: {  	_ =	shalt  }
0x64: {  	_ =	shalt  }
0x65: {  	_ =	shalt  }
0x66: {  	_ =	shalt  }
0x67: {  	_ =	shalt  }
0x68: {  	_ =	shalt  }
0x69: {  	_ =	shalt  }
0x6a: {  	_ =	shalt  }
0x6b: {  	_ =	shalt  }
0x6c: {  	_ =	shalt  }
0x6d: {  	_ =	shalt  }
0x6e: {  	_ =	shalt  }
0x6f: {  	_ =	shalt  }
0x70: {  	_ =	shalt  }
0x71: {  	_ =	shalt  }
0x72: {  	_ =	shalt  }
0x73: {  	_ =	shalt  }
0x74: {  	_ =	shalt  }
0x75: {  	_ =	shalt  }
0x76: {  	_ =	shalt  }
0x77: {  	_ =	shalt  }
0x78: {  	_ =	shalt  }
0x79: {  	_ =	shalt  }
0x7a: {  	_ =	shalt  }
0x7b: {  	_ =	shalt  }
0x7c: {  	_ =	shalt  }
0x7d: {  	_ =	shalt  }
0x7e: {  	_ =	shalt  }
0x7f: {  	_ =	shalt  }
0x80: {  	_ =	shalt  }
0x81: {  	_ =	shalt  }
0x82: {  	_ =	shalt  }
0x83: {  	_ =	shalt  }
0x84: {  	_ =	shalt  }
0x85: {  	_ =	shalt  }
0x86: {  	_ =	shalt  }
0x87: {  	_ =	shalt  }
.Lfunc_end0:
.L_simem_size_0:
called_computation.4_lowered:
.L_overlay_start_0:
0x88: {  	s2 =	sld [smem:$0x3FD9]  }
0x89: {  	s3 =	sld [smem:$0x3FFE];
	_ =	sdelay $0x1  }
0x8a: {  	s1 =	srdreg.scid  }
0x8b: {  	s0 =	sand.u32 $0x1, s1  }
0x8c: {  	s17 =	sshll.u32 s0, $0xA;
	s2 =	sadd.s32 s3, s2  }
0x8d: {  	s2 =	sadd.s32 s2, s17  }
0x8e: {  	[smem:$0x3FBD] =	sst s2  }
0x8f: {  	_ = 	snop  }
0x90: {  	s2 =	sld [smem:$0x3FD0];
	(tm) =	ssettm $0x1  }
0x91: {  	s18 =	sld [smem:$0x3FFB];
	_ =	sdelay $0x3  }
0x92: {  	_ =	strace s18  }
0x93: {  	s3 =	sld [smem:$0x3FFC];
	_ =	sdelay $0x3  }
0x94: {  	_ =	strace s3  }
0x95: {  	s3 =	sld [smem:$0x3FFD];
	_ =	sdelay $0x3  }
0x96: {  	_ =	strace s3  }
0x97: {  	_ =	strace $0x8FFFFFFF  }
0x98: {  	s19 =	sld [smem:$0x3FDB];
	_ =	sdelay $0x1  }
0x99: {  	s4 =	simm.s32 $_scs_section_size  }
0x9a: {  	s5 =	simm.s32 $_size__tile_overlayer_lowered;
	s6 =	simm.s32 $_tile_overlayer_lowered  }
0x9b: {  	s22 =	simm.s32 $0x1BFF;
	s21 =	sshll.u32 s6, $0x1;
	s3 =	sadd.s32 s4, s19  }
0x9c: {  	s7 =	simm.s32 $0x0;
	s20 =	sshll.u32 s5, $0x1;
	s5 =	sadd.s32 s21, s3  }
0x9d: {  	[timem:s7], [sflag:s22] =	dma.local [hbm:s5], s20  }
0x9e: {  	_ =	swait.ge [sflag:s22], s20  }
0x9f: {  	s4 =	ssub.s32 $0x0, s20;
	[sflag:s22] =	ssyncset.done $0x0  }
0xa0: {  	[sflag:s22] =	ssyncadd.s32 s4;
	_ =	sdelay $0x1  }
0xa1: {  	s23 =	simm.s32 $0x1B8B  }
0xa2: {  	_ =	swait.ge [sflag:s23], $0x1  }
0xa3: {  	[sflag:s23] =	ssyncset.done $0x0  }
0xa4: {  	s25 =	simm.s32 $0x1B8E;
	s24 =	sld [smem:$0x3FFE];
	[sflag:s23] =	ssyncadd.s32 $0xFFFFFFFF  }
0xa5: {  	s26 =	simm.s32 $execute0_lowered;
	[smem:$0x3FD2] =	sst s25  }
0xa6: {  	s5 =	sshll.u32 s26, $0x1;
	_ =	strace $0x80000052;
	[dreg:$0x1] =	wrdreg $0xFFFFFFFF  }
0xa7: {  	s28 =	simm.s32 $_size_execute0_lowered;
	s3 =	sadd.s32 s3, s5;
	[dreg:$0x0] =	wrdreg $0x0  }
0xa8: {  	s5 =	sshll.u32 s28, $0x1;
	[dreg:$0x2] =	wrdreg s3  }
0xa9: {  	[dreg:$0x3] =	wrdreg s5  }
0xaa: {  	[dreg:$0x4] =	wrdreg $0xC0  }
0xab: {  	_ =	task [dreg:s7], $0x5FFFF  }
0xac: {  	[dreg:$0x1] =	wrdreg $0xFFFFFFFF  }
0xad: {  	[dreg:$0x0] =	wrdreg $0x60  }
0xae: {  	[dreg:$0x2] =	wrdreg s24  }
0xaf: {  	[dreg:$0x3] =	wrdreg s2  }
0xb0: {  	[dreg:$0x4] =	wrdreg $0xF5000  }
0xb1: {  	[dreg:$0x5] =	wrdreg $0x9  }
0xb2: {  	_ =	task.clear_ibuf [dreg:s7], $0x6FFFF;
	_ =	strace $0x90000052  }
0xb3: {  	s29 =	simm.s32 $0x9;
	_ =	strace $0x80000054  }
0xb4: {  	_ =	swait.ge [sflag:s29], $0x1  }
0xb5: {  	[sflag:s29] =	ssyncadd.s32 $0xFFFFFFFF  }
0xb6: {  	_ =	strace $0x90000054  }
0xb7: {  	_ =	sfence  }
0xb8: {  	s30 =	sld [smem:$0x0];
	_ =	sdelay $0x2  }
0xb9: {  	s31 =	sshll.u32 s1, $0xD;
	s1 =	sshrl.u32 s1, $0x2  }
0xba: {  	s3 =	sand.u32 $0x4000, s31;
	s1 =	sadd.s32 s1, s30  }
0xbb: {  	s0 =	sor.u32 s3, s0;
	s1 =	sshll.u32 s1, $0x11  }
0xbc: {  	s0 =	sor.u32 s1, s0  }
0xbd: {  	s0 =	sadd.s32 $0x8F2B, s0  }
0xbe: {  	[sflag:s0] =	ssyncadd.remote.s32 $0x1  }
0xbf: {  	_ =	sfence.sel $0xFFFF  }
0xc0: {  	[dreg:$0x0] =	wrdreg $0xFFFFFFFF;
	(pc) =	sbr.abs _section_cstart, $3  }
0xc1: {  	[dreg:$0x1] =	wrdreg $0xFFFFFFFF  }
0xc2: {  	_ =	task.clear_ibuf [dreg:s7], $0x2FFFF;
	_ =	strace $0x9FFFFFFF  }
0xc3: {  	(tm) =	ssettm $0x7FFFFFFF  }
tec
execute0_lowered:
.L_overlay_start_1:
0x0: {  	(tag) =	ssettag $0x1  }
0x1: {  	s0 =	rddreg [dreg:$0x0]  }
0x2: {  	s3 =	rddreg [dreg:$0x2]  }
0x3: {  	s4 =	simm.s32 $0x0;
	s9 =	stileid.u32;
	s2 =	srdreg.scid  }
0x4: {  	s28 =	simm.s32 $0x2;
	s29 =	simm.s32 $0x1;
	s30 =	simm.s32 $0x80  }
0x5: {  	[smem:$0x7FF] =	sst s4;
	s1 =	smul.u32 $0x9D0, s9;
	s5 =	sadd.s32 $0x4D200, s0  }
0x6: {  	s6 =	sadd.s32 $0x43200, s0;
	s2 =	sand.u32 $0x1, s2;
	s8 =	smul.u32 $0x14000, s9  }
0x7: {  	s7 =	sadd.s32 $0x61200, s0;
	s13 =	smul.u32 $0x5000, s9;
	_ =	strace $0x80000053  }
0x8: {  	[dreg:$0x4] =	wrdreg s7;
	s24 =	ssub.s32 $0x2, s2;
	p0 =	sne.s32 s2, $0x0  }
0x9: {  	s7 =	simm.s32 $0xBD00;
	s1 =	sadd.s32 s1, s0;
	s0 =	sadd.s32 $0x57200, s0  }
0xa: {  	s25 =	sshrl.u32 s24, $0x1;
	s26 =	sshrl.u32 s8, $0x2;
	s12 =	sshrl.u32 s13, $0x3  }
0xb: {  	s31 =	sadd.s32 s13, s3;
	s8 =	simm.s32 $0x0;
	[dreg:$0x5] =	wrdreg s0  }
0xc: {  	s0 =	ssub.s32 s24, s25;
	s9 =	sadd.s32 $0x11400, s1;
	s10 =	sadd.s32 $0x7600, s1  }
.Ltmp0:
0xd: {  	s11 =	sadd.s32 s26, s3;
	s24 =	simm.s32 $0xED00;
	(pc) =	sbr.rel .LBB2_1-.Ltmp0, $4  }
0xe: {  	s25 =	sshrl.u32 s31, $0x3;
	s26 =	simm.s32 $0x3;
	s13 =	smax.u32 s0, $0x1  }
0xf: {  	s14 =	sadd.s32 $0x800, s11;
	s15 =	sadd.s32 $0x1000, s11;
	s16 =	sadd.s32 $0x1800, s11  }
0x10: {  	s17 =	sadd.s32 $0x2000, s11;
	s18 =	sadd.s32 $0x2800, s11;
	s19 =	sadd.s32 $0x3000, s11  }
0x11: {  	s20 =	sadd.s32 $0x3800, s11;
	s21 =	sadd.s32 $0x4000, s11;
	s22 =	sadd.s32 $0x4800, s11  }
.LBB2_7:
0x12: {  	s1 =	rddreg [dreg:$0x5]  }
.LBB2_8:
0x13: {  	_ =	swait.ge [sflag:s28], $0x1000  }
0x14: {  	[sflag:s28] =	ssyncset.done $0x0  }
0x15: {  	[sflag:s28] =	ssyncadd.s32 $0xFFFFF000  }
0x16: {  	s0 =	stileid.u32;
	_ =	swait.ge [sflag:s28], $0x1000  }
0x17: {  	s1 =	sadd.s32 s1, s12;
	s8 =	sadd.s32 $0x1, s8;
	[sflag:s28] =	ssyncset.done $0x0  }
0x18: {  	s0 =	sshll.u32 s0, $0x6;
	p1 =	sne.s32 s8, s13;
	[sflag:s28] =	ssyncadd.s32 $0xFFFFF000  }
.Ltmp1:
0x19: {  	s0 =	sor.u32 $0x1C03, s0;
	[bflag:$0x0] =	sbarrier.arrive $0xFFFF;
	(pc) =	sbr.rel @!p1 .LBB2_9-.Ltmp1, $4  }
0x1a: {  	[hbm:s1], [sflag:s0] =	dma.local [spmem:s25], $0xA00  }
0x1b: {  	_ =	swait.ge [sflag:s26], $0xA00  }
0x1c: {  	[sflag:s26] =	ssyncset.done $0x0  }
0x1d: {  	[sflag:s26] =	ssyncadd.s32 $0xFFFFF600  }
.LBB2_1:
0x1e: {  	[tilespmem:s4], [sflag:$0x1] =	stream.linear.gather [hbm4b:s9+s4], $0x4E80, $0x38;
	[tilespmem:$0x14500] =	vst v63  }
0x1f: {  	s0 =	simm.s32 $0x4E80  }
0x20: {  	[tilespmem:s0], [sflag:$0x1] =	stream.linear.gather [hbm4b:s10+s4], $0x4E80, $0x38;
	[tilespmem:$0x14500] =	vst v63  }
0x21: {  	s31 =	rddreg [dreg:$0x1]  }
0x22: {  	[tilespmem:s24], [sflag:$0x3] =	stream.linear.gather [hbm4b:s31+s4], $0x800, $0x38;
	[tilespmem:$0x14500] =	vst v63  }
0x23: {  	_ =	swait.ge [sflag:s26], $0x800  }
0x24: {  	[sflag:s26] =	ssyncset.done $0x0  }
0x25: {  	[sflag:s26] =	ssyncadd.s32 $0xFFFFF800  }
0x26: {  	[spmem:s11] =	stream.linear.scatter [tilespmem:s24], [sflag:$0x2], $0x800, $0x38;
	[tilespmem:$0x14500] =	vst v63  }
0x27: {  	_ = 	snop  }
0x28: {  	[spmem:s14] =	stream.linear.scatter [tilespmem:s24], [sflag:$0x2], $0x800, $0x38;
	[tilespmem:$0x14500] =	vst v63  }
0x29: {  	_ = 	snop  }
0x2a: {  	[spmem:s15] =	stream.linear.scatter [tilespmem:s24], [sflag:$0x2], $0x800, $0x38;
	[tilespmem:$0x14500] =	vst v63  }
0x2b: {  	_ = 	snop  }
0x2c: {  	[spmem:s16] =	stream.linear.scatter [tilespmem:s24], [sflag:$0x2], $0x800, $0x38;
	[tilespmem:$0x14500] =	vst v63  }
0x2d: {  	_ = 	snop  }
0x2e: {  	[spmem:s17] =	stream.linear.scatter [tilespmem:s24], [sflag:$0x2], $0x800, $0x38;
	[tilespmem:$0x14500] =	vst v63  }
0x2f: {  	_ = 	snop  }
0x30: {  	[spmem:s18] =	stream.linear.scatter [tilespmem:s24], [sflag:$0x2], $0x800, $0x38;
	[tilespmem:$0x14500] =	vst v63  }
0x31: {  	_ = 	snop  }
0x32: {  	[spmem:s19] =	stream.linear.scatter [tilespmem:s24], [sflag:$0x2], $0x800, $0x38;
	[tilespmem:$0x14500] =	vst v63  }
0x33: {  	_ = 	snop  }
0x34: {  	[spmem:s20] =	stream.linear.scatter [tilespmem:s24], [sflag:$0x2], $0x800, $0x38;
	[tilespmem:$0x14500] =	vst v63  }
0x35: {  	_ = 	snop  }
0x36: {  	[spmem:s21] =	stream.linear.scatter [tilespmem:s24], [sflag:$0x2], $0x800, $0x38;
	[tilespmem:$0x14500] =	vst v63  }
0x37: {  	_ = 	snop  }
0x38: {  	[spmem:s22] =	stream.linear.scatter [tilespmem:s24], [sflag:$0x2], $0x800, $0x38;
	[tilespmem:$0x14500] =	vst v63  }
0x39: {  	_ =	swait.ge [sflag:s28], $0x800  }
0x3a: {  	[sflag:s28] =	ssyncset.done $0x0  }
0x3b: {  	[sflag:s28] =	ssyncadd.s32 $0xFFFFF800  }
0x3c: {  	_ =	swait.ge [sflag:s28], $0x800  }
0x3d: {  	[sflag:s28] =	ssyncset.done $0x0  }
0x3e: {  	[sflag:s28] =	ssyncadd.s32 $0xFFFFF800  }
0x3f: {  	_ =	swait.ge [sflag:s28], $0x800  }
0x40: {  	[sflag:s28] =	ssyncset.done $0x0  }
0x41: {  	[sflag:s28] =	ssyncadd.s32 $0xFFFFF800  }
0x42: {  	_ =	swait.ge [sflag:s28], $0x800  }
0x43: {  	[sflag:s28] =	ssyncset.done $0x0  }
0x44: {  	[sflag:s28] =	ssyncadd.s32 $0xFFFFF800  }
0x45: {  	_ =	swait.ge [sflag:s28], $0x800  }
0x46: {  	[sflag:s28] =	ssyncset.done $0x0  }
0x47: {  	[sflag:s28] =	ssyncadd.s32 $0xFFFFF800  }
0x48: {  	_ =	swait.ge [sflag:s28], $0x800  }
0x49: {  	[sflag:s28] =	ssyncset.done $0x0  }
0x4a: {  	[sflag:s28] =	ssyncadd.s32 $0xFFFFF800  }
0x4b: {  	_ =	swait.ge [sflag:s28], $0x800  }
0x4c: {  	[sflag:s28] =	ssyncset.done $0x0  }
0x4d: {  	[sflag:s28] =	ssyncadd.s32 $0xFFFFF800  }
0x4e: {  	_ =	swait.ge [sflag:s28], $0x800  }
0x4f: {  	[sflag:s28] =	ssyncset.done $0x0  }
0x50: {  	[sflag:s28] =	ssyncadd.s32 $0xFFFFF800  }
0x51: {  	_ =	swait.ge [sflag:s28], $0x800  }
0x52: {  	[sflag:s28] =	ssyncset.done $0x0  }
0x53: {  	[sflag:s28] =	ssyncadd.s32 $0xFFFFF800  }
0x54: {  	_ =	swait.ge [sflag:s28], $0x800  }
0x55: {  	[sflag:s28] =	ssyncset.done $0x0  }
0x56: {  	[sflag:s28] =	ssyncadd.s32 $0xFFFFF800  }
0x57: {  	_ =	swait.ge [sflag:s29], $0x4E80  }
0x58: {  	[sflag:s29] =	ssyncset.done $0x0  }
0x59: {  	[sflag:s29] =	ssyncadd.s32 $0xFFFFB180  }
.Ltmp2:
0x5a: {  	_ =	swait.ge [sflag:s29], $0x4E80;
	(pc) =	sbr.rel @p0 .LBB2_5-.Ltmp2, $4  }
0x5b: {  	[sflag:s29] =	ssyncset.done $0x0  }
0x5c: {  	[sflag:s29] =	ssyncadd.s32 $0xFFFFB180  }
0x5d: {  	[bflag:$0x0] =	sbarrier.arrive $0xFFFF  }
0x5e: {  	s1 =	simm.s32 $0x0;
	s0 =	simm.s32 $0x9D00  }
0x5f: {  	[tilespmem:s0], [sflag:$0x1] =	stream.indirect.gather [hbm4b:s5+s30], $0x20, s1, s30, $0xb8;
	[tilespmem:$0x14500] =	vst v63  }
0x60: {  	s2 =	simm.s32 $0xAD00  }
0x61: {  	[tilespmem:s2], [sflag:$0x1] =	stream.indirect.gather [hbm4b:s5+s30], $0x20, s30, s30, $0xb8;
	[tilespmem:$0x14500] =	vst v63  }
0x62: {  	s23 =	simm.s32 $0x100  }
0x63: {  	[tilespmem:s7], [sflag:$0x1] =	stream.indirect.gather [hbm4b:s5+s30], $0x20, s23, s30, $0xb8;
	[tilespmem:$0x14500] =	vst v63  }
0x64: {  	s31 =	simm.s32 $0x180;
	s23 =	simm.s32 $0x4E80  }
.LBB2_3:
0x65: {  	p1 =	slt.u32 s1, $0x2  }
0x66: {  	s0 =	simm.s32 @!p1 $0x2  }
0x67: {  	p2 =	sgt.u32 @!p1 s1, $0x99;
	_ =	swait.ge @!p1 [sflag:s0], $0x1000  }
0x68: {  	p2 =	por p1, !p2;
	[sflag:s0] =	ssyncset.done @!p1 $0x0  }
0x69: {  	[sflag:s0] =	ssyncadd.s32 @!p1 $0xFFFFF000;
	s0 =	sadd.s32 @p2 $0x3, s1  }
0x6a: {  	s2 =	smul.u32 @p2 $0xCD, s0;
	_ =	sdelay $0x1  }
0x6b: {  	s2 =	sshrl.u32 @p2 s2, $0xA  }
0x6c: {  	s2 =	sand.u32 @p2 $0x3F, s2  }
0x6d: {  	s2 =	smul.u32 @p2 $0x5, s2;
	_ =	sdelay $0x1  }
0x6e: {  	s0 =	ssub.s32 @p2 s0, s2  }
0x6f: {  	s0 =	sand.u32 @p2 $0xFF, s0  }
0x70: {  	s0 =	sshll.u32 @p2 s0, $0xC  }
0x71: {  	s2 =	smul.u32 $0xCD, s1;
	s0 =	sadd.s32 @p2 $0x9D00, s0  }
0x72: {  	[tilespmem:s0], [sflag:$0x1] =	stream.indirect.gather @p2 [hbm4b:s5+s30], $0x20, s31, s30, $0xb8;
	[tilespmem:$0x14500] =	vst v63  }
0x73: {  	s0 =	sshrl.u32 s2, $0xA  }
0x74: {  	s0 =	sand.u32 $0x3F, s0  }
0x75: {  	s0 =	smul.u32 $0x5, s0;
	_ =	sdelay $0x1  }
0x76: {  	s0 =	ssub.s32 s1, s0;
	s1 =	sadd.s32 $0x1, s1  }
0x77: {  	p1 =	seq.s32 s1, $0x9D  }
.Ltmp3:
0x78: {  	_ =	swait.ge [sflag:s29], $0x1000;
	s0 =	sand.u32 $0xFF, s0;
	(pc) =	sbr.rel @!p1 .LBB2_3-.Ltmp3, $4  }
0x79: {  	[sflag:s29] =	ssyncset.done $0x0;
	s0 =	sshll.u32 s0, $0xC  }
0x7a: {  	[sflag:s29] =	ssyncadd.s32 $0xFFFFF000;
	s0 =	sadd.s32 $0x9D00, s0  }
0x7b: {  	[spmem:s3] =	stream.indirect.scatter.add.f32 [tilespmem:s0], [sflag:$0x2], $0x20, s23, s30, $0xb8;
	[tilespmem:$0x14500] =	vst v63  }
0x7c: {  	s31 =	sadd.s32 $0x80, s31;
	s23 =	sadd.s32 $0x80, s23  }
.Ltmp4:
0x7d: {  	(pc) =	sbr.rel .LBB2_8-.Ltmp4, $2  }
0x7e: {  	_ =	sdelay $0x2  }
0x7f: {  	s1 =	rddreg [dreg:$0x4]  }
.LBB2_5:
0x80: {  	[tilespmem:s0], [sflag:$0x1] =	stream.indirect.gather [hbm4b:s6+s30], $0x20, s1, s30, $0xb8;
	[tilespmem:$0x14500] =	vst v63  }
0x81: {  	s2 =	simm.s32 $0xAD00  }
0x82: {  	[tilespmem:s2], [sflag:$0x1] =	stream.indirect.gather [hbm4b:s6+s30], $0x20, s30, s30, $0xb8;
	[tilespmem:$0x14500] =	vst v63  }
0x83: {  	s23 =	simm.s32 $0x100  }
0x84: {  	[tilespmem:s7], [sflag:$0x1] =	stream.indirect.gather [hbm4b:s6+s30], $0x20, s23, s30, $0xb8;
	[tilespmem:$0x14500] =	vst v63  }
0x85: {  	s31 =	simm.s32 $0x180;
	s23 =	simm.s32 $0x4E80  }
.LBB2_6:
0x86: {  	p1 =	slt.u32 s1, $0x2  }
0x87: {  	s0 =	simm.s32 @!p1 $0x2  }
0x88: {  	p2 =	sgt.u32 @!p1 s1, $0x99;
	_ =	swait.ge @!p1 [sflag:s0], $0x1000  }
0x89: {  	p2 =	por p1, !p2;
	[sflag:s0] =	ssyncset.done @!p1 $0x0  }
0x8a: {  	[sflag:s0] =	ssyncadd.s32 @!p1 $0xFFFFF000;
	s0 =	sadd.s32 @p2 $0x3, s1  }
0x8b: {  	s2 =	smul.u32 @p2 $0xCD, s0;
	_ =	sdelay $0x1  }
0x8c: {  	s2 =	sshrl.u32 @p2 s2, $0xA  }
0x8d: {  	s2 =	sand.u32 @p2 $0x3F, s2  }
0x8e: {  	s2 =	smul.u32 @p2 $0x5, s2;
	_ =	sdelay $0x1  }
0x8f: {  	s0 =	ssub.s32 @p2 s0, s2  }
0x90: {  	s0 =	sand.u32 @p2 $0xFF, s0  }
0x91: {  	s0 =	sshll.u32 @p2 s0, $0xC  }
0x92: {  	s2 =	smul.u32 $0xCD, s1;
	s0 =	sadd.s32 @p2 $0x9D00, s0  }
0x93: {  	[tilespmem:s0], [sflag:$0x1] =	stream.indirect.gather @p2 [hbm4b:s6+s30], $0x20, s31, s30, $0xb8;
	[tilespmem:$0x14500] =	vst v63  }
0x94: {  	s0 =	sshrl.u32 s2, $0xA  }
0x95: {  	s0 =	sand.u32 $0x3F, s0  }
0x96: {  	s0 =	smul.u32 $0x5, s0;
	_ =	sdelay $0x1  }
0x97: {  	s0 =	ssub.s32 s1, s0;
	s1 =	sadd.s32 $0x1, s1  }
0x98: {  	p1 =	sne.s32 s1, $0x9D  }
.Ltmp5:
0x99: {  	_ =	swait.ge [sflag:s29], $0x1000;
	s0 =	sand.u32 $0xFF, s0;
	(pc) =	sbr.rel @p1 .LBB2_6-.Ltmp5, $4  }
0x9a: {  	[sflag:s29] =	ssyncset.done $0x0;
	s0 =	sshll.u32 s0, $0xC  }
0x9b: {  	[sflag:s29] =	ssyncadd.s32 $0xFFFFF000;
	s0 =	sadd.s32 $0x9D00, s0  }
0x9c: {  	[spmem:s3] =	stream.indirect.scatter.add.f32 [tilespmem:s0], [sflag:$0x2], $0x20, s23, s30, $0xb8;
	[tilespmem:$0x14500] =	vst v63  }
0x9d: {  	s31 =	sadd.s32 $0x80, s31;
	s23 =	sadd.s32 $0x80, s23  }
.Ltmp6:
0x9e: {  	_ = 	snop;
	(pc) =	sbr.rel .LBB2_7-.Ltmp6, $1  }
0x9f: {  	_ =	sdelay $0x3  }
.LBB2_9:
0xa0: {  	_ =	sfence.sel $0x180000  }
0xa1: {  	[bflag:$0x0] =	sbarrier.arrive $0xFFFF  }
0xa2: {  	_ =	strace $0x90000053  }
0xa3: {  	s0 =	stileid.u32;
	[bflag:$0x2] =	sbarrier.arrive $0xFFFF  }
0xa4: {  	p0 =	sne.s32 s0, $0x0;
	s0 =	rddreg [dreg:$0x3]  }
0xa5: {  	s0 =	sadd.s32 @!p0 $0x100000, s0  }
0xa6: {  	[sflag:s0] =	ssyncadd.tile.s32 @!p0 $0x1;
	_ =	shalt  }
.Lfunc_end2:
_tile_overlayer_lowered:
.L_overlay_start_2:
0xa7: {  	(tag) =	ssettag $0x2  }
0xa8: {  	s0 =	rddreg [dreg:$0x0];
	s2 =	stileid.u32  }
0xa9: {  	s1 =	rddreg [dreg:$0x1];
	p0 =	sne.s32 s2, $0x0  }
0xaa: {  	s3 =	rddreg [dreg:$0x2];
	[bflag:$0x3] =	sbarrier.arrive $0xFFFF;
	s2 =	simm.s32 @!p0 $0x1C03  }
0xab: {  	[timem:s3], [sflag:s2] =	dma.local @!p0 [hbm:s0], s1  }
0xac: {  	s0 =	simm.s32 @!p0 $0x3  }
0xad: {  	_ =	swait.ge @!p0 [sflag:s0], s1  }
0xae: {  	s1 =	ssub.s32 @!p0 $0x0, s1;
	[sflag:s0] =	ssyncset.done @!p0 $0x0  }
0xaf: {  	[sflag:s0] =	ssyncadd.s32 @!p0 s1  }
0xb0: {  	[bflag:$0x3] =	sbarrier.arrive $0xFFFF  }
0xb1: {  	_ =	shalt  }

</sc_bundles>
